<compile_context>
chip_gen: v7x
topology: tpu7x:2x2x1
jax: 0.10.2.dev20260603
libtpu: 0.0.44.dev20260713+nightly
codegen_flags: <defaults>
</compile_context>

<pallas_src>
import functools

import jax
import jax.numpy as jnp
from jax import lax
from jax.experimental import pallas as pl
from jax.experimental.pallas import tpu as pltpu
from jax.experimental.pallas import tpu_sc as plsc

_BATCH = 4096
_FIELDS = 26
_EMBED = 32
_N = 1000000
_TOTAL = _BATCH * _FIELDS

_BK = 32768
_NBLK = (_N + _BK - 1) // _BK
_Q = _BK // 4
_PACKED_ROWS = _NBLK * _Q
_SH_BLK = _BK.bit_length() - 1
_SH_G = _Q.bit_length() - 1

_NW = 32
_PER_W = _TOTAL // _NW
_CHUNKS = _PER_W // 128


def _t_body(x_ref, o_ref):
    x = x_ref[...]
    x4 = jnp.concatenate([x[:, g * _Q:(g + 1) * _Q] for g in range(4)], axis=0)
    o_ref[...] = x4.T


def _tc_pack(wT):
    return pl.pallas_call(
        _t_body,
        out_shape=jax.ShapeDtypeStruct((_PACKED_ROWS, 128), jnp.float32),
        grid=(_NBLK,),
        in_specs=[pl.BlockSpec((32, _BK), lambda j: (0, j))],
        out_specs=pl.BlockSpec((_Q, 128), lambda j: (j, 0)),
    )(wT)


def _g_body(idxf, w4, big, idxv, rivv, rows_v, sem):
    w = lax.axis_index("s") * 2 + lax.axis_index("c")
    base = pl.multiple_of(w * _PER_W, 8)
    pltpu.sync_copy(idxf.at[pl.ds(base, _PER_W)], idxv)
    for m in range(_PER_W // 16):
        v = idxv[pl.ds(m * 16, 16)]
        rivv[pl.ds(m * 16, 16)] = ((v >> _SH_BLK) << _SH_G) + (v & (_Q - 1))

    def fire(j):
        c = pl.multiple_of(j * 128, 8)
        return pltpu.async_copy(
            w4.at[rivv.at[pl.ds(c, 128)]], rows_v.at[j % 2], sem)

    fire(0)

    def chunk(j, carry):
        c0 = pl.multiple_of(j * 128, 8)

        @pl.when(j + 1 < _CHUNKS)
        def _():
            fire(j + 1)

        pltpu.make_async_copy(
            w4.at[rivv.at[pl.ds(c0, 128)]], rows_v.at[j % 2], sem).wait()
        o0 = pl.multiple_of(base + j * 128, 8)
        pltpu.sync_copy(rows_v.at[j % 2], big.at[pl.ds(o0, 128), :])
        return carry

    lax.fori_loop(0, _CHUNKS, chunk, 0)


def _x_body(idx_ref, rows_ref, o_ref):
    f = pl.program_id(0)
    gv = (idx_ref[pl.ds(f, 1), :] >> _SH_G) & 3
    rT = rows_ref[...].T
    mf = [(gv == g).astype(jnp.float32) for g in range(4)]
    mf8 = [jnp.broadcast_to(m, (8, _BATCH)) for m in mf]
    for jg in range(4):
        acc = mf8[0] * rT[jg * 8:(jg + 1) * 8, :]
        for g in range(1, 4):
            acc = acc + mf8[g] * rT[g * 32 + jg * 8:g * 32 + (jg + 1) * 8, :]
        o_ref[0, jg * 8:(jg + 1) * 8, :] = acc


def _tc_extract(idxT, big):
    return pl.pallas_call(
        _x_body,
        out_shape=jax.ShapeDtypeStruct((_FIELDS, _EMBED, _BATCH), jnp.float32),
        grid=(_FIELDS,),
        in_specs=[
            pl.BlockSpec((_FIELDS, _BATCH), lambda f: (0, 0)),
            pl.BlockSpec((_BATCH, 128), lambda f: (f, 0)),
        ],
        out_specs=pl.BlockSpec((1, _EMBED, _BATCH), lambda f: (f, 0, 0)),
    )(idxT, big)


@jax.jit
def _run(idxT, wT):
    w4 = _tc_pack(wT)
    mesh = plsc.VectorSubcoreMesh(core_axis_name="c", subcore_axis_name="s")
    gather = pl.kernel(
        _g_body,
        out_type=jax.ShapeDtypeStruct((_TOTAL, 128), jnp.float32),
        mesh=mesh,
        compiler_params=pltpu.CompilerParams(use_tc_tiling_on_sc=True),
        scratch_types=[
            pltpu.VMEM((_PER_W,), jnp.int32),
            pltpu.VMEM((_PER_W,), jnp.int32),
            pltpu.VMEM((2, 128, 128), jnp.float32),
            pltpu.SemaphoreType.DMA,
        ],
    )
    big = gather(idxT.reshape(-1), w4)
    out3 = _tc_extract(idxT, big)
    return out3.transpose(2, 0, 1)


def kernel(input_tensor, weight):
    idx = input_tensor
    if idx.ndim == 1:
        idx = idx[None, :]
    return _run(idx.T, weight.T)

# --- scband reference (transcript-rebuilt; emitter-appended) ---
"""Pipeline reference for scband-weighted-embedding-26121991094546 (READ-ONLY COPY).

The authoritative reference and input builder live on the scoring server;
editing this copy changes nothing except your own understanding.
"""

import jax, jax.numpy as jnp
import numpy as np

N = 1000000
EMBED = 32
BATCH = 4096
FIELDS = 26

def setup_inputs(seed: int = 0) -> dict:
    key = jax.random.key(seed)
    k1, k2 = jax.random.split(key)
    input_tensor = jax.random.randint(k1, (BATCH, FIELDS), 0, N, dtype=jnp.int32)
    weight = jax.random.uniform(k2, (N, EMBED), dtype=jnp.float32) * 0.001
    return {"input_tensor": input_tensor, "weight": weight}

def reference(input_tensor, weight):
    idx = input_tensor
    if idx.ndim == 1:
        idx = idx[None, :]
    # torch.stack([weight.index_select(0, i) for i in idx]) == batched gather
    out = jnp.take(weight, idx, axis=0)
    return out

if __name__ == "__main__":
    import jax
    _d = setup_inputs()
    print(jax.jit(kernel)(*tuple(_d.values())))

</pallas_src>

<mosaic_0001>
#map = affine_map<(d0, d1) -> (0)>
#map1 = affine_map<(d0, d1) -> (0, 0)>
module attributes {stable_mosaic.version = 14 : i64} {
  func.func @_g_body(%arg0: i32, %arg1: i32, %arg2: memref<106496xi32, #tpu.memory_space<hbm>>, %arg3: memref<253952x128xf32, #tpu.memory_space<hbm>>, %arg4: memref<106496x128xf32, #tpu.memory_space<hbm>>, %arg5: memref<3328xi32, #tpu.memory_space<vmem>>, %arg6: memref<3328xi32, #tpu.memory_space<vmem>>, %arg7: memref<2x128x128xf32, #tpu.memory_space<vmem>>, %arg8: memref<!tpu.dma_semaphore, #tpu.memory_space<semaphore_mem>>) attributes {dimension_semantics = [#tpu.dimension_semantics<core_parallel>, #tpu.dimension_semantics<subcore_parallel>], iteration_bounds = array<i64: 2, 16>, scalar_prefetch = 0 : i64, scratch_operands = 4 : i64, tpu.core_type = #tpu.core_type<sc_vector_subcore>, window_params = [{transform_indices = #map}, {transform_indices = #map1}, {transform_indices = #map1}]} {
    %mul3A = arith.constant 2 : i32
    %mul3A_0 = arith.muli %arg1, %mul3A : i32
    %add3A = arith.addi %mul3A_0, %arg0 : i32
    %mul3A_1 = arith.constant 3328 : i32
    %mul3A_2 = arith.muli %add3A, %mul3A_1 : i32
    %multiple_of3A = tpu.assume_multiple %mul3A_2, 8 : i32
    "tpu.region"() ({
      %run_scoped3A = tpu.sem_alloc : memref<!tpu.dma_semaphore, #tpu.memory_space<semaphore_mem>>
      %dma_start3A_3549 = tpu.memref_slice %arg2[%multiple_of3A] : memref<106496xi32, #tpu.memory_space<hbm>> -> memref<3328xi32, #tpu.memory_space<hbm>>
      %dma_start3A_3550 = tpu.memref_slice %arg2[%multiple_of3A] : memref<106496xi32, #tpu.memory_space<hbm>> -> memref<3328xi32, #tpu.memory_space<hbm>>
      tpu.enqueue_dma source(%dma_start3A_3550 : memref<3328xi32, #tpu.memory_space<hbm>>) target(%arg5 : memref<3328xi32, #tpu.memory_space<vmem>>) target_semaphore(%run_scoped3A : memref<!tpu.dma_semaphore, #tpu.memory_space<semaphore_mem>>)
      %dma_wait3A = tpu.memref_slice %arg2[%multiple_of3A] : memref<106496xi32, #tpu.memory_space<hbm>> -> memref<3328xi32, #tpu.memory_space<hbm>>
      %dma_wait3A_3551 = tpu.memref_slice %arg2[%multiple_of3A] : memref<106496xi32, #tpu.memory_space<hbm>> -> memref<3328xi32, #tpu.memory_space<hbm>>
      tpu.wait_dma2 semaphore(%run_scoped3A : memref<!tpu.dma_semaphore, #tpu.memory_space<semaphore_mem>>) src(%dma_wait3A_3551 : memref<3328xi32, #tpu.memory_space<hbm>>) dst(%arg5 : memref<3328xi32, #tpu.memory_space<vmem>>)
      tpu.yield
    }) : () -> ()
    %get3A = arith.constant 0 : index
    %get3A_3 = tpu.vector_load %arg5[%get3A] {strides = array<i32>} : memref<3328xi32, #tpu.memory_space<vmem>>, vector<16xi32>,
    %get3A_4 = vector.shape_cast %get3A_3 : vector<16xi32> to vector<16xi32>
    %shift_right_arithmetic3A = arith.constant 15 : i32
    %shift_right_arithmetic3A_5 = vector.broadcast %shift_right_arithmetic3A : i32 to vector<16xi32>
    %shift_right_arithmetic3A_6 = arith.shrsi %get3A_4, %shift_right_arithmetic3A_5 : vector<16xi32>
    %shift_left3A = arith.constant 13 : i32
    %shift_left3A_7 = vector.broadcast %shift_left3A : i32 to vector<16xi32>
    %shift_left3A_8 = arith.shli %shift_right_arithmetic3A_6, %shift_left3A_7 : vector<16xi32>
    %and3A = arith.constant 8191 : i32
    %and3A_9 = vector.broadcast %and3A : i32 to vector<16xi32>
    %and3A_10 = arith.andi %get3A_4, %and3A_9 : vector<16xi32>
    %add3A_11 = arith.addi %shift_left3A_8, %and3A_10 : vector<16xi32>
    %swap3A = arith.constant 0 : index
    %swap3A_12 = tpu.vector_load %arg6[%swap3A] {strides = array<i32>} : memref<3328xi32, #tpu.memory_space<vmem>>, vector<16xi32>,
    %swap3A_13 = vector.shape_cast %swap3A_12 : vector<16xi32> to vector<16xi32>
    %swap3A_14 = vector.shape_cast %add3A_11 : vector<16xi32> to vector<16xi32>
    tpu.vector_store %arg6[%swap3A], %swap3A_14 {strides = array<i32>} : memref<3328xi32, #tpu.memory_space<vmem>>, vector<16xi32>,
    %get3A_15 = arith.constant 16 : index
    %get3A_16 = tpu.vector_load %arg5[%get3A_15] {strides = array<i32>} : memref<3328xi32, #tpu.memory_space<vmem>>, vector<16xi32>,
    %get3A_17 = vector.shape_cast %get3A_16 : vector<16xi32> to vector<16xi32>
    %shift_right_arithmetic3A_18 = arith.constant 15 : i32
    %shift_right_arithmetic3A_19 = vector.broadcast %shift_right_arithmetic3A_18 : i32 to vector<16xi32>
    %shift_right_arithmetic3A_20 = arith.shrsi %get3A_17, %shift_right_arithmetic3A_19 : vector<16xi32>
    %shift_left3A_21 = arith.constant 13 : i32
    %shift_left3A_22 = vector.broadcast %shift_left3A_21 : i32 to vector<16xi32>
    %shift_left3A_23 = arith.shli %shift_right_arithmetic3A_20, %shift_left3A_22 : vector<16xi32>
    %and3A_24 = arith.constant 8191 : i32
    %and3A_25 = vector.broadcast %and3A_24 : i32 to vector<16xi32>
    %and3A_26 = arith.andi %get3A_17, %and3A_25 : vector<16xi32>
    %add3A_27 = arith.addi %shift_left3A_23, %and3A_26 : vector<16xi32>
    %swap3A_28 = arith.constant 16 : index
    %swap3A_29 = tpu.vector_load %arg6[%swap3A_28] {strides = array<i32>} : memref<3328xi32, #tpu.memory_space<vmem>>, vector<16xi32>,
    %swap3A_30 = vector.shape_cast %swap3A_29 : vector<16xi32> to vector<16xi32>
    %swap3A_31 = vector.shape_cast %add3A_27 : vector<16xi32> to vector<16xi32>
    tpu.vector_store %arg6[%swap3A_28], %swap3A_31 {strides = array<i32>} : memref<3328xi32, #tpu.memory_space<vmem>>, vector<16xi32>,
    %get3A_32 = arith.constant 32 : index
    %get3A_33 = tpu.vector_load %arg5[%get3A_32] {strides = array<i32>} : memref<3328xi32, #tpu.memory_space<vmem>>, vector<16xi32>,
    %get3A_34 = vector.shape_cast %get3A_33 : vector<16xi32> to vector<16xi32>
    %shift_right_arithmetic3A_35 = arith.constant 15 : i32
    %shift_right_arithmetic3A_36 = vector.broadcast %shift_right_arithmetic3A_35 : i32 to vector<16xi32>
    %shift_right_arithmetic3A_37 = arith.shrsi %get3A_34, %shift_right_arithmetic3A_36 : vector<16xi32>
    %shift_left3A_38 = arith.constant 13 : i32
    %shift_left3A_39 = vector.broadcast %shift_left3A_38 : i32 to vector<16xi32>
    %shift_left3A_40 = arith.shli %shift_right_arithmetic3A_37, %shift_left3A_39 : vector<16xi32>
    %and3A_41 = arith.constant 8191 : i32
    %and3A_42 = vector.broadcast %and3A_41 : i32 to vector<16xi32>
    %and3A_43 = arith.andi %get3A_34, %and3A_42 : vector<16xi32>
    %add3A_44 = arith.addi %shift_left3A_40, %and3A_43 : vector<16xi32>
    %swap3A_45 = arith.constant 32 : index
    %swap3A_46 = tpu.vector_load %arg6[%swap3A_45] {strides = array<i32>} : memref<3328xi32, #tpu.memory_space<vmem>>, vector<16xi32>,
    %swap3A_47 = vector.shape_cast %swap3A_46 : vector<16xi32> to vector<16xi32>
    %swap3A_48 = vector.shape_cast %add3A_44 : vector<16xi32> to vector<16xi32>
    tpu.vector_store %arg6[%swap3A_45], %swap3A_48 {strides = array<i32>} : memref<3328xi32, #tpu.memory_space<vmem>>, vector<16xi32>,
    %get3A_49 = arith.constant 48 : index
    %get3A_50 = tpu.vector_load %arg5[%get3A_49] {strides = array<i32>} : memref<3328xi32, #tpu.memory_space<vmem>>, vector<16xi32>,
    %get3A_51 = vector.shape_cast %get3A_50 : vector<16xi32> to vector<16xi32>
    %shift_right_arithmetic3A_52 = arith.constant 15 : i32
    %shift_right_arithmetic3A_53 = vector.broadcast %shift_right_arithmetic3A_52 : i32 to vector<16xi32>
    %shift_right_arithmetic3A_54 = arith.shrsi %get3A_51, %shift_right_arithmetic3A_53 : vector<16xi32>
    %shift_left3A_55 = arith.constant 13 : i32
    %shift_left3A_56 = vector.broadcast %shift_left3A_55 : i32 to vector<16xi32>
    %shift_left3A_57 = arith.shli %shift_right_arithmetic3A_54, %shift_left3A_56 : vector<16xi32>
    %and3A_58 = arith.constant 8191 : i32
    %and3A_59 = vector.broadcast %and3A_58 : i32 to vector<16xi32>
    %and3A_60 = arith.andi %get3A_51, %and3A_59 : vector<16xi32>
    %add3A_61 = arith.addi %shift_left3A_57, %and3A_60 : vector<16xi32>
    %swap3A_62 = arith.constant 48 : index
    %swap3A_63 = tpu.vector_load %arg6[%swap3A_62] {strides = array<i32>} : memref<3328xi32, #tpu.memory_space<vmem>>, vector<16xi32>,
    %swap3A_64 = vector.shape_cast %swap3A_63 : vector<16xi32> to vector<16xi32>
    %swap3A_65 = vector.shape_cast %add3A_61 : vector<16xi32> to vector<16xi32>
    tpu.vector_store %arg6[%swap3A_62], %swap3A_65 {strides = array<i32>} : memref<3328xi32, #tpu.memory_space<vmem>>, vector<16xi32>,
    %get3A_66 = arith.constant 64 : index
    %get3A_67 = tpu.vector_load %arg5[%get3A_66] {strides = array<i32>} : memref<3328xi32, #tpu.memory_space<vmem>>, vector<16xi32>,
    %get3A_68 = vector.shape_cast %get3A_67 : vector<16xi32> to vector<16xi32>
    %shift_right_arithmetic3A_69 = arith.constant 15 : i32
    %shift_right_arithmetic3A_70 = vector.broadcast %shift_right_arithmetic3A_69 : i32 to vector<16xi32>
    %shift_right_arithmetic3A_71 = arith.shrsi %get3A_68, %shift_right_arithmetic3A_70 : vector<16xi32>
    %shift_left3A_72 = arith.constant 13 : i32
    %shift_left3A_73 = vector.broadcast %shift_left3A_72 : i32 to vector<16xi32>
    %shift_left3A_74 = arith.shli %shift_right_arithmetic3A_71, %shift_left3A_73 : vector<16xi32>
    %and3A_75 = arith.constant 8191 : i32
    %and3A_76 = vector.broadcast %and3A_75 : i32 to vector<16xi32>
    %and3A_77 = arith.andi %get3A_68, %and3A_76 : vector<16xi32>
    %add3A_78 = arith.addi %shift_left3A_74, %and3A_77 : vector<16xi32>
    %swap3A_79 = arith.constant 64 : index
    %swap3A_80 = tpu.vector_load %arg6[%swap3A_79] {strides = array<i32>} : memref<3328xi32, #tpu.memory_space<vmem>>, vector<16xi32>,
    %swap3A_81 = vector.shape_cast %swap3A_80 : vector<16xi32> to vector<16xi32>
    %swap3A_82 = vector.shape_cast %add3A_78 : vector<16xi32> to vector<16xi32>
    tpu.vector_store %arg6[%swap3A_79], %swap3A_82 {strides = array<i32>} : memref<3328xi32, #tpu.memory_space<vmem>>, vector<16xi32>,
    %get3A_83 = arith.constant 80 : index
    %get3A_84 = tpu.vector_load %arg5[%get3A_83] {strides = array<i32>} : memref<3328xi32, #tpu.memory_space<vmem>>, vector<16xi32>,
    %get3A_85 = vector.shape_cast %get3A_84 : vector<16xi32> to vector<16xi32>
    %shift_right_arithmetic3A_86 = arith.constant 15 : i32
    %shift_right_arithmetic3A_87 = vector.broadcast %shift_right_arithmetic3A_86 : i32 to vector<16xi32>
    %shift_right_arithmetic3A_88 = arith.shrsi %get3A_85, %shift_right_arithmetic3A_87 : vector<16xi32>
    %shift_left3A_89 = arith.constant 13 : i32
    %shift_left3A_90 = vector.broadcast %shift_left3A_89 : i32 to vector<16xi32>
    %shift_left3A_91 = arith.shli %shift_right_arithmetic3A_88, %shift_left3A_90 : vector<16xi32>
    %and3A_92 = arith.constant 8191 : i32
    %and3A_93 = vector.broadcast %and3A_92 : i32 to vector<16xi32>
    %and3A_94 = arith.andi %get3A_85, %and3A_93 : vector<16xi32>
    %add3A_95 = arith.addi %shift_left3A_91, %and3A_94 : vector<16xi32>
    %swap3A_96 = arith.constant 80 : index
    %swap3A_97 = tpu.vector_load %arg6[%swap3A_96] {strides = array<i32>} : memref<3328xi32, #tpu.memory_space<vmem>>, vector<16xi32>,
    %swap3A_98 = vector.shape_cast %swap3A_97 : vector<16xi32> to vector<16xi32>
    %swap3A_99 = vector.shape_cast %add3A_95 : vector<16xi32> to vector<16xi32>
    tpu.vector_store %arg6[%swap3A_96], %swap3A_99 {strides = array<i32>} : memref<3328xi32, #tpu.memory_space<vmem>>, vector<16xi32>,
    %get3A_100 = arith.constant 96 : index
    %get3A_101 = tpu.vector_load %arg5[%get3A_100] {strides = array<i32>} : memref<3328xi32, #tpu.memory_space<vmem>>, vector<16xi32>,
    %get3A_102 = vector.shape_cast %get3A_101 : vector<16xi32> to vector<16xi32>
    %shift_right_arithmetic3A_103 = arith.constant 15 : i32
    %shift_right_arithmetic3A_104 = vector.broadcast %shift_right_arithmetic3A_103 : i32 to vector<16xi32>
    %shift_right_arithmetic3A_105 = arith.shrsi %get3A_102, %shift_right_arithmetic3A_104 : vector<16xi32>
    %shift_left3A_106 = arith.constant 13 : i32
    %shift_left3A_107 = vector.broadcast %shift_left3A_106 : i32 to vector<16xi32>
    %shift_left3A_108 = arith.shli %shift_right_arithmetic3A_105, %shift_left3A_107 : vector<16xi32>
    %and3A_109 = arith.constant 8191 : i32
    %and3A_110 = vector.broadcast %and3A_109 : i32 to vector<16xi32>
    %and3A_111 = arith.andi %get3A_102, %and3A_110 : vector<16xi32>
    %add3A_112 = arith.addi %shift_left3A_108, %and3A_111 : vector<16xi32>
    %swap3A_113 = arith.constant 96 : index
    %swap3A_114 = tpu.vector_load %arg6[%swap3A_113] {strides = array<i32>} : memref<3328xi32, #tpu.memory_space<vmem>>, vector<16xi32>,
    %swap3A_115 = vector.shape_cast %swap3A_114 : vector<16xi32> to vector<16xi32>
    %swap3A_116 = vector.shape_cast %add3A_112 : vector<16xi32> to vector<16xi32>
    tpu.vector_store %arg6[%swap3A_113], %swap3A_116 {strides = array<i32>} : memref<3328xi32, #tpu.memory_space<vmem>>, vector<16xi32>,
    %get3A_117 = arith.constant 112 : index
    %get3A_118 = tpu.vector_load %arg5[%get3A_117] {strides = array<i32>} : memref<3328xi32, #tpu.memory_space<vmem>>, vector<16xi32>,
    %get3A_119 = vector.shape_cast %get3A_118 : vector<16xi32> to vector<16xi32>
    %shift_right_arithmetic3A_120 = arith.constant 15 : i32
    %shift_right_arithmetic3A_121 = vector.broadcast %shift_right_arithmetic3A_120 : i32 to vector<16xi32>
    %shift_right_arithmetic3A_122 = arith.shrsi %get3A_119, %shift_right_arithmetic3A_121 : vector<16xi32>
    %shift_left3A_123 = arith.constant 13 : i32
    %shift_left3A_124 = vector.broadcast %shift_left3A_123 : i32 to vector<16xi32>
    %shift_left3A_125 = arith.shli %shift_right_arithmetic3A_122, %shift_left3A_124 : vector<16xi32>
    %and3A_126 = arith.constant 8191 : i32
    %and3A_127 = vector.broadcast %and3A_126 : i32 to vector<16xi32>
    %and3A_128 = arith.andi %get3A_119, %and3A_127 : vector<16xi32>
    %add3A_129 = arith.addi %shift_left3A_125, %and3A_128 : vector<16xi32>
    %swap3A_130 = arith.constant 112 : index
    %swap3A_131 = tpu.vector_load %arg6[%swap3A_130] {strides = array<i32>} : memref<3328xi32, #tpu.memory_space<vmem>>, vector<16xi32>,
    %swap3A_132 = vector.shape_cast %swap3A_131 : vector<16xi32> to vector<16xi32>
    %swap3A_133 = vector.shape_cast %add3A_129 : vector<16xi32> to vector<16xi32>
    tpu.vector_store %arg6[%swap3A_130], %swap3A_133 {strides = array<i32>} : memref<3328xi32, #tpu.memory_space<vmem>>, vector<16xi32>,
    %get3A_134 = arith.constant 128 : index
    %get3A_135 = tpu.vector_load %arg5[%get3A_134] {strides = array<i32>} : memref<3328xi32, #tpu.memory_space<vmem>>, vector<16xi32>,
    %get3A_136 = vector.shape_cast %get3A_135 : vector<16xi32> to vector<16xi32>
    %shift_right_arithmetic3A_137 = arith.constant 15 : i32
    %shift_right_arithmetic3A_138 = vector.broadcast %shift_right_arithmetic3A_137 : i32 to vector<16xi32>
    %shift_right_arithmetic3A_139 = arith.shrsi %get3A_136, %shift_right_arithmetic3A_138 : vector<16xi32>
    %shift_left3A_140 = arith.constant 13 : i32
    %shift_left3A_141 = vector.broadcast %shift_left3A_140 : i32 to vector<16xi32>
    %shift_left3A_142 = arith.shli %shift_right_arithmetic3A_139, %shift_left3A_141 : vector<16xi32>
    %and3A_143 = arith.constant 8191 : i32
    %and3A_144 = vector.broadcast %and3A_143 : i32 to vector<16xi32>
    %and3A_145 = arith.andi %get3A_136, %and3A_144 : vector<16xi32>
    %add3A_146 = arith.addi %shift_left3A_142, %and3A_145 : vector<16xi32>
    %swap3A_147 = arith.constant 128 : index
    %swap3A_148 = tpu.vector_load %arg6[%swap3A_147] {strides = array<i32>} : memref<3328xi32, #tpu.memory_space<vmem>>, vector<16xi32>,
    %swap3A_149 = vector.shape_cast %swap3A_148 : vector<16xi32> to vector<16xi32>
    %swap3A_150 = vector.shape_cast %add3A_146 : vector<16xi32> to vector<16xi32>
    tpu.vector_store %arg6[%swap3A_147], %swap3A_150 {strides = array<i32>} : memref<3328xi32, #tpu.memory_space<vmem>>, vector<16xi32>,
    %get3A_151 = arith.constant 144 : index
    %get3A_152 = tpu.vector_load %arg5[%get3A_151] {strides = array<i32>} : memref<3328xi32, #tpu.memory_space<vmem>>, vector<16xi32>,
    %get3A_153 = vector.shape_cast %get3A_152 : vector<16xi32> to vector<16xi32>
    %shift_right_arithmetic3A_154 = arith.constant 15 : i32
    %shift_right_arithmetic3A_155 = vector.broadcast %shift_right_arithmetic3A_154 : i32 to vector<16xi32>
    %shift_right_arithmetic3A_156 = arith.shrsi %get3A_153, %shift_right_arithmetic3A_155 : vector<16xi32>
    %shift_left3A_157 = arith.constant 13 : i32
    %shift_left3A_158 = vector.broadcast %shift_left3A_157 : i32 to vector<16xi32>
    %shift_left3A_159 = arith.shli %shift_right_arithmetic3A_156, %shift_left3A_158 : vector<16xi32>
    %and3A_160 = arith.constant 8191 : i32
    %and3A_161 = vector.broadcast %and3A_160 : i32 to vector<16xi32>
    %and3A_162 = arith.andi %get3A_153, %and3A_161 : vector<16xi32>
    %add3A_163 = arith.addi %shift_left3A_159, %and3A_162 : vector<16xi32>
    %swap3A_164 = arith.constant 144 : index
    %swap3A_165 = tpu.vector_load %arg6[%swap3A_164] {strides = array<i32>} : memref<3328xi32, #tpu.memory_space<vmem>>, vector<16xi32>,
    %swap3A_166 = vector.shape_cast %swap3A_165 : vector<16xi32> to vector<16xi32>
    %swap3A_167 = vector.shape_cast %add3A_163 : vector<16xi32> to vector<16xi32>
    tpu.vector_store %arg6[%swap3A_164], %swap3A_167 {strides = array<i32>} : memref<3328xi32, #tpu.memory_space<vmem>>, vector<16xi32>,
    %get3A_168 = arith.constant 160 : index
    %get3A_169 = tpu.vector_load %arg5[%get3A_168] {strides = array<i32>} : memref<3328xi32, #tpu.memory_space<vmem>>, vector<16xi32>,
    %get3A_170 = vector.shape_cast %get3A_169 : vector<16xi32> to vector<16xi32>
    %shift_right_arithmetic3A_171 = arith.constant 15 : i32
    %shift_right_arithmetic3A_172 = vector.broadcast %shift_right_arithmetic3A_171 : i32 to vector<16xi32>
    %shift_right_arithmetic3A_173 = arith.shrsi %get3A_170, %shift_right_arithmetic3A_172 : vector<16xi32>
    %shift_left3A_174 = arith.constant 13 : i32
    %shift_left3A_175 = vector.broadcast %shift_left3A_174 : i32 to vector<16xi32>
    %shift_left3A_176 = arith.shli %shift_right_arithmetic3A_173, %shift_left3A_175 : vector<16xi32>
    %and3A_177 = arith.constant 8191 : i32
    %and3A_178 = vector.broadcast %and3A_177 : i32 to vector<16xi32>
    %and3A_179 = arith.andi %get3A_170, %and3A_178 : vector<16xi32>
    %add3A_180 = arith.addi %shift_left3A_176, %and3A_179 : vector<16xi32>
    %swap3A_181 = arith.constant 160 : index
    %swap3A_182 = tpu.vector_load %arg6[%swap3A_181] {strides = array<i32>} : memref<3328xi32, #tpu.memory_space<vmem>>, vector<16xi32>,
    %swap3A_183 = vector.shape_cast %swap3A_182 : vector<16xi32> to vector<16xi32>
    %swap3A_184 = vector.shape_cast %add3A_180 : vector<16xi32> to vector<16xi32>
    tpu.vector_store %arg6[%swap3A_181], %swap3A_184 {strides = array<i32>} : memref<3328xi32, #tpu.memory_space<vmem>>, vector<16xi32>,
    %get3A_185 = arith.constant 176 : index
    %get3A_186 = tpu.vector_load %arg5[%get3A_185] {strides = array<i32>} : memref<3328xi32, #tpu.memory_space<vmem>>, vector<16xi32>,
    %get3A_187 = vector.shape_cast %get3A_186 : vector<16xi32> to vector<16xi32>
    %shift_right_arithmetic3A_188 = arith.constant 15 : i32
    %shift_right_arithmetic3A_189 = vector.broadcast %shift_right_arithmetic3A_188 : i32 to vector<16xi32>
    %shift_right_arithmetic3A_190 = arith.shrsi %get3A_187, %shift_right_arithmetic3A_189 : vector<16xi32>
    %shift_left3A_191 = arith.constant 13 : i32
    %shift_left3A_192 = vector.broadcast %shift_left3A_191 : i32 to vector<16xi32>
    %shift_left3A_193 = arith.shli %shift_right_arithmetic3A_190, %shift_left3A_192 : vector<16xi32>
    %and3A_194 = arith.constant 8191 : i32
    %and3A_195 = vector.broadcast %and3A_194 : i32 to vector<16xi32>
    %and3A_196 = arith.andi %get3A_187, %and3A_195 : vector<16xi32>
    %add3A_197 = arith.addi %shift_left3A_193, %and3A_196 : vector<16xi32>
    %swap3A_198 = arith.constant 176 : index
    %swap3A_199 = tpu.vector_load %arg6[%swap3A_198] {strides = array<i32>} : memref<3328xi32, #tpu.memory_space<vmem>>, vector<16xi32>,
    %swap3A_200 = vector.shape_cast %swap3A_199 : vector<16xi32> to vector<16xi32>
    %swap3A_201 = vector.shape_cast %add3A_197 : vector<16xi32> to vector<16xi32>
    tpu.vector_store %arg6[%swap3A_198], %swap3A_201 {strides = array<i32>} : memref<3328xi32, #tpu.memory_space<vmem>>, vector<16xi32>,
    %get3A_202 = arith.constant 192 : index
    %get3A_203 = tpu.vector_load %arg5[%get3A_202] {strides = array<i32>} : memref<3328xi32, #tpu.memory_space<vmem>>, vector<16xi32>,
    %get3A_204 = vector.shape_cast %get3A_203 : vector<16xi32> to vector<16xi32>
    %shift_right_arithmetic3A_205 = arith.constant 15 : i32
    %shift_right_arithmetic3A_206 = vector.broadcast %shift_right_arithmetic3A_205 : i32 to vector<16xi32>
    %shift_right_arithmetic3A_207 = arith.shrsi %get3A_204, %shift_right_arithmetic3A_206 : vector<16xi32>
    %shift_left3A_208 = arith.constant 13 : i32
    %shift_left3A_209 = vector.broadcast %shift_left3A_208 : i32 to vector<16xi32>
    %shift_left3A_210 = arith.shli %shift_right_arithmetic3A_207, %shift_left3A_209 : vector<16xi32>
    %and3A_211 = arith.constant 8191 : i32
    %and3A_212 = vector.broadcast %and3A_211 : i32 to vector<16xi32>
    %and3A_213 = arith.andi %get3A_204, %and3A_212 : vector<16xi32>
    %add3A_214 = arith.addi %shift_left3A_210, %and3A_213 : vector<16xi32>
    %swap3A_215 = arith.constant 192 : index
    %swap3A_216 = tpu.vector_load %arg6[%swap3A_215] {strides = array<i32>} : memref<3328xi32, #tpu.memory_space<vmem>>, vector<16xi32>,
    %swap3A_217 = vector.shape_cast %swap3A_216 : vector<16xi32> to vector<16xi32>
    %swap3A_218 = vector.shape_cast %add3A_214 : vector<16xi32> to vector<16xi32>
    tpu.vector_store %arg6[%swap3A_215], %swap3A_218 {strides = array<i32>} : memref<3328xi32, #tpu.memory_space<vmem>>, vector<16xi32>,
    %get3A_219 = arith.constant 208 : index
    %get3A_220 = tpu.vector_load %arg5[%get3A_219] {strides = array<i32>} : memref<3328xi32, #tpu.memory_space<vmem>>, vector<16xi32>,
    %get3A_221 = vector.shape_cast %get3A_220 : vector<16xi32> to vector<16xi32>
    %shift_right_arithmetic3A_222 = arith.constant 15 : i32
    %shift_right_arithmetic3A_223 = vector.broadcast %shift_right_arithmetic3A_222 : i32 to vector<16xi32>
    %shift_right_arithmetic3A_224 = arith.shrsi %get3A_221, %shift_right_arithmetic3A_223 : vector<16xi32>
    %shift_left3A_225 = arith.constant 13 : i32
    %shift_left3A_226 = vector.broadcast %shift_left3A_225 : i32 to vector<16xi32>
    %shift_left3A_227 = arith.shli %shift_right_arithmetic3A_224, %shift_left3A_226 : vector<16xi32>
    %and3A_228 = arith.constant 8191 : i32
    %and3A_229 = vector.broadcast %and3A_228 : i32 to vector<16xi32>
    %and3A_230 = arith.andi %get3A_221, %and3A_229 : vector<16xi32>
    %add3A_231 = arith.addi %shift_left3A_227, %and3A_230 : vector<16xi32>
    %swap3A_232 = arith.constant 208 : index
    %swap3A_233 = tpu.vector_load %arg6[%swap3A_232] {strides = array<i32>} : memref<3328xi32, #tpu.memory_space<vmem>>, vector<16xi32>,
    %swap3A_234 = vector.shape_cast %swap3A_233 : vector<16xi32> to vector<16xi32>
    %swap3A_235 = vector.shape_cast %add3A_231 : vector<16xi32> to vector<16xi32>
    tpu.vector_store %arg6[%swap3A_232], %swap3A_235 {strides = array<i32>} : memref<3328xi32, #tpu.memory_space<vmem>>, vector<16xi32>,
    %get3A_236 = arith.constant 224 : index
    %get3A_237 = tpu.vector_load %arg5[%get3A_236] {strides = array<i32>} : memref<3328xi32, #tpu.memory_space<vmem>>, vector<16xi32>,
    %get3A_238 = vector.shape_cast %get3A_237 : vector<16xi32> to vector<16xi32>
    %shift_right_arithmetic3A_239 = arith.constant 15 : i32
    %shift_right_arithmetic3A_240 = vector.broadcast %shift_right_arithmetic3A_239 : i32 to vector<16xi32>
    %shift_right_arithmetic3A_241 = arith.shrsi %get3A_238, %shift_right_arithmetic3A_240 : vector<16xi32>
    %shift_left3A_242 = arith.constant 13 : i32
    %shift_left3A_243 = vector.broadcast %shift_left3A_242 : i32 to vector<16xi32>
    %shift_left3A_244 = arith.shli %shift_right_arithmetic3A_241, %shift_left3A_243 : vector<16xi32>
    %and3A_245 = arith.constant 8191 : i32
    %and3A_246 = vector.broadcast %and3A_245 : i32 to vector<16xi32>
    %and3A_247 = arith.andi %get3A_238, %and3A_246 : vector<16xi32>
    %add3A_248 = arith.addi %shift_left3A_244, %and3A_247 : vector<16xi32>
    %swap3A_249 = arith.constant 224 : index
    %swap3A_250 = tpu.vector_load %arg6[%swap3A_249] {strides = array<i32>} : memref<3328xi32, #tpu.memory_space<vmem>>, vector<16xi32>,
    %swap3A_251 = vector.shape_cast %swap3A_250 : vector<16xi32> to vector<16xi32>
    %swap3A_252 = vector.shape_cast %add3A_248 : vector<16xi32> to vector<16xi32>
    tpu.vector_store %arg6[%swap3A_249], %swap3A_252 {strides = array<i32>} : memref<3328xi32, #tpu.memory_space<vmem>>, vector<16xi32>,
    %get3A_253 = arith.constant 240 : index
    %get3A_254 = tpu.vector_load %arg5[%get3A_253] {strides = array<i32>} : memref<3328xi32, #tpu.memory_space<vmem>>, vector<16xi32>,
    %get3A_255 = vector.shape_cast %get3A_254 : vector<16xi32> to vector<16xi32>
    %shift_right_arithmetic3A_256 = arith.constant 15 : i32
    %shift_right_arithmetic3A_257 = vector.broadcast %shift_right_arithmetic3A_256 : i32 to vector<16xi32>
    %shift_right_arithmetic3A_258 = arith.shrsi %get3A_255, %shift_right_arithmetic3A_257 : vector<16xi32>
    %shift_left3A_259 = arith.constant 13 : i32
    %shift_left3A_260 = vector.broadcast %shift_left3A_259 : i32 to vector<16xi32>
    %shift_left3A_261 = arith.shli %shift_right_arithmetic3A_258, %shift_left3A_260 : vector<16xi32>
    %and3A_262 = arith.constant 8191 : i32
    %and3A_263 = vector.broadcast %and3A_262 : i32 to vector<16xi32>
    %and3A_264 = arith.andi %get3A_255, %and3A_263 : vector<16xi32>
    %add3A_265 = arith.addi %shift_left3A_261, %and3A_264 : vector<16xi32>
    %swap3A_266 = arith.constant 240 : index
    %swap3A_267 = tpu.vector_load %arg6[%swap3A_266] {strides = array<i32>} : memref<3328xi32, #tpu.memory_space<vmem>>, vector<16xi32>,
    %swap3A_268 = vector.shape_cast %swap3A_267 : vector<16xi32> to vector<16xi32>
    %swap3A_269 = vector.shape_cast %add3A_265 : vector<16xi32> to vector<16xi32>
    tpu.vector_store %arg6[%swap3A_266], %swap3A_269 {strides = array<i32>} : memref<3328xi32, #tpu.memory_space<vmem>>, vector<16xi32>,
    %get3A_270 = arith.constant 256 : index
    %get3A_271 = tpu.vector_load %arg5[%get3A_270] {strides = array<i32>} : memref<3328xi32, #tpu.memory_space<vmem>>, vector<16xi32>,
    %get3A_272 = vector.shape_cast %get3A_271 : vector<16xi32> to vector<16xi32>
    %shift_right_arithmetic3A_273 = arith.constant 15 : i32
    %shift_right_arithmetic3A_274 = vector.broadcast %shift_right_arithmetic3A_273 : i32 to vector<16xi32>
    %shift_right_arithmetic3A_275 = arith.shrsi %get3A_272, %shift_right_arithmetic3A_274 : vector<16xi32>
    %shift_left3A_276 = arith.constant 13 : i32
    %shift_left3A_277 = vector.broadcast %shift_left3A_276 : i32 to vector<16xi32>
    %shift_left3A_278 = arith.shli %shift_right_arithmetic3A_275, %shift_left3A_277 : vector<16xi32>
    %and3A_279 = arith.constant 8191 : i32
    %and3A_280 = vector.broadcast %and3A_279 : i32 to vector<16xi32>
    %and3A_281 = arith.andi %get3A_272, %and3A_280 : vector<16xi32>
    %add3A_282 = arith.addi %shift_left3A_278, %and3A_281 : vector<16xi32>
    %swap3A_283 = arith.constant 256 : index
    %swap3A_284 = tpu.vector_load %arg6[%swap3A_283] {strides = array<i32>} : memref<3328xi32, #tpu.memory_space<vmem>>, vector<16xi32>,
    %swap3A_285 = vector.shape_cast %swap3A_284 : vector<16xi32> to vector<16xi32>
    %swap3A_286 = vector.shape_cast %add3A_282 : vector<16xi32> to vector<16xi32>
    tpu.vector_store %arg6[%swap3A_283], %swap3A_286 {strides = array<i32>} : memref<3328xi32, #tpu.memory_space<vmem>>, vector<16xi32>,
    %get3A_287 = arith.constant 272 : index
    %get3A_288 = tpu.vector_load %arg5[%get3A_287] {strides = array<i32>} : memref<3328xi32, #tpu.memory_space<vmem>>, vector<16xi32>,
    %get3A_289 = vector.shape_cast %get3A_288 : vector<16xi32> to vector<16xi32>
    %shift_right_arithmetic3A_290 = arith.constant 15 : i32
    %shift_right_arithmetic3A_291 = vector.broadcast %shift_right_arithmetic3A_290 : i32 to vector<16xi32>
    %shift_right_arithmetic3A_292 = arith.shrsi %get3A_289, %shift_right_arithmetic3A_291 : vector<16xi32>
    %shift_left3A_293 = arith.constant 13 : i32
    %shift_left3A_294 = vector.broadcast %shift_left3A_293 : i32 to vector<16xi32>
    %shift_left3A_295 = arith.shli %shift_right_arithmetic3A_292, %shift_left3A_294 : vector<16xi32>
    %and3A_296 = arith.constant 8191 : i32
    %and3A_297 = vector.broadcast %and3A_296 : i32 to vector<16xi32>
    %and3A_298 = arith.andi %get3A_289, %and3A_297 : vector<16xi32>
    %add3A_299 = arith.addi %shift_left3A_295, %and3A_298 : vector<16xi32>
    %swap3A_300 = arith.constant 272 : index
    %swap3A_301 = tpu.vector_load %arg6[%swap3A_300] {strides = array<i32>} : memref<3328xi32, #tpu.memory_space<vmem>>, vector<16xi32>,
    %swap3A_302 = vector.shape_cast %swap3A_301 : vector<16xi32> to vector<16xi32>
    %swap3A_303 = vector.shape_cast %add3A_299 : vector<16xi32> to vector<16xi32>
    tpu.vector_store %arg6[%swap3A_300], %swap3A_303 {strides = array<i32>} : memref<3328xi32, #tpu.memory_space<vmem>>, vector<16xi32>,
    %get3A_304 = arith.constant 288 : index
    %get3A_305 = tpu.vector_load %arg5[%get3A_304] {strides = array<i32>} : memref<3328xi32, #tpu.memory_space<vmem>>, vector<16xi32>,
    %get3A_306 = vector.shape_cast %get3A_305 : vector<16xi32> to vector<16xi32>
    %shift_right_arithmetic3A_307 = arith.constant 15 : i32
    %shift_right_arithmetic3A_308 = vector.broadcast %shift_right_arithmetic3A_307 : i32 to vector<16xi32>
    %shift_right_arithmetic3A_309 = arith.shrsi %get3A_306, %shift_right_arithmetic3A_308 : vector<16xi32>
    %shift_left3A_310 = arith.constant 13 : i32
    %shift_left3A_311 = vector.broadcast %shift_left3A_310 : i32 to vector<16xi32>
    %shift_left3A_312 = arith.shli %shift_right_arithmetic3A_309, %shift_left3A_311 : vector<16xi32>
    %and3A_313 = arith.constant 8191 : i32
    %and3A_314 = vector.broadcast %and3A_313 : i32 to vector<16xi32>
    %and3A_315 = arith.andi %get3A_306, %and3A_314 : vector<16xi32>
    %add3A_316 = arith.addi %shift_left3A_312, %and3A_315 : vector<16xi32>
    %swap3A_317 = arith.constant 288 : index
    %swap3A_318 = tpu.vector_load %arg6[%swap3A_317] {strides = array<i32>} : memref<3328xi32, #tpu.memory_space<vmem>>, vector<16xi32>,
    %swap3A_319 = vector.shape_cast %swap3A_318 : vector<16xi32> to vector<16xi32>
    %swap3A_320 = vector.shape_cast %add3A_316 : vector<16xi32> to vector<16xi32>
    tpu.vector_store %arg6[%swap3A_317], %swap3A_320 {strides = array<i32>} : memref<3328xi32, #tpu.memory_space<vmem>>, vector<16xi32>,
    %get3A_321 = arith.constant 304 : index
    %get3A_322 = tpu.vector_load %arg5[%get3A_321] {strides = array<i32>} : memref<3328xi32, #tpu.memory_space<vmem>>, vector<16xi32>,
    %get3A_323 = vector.shape_cast %get3A_322 : vector<16xi32> to vector<16xi32>
    %shift_right_arithmetic3A_324 = arith.constant 15 : i32
    %shift_right_arithmetic3A_325 = vector.broadcast %shift_right_arithmetic3A_324 : i32 to vector<16xi32>
    %shift_right_arithmetic3A_326 = arith.shrsi %get3A_323, %shift_right_arithmetic3A_325 : vector<16xi32>
    %shift_left3A_327 = arith.constant 13 : i32
    %shift_left3A_328 = vector.broadcast %shift_left3A_327 : i32 to vector<16xi32>
    %shift_left3A_329 = arith.shli %shift_right_arithmetic3A_326, %shift_left3A_328 : vector<16xi32>
    %and3A_330 = arith.constant 8191 : i32
    %and3A_331 = vector.broadcast %and3A_330 : i32 to vector<16xi32>
    %and3A_332 = arith.andi %get3A_323, %and3A_331 : vector<16xi32>
    %add3A_333 = arith.addi %shift_left3A_329, %and3A_332 : vector<16xi32>
    %swap3A_334 = arith.constant 304 : index
    %swap3A_335 = tpu.vector_load %arg6[%swap3A_334] {strides = array<i32>} : memref<3328xi32, #tpu.memory_space<vmem>>, vector<16xi32>,
    %swap3A_336 = vector.shape_cast %swap3A_335 : vector<16xi32> to vector<16xi32>
    %swap3A_337 = vector.shape_cast %add3A_333 : vector<16xi32> to vector<16xi32>
    tpu.vector_store %arg6[%swap3A_334], %swap3A_337 {strides = array<i32>} : memref<3328xi32, #tpu.memory_space<vmem>>, vector<16xi32>,
    %get3A_338 = arith.constant 320 : index
    %get3A_339 = tpu.vector_load %arg5[%get3A_338] {strides = array<i32>} : memref<3328xi32, #tpu.memory_space<vmem>>, vector<16xi32>,
    %get3A_340 = vector.shape_cast %get3A_339 : vector<16xi32> to vector<16xi32>
    %shift_right_arithmetic3A_341 = arith.constant 15 : i32
    %shift_right_arithmetic3A_342 = vector.broadcast %shift_right_arithmetic3A_341 : i32 to vector<16xi32>
    %shift_right_arithmetic3A_343 = arith.shrsi %get3A_340, %shift_right_arithmetic3A_342 : vector<16xi32>
    %shift_left3A_344 = arith.constant 13 : i32
    %shift_left3A_345 = vector.broadcast %shift_left3A_344 : i32 to vector<16xi32>
    %shift_left3A_346 = arith.shli %shift_right_arithmetic3A_343, %shift_left3A_345 : vector<16xi32>
    %and3A_347 = arith.constant 8191 : i32
    %and3A_348 = vector.broadcast %and3A_347 : i32 to vector<16xi32>
    %and3A_349 = arith.andi %get3A_340, %and3A_348 : vector<16xi32>
    %add3A_350 = arith.addi %shift_left3A_346, %and3A_349 : vector<16xi32>
    %swap3A_351 = arith.constant 320 : index
    %swap3A_352 = tpu.vector_load %arg6[%swap3A_351] {strides = array<i32>} : memref<3328xi32, #tpu.memory_space<vmem>>, vector<16xi32>,
    %swap3A_353 = vector.shape_cast %swap3A_352 : vector<16xi32> to vector<16xi32>
    %swap3A_354 = vector.shape_cast %add3A_350 : vector<16xi32> to vector<16xi32>
    tpu.vector_store %arg6[%swap3A_351], %swap3A_354 {strides = array<i32>} : memref<3328xi32, #tpu.memory_space<vmem>>, vector<16xi32>,
    %get3A_355 = arith.constant 336 : index
    %get3A_356 = tpu.vector_load %arg5[%get3A_355] {strides = array<i32>} : memref<3328xi32, #tpu.memory_space<vmem>>, vector<16xi32>,
    %get3A_357 = vector.shape_cast %get3A_356 : vector<16xi32> to vector<16xi32>
    %shift_right_arithmetic3A_358 = arith.constant 15 : i32
    %shift_right_arithmetic3A_359 = vector.broadcast %shift_right_arithmetic3A_358 : i32 to vector<16xi32>
    %shift_right_arithmetic3A_360 = arith.shrsi %get3A_357, %shift_right_arithmetic3A_359 : vector<16xi32>
    %shift_left3A_361 = arith.constant 13 : i32
    %shift_left3A_362 = vector.broadcast %shift_left3A_361 : i32 to vector<16xi32>
    %shift_left3A_363 = arith.shli %shift_right_arithmetic3A_360, %shift_left3A_362 : vector<16xi32>
    %and3A_364 = arith.constant 8191 : i32
    %and3A_365 = vector.broadcast %and3A_364 : i32 to vector<16xi32>
    %and3A_366 = arith.andi %get3A_357, %and3A_365 : vector<16xi32>
    %add3A_367 = arith.addi %shift_left3A_363, %and3A_366 : vector<16xi32>
    %swap3A_368 = arith.constant 336 : index
    %swap3A_369 = tpu.vector_load %arg6[%swap3A_368] {strides = array<i32>} : memref<3328xi32, #tpu.memory_space<vmem>>, vector<16xi32>,
    %swap3A_370 = vector.shape_cast %swap3A_369 : vector<16xi32> to vector<16xi32>
    %swap3A_371 = vector.shape_cast %add3A_367 : vector<16xi32> to vector<16xi32>
    tpu.vector_store %arg6[%swap3A_368], %swap3A_371 {strides = array<i32>} : memref<3328xi32, #tpu.memory_space<vmem>>, vector<16xi32>,
    %get3A_372 = arith.constant 352 : index
    %get3A_373 = tpu.vector_load %arg5[%get3A_372] {strides = array<i32>} : memref<3328xi32, #tpu.memory_space<vmem>>, vector<16xi32>,
    %get3A_374 = vector.shape_cast %get3A_373 : vector<16xi32> to vector<16xi32>
    %shift_right_arithmetic3A_375 = arith.constant 15 : i32
    %shift_right_arithmetic3A_376 = vector.broadcast %shift_right_arithmetic3A_375 : i32 to vector<16xi32>
    %shift_right_arithmetic3A_377 = arith.shrsi %get3A_374, %shift_right_arithmetic3A_376 : vector<16xi32>
    %shift_left3A_378 = arith.constant 13 : i32
    %shift_left3A_379 = vector.broadcast %shift_left3A_378 : i32 to vector<16xi32>
    %shift_left3A_380 = arith.shli %shift_right_arithmetic3A_377, %shift_left3A_379 : vector<16xi32>
    %and3A_381 = arith.constant 8191 : i32
    %and3A_382 = vector.broadcast %and3A_381 : i32 to vector<16xi32>
    %and3A_383 = arith.andi %get3A_374, %and3A_382 : vector<16xi32>
    %add3A_384 = arith.addi %shift_left3A_380, %and3A_383 : vector<16xi32>
    %swap3A_385 = arith.constant 352 : index
    %swap3A_386 = tpu.vector_load %arg6[%swap3A_385] {strides = array<i32>} : memref<3328xi32, #tpu.memory_space<vmem>>, vector<16xi32>,
    %swap3A_387 = vector.shape_cast %swap3A_386 : vector<16xi32> to vector<16xi32>
    %swap3A_388 = vector.shape_cast %add3A_384 : vector<16xi32> to vector<16xi32>
    tpu.vector_store %arg6[%swap3A_385], %swap3A_388 {strides = array<i32>} : memref<3328xi32, #tpu.memory_space<vmem>>, vector<16xi32>,
    %get3A_389 = arith.constant 368 : index
    %get3A_390 = tpu.vector_load %arg5[%get3A_389] {strides = array<i32>} : memref<3328xi32, #tpu.memory_space<vmem>>, vector<16xi32>,
    %get3A_391 = vector.shape_cast %get3A_390 : vector<16xi32> to vector<16xi32>
    %shift_right_arithmetic3A_392 = arith.constant 15 : i32
    %shift_right_arithmetic3A_393 = vector.broadcast %shift_right_arithmetic3A_392 : i32 to vector<16xi32>
    %shift_right_arithmetic3A_394 = arith.shrsi %get3A_391, %shift_right_arithmetic3A_393 : vector<16xi32>
    %shift_left3A_395 = arith.constant 13 : i32
    %shift_left3A_396 = vector.broadcast %shift_left3A_395 : i32 to vector<16xi32>
    %shift_left3A_397 = arith.shli %shift_right_arithmetic3A_394, %shift_left3A_396 : vector<16xi32>
    %and3A_398 = arith.constant 8191 : i32
    %and3A_399 = vector.broadcast %and3A_398 : i32 to vector<16xi32>
    %and3A_400 = arith.andi %get3A_391, %and3A_399 : vector<16xi32>
    %add3A_401 = arith.addi %shift_left3A_397, %and3A_400 : vector<16xi32>
    %swap3A_402 = arith.constant 368 : index
    %swap3A_403 = tpu.vector_load %arg6[%swap3A_402] {strides = array<i32>} : memref<3328xi32, #tpu.memory_space<vmem>>, vector<16xi32>,
    %swap3A_404 = vector.shape_cast %swap3A_403 : vector<16xi32> to vector<16xi32>
    %swap3A_405 = vector.shape_cast %add3A_401 : vector<16xi32> to vector<16xi32>
    tpu.vector_store %arg6[%swap3A_402], %swap3A_405 {strides = array<i32>} : memref<3328xi32, #tpu.memory_space<vmem>>, vector<16xi32>,
    %get3A_406 = arith.constant 384 : index
    %get3A_407 = tpu.vector_load %arg5[%get3A_406] {strides = array<i32>} : memref<3328xi32, #tpu.memory_space<vmem>>, vector<16xi32>,
    %get3A_408 = vector.shape_cast %get3A_407 : vector<16xi32> to vector<16xi32>
    %shift_right_arithmetic3A_409 = arith.constant 15 : i32
    %shift_right_arithmetic3A_410 = vector.broadcast %shift_right_arithmetic3A_409 : i32 to vector<16xi32>
    %shift_right_arithmetic3A_411 = arith.shrsi %get3A_408, %shift_right_arithmetic3A_410 : vector<16xi32>
    %shift_left3A_412 = arith.constant 13 : i32
    %shift_left3A_413 = vector.broadcast %shift_left3A_412 : i32 to vector<16xi32>
    %shift_left3A_414 = arith.shli %shift_right_arithmetic3A_411, %shift_left3A_413 : vector<16xi32>
    %and3A_415 = arith.constant 8191 : i32
    %and3A_416 = vector.broadcast %and3A_415 : i32 to vector<16xi32>
    %and3A_417 = arith.andi %get3A_408, %and3A_416 : vector<16xi32>
    %add3A_418 = arith.addi %shift_left3A_414, %and3A_417 : vector<16xi32>
    %swap3A_419 = arith.constant 384 : index
    %swap3A_420 = tpu.vector_load %arg6[%swap3A_419] {strides = array<i32>} : memref<3328xi32, #tpu.memory_space<vmem>>, vector<16xi32>,
    %swap3A_421 = vector.shape_cast %swap3A_420 : vector<16xi32> to vector<16xi32>
    %swap3A_422 = vector.shape_cast %add3A_418 : vector<16xi32> to vector<16xi32>
    tpu.vector_store %arg6[%swap3A_419], %swap3A_422 {strides = array<i32>} : memref<3328xi32, #tpu.memory_space<vmem>>, vector<16xi32>,
    %get3A_423 = arith.constant 400 : index
    %get3A_424 = tpu.vector_load %arg5[%get3A_423] {strides = array<i32>} : memref<3328xi32, #tpu.memory_space<vmem>>, vector<16xi32>,
    %get3A_425 = vector.shape_cast %get3A_424 : vector<16xi32> to vector<16xi32>
    %shift_right_arithmetic3A_426 = arith.constant 15 : i32
    %shift_right_arithmetic3A_427 = vector.broadcast %shift_right_arithmetic3A_426 : i32 to vector<16xi32>
    %shift_right_arithmetic3A_428 = arith.shrsi %get3A_425, %shift_right_arithmetic3A_427 : vector<16xi32>
    %shift_left3A_429 = arith.constant 13 : i32
    %shift_left3A_430 = vector.broadcast %shift_left3A_429 : i32 to vector<16xi32>
    %shift_left3A_431 = arith.shli %shift_right_arithmetic3A_428, %shift_left3A_430 : vector<16xi32>
    %and3A_432 = arith.constant 8191 : i32
    %and3A_433 = vector.broadcast %and3A_432 : i32 to vector<16xi32>
    %and3A_434 = arith.andi %get3A_425, %and3A_433 : vector<16xi32>
    %add3A_435 = arith.addi %shift_left3A_431, %and3A_434 : vector<16xi32>
    %swap3A_436 = arith.constant 400 : index
    %swap3A_437 = tpu.vector_load %arg6[%swap3A_436] {strides = array<i32>} : memref<3328xi32, #tpu.memory_space<vmem>>, vector<16xi32>,
    %swap3A_438 = vector.shape_cast %swap3A_437 : vector<16xi32> to vector<16xi32>
    %swap3A_439 = vector.shape_cast %add3A_435 : vector<16xi32> to vector<16xi32>
    tpu.vector_store %arg6[%swap3A_436], %swap3A_439 {strides = array<i32>} : memref<3328xi32, #tpu.memory_space<vmem>>, vector<16xi32>,
    %get3A_440 = arith.constant 416 : index
    %get3A_441 = tpu.vector_load %arg5[%get3A_440] {strides = array<i32>} : memref<3328xi32, #tpu.memory_space<vmem>>, vector<16xi32>,
    %get3A_442 = vector.shape_cast %get3A_441 : vector<16xi32> to vector<16xi32>
    %shift_right_arithmetic3A_443 = arith.constant 15 : i32
    %shift_right_arithmetic3A_444 = vector.broadcast %shift_right_arithmetic3A_443 : i32 to vector<16xi32>
    %shift_right_arithmetic3A_445 = arith.shrsi %get3A_442, %shift_right_arithmetic3A_444 : vector<16xi32>
    %shift_left3A_446 = arith.constant 13 : i32
    %shift_left3A_447 = vector.broadcast %shift_left3A_446 : i32 to vector<16xi32>
    %shift_left3A_448 = arith.shli %shift_right_arithmetic3A_445, %shift_left3A_447 : vector<16xi32>
    %and3A_449 = arith.constant 8191 : i32
    %and3A_450 = vector.broadcast %and3A_449 : i32 to vector<16xi32>
    %and3A_451 = arith.andi %get3A_442, %and3A_450 : vector<16xi32>
    %add3A_452 = arith.addi %shift_left3A_448, %and3A_451 : vector<16xi32>
    %swap3A_453 = arith.constant 416 : index
    %swap3A_454 = tpu.vector_load %arg6[%swap3A_453] {strides = array<i32>} : memref<3328xi32, #tpu.memory_space<vmem>>, vector<16xi32>,
    %swap3A_455 = vector.shape_cast %swap3A_454 : vector<16xi32> to vector<16xi32>
    %swap3A_456 = vector.shape_cast %add3A_452 : vector<16xi32> to vector<16xi32>
    tpu.vector_store %arg6[%swap3A_453], %swap3A_456 {strides = array<i32>} : memref<3328xi32, #tpu.memory_space<vmem>>, vector<16xi32>,
    %get3A_457 = arith.constant 432 : index
    %get3A_458 = tpu.vector_load %arg5[%get3A_457] {strides = array<i32>} : memref<3328xi32, #tpu.memory_space<vmem>>, vector<16xi32>,
    %get3A_459 = vector.shape_cast %get3A_458 : vector<16xi32> to vector<16xi32>
    %shift_right_arithmetic3A_460 = arith.constant 15 : i32
    %shift_right_arithmetic3A_461 = vector.broadcast %shift_right_arithmetic3A_460 : i32 to vector<16xi32>
    %shift_right_arithmetic3A_462 = arith.shrsi %get3A_459, %shift_right_arithmetic3A_461 : vector<16xi32>
    %shift_left3A_463 = arith.constant 13 : i32
    %shift_left3A_464 = vector.broadcast %shift_left3A_463 : i32 to vector<16xi32>
    %shift_left3A_465 = arith.shli %shift_right_arithmetic3A_462, %shift_left3A_464 : vector<16xi32>
    %and3A_466 = arith.constant 8191 : i32
    %and3A_467 = vector.broadcast %and3A_466 : i32 to vector<16xi32>
    %and3A_468 = arith.andi %get3A_459, %and3A_467 : vector<16xi32>
    %add3A_469 = arith.addi %shift_left3A_465, %and3A_468 : vector<16xi32>
    %swap3A_470 = arith.constant 432 : index
    %swap3A_471 = tpu.vector_load %arg6[%swap3A_470] {strides = array<i32>} : memref<3328xi32, #tpu.memory_space<vmem>>, vector<16xi32>,
    %swap3A_472 = vector.shape_cast %swap3A_471 : vector<16xi32> to vector<16xi32>
    %swap3A_473 = vector.shape_cast %add3A_469 : vector<16xi32> to vector<16xi32>
    tpu.vector_store %arg6[%swap3A_470], %swap3A_473 {strides = array<i32>} : memref<3328xi32, #tpu.memory_space<vmem>>, vector<16xi32>,
    %get3A_474 = arith.constant 448 : index
    %get3A_475 = tpu.vector_load %arg5[%get3A_474] {strides = array<i32>} : memref<3328xi32, #tpu.memory_space<vmem>>, vector<16xi32>,
    %get3A_476 = vector.shape_cast %get3A_475 : vector<16xi32> to vector<16xi32>
    %shift_right_arithmetic3A_477 = arith.constant 15 : i32
    %shift_right_arithmetic3A_478 = vector.broadcast %shift_right_arithmetic3A_477 : i32 to vector<16xi32>
    %shift_right_arithmetic3A_479 = arith.shrsi %get3A_476, %shift_right_arithmetic3A_478 : vector<16xi32>
    %shift_left3A_480 = arith.constant 13 : i32
    %shift_left3A_481 = vector.broadcast %shift_left3A_480 : i32 to vector<16xi32>
    %shift_left3A_482 = arith.shli %shift_right_arithmetic3A_479, %shift_left3A_481 : vector<16xi32>
    %and3A_483 = arith.constant 8191 : i32
    %and3A_484 = vector.broadcast %and3A_483 : i32 to vector<16xi32>
    %and3A_485 = arith.andi %get3A_476, %and3A_484 : vector<16xi32>
    %add3A_486 = arith.addi %shift_left3A_482, %and3A_485 : vector<16xi32>
    %swap3A_487 = arith.constant 448 : index
    %swap3A_488 = tpu.vector_load %arg6[%swap3A_487] {strides = array<i32>} : memref<3328xi32, #tpu.memory_space<vmem>>, vector<16xi32>,
    %swap3A_489 = vector.shape_cast %swap3A_488 : vector<16xi32> to vector<16xi32>
    %swap3A_490 = vector.shape_cast %add3A_486 : vector<16xi32> to vector<16xi32>
    tpu.vector_store %arg6[%swap3A_487], %swap3A_490 {strides = array<i32>} : memref<3328xi32, #tpu.memory_space<vmem>>, vector<16xi32>,
    %get3A_491 = arith.constant 464 : index
    %get3A_492 = tpu.vector_load %arg5[%get3A_491] {strides = array<i32>} : memref<3328xi32, #tpu.memory_space<vmem>>, vector<16xi32>,
    %get3A_493 = vector.shape_cast %get3A_492 : vector<16xi32> to vector<16xi32>
    %shift_right_arithmetic3A_494 = arith.constant 15 : i32
    %shift_right_arithmetic3A_495 = vector.broadcast %shift_right_arithmetic3A_494 : i32 to vector<16xi32>
    %shift_right_arithmetic3A_496 = arith.shrsi %get3A_493, %shift_right_arithmetic3A_495 : vector<16xi32>
    %shift_left3A_497 = arith.constant 13 : i32
    %shift_left3A_498 = vector.broadcast %shift_left3A_497 : i32 to vector<16xi32>
    %shift_left3A_499 = arith.shli %shift_right_arithmetic3A_496, %shift_left3A_498 : vector<16xi32>
    %and3A_500 = arith.constant 8191 : i32
    %and3A_501 = vector.broadcast %and3A_500 : i32 to vector<16xi32>
    %and3A_502 = arith.andi %get3A_493, %and3A_501 : vector<16xi32>
    %add3A_503 = arith.addi %shift_left3A_499, %and3A_502 : vector<16xi32>
    %swap3A_504 = arith.constant 464 : index
    %swap3A_505 = tpu.vector_load %arg6[%swap3A_504] {strides = array<i32>} : memref<3328xi32, #tpu.memory_space<vmem>>, vector<16xi32>,
    %swap3A_506 = vector.shape_cast %swap3A_505 : vector<16xi32> to vector<16xi32>
    %swap3A_507 = vector.shape_cast %add3A_503 : vector<16xi32> to vector<16xi32>
    tpu.vector_store %arg6[%swap3A_504], %swap3A_507 {strides = array<i32>} : memref<3328xi32, #tpu.memory_space<vmem>>, vector<16xi32>,
    %get3A_508 = arith.constant 480 : index
    %get3A_509 = tpu.vector_load %arg5[%get3A_508] {strides = array<i32>} : memref<3328xi32, #tpu.memory_space<vmem>>, vector<16xi32>,
    %get3A_510 = vector.shape_cast %get3A_509 : vector<16xi32> to vector<16xi32>
    %shift_right_arithmetic3A_511 = arith.constant 15 : i32
    %shift_right_arithmetic3A_512 = vector.broadcast %shift_right_arithmetic3A_511 : i32 to vector<16xi32>
    %shift_right_arithmetic3A_513 = arith.shrsi %get3A_510, %shift_right_arithmetic3A_512 : vector<16xi32>
    %shift_left3A_514 = arith.constant 13 : i32
    %shift_left3A_515 = vector.broadcast %shift_left3A_514 : i32 to vector<16xi32>
    %shift_left3A_516 = arith.shli %shift_right_arithmetic3A_513, %shift_left3A_515 : vector<16xi32>
    %and3A_517 = arith.constant 8191 : i32
    %and3A_518 = vector.broadcast %and3A_517 : i32 to vector<16xi32>
    %and3A_519 = arith.andi %get3A_510, %and3A_518 : vector<16xi32>
    %add3A_520 = arith.addi %shift_left3A_516, %and3A_519 : vector<16xi32>
    %swap3A_521 = arith.constant 480 : index
    %swap3A_522 = tpu.vector_load %arg6[%swap3A_521] {strides = array<i32>} : memref<3328xi32, #tpu.memory_space<vmem>>, vector<16xi32>,
    %swap3A_523 = vector.shape_cast %swap3A_522 : vector<16xi32> to vector<16xi32>
    %swap3A_524 = vector.shape_cast %add3A_520 : vector<16xi32> to vector<16xi32>
    tpu.vector_store %arg6[%swap3A_521], %swap3A_524 {strides = array<i32>} : memref<3328xi32, #tpu.memory_space<vmem>>, vector<16xi32>,
    %get3A_525 = arith.constant 496 : index
    %get3A_526 = tpu.vector_load %arg5[%get3A_525] {strides = array<i32>} : memref<3328xi32, #tpu.memory_space<vmem>>, vector<16xi32>,
    %get3A_527 = vector.shape_cast %get3A_526 : vector<16xi32> to vector<16xi32>
    %shift_right_arithmetic3A_528 = arith.constant 15 : i32
    %shift_right_arithmetic3A_529 = vector.broadcast %shift_right_arithmetic3A_528 : i32 to vector<16xi32>
    %shift_right_arithmetic3A_530 = arith.shrsi %get3A_527, %shift_right_arithmetic3A_529 : vector<16xi32>
    %shift_left3A_531 = arith.constant 13 : i32
    %shift_left3A_532 = vector.broadcast %shift_left3A_531 : i32 to vector<16xi32>
    %shift_left3A_533 = arith.shli %shift_right_arithmetic3A_530, %shift_left3A_532 : vector<16xi32>
    %and3A_534 = arith.constant 8191 : i32
    %and3A_535 = vector.broadcast %and3A_534 : i32 to vector<16xi32>
    %and3A_536 = arith.andi %get3A_527, %and3A_535 : vector<16xi32>
    %add3A_537 = arith.addi %shift_left3A_533, %and3A_536 : vector<16xi32>
    %swap3A_538 = arith.constant 496 : index
    %swap3A_539 = tpu.vector_load %arg6[%swap3A_538] {strides = array<i32>} : memref<3328xi32, #tpu.memory_space<vmem>>, vector<16xi32>,
    %swap3A_540 = vector.shape_cast %swap3A_539 : vector<16xi32> to vector<16xi32>
    %swap3A_541 = vector.shape_cast %add3A_537 : vector<16xi32> to vector<16xi32>
    tpu.vector_store %arg6[%swap3A_538], %swap3A_541 {strides = array<i32>} : memref<3328xi32, #tpu.memory_space<vmem>>, vector<16xi32>,
    %get3A_542 = arith.constant 512 : index
    %get3A_543 = tpu.vector_load %arg5[%get3A_542] {strides = array<i32>} : memref<3328xi32, #tpu.memory_space<vmem>>, vector<16xi32>,
    %get3A_544 = vector.shape_cast %get3A_543 : vector<16xi32> to vector<16xi32>
    %shift_right_arithmetic3A_545 = arith.constant 15 : i32
    %shift_right_arithmetic3A_546 = vector.broadcast %shift_right_arithmetic3A_545 : i32 to vector<16xi32>
    %shift_right_arithmetic3A_547 = arith.shrsi %get3A_544, %shift_right_arithmetic3A_546 : vector<16xi32>
    %shift_left3A_548 = arith.constant 13 : i32
    %shift_left3A_549 = vector.broadcast %shift_left3A_548 : i32 to vector<16xi32>
    %shift_left3A_550 = arith.shli %shift_right_arithmetic3A_547, %shift_left3A_549 : vector<16xi32>
    %and3A_551 = arith.constant 8191 : i32
    %and3A_552 = vector.broadcast %and3A_551 : i32 to vector<16xi32>
    %and3A_553 = arith.andi %get3A_544, %and3A_552 : vector<16xi32>
    %add3A_554 = arith.addi %shift_left3A_550, %and3A_553 : vector<16xi32>
    %swap3A_555 = arith.constant 512 : index
    %swap3A_556 = tpu.vector_load %arg6[%swap3A_555] {strides = array<i32>} : memref<3328xi32, #tpu.memory_space<vmem>>, vector<16xi32>,
    %swap3A_557 = vector.shape_cast %swap3A_556 : vector<16xi32> to vector<16xi32>
    %swap3A_558 = vector.shape_cast %add3A_554 : vector<16xi32> to vector<16xi32>
    tpu.vector_store %arg6[%swap3A_555], %swap3A_558 {strides = array<i32>} : memref<3328xi32, #tpu.memory_space<vmem>>, vector<16xi32>,
    %get3A_559 = arith.constant 528 : index
    %get3A_560 = tpu.vector_load %arg5[%get3A_559] {strides = array<i32>} : memref<3328xi32, #tpu.memory_space<vmem>>, vector<16xi32>,
    %get3A_561 = vector.shape_cast %get3A_560 : vector<16xi32> to vector<16xi32>
    %shift_right_arithmetic3A_562 = arith.constant 15 : i32
    %shift_right_arithmetic3A_563 = vector.broadcast %shift_right_arithmetic3A_562 : i32 to vector<16xi32>
    %shift_right_arithmetic3A_564 = arith.shrsi %get3A_561, %shift_right_arithmetic3A_563 : vector<16xi32>
    %shift_left3A_565 = arith.constant 13 : i32
    %shift_left3A_566 = vector.broadcast %shift_left3A_565 : i32 to vector<16xi32>
    %shift_left3A_567 = arith.shli %shift_right_arithmetic3A_564, %shift_left3A_566 : vector<16xi32>
    %and3A_568 = arith.constant 8191 : i32
    %and3A_569 = vector.broadcast %and3A_568 : i32 to vector<16xi32>
    %and3A_570 = arith.andi %get3A_561, %and3A_569 : vector<16xi32>
    %add3A_571 = arith.addi %shift_left3A_567, %and3A_570 : vector<16xi32>
    %swap3A_572 = arith.constant 528 : index
    %swap3A_573 = tpu.vector_load %arg6[%swap3A_572] {strides = array<i32>} : memref<3328xi32, #tpu.memory_space<vmem>>, vector<16xi32>,
    %swap3A_574 = vector.shape_cast %swap3A_573 : vector<16xi32> to vector<16xi32>
    %swap3A_575 = vector.shape_cast %add3A_571 : vector<16xi32> to vector<16xi32>
    tpu.vector_store %arg6[%swap3A_572], %swap3A_575 {strides = array<i32>} : memref<3328xi32, #tpu.memory_space<vmem>>, vector<16xi32>,
    %get3A_576 = arith.constant 544 : index
    %get3A_577 = tpu.vector_load %arg5[%get3A_576] {strides = array<i32>} : memref<3328xi32, #tpu.memory_space<vmem>>, vector<16xi32>,
    %get3A_578 = vector.shape_cast %get3A_577 : vector<16xi32> to vector<16xi32>
    %shift_right_arithmetic3A_579 = arith.constant 15 : i32
    %shift_right_arithmetic3A_580 = vector.broadcast %shift_right_arithmetic3A_579 : i32 to vector<16xi32>
    %shift_right_arithmetic3A_581 = arith.shrsi %get3A_578, %shift_right_arithmetic3A_580 : vector<16xi32>
    %shift_left3A_582 = arith.constant 13 : i32
    %shift_left3A_583 = vector.broadcast %shift_left3A_582 : i32 to vector<16xi32>
    %shift_left3A_584 = arith.shli %shift_right_arithmetic3A_581, %shift_left3A_583 : vector<16xi32>
    %and3A_585 = arith.constant 8191 : i32
    %and3A_586 = vector.broadcast %and3A_585 : i32 to vector<16xi32>
    %and3A_587 = arith.andi %get3A_578, %and3A_586 : vector<16xi32>
    %add3A_588 = arith.addi %shift_left3A_584, %and3A_587 : vector<16xi32>
    %swap3A_589 = arith.constant 544 : index
    %swap3A_590 = tpu.vector_load %arg6[%swap3A_589] {strides = array<i32>} : memref<3328xi32, #tpu.memory_space<vmem>>, vector<16xi32>,
    %swap3A_591 = vector.shape_cast %swap3A_590 : vector<16xi32> to vector<16xi32>
    %swap3A_592 = vector.shape_cast %add3A_588 : vector<16xi32> to vector<16xi32>
    tpu.vector_store %arg6[%swap3A_589], %swap3A_592 {strides = array<i32>} : memref<3328xi32, #tpu.memory_space<vmem>>, vector<16xi32>,
    %get3A_593 = arith.constant 560 : index
    %get3A_594 = tpu.vector_load %arg5[%get3A_593] {strides = array<i32>} : memref<3328xi32, #tpu.memory_space<vmem>>, vector<16xi32>,
    %get3A_595 = vector.shape_cast %get3A_594 : vector<16xi32> to vector<16xi32>
    %shift_right_arithmetic3A_596 = arith.constant 15 : i32
    %shift_right_arithmetic3A_597 = vector.broadcast %shift_right_arithmetic3A_596 : i32 to vector<16xi32>
    %shift_right_arithmetic3A_598 = arith.shrsi %get3A_595, %shift_right_arithmetic3A_597 : vector<16xi32>
    %shift_left3A_599 = arith.constant 13 : i32
    %shift_left3A_600 = vector.broadcast %shift_left3A_599 : i32 to vector<16xi32>
    %shift_left3A_601 = arith.shli %shift_right_arithmetic3A_598, %shift_left3A_600 : vector<16xi32>
    %and3A_602 = arith.constant 8191 : i32
    %and3A_603 = vector.broadcast %and3A_602 : i32 to vector<16xi32>
    %and3A_604 = arith.andi %get3A_595, %and3A_603 : vector<16xi32>
    %add3A_605 = arith.addi %shift_left3A_601, %and3A_604 : vector<16xi32>
    %swap3A_606 = arith.constant 560 : index
    %swap3A_607 = tpu.vector_load %arg6[%swap3A_606] {strides = array<i32>} : memref<3328xi32, #tpu.memory_space<vmem>>, vector<16xi32>,
    %swap3A_608 = vector.shape_cast %swap3A_607 : vector<16xi32> to vector<16xi32>
    %swap3A_609 = vector.shape_cast %add3A_605 : vector<16xi32> to vector<16xi32>
    tpu.vector_store %arg6[%swap3A_606], %swap3A_609 {strides = array<i32>} : memref<3328xi32, #tpu.memory_space<vmem>>, vector<16xi32>,
    %get3A_610 = arith.constant 576 : index
    %get3A_611 = tpu.vector_load %arg5[%get3A_610] {strides = array<i32>} : memref<3328xi32, #tpu.memory_space<vmem>>, vector<16xi32>,
    %get3A_612 = vector.shape_cast %get3A_611 : vector<16xi32> to vector<16xi32>
    %shift_right_arithmetic3A_613 = arith.constant 15 : i32
    %shift_right_arithmetic3A_614 = vector.broadcast %shift_right_arithmetic3A_613 : i32 to vector<16xi32>
    %shift_right_arithmetic3A_615 = arith.shrsi %get3A_612, %shift_right_arithmetic3A_614 : vector<16xi32>
    %shift_left3A_616 = arith.constant 13 : i32
    %shift_left3A_617 = vector.broadcast %shift_left3A_616 : i32 to vector<16xi32>
    %shift_left3A_618 = arith.shli %shift_right_arithmetic3A_615, %shift_left3A_617 : vector<16xi32>
    %and3A_619 = arith.constant 8191 : i32
    %and3A_620 = vector.broadcast %and3A_619 : i32 to vector<16xi32>
    %and3A_621 = arith.andi %get3A_612, %and3A_620 : vector<16xi32>
    %add3A_622 = arith.addi %shift_left3A_618, %and3A_621 : vector<16xi32>
    %swap3A_623 = arith.constant 576 : index
    %swap3A_624 = tpu.vector_load %arg6[%swap3A_623] {strides = array<i32>} : memref<3328xi32, #tpu.memory_space<vmem>>, vector<16xi32>,
    %swap3A_625 = vector.shape_cast %swap3A_624 : vector<16xi32> to vector<16xi32>
    %swap3A_626 = vector.shape_cast %add3A_622 : vector<16xi32> to vector<16xi32>
    tpu.vector_store %arg6[%swap3A_623], %swap3A_626 {strides = array<i32>} : memref<3328xi32, #tpu.memory_space<vmem>>, vector<16xi32>,
    %get3A_627 = arith.constant 592 : index
    %get3A_628 = tpu.vector_load %arg5[%get3A_627] {strides = array<i32>} : memref<3328xi32, #tpu.memory_space<vmem>>, vector<16xi32>,
    %get3A_629 = vector.shape_cast %get3A_628 : vector<16xi32> to vector<16xi32>
    %shift_right_arithmetic3A_630 = arith.constant 15 : i32
    %shift_right_arithmetic3A_631 = vector.broadcast %shift_right_arithmetic3A_630 : i32 to vector<16xi32>
    %shift_right_arithmetic3A_632 = arith.shrsi %get3A_629, %shift_right_arithmetic3A_631 : vector<16xi32>
    %shift_left3A_633 = arith.constant 13 : i32
    %shift_left3A_634 = vector.broadcast %shift_left3A_633 : i32 to vector<16xi32>
    %shift_left3A_635 = arith.shli %shift_right_arithmetic3A_632, %shift_left3A_634 : vector<16xi32>
    %and3A_636 = arith.constant 8191 : i32
    %and3A_637 = vector.broadcast %and3A_636 : i32 to vector<16xi32>
    %and3A_638 = arith.andi %get3A_629, %and3A_637 : vector<16xi32>
    %add3A_639 = arith.addi %shift_left3A_635, %and3A_638 : vector<16xi32>
    %swap3A_640 = arith.constant 592 : index
    %swap3A_641 = tpu.vector_load %arg6[%swap3A_640] {strides = array<i32>} : memref<3328xi32, #tpu.memory_space<vmem>>, vector<16xi32>,
    %swap3A_642 = vector.shape_cast %swap3A_641 : vector<16xi32> to vector<16xi32>
    %swap3A_643 = vector.shape_cast %add3A_639 : vector<16xi32> to vector<16xi32>
    tpu.vector_store %arg6[%swap3A_640], %swap3A_643 {strides = array<i32>} : memref<3328xi32, #tpu.memory_space<vmem>>, vector<16xi32>,
    %get3A_644 = arith.constant 608 : index
    %get3A_645 = tpu.vector_load %arg5[%get3A_644] {strides = array<i32>} : memref<3328xi32, #tpu.memory_space<vmem>>, vector<16xi32>,
    %get3A_646 = vector.shape_cast %get3A_645 : vector<16xi32> to vector<16xi32>
    %shift_right_arithmetic3A_647 = arith.constant 15 : i32
    %shift_right_arithmetic3A_648 = vector.broadcast %shift_right_arithmetic3A_647 : i32 to vector<16xi32>
    %shift_right_arithmetic3A_649 = arith.shrsi %get3A_646, %shift_right_arithmetic3A_648 : vector<16xi32>
    %shift_left3A_650 = arith.constant 13 : i32
    %shift_left3A_651 = vector.broadcast %shift_left3A_650 : i32 to vector<16xi32>
    %shift_left3A_652 = arith.shli %shift_right_arithmetic3A_649, %shift_left3A_651 : vector<16xi32>
    %and3A_653 = arith.constant 8191 : i32
    %and3A_654 = vector.broadcast %and3A_653 : i32 to vector<16xi32>
    %and3A_655 = arith.andi %get3A_646, %and3A_654 : vector<16xi32>
    %add3A_656 = arith.addi %shift_left3A_652, %and3A_655 : vector<16xi32>
    %swap3A_657 = arith.constant 608 : index
    %swap3A_658 = tpu.vector_load %arg6[%swap3A_657] {strides = array<i32>} : memref<3328xi32, #tpu.memory_space<vmem>>, vector<16xi32>,
    %swap3A_659 = vector.shape_cast %swap3A_658 : vector<16xi32> to vector<16xi32>
    %swap3A_660 = vector.shape_cast %add3A_656 : vector<16xi32> to vector<16xi32>
    tpu.vector_store %arg6[%swap3A_657], %swap3A_660 {strides = array<i32>} : memref<3328xi32, #tpu.memory_space<vmem>>, vector<16xi32>,
    %get3A_661 = arith.constant 624 : index
    %get3A_662 = tpu.vector_load %arg5[%get3A_661] {strides = array<i32>} : memref<3328xi32, #tpu.memory_space<vmem>>, vector<16xi32>,
    %get3A_663 = vector.shape_cast %get3A_662 : vector<16xi32> to vector<16xi32>
    %shift_right_arithmetic3A_664 = arith.constant 15 : i32
    %shift_right_arithmetic3A_665 = vector.broadcast %shift_right_arithmetic3A_664 : i32 to vector<16xi32>
    %shift_right_arithmetic3A_666 = arith.shrsi %get3A_663, %shift_right_arithmetic3A_665 : vector<16xi32>
    %shift_left3A_667 = arith.constant 13 : i32
    %shift_left3A_668 = vector.broadcast %shift_left3A_667 : i32 to vector<16xi32>
    %shift_left3A_669 = arith.shli %shift_right_arithmetic3A_666, %shift_left3A_668 : vector<16xi32>
    %and3A_670 = arith.constant 8191 : i32
    %and3A_671 = vector.broadcast %and3A_670 : i32 to vector<16xi32>
    %and3A_672 = arith.andi %get3A_663, %and3A_671 : vector<16xi32>
    %add3A_673 = arith.addi %shift_left3A_669, %and3A_672 : vector<16xi32>
    %swap3A_674 = arith.constant 624 : index
    %swap3A_675 = tpu.vector_load %arg6[%swap3A_674] {strides = array<i32>} : memref<3328xi32, #tpu.memory_space<vmem>>, vector<16xi32>,
    %swap3A_676 = vector.shape_cast %swap3A_675 : vector<16xi32> to vector<16xi32>
    %swap3A_677 = vector.shape_cast %add3A_673 : vector<16xi32> to vector<16xi32>
    tpu.vector_store %arg6[%swap3A_674], %swap3A_677 {strides = array<i32>} : memref<3328xi32, #tpu.memory_space<vmem>>, vector<16xi32>,
    %get3A_678 = arith.constant 640 : index
    %get3A_679 = tpu.vector_load %arg5[%get3A_678] {strides = array<i32>} : memref<3328xi32, #tpu.memory_space<vmem>>, vector<16xi32>,
    %get3A_680 = vector.shape_cast %get3A_679 : vector<16xi32> to vector<16xi32>
    %shift_right_arithmetic3A_681 = arith.constant 15 : i32
    %shift_right_arithmetic3A_682 = vector.broadcast %shift_right_arithmetic3A_681 : i32 to vector<16xi32>
    %shift_right_arithmetic3A_683 = arith.shrsi %get3A_680, %shift_right_arithmetic3A_682 : vector<16xi32>
    %shift_left3A_684 = arith.constant 13 : i32
    %shift_left3A_685 = vector.broadcast %shift_left3A_684 : i32 to vector<16xi32>
    %shift_left3A_686 = arith.shli %shift_right_arithmetic3A_683, %shift_left3A_685 : vector<16xi32>
    %and3A_687 = arith.constant 8191 : i32
    %and3A_688 = vector.broadcast %and3A_687 : i32 to vector<16xi32>
    %and3A_689 = arith.andi %get3A_680, %and3A_688 : vector<16xi32>
    %add3A_690 = arith.addi %shift_left3A_686, %and3A_689 : vector<16xi32>
    %swap3A_691 = arith.constant 640 : index
    %swap3A_692 = tpu.vector_load %arg6[%swap3A_691] {strides = array<i32>} : memref<3328xi32, #tpu.memory_space<vmem>>, vector<16xi32>,
    %swap3A_693 = vector.shape_cast %swap3A_692 : vector<16xi32> to vector<16xi32>
    %swap3A_694 = vector.shape_cast %add3A_690 : vector<16xi32> to vector<16xi32>
    tpu.vector_store %arg6[%swap3A_691], %swap3A_694 {strides = array<i32>} : memref<3328xi32, #tpu.memory_space<vmem>>, vector<16xi32>,
    %get3A_695 = arith.constant 656 : index
    %get3A_696 = tpu.vector_load %arg5[%get3A_695] {strides = array<i32>} : memref<3328xi32, #tpu.memory_space<vmem>>, vector<16xi32>,
    %get3A_697 = vector.shape_cast %get3A_696 : vector<16xi32> to vector<16xi32>
    %shift_right_arithmetic3A_698 = arith.constant 15 : i32
    %shift_right_arithmetic3A_699 = vector.broadcast %shift_right_arithmetic3A_698 : i32 to vector<16xi32>
    %shift_right_arithmetic3A_700 = arith.shrsi %get3A_697, %shift_right_arithmetic3A_699 : vector<16xi32>
    %shift_left3A_701 = arith.constant 13 : i32
    %shift_left3A_702 = vector.broadcast %shift_left3A_701 : i32 to vector<16xi32>
    %shift_left3A_703 = arith.shli %shift_right_arithmetic3A_700, %shift_left3A_702 : vector<16xi32>
    %and3A_704 = arith.constant 8191 : i32
    %and3A_705 = vector.broadcast %and3A_704 : i32 to vector<16xi32>
    %and3A_706 = arith.andi %get3A_697, %and3A_705 : vector<16xi32>
    %add3A_707 = arith.addi %shift_left3A_703, %and3A_706 : vector<16xi32>
    %swap3A_708 = arith.constant 656 : index
    %swap3A_709 = tpu.vector_load %arg6[%swap3A_708] {strides = array<i32>} : memref<3328xi32, #tpu.memory_space<vmem>>, vector<16xi32>,
    %swap3A_710 = vector.shape_cast %swap3A_709 : vector<16xi32> to vector<16xi32>
    %swap3A_711 = vector.shape_cast %add3A_707 : vector<16xi32> to vector<16xi32>
    tpu.vector_store %arg6[%swap3A_708], %swap3A_711 {strides = array<i32>} : memref<3328xi32, #tpu.memory_space<vmem>>, vector<16xi32>,
    %get3A_712 = arith.constant 672 : index
    %get3A_713 = tpu.vector_load %arg5[%get3A_712] {strides = array<i32>} : memref<3328xi32, #tpu.memory_space<vmem>>, vector<16xi32>,
    %get3A_714 = vector.shape_cast %get3A_713 : vector<16xi32> to vector<16xi32>
    %shift_right_arithmetic3A_715 = arith.constant 15 : i32
    %shift_right_arithmetic3A_716 = vector.broadcast %shift_right_arithmetic3A_715 : i32 to vector<16xi32>
    %shift_right_arithmetic3A_717 = arith.shrsi %get3A_714, %shift_right_arithmetic3A_716 : vector<16xi32>
    %shift_left3A_718 = arith.constant 13 : i32
    %shift_left3A_719 = vector.broadcast %shift_left3A_718 : i32 to vector<16xi32>
    %shift_left3A_720 = arith.shli %shift_right_arithmetic3A_717, %shift_left3A_719 : vector<16xi32>
    %and3A_721 = arith.constant 8191 : i32
    %and3A_722 = vector.broadcast %and3A_721 : i32 to vector<16xi32>
    %and3A_723 = arith.andi %get3A_714, %and3A_722 : vector<16xi32>
    %add3A_724 = arith.addi %shift_left3A_720, %and3A_723 : vector<16xi32>
    %swap3A_725 = arith.constant 672 : index
    %swap3A_726 = tpu.vector_load %arg6[%swap3A_725] {strides = array<i32>} : memref<3328xi32, #tpu.memory_space<vmem>>, vector<16xi32>,
    %swap3A_727 = vector.shape_cast %swap3A_726 : vector<16xi32> to vector<16xi32>
    %swap3A_728 = vector.shape_cast %add3A_724 : vector<16xi32> to vector<16xi32>
    tpu.vector_store %arg6[%swap3A_725], %swap3A_728 {strides = array<i32>} : memref<3328xi32, #tpu.memory_space<vmem>>, vector<16xi32>,
    %get3A_729 = arith.constant 688 : index
    %get3A_730 = tpu.vector_load %arg5[%get3A_729] {strides = array<i32>} : memref<3328xi32, #tpu.memory_space<vmem>>, vector<16xi32>,
    %get3A_731 = vector.shape_cast %get3A_730 : vector<16xi32> to vector<16xi32>
    %shift_right_arithmetic3A_732 = arith.constant 15 : i32
    %shift_right_arithmetic3A_733 = vector.broadcast %shift_right_arithmetic3A_732 : i32 to vector<16xi32>
    %shift_right_arithmetic3A_734 = arith.shrsi %get3A_731, %shift_right_arithmetic3A_733 : vector<16xi32>
    %shift_left3A_735 = arith.constant 13 : i32
    %shift_left3A_736 = vector.broadcast %shift_left3A_735 : i32 to vector<16xi32>
    %shift_left3A_737 = arith.shli %shift_right_arithmetic3A_734, %shift_left3A_736 : vector<16xi32>
    %and3A_738 = arith.constant 8191 : i32
    %and3A_739 = vector.broadcast %and3A_738 : i32 to vector<16xi32>
    %and3A_740 = arith.andi %get3A_731, %and3A_739 : vector<16xi32>
    %add3A_741 = arith.addi %shift_left3A_737, %and3A_740 : vector<16xi32>
    %swap3A_742 = arith.constant 688 : index
    %swap3A_743 = tpu.vector_load %arg6[%swap3A_742] {strides = array<i32>} : memref<3328xi32, #tpu.memory_space<vmem>>, vector<16xi32>,
    %swap3A_744 = vector.shape_cast %swap3A_743 : vector<16xi32> to vector<16xi32>
    %swap3A_745 = vector.shape_cast %add3A_741 : vector<16xi32> to vector<16xi32>
    tpu.vector_store %arg6[%swap3A_742], %swap3A_745 {strides = array<i32>} : memref<3328xi32, #tpu.memory_space<vmem>>, vector<16xi32>,
    %get3A_746 = arith.constant 704 : index
    %get3A_747 = tpu.vector_load %arg5[%get3A_746] {strides = array<i32>} : memref<3328xi32, #tpu.memory_space<vmem>>, vector<16xi32>,
    %get3A_748 = vector.shape_cast %get3A_747 : vector<16xi32> to vector<16xi32>
    %shift_right_arithmetic3A_749 = arith.constant 15 : i32
    %shift_right_arithmetic3A_750 = vector.broadcast %shift_right_arithmetic3A_749 : i32 to vector<16xi32>
    %shift_right_arithmetic3A_751 = arith.shrsi %get3A_748, %shift_right_arithmetic3A_750 : vector<16xi32>
    %shift_left3A_752 = arith.constant 13 : i32
    %shift_left3A_753 = vector.broadcast %shift_left3A_752 : i32 to vector<16xi32>
    %shift_left3A_754 = arith.shli %shift_right_arithmetic3A_751, %shift_left3A_753 : vector<16xi32>
    %and3A_755 = arith.constant 8191 : i32
    %and3A_756 = vector.broadcast %and3A_755 : i32 to vector<16xi32>
    %and3A_757 = arith.andi %get3A_748, %and3A_756 : vector<16xi32>
    %add3A_758 = arith.addi %shift_left3A_754, %and3A_757 : vector<16xi32>
    %swap3A_759 = arith.constant 704 : index
    %swap3A_760 = tpu.vector_load %arg6[%swap3A_759] {strides = array<i32>} : memref<3328xi32, #tpu.memory_space<vmem>>, vector<16xi32>,
    %swap3A_761 = vector.shape_cast %swap3A_760 : vector<16xi32> to vector<16xi32>
    %swap3A_762 = vector.shape_cast %add3A_758 : vector<16xi32> to vector<16xi32>
    tpu.vector_store %arg6[%swap3A_759], %swap3A_762 {strides = array<i32>} : memref<3328xi32, #tpu.memory_space<vmem>>, vector<16xi32>,
    %get3A_763 = arith.constant 720 : index
    %get3A_764 = tpu.vector_load %arg5[%get3A_763] {strides = array<i32>} : memref<3328xi32, #tpu.memory_space<vmem>>, vector<16xi32>,
    %get3A_765 = vector.shape_cast %get3A_764 : vector<16xi32> to vector<16xi32>
    %shift_right_arithmetic3A_766 = arith.constant 15 : i32
    %shift_right_arithmetic3A_767 = vector.broadcast %shift_right_arithmetic3A_766 : i32 to vector<16xi32>
    %shift_right_arithmetic3A_768 = arith.shrsi %get3A_765, %shift_right_arithmetic3A_767 : vector<16xi32>
    %shift_left3A_769 = arith.constant 13 : i32
    %shift_left3A_770 = vector.broadcast %shift_left3A_769 : i32 to vector<16xi32>
    %shift_left3A_771 = arith.shli %shift_right_arithmetic3A_768, %shift_left3A_770 : vector<16xi32>
    %and3A_772 = arith.constant 8191 : i32
    %and3A_773 = vector.broadcast %and3A_772 : i32 to vector<16xi32>
    %and3A_774 = arith.andi %get3A_765, %and3A_773 : vector<16xi32>
    %add3A_775 = arith.addi %shift_left3A_771, %and3A_774 : vector<16xi32>
    %swap3A_776 = arith.constant 720 : index
    %swap3A_777 = tpu.vector_load %arg6[%swap3A_776] {strides = array<i32>} : memref<3328xi32, #tpu.memory_space<vmem>>, vector<16xi32>,
    %swap3A_778 = vector.shape_cast %swap3A_777 : vector<16xi32> to vector<16xi32>
    %swap3A_779 = vector.shape_cast %add3A_775 : vector<16xi32> to vector<16xi32>
    tpu.vector_store %arg6[%swap3A_776], %swap3A_779 {strides = array<i32>} : memref<3328xi32, #tpu.memory_space<vmem>>, vector<16xi32>,
    %get3A_780 = arith.constant 736 : index
    %get3A_781 = tpu.vector_load %arg5[%get3A_780] {strides = array<i32>} : memref<3328xi32, #tpu.memory_space<vmem>>, vector<16xi32>,
    %get3A_782 = vector.shape_cast %get3A_781 : vector<16xi32> to vector<16xi32>
    %shift_right_arithmetic3A_783 = arith.constant 15 : i32
    %shift_right_arithmetic3A_784 = vector.broadcast %shift_right_arithmetic3A_783 : i32 to vector<16xi32>
    %shift_right_arithmetic3A_785 = arith.shrsi %get3A_782, %shift_right_arithmetic3A_784 : vector<16xi32>
    %shift_left3A_786 = arith.constant 13 : i32
    %shift_left3A_787 = vector.broadcast %shift_left3A_786 : i32 to vector<16xi32>
    %shift_left3A_788 = arith.shli %shift_right_arithmetic3A_785, %shift_left3A_787 : vector<16xi32>
    %and3A_789 = arith.constant 8191 : i32
    %and3A_790 = vector.broadcast %and3A_789 : i32 to vector<16xi32>
    %and3A_791 = arith.andi %get3A_782, %and3A_790 : vector<16xi32>
    %add3A_792 = arith.addi %shift_left3A_788, %and3A_791 : vector<16xi32>
    %swap3A_793 = arith.constant 736 : index
    %swap3A_794 = tpu.vector_load %arg6[%swap3A_793] {strides = array<i32>} : memref<3328xi32, #tpu.memory_space<vmem>>, vector<16xi32>,
    %swap3A_795 = vector.shape_cast %swap3A_794 : vector<16xi32> to vector<16xi32>
    %swap3A_796 = vector.shape_cast %add3A_792 : vector<16xi32> to vector<16xi32>
    tpu.vector_store %arg6[%swap3A_793], %swap3A_796 {strides = array<i32>} : memref<3328xi32, #tpu.memory_space<vmem>>, vector<16xi32>,
    %get3A_797 = arith.constant 752 : index
    %get3A_798 = tpu.vector_load %arg5[%get3A_797] {strides = array<i32>} : memref<3328xi32, #tpu.memory_space<vmem>>, vector<16xi32>,
    %get3A_799 = vector.shape_cast %get3A_798 : vector<16xi32> to vector<16xi32>
    %shift_right_arithmetic3A_800 = arith.constant 15 : i32
    %shift_right_arithmetic3A_801 = vector.broadcast %shift_right_arithmetic3A_800 : i32 to vector<16xi32>
    %shift_right_arithmetic3A_802 = arith.shrsi %get3A_799, %shift_right_arithmetic3A_801 : vector<16xi32>
    %shift_left3A_803 = arith.constant 13 : i32
    %shift_left3A_804 = vector.broadcast %shift_left3A_803 : i32 to vector<16xi32>
    %shift_left3A_805 = arith.shli %shift_right_arithmetic3A_802, %shift_left3A_804 : vector<16xi32>
    %and3A_806 = arith.constant 8191 : i32
    %and3A_807 = vector.broadcast %and3A_806 : i32 to vector<16xi32>
    %and3A_808 = arith.andi %get3A_799, %and3A_807 : vector<16xi32>
    %add3A_809 = arith.addi %shift_left3A_805, %and3A_808 : vector<16xi32>
    %swap3A_810 = arith.constant 752 : index
    %swap3A_811 = tpu.vector_load %arg6[%swap3A_810] {strides = array<i32>} : memref<3328xi32, #tpu.memory_space<vmem>>, vector<16xi32>,
    %swap3A_812 = vector.shape_cast %swap3A_811 : vector<16xi32> to vector<16xi32>
    %swap3A_813 = vector.shape_cast %add3A_809 : vector<16xi32> to vector<16xi32>
    tpu.vector_store %arg6[%swap3A_810], %swap3A_813 {strides = array<i32>} : memref<3328xi32, #tpu.memory_space<vmem>>, vector<16xi32>,
    %get3A_814 = arith.constant 768 : index
    %get3A_815 = tpu.vector_load %arg5[%get3A_814] {strides = array<i32>} : memref<3328xi32, #tpu.memory_space<vmem>>, vector<16xi32>,
    %get3A_816 = vector.shape_cast %get3A_815 : vector<16xi32> to vector<16xi32>
    %shift_right_arithmetic3A_817 = arith.constant 15 : i32
    %shift_right_arithmetic3A_818 = vector.broadcast %shift_right_arithmetic3A_817 : i32 to vector<16xi32>
    %shift_right_arithmetic3A_819 = arith.shrsi %get3A_816, %shift_right_arithmetic3A_818 : vector<16xi32>
    %shift_left3A_820 = arith.constant 13 : i32
    %shift_left3A_821 = vector.broadcast %shift_left3A_820 : i32 to vector<16xi32>
    %shift_left3A_822 = arith.shli %shift_right_arithmetic3A_819, %shift_left3A_821 : vector<16xi32>
    %and3A_823 = arith.constant 8191 : i32
    %and3A_824 = vector.broadcast %and3A_823 : i32 to vector<16xi32>
    %and3A_825 = arith.andi %get3A_816, %and3A_824 : vector<16xi32>
    %add3A_826 = arith.addi %shift_left3A_822, %and3A_825 : vector<16xi32>
    %swap3A_827 = arith.constant 768 : index
    %swap3A_828 = tpu.vector_load %arg6[%swap3A_827] {strides = array<i32>} : memref<3328xi32, #tpu.memory_space<vmem>>, vector<16xi32>,
    %swap3A_829 = vector.shape_cast %swap3A_828 : vector<16xi32> to vector<16xi32>
    %swap3A_830 = vector.shape_cast %add3A_826 : vector<16xi32> to vector<16xi32>
    tpu.vector_store %arg6[%swap3A_827], %swap3A_830 {strides = array<i32>} : memref<3328xi32, #tpu.memory_space<vmem>>, vector<16xi32>,
    %get3A_831 = arith.constant 784 : index
    %get3A_832 = tpu.vector_load %arg5[%get3A_831] {strides = array<i32>} : memref<3328xi32, #tpu.memory_space<vmem>>, vector<16xi32>,
    %get3A_833 = vector.shape_cast %get3A_832 : vector<16xi32> to vector<16xi32>
    %shift_right_arithmetic3A_834 = arith.constant 15 : i32
    %shift_right_arithmetic3A_835 = vector.broadcast %shift_right_arithmetic3A_834 : i32 to vector<16xi32>
    %shift_right_arithmetic3A_836 = arith.shrsi %get3A_833, %shift_right_arithmetic3A_835 : vector<16xi32>
    %shift_left3A_837 = arith.constant 13 : i32
    %shift_left3A_838 = vector.broadcast %shift_left3A_837 : i32 to vector<16xi32>
    %shift_left3A_839 = arith.shli %shift_right_arithmetic3A_836, %shift_left3A_838 : vector<16xi32>
    %and3A_840 = arith.constant 8191 : i32
    %and3A_841 = vector.broadcast %and3A_840 : i32 to vector<16xi32>
    %and3A_842 = arith.andi %get3A_833, %and3A_841 : vector<16xi32>
    %add3A_843 = arith.addi %shift_left3A_839, %and3A_842 : vector<16xi32>
    %swap3A_844 = arith.constant 784 : index
    %swap3A_845 = tpu.vector_load %arg6[%swap3A_844] {strides = array<i32>} : memref<3328xi32, #tpu.memory_space<vmem>>, vector<16xi32>,
    %swap3A_846 = vector.shape_cast %swap3A_845 : vector<16xi32> to vector<16xi32>
    %swap3A_847 = vector.shape_cast %add3A_843 : vector<16xi32> to vector<16xi32>
    tpu.vector_store %arg6[%swap3A_844], %swap3A_847 {strides = array<i32>} : memref<3328xi32, #tpu.memory_space<vmem>>, vector<16xi32>,
    %get3A_848 = arith.constant 800 : index
    %get3A_849 = tpu.vector_load %arg5[%get3A_848] {strides = array<i32>} : memref<3328xi32, #tpu.memory_space<vmem>>, vector<16xi32>,
    %get3A_850 = vector.shape_cast %get3A_849 : vector<16xi32> to vector<16xi32>
    %shift_right_arithmetic3A_851 = arith.constant 15 : i32
    %shift_right_arithmetic3A_852 = vector.broadcast %shift_right_arithmetic3A_851 : i32 to vector<16xi32>
    %shift_right_arithmetic3A_853 = arith.shrsi %get3A_850, %shift_right_arithmetic3A_852 : vector<16xi32>
    %shift_left3A_854 = arith.constant 13 : i32
    %shift_left3A_855 = vector.broadcast %shift_left3A_854 : i32 to vector<16xi32>
    %shift_left3A_856 = arith.shli %shift_right_arithmetic3A_853, %shift_left3A_855 : vector<16xi32>
    %and3A_857 = arith.constant 8191 : i32
    %and3A_858 = vector.broadcast %and3A_857 : i32 to vector<16xi32>
    %and3A_859 = arith.andi %get3A_850, %and3A_858 : vector<16xi32>
    %add3A_860 = arith.addi %shift_left3A_856, %and3A_859 : vector<16xi32>
    %swap3A_861 = arith.constant 800 : index
    %swap3A_862 = tpu.vector_load %arg6[%swap3A_861] {strides = array<i32>} : memref<3328xi32, #tpu.memory_space<vmem>>, vector<16xi32>,
    %swap3A_863 = vector.shape_cast %swap3A_862 : vector<16xi32> to vector<16xi32>
    %swap3A_864 = vector.shape_cast %add3A_860 : vector<16xi32> to vector<16xi32>
    tpu.vector_store %arg6[%swap3A_861], %swap3A_864 {strides = array<i32>} : memref<3328xi32, #tpu.memory_space<vmem>>, vector<16xi32>,
    %get3A_865 = arith.constant 816 : index
    %get3A_866 = tpu.vector_load %arg5[%get3A_865] {strides = array<i32>} : memref<3328xi32, #tpu.memory_space<vmem>>, vector<16xi32>,
    %get3A_867 = vector.shape_cast %get3A_866 : vector<16xi32> to vector<16xi32>
    %shift_right_arithmetic3A_868 = arith.constant 15 : i32
    %shift_right_arithmetic3A_869 = vector.broadcast %shift_right_arithmetic3A_868 : i32 to vector<16xi32>
    %shift_right_arithmetic3A_870 = arith.shrsi %get3A_867, %shift_right_arithmetic3A_869 : vector<16xi32>
    %shift_left3A_871 = arith.constant 13 : i32
    %shift_left3A_872 = vector.broadcast %shift_left3A_871 : i32 to vector<16xi32>
    %shift_left3A_873 = arith.shli %shift_right_arithmetic3A_870, %shift_left3A_872 : vector<16xi32>
    %and3A_874 = arith.constant 8191 : i32
    %and3A_875 = vector.broadcast %and3A_874 : i32 to vector<16xi32>
    %and3A_876 = arith.andi %get3A_867, %and3A_875 : vector<16xi32>
    %add3A_877 = arith.addi %shift_left3A_873, %and3A_876 : vector<16xi32>
    %swap3A_878 = arith.constant 816 : index
    %swap3A_879 = tpu.vector_load %arg6[%swap3A_878] {strides = array<i32>} : memref<3328xi32, #tpu.memory_space<vmem>>, vector<16xi32>,
    %swap3A_880 = vector.shape_cast %swap3A_879 : vector<16xi32> to vector<16xi32>
    %swap3A_881 = vector.shape_cast %add3A_877 : vector<16xi32> to vector<16xi32>
    tpu.vector_store %arg6[%swap3A_878], %swap3A_881 {strides = array<i32>} : memref<3328xi32, #tpu.memory_space<vmem>>, vector<16xi32>,
    %get3A_882 = arith.constant 832 : index
    %get3A_883 = tpu.vector_load %arg5[%get3A_882] {strides = array<i32>} : memref<3328xi32, #tpu.memory_space<vmem>>, vector<16xi32>,
    %get3A_884 = vector.shape_cast %get3A_883 : vector<16xi32> to vector<16xi32>
    %shift_right_arithmetic3A_885 = arith.constant 15 : i32
    %shift_right_arithmetic3A_886 = vector.broadcast %shift_right_arithmetic3A_885 : i32 to vector<16xi32>
    %shift_right_arithmetic3A_887 = arith.shrsi %get3A_884, %shift_right_arithmetic3A_886 : vector<16xi32>
    %shift_left3A_888 = arith.constant 13 : i32
    %shift_left3A_889 = vector.broadcast %shift_left3A_888 : i32 to vector<16xi32>
    %shift_left3A_890 = arith.shli %shift_right_arithmetic3A_887, %shift_left3A_889 : vector<16xi32>
    %and3A_891 = arith.constant 8191 : i32
    %and3A_892 = vector.broadcast %and3A_891 : i32 to vector<16xi32>
    %and3A_893 = arith.andi %get3A_884, %and3A_892 : vector<16xi32>
    %add3A_894 = arith.addi %shift_left3A_890, %and3A_893 : vector<16xi32>
    %swap3A_895 = arith.constant 832 : index
    %swap3A_896 = tpu.vector_load %arg6[%swap3A_895] {strides = array<i32>} : memref<3328xi32, #tpu.memory_space<vmem>>, vector<16xi32>,
    %swap3A_897 = vector.shape_cast %swap3A_896 : vector<16xi32> to vector<16xi32>
    %swap3A_898 = vector.shape_cast %add3A_894 : vector<16xi32> to vector<16xi32>
    tpu.vector_store %arg6[%swap3A_895], %swap3A_898 {strides = array<i32>} : memref<3328xi32, #tpu.memory_space<vmem>>, vector<16xi32>,
    %get3A_899 = arith.constant 848 : index
    %get3A_900 = tpu.vector_load %arg5[%get3A_899] {strides = array<i32>} : memref<3328xi32, #tpu.memory_space<vmem>>, vector<16xi32>,
    %get3A_901 = vector.shape_cast %get3A_900 : vector<16xi32> to vector<16xi32>
    %shift_right_arithmetic3A_902 = arith.constant 15 : i32
    %shift_right_arithmetic3A_903 = vector.broadcast %shift_right_arithmetic3A_902 : i32 to vector<16xi32>
    %shift_right_arithmetic3A_904 = arith.shrsi %get3A_901, %shift_right_arithmetic3A_903 : vector<16xi32>
    %shift_left3A_905 = arith.constant 13 : i32
    %shift_left3A_906 = vector.broadcast %shift_left3A_905 : i32 to vector<16xi32>
    %shift_left3A_907 = arith.shli %shift_right_arithmetic3A_904, %shift_left3A_906 : vector<16xi32>
    %and3A_908 = arith.constant 8191 : i32
    %and3A_909 = vector.broadcast %and3A_908 : i32 to vector<16xi32>
    %and3A_910 = arith.andi %get3A_901, %and3A_909 : vector<16xi32>
    %add3A_911 = arith.addi %shift_left3A_907, %and3A_910 : vector<16xi32>
    %swap3A_912 = arith.constant 848 : index
    %swap3A_913 = tpu.vector_load %arg6[%swap3A_912] {strides = array<i32>} : memref<3328xi32, #tpu.memory_space<vmem>>, vector<16xi32>,
    %swap3A_914 = vector.shape_cast %swap3A_913 : vector<16xi32> to vector<16xi32>
    %swap3A_915 = vector.shape_cast %add3A_911 : vector<16xi32> to vector<16xi32>
    tpu.vector_store %arg6[%swap3A_912], %swap3A_915 {strides = array<i32>} : memref<3328xi32, #tpu.memory_space<vmem>>, vector<16xi32>,
    %get3A_916 = arith.constant 864 : index
    %get3A_917 = tpu.vector_load %arg5[%get3A_916] {strides = array<i32>} : memref<3328xi32, #tpu.memory_space<vmem>>, vector<16xi32>,
    %get3A_918 = vector.shape_cast %get3A_917 : vector<16xi32> to vector<16xi32>
    %shift_right_arithmetic3A_919 = arith.constant 15 : i32
    %shift_right_arithmetic3A_920 = vector.broadcast %shift_right_arithmetic3A_919 : i32 to vector<16xi32>
    %shift_right_arithmetic3A_921 = arith.shrsi %get3A_918, %shift_right_arithmetic3A_920 : vector<16xi32>
    %shift_left3A_922 = arith.constant 13 : i32
    %shift_left3A_923 = vector.broadcast %shift_left3A_922 : i32 to vector<16xi32>
    %shift_left3A_924 = arith.shli %shift_right_arithmetic3A_921, %shift_left3A_923 : vector<16xi32>
    %and3A_925 = arith.constant 8191 : i32
    %and3A_926 = vector.broadcast %and3A_925 : i32 to vector<16xi32>
    %and3A_927 = arith.andi %get3A_918, %and3A_926 : vector<16xi32>
    %add3A_928 = arith.addi %shift_left3A_924, %and3A_927 : vector<16xi32>
    %swap3A_929 = arith.constant 864 : index
    %swap3A_930 = tpu.vector_load %arg6[%swap3A_929] {strides = array<i32>} : memref<3328xi32, #tpu.memory_space<vmem>>, vector<16xi32>,
    %swap3A_931 = vector.shape_cast %swap3A_930 : vector<16xi32> to vector<16xi32>
    %swap3A_932 = vector.shape_cast %add3A_928 : vector<16xi32> to vector<16xi32>
    tpu.vector_store %arg6[%swap3A_929], %swap3A_932 {strides = array<i32>} : memref<3328xi32, #tpu.memory_space<vmem>>, vector<16xi32>,
    %get3A_933 = arith.constant 880 : index
    %get3A_934 = tpu.vector_load %arg5[%get3A_933] {strides = array<i32>} : memref<3328xi32, #tpu.memory_space<vmem>>, vector<16xi32>,
    %get3A_935 = vector.shape_cast %get3A_934 : vector<16xi32> to vector<16xi32>
    %shift_right_arithmetic3A_936 = arith.constant 15 : i32
    %shift_right_arithmetic3A_937 = vector.broadcast %shift_right_arithmetic3A_936 : i32 to vector<16xi32>
    %shift_right_arithmetic3A_938 = arith.shrsi %get3A_935, %shift_right_arithmetic3A_937 : vector<16xi32>
    %shift_left3A_939 = arith.constant 13 : i32
    %shift_left3A_940 = vector.broadcast %shift_left3A_939 : i32 to vector<16xi32>
    %shift_left3A_941 = arith.shli %shift_right_arithmetic3A_938, %shift_left3A_940 : vector<16xi32>
    %and3A_942 = arith.constant 8191 : i32
    %and3A_943 = vector.broadcast %and3A_942 : i32 to vector<16xi32>
    %and3A_944 = arith.andi %get3A_935, %and3A_943 : vector<16xi32>
    %add3A_945 = arith.addi %shift_left3A_941, %and3A_944 : vector<16xi32>
    %swap3A_946 = arith.constant 880 : index
    %swap3A_947 = tpu.vector_load %arg6[%swap3A_946] {strides = array<i32>} : memref<3328xi32, #tpu.memory_space<vmem>>, vector<16xi32>,
    %swap3A_948 = vector.shape_cast %swap3A_947 : vector<16xi32> to vector<16xi32>
    %swap3A_949 = vector.shape_cast %add3A_945 : vector<16xi32> to vector<16xi32>
    tpu.vector_store %arg6[%swap3A_946], %swap3A_949 {strides = array<i32>} : memref<3328xi32, #tpu.memory_space<vmem>>, vector<16xi32>,
    %get3A_950 = arith.constant 896 : index
    %get3A_951 = tpu.vector_load %arg5[%get3A_950] {strides = array<i32>} : memref<3328xi32, #tpu.memory_space<vmem>>, vector<16xi32>,
    %get3A_952 = vector.shape_cast %get3A_951 : vector<16xi32> to vector<16xi32>
    %shift_right_arithmetic3A_953 = arith.constant 15 : i32
    %shift_right_arithmetic3A_954 = vector.broadcast %shift_right_arithmetic3A_953 : i32 to vector<16xi32>
    %shift_right_arithmetic3A_955 = arith.shrsi %get3A_952, %shift_right_arithmetic3A_954 : vector<16xi32>
    %shift_left3A_956 = arith.constant 13 : i32
    %shift_left3A_957 = vector.broadcast %shift_left3A_956 : i32 to vector<16xi32>
    %shift_left3A_958 = arith.shli %shift_right_arithmetic3A_955, %shift_left3A_957 : vector<16xi32>
    %and3A_959 = arith.constant 8191 : i32
    %and3A_960 = vector.broadcast %and3A_959 : i32 to vector<16xi32>
    %and3A_961 = arith.andi %get3A_952, %and3A_960 : vector<16xi32>
    %add3A_962 = arith.addi %shift_left3A_958, %and3A_961 : vector<16xi32>
    %swap3A_963 = arith.constant 896 : index
    %swap3A_964 = tpu.vector_load %arg6[%swap3A_963] {strides = array<i32>} : memref<3328xi32, #tpu.memory_space<vmem>>, vector<16xi32>,
    %swap3A_965 = vector.shape_cast %swap3A_964 : vector<16xi32> to vector<16xi32>
    %swap3A_966 = vector.shape_cast %add3A_962 : vector<16xi32> to vector<16xi32>
    tpu.vector_store %arg6[%swap3A_963], %swap3A_966 {strides = array<i32>} : memref<3328xi32, #tpu.memory_space<vmem>>, vector<16xi32>,
    %get3A_967 = arith.constant 912 : index
    %get3A_968 = tpu.vector_load %arg5[%get3A_967] {strides = array<i32>} : memref<3328xi32, #tpu.memory_space<vmem>>, vector<16xi32>,
    %get3A_969 = vector.shape_cast %get3A_968 : vector<16xi32> to vector<16xi32>
    %shift_right_arithmetic3A_970 = arith.constant 15 : i32
    %shift_right_arithmetic3A_971 = vector.broadcast %shift_right_arithmetic3A_970 : i32 to vector<16xi32>
    %shift_right_arithmetic3A_972 = arith.shrsi %get3A_969, %shift_right_arithmetic3A_971 : vector<16xi32>
    %shift_left3A_973 = arith.constant 13 : i32
    %shift_left3A_974 = vector.broadcast %shift_left3A_973 : i32 to vector<16xi32>
    %shift_left3A_975 = arith.shli %shift_right_arithmetic3A_972, %shift_left3A_974 : vector<16xi32>
    %and3A_976 = arith.constant 8191 : i32
    %and3A_977 = vector.broadcast %and3A_976 : i32 to vector<16xi32>
    %and3A_978 = arith.andi %get3A_969, %and3A_977 : vector<16xi32>
    %add3A_979 = arith.addi %shift_left3A_975, %and3A_978 : vector<16xi32>
    %swap3A_980 = arith.constant 912 : index
    %swap3A_981 = tpu.vector_load %arg6[%swap3A_980] {strides = array<i32>} : memref<3328xi32, #tpu.memory_space<vmem>>, vector<16xi32>,
    %swap3A_982 = vector.shape_cast %swap3A_981 : vector<16xi32> to vector<16xi32>
    %swap3A_983 = vector.shape_cast %add3A_979 : vector<16xi32> to vector<16xi32>
    tpu.vector_store %arg6[%swap3A_980], %swap3A_983 {strides = array<i32>} : memref<3328xi32, #tpu.memory_space<vmem>>, vector<16xi32>,
    %get3A_984 = arith.constant 928 : index
    %get3A_985 = tpu.vector_load %arg5[%get3A_984] {strides = array<i32>} : memref<3328xi32, #tpu.memory_space<vmem>>, vector<16xi32>,
    %get3A_986 = vector.shape_cast %get3A_985 : vector<16xi32> to vector<16xi32>
    %shift_right_arithmetic3A_987 = arith.constant 15 : i32
    %shift_right_arithmetic3A_988 = vector.broadcast %shift_right_arithmetic3A_987 : i32 to vector<16xi32>
    %shift_right_arithmetic3A_989 = arith.shrsi %get3A_986, %shift_right_arithmetic3A_988 : vector<16xi32>
    %shift_left3A_990 = arith.constant 13 : i32
    %shift_left3A_991 = vector.broadcast %shift_left3A_990 : i32 to vector<16xi32>
    %shift_left3A_992 = arith.shli %shift_right_arithmetic3A_989, %shift_left3A_991 : vector<16xi32>
    %and3A_993 = arith.constant 8191 : i32
    %and3A_994 = vector.broadcast %and3A_993 : i32 to vector<16xi32>
    %and3A_995 = arith.andi %get3A_986, %and3A_994 : vector<16xi32>
    %add3A_996 = arith.addi %shift_left3A_992, %and3A_995 : vector<16xi32>
    %swap3A_997 = arith.constant 928 : index
    %swap3A_998 = tpu.vector_load %arg6[%swap3A_997] {strides = array<i32>} : memref<3328xi32, #tpu.memory_space<vmem>>, vector<16xi32>,
    %swap3A_999 = vector.shape_cast %swap3A_998 : vector<16xi32> to vector<16xi32>
    %swap3A_1000 = vector.shape_cast %add3A_996 : vector<16xi32> to vector<16xi32>
    tpu.vector_store %arg6[%swap3A_997], %swap3A_1000 {strides = array<i32>} : memref<3328xi32, #tpu.memory_space<vmem>>, vector<16xi32>,
    %get3A_1001 = arith.constant 944 : index
    %get3A_1002 = tpu.vector_load %arg5[%get3A_1001] {strides = array<i32>} : memref<3328xi32, #tpu.memory_space<vmem>>, vector<16xi32>,
    %get3A_1003 = vector.shape_cast %get3A_1002 : vector<16xi32> to vector<16xi32>
    %shift_right_arithmetic3A_1004 = arith.constant 15 : i32
    %shift_right_arithmetic3A_1005 = vector.broadcast %shift_right_arithmetic3A_1004 : i32 to vector<16xi32>
    %shift_right_arithmetic3A_1006 = arith.shrsi %get3A_1003, %shift_right_arithmetic3A_1005 : vector<16xi32>
    %shift_left3A_1007 = arith.constant 13 : i32
    %shift_left3A_1008 = vector.broadcast %shift_left3A_1007 : i32 to vector<16xi32>
    %shift_left3A_1009 = arith.shli %shift_right_arithmetic3A_1006, %shift_left3A_1008 : vector<16xi32>
    %and3A_1010 = arith.constant 8191 : i32
    %and3A_1011 = vector.broadcast %and3A_1010 : i32 to vector<16xi32>
    %and3A_1012 = arith.andi %get3A_1003, %and3A_1011 : vector<16xi32>
    %add3A_1013 = arith.addi %shift_left3A_1009, %and3A_1012 : vector<16xi32>
    %swap3A_1014 = arith.constant 944 : index
    %swap3A_1015 = tpu.vector_load %arg6[%swap3A_1014] {strides = array<i32>} : memref<3328xi32, #tpu.memory_space<vmem>>, vector<16xi32>,
    %swap3A_1016 = vector.shape_cast %swap3A_1015 : vector<16xi32> to vector<16xi32>
    %swap3A_1017 = vector.shape_cast %add3A_1013 : vector<16xi32> to vector<16xi32>
    tpu.vector_store %arg6[%swap3A_1014], %swap3A_1017 {strides = array<i32>} : memref<3328xi32, #tpu.memory_space<vmem>>, vector<16xi32>,
    %get3A_1018 = arith.constant 960 : index
    %get3A_1019 = tpu.vector_load %arg5[%get3A_1018] {strides = array<i32>} : memref<3328xi32, #tpu.memory_space<vmem>>, vector<16xi32>,
    %get3A_1020 = vector.shape_cast %get3A_1019 : vector<16xi32> to vector<16xi32>
    %shift_right_arithmetic3A_1021 = arith.constant 15 : i32
    %shift_right_arithmetic3A_1022 = vector.broadcast %shift_right_arithmetic3A_1021 : i32 to vector<16xi32>
    %shift_right_arithmetic3A_1023 = arith.shrsi %get3A_1020, %shift_right_arithmetic3A_1022 : vector<16xi32>
    %shift_left3A_1024 = arith.constant 13 : i32
    %shift_left3A_1025 = vector.broadcast %shift_left3A_1024 : i32 to vector<16xi32>
    %shift_left3A_1026 = arith.shli %shift_right_arithmetic3A_1023, %shift_left3A_1025 : vector<16xi32>
    %and3A_1027 = arith.constant 8191 : i32
    %and3A_1028 = vector.broadcast %and3A_1027 : i32 to vector<16xi32>
    %and3A_1029 = arith.andi %get3A_1020, %and3A_1028 : vector<16xi32>
    %add3A_1030 = arith.addi %shift_left3A_1026, %and3A_1029 : vector<16xi32>
    %swap3A_1031 = arith.constant 960 : index
    %swap3A_1032 = tpu.vector_load %arg6[%swap3A_1031] {strides = array<i32>} : memref<3328xi32, #tpu.memory_space<vmem>>, vector<16xi32>,
    %swap3A_1033 = vector.shape_cast %swap3A_1032 : vector<16xi32> to vector<16xi32>
    %swap3A_1034 = vector.shape_cast %add3A_1030 : vector<16xi32> to vector<16xi32>
    tpu.vector_store %arg6[%swap3A_1031], %swap3A_1034 {strides = array<i32>} : memref<3328xi32, #tpu.memory_space<vmem>>, vector<16xi32>,
    %get3A_1035 = arith.constant 976 : index
    %get3A_1036 = tpu.vector_load %arg5[%get3A_1035] {strides = array<i32>} : memref<3328xi32, #tpu.memory_space<vmem>>, vector<16xi32>,
    %get3A_1037 = vector.shape_cast %get3A_1036 : vector<16xi32> to vector<16xi32>
    %shift_right_arithmetic3A_1038 = arith.constant 15 : i32
    %shift_right_arithmetic3A_1039 = vector.broadcast %shift_right_arithmetic3A_1038 : i32 to vector<16xi32>
    %shift_right_arithmetic3A_1040 = arith.shrsi %get3A_1037, %shift_right_arithmetic3A_1039 : vector<16xi32>
    %shift_left3A_1041 = arith.constant 13 : i32
    %shift_left3A_1042 = vector.broadcast %shift_left3A_1041 : i32 to vector<16xi32>
    %shift_left3A_1043 = arith.shli %shift_right_arithmetic3A_1040, %shift_left3A_1042 : vector<16xi32>
    %and3A_1044 = arith.constant 8191 : i32
    %and3A_1045 = vector.broadcast %and3A_1044 : i32 to vector<16xi32>
    %and3A_1046 = arith.andi %get3A_1037, %and3A_1045 : vector<16xi32>
    %add3A_1047 = arith.addi %shift_left3A_1043, %and3A_1046 : vector<16xi32>
    %swap3A_1048 = arith.constant 976 : index
    %swap3A_1049 = tpu.vector_load %arg6[%swap3A_1048] {strides = array<i32>} : memref<3328xi32, #tpu.memory_space<vmem>>, vector<16xi32>,
    %swap3A_1050 = vector.shape_cast %swap3A_1049 : vector<16xi32> to vector<16xi32>
    %swap3A_1051 = vector.shape_cast %add3A_1047 : vector<16xi32> to vector<16xi32>
    tpu.vector_store %arg6[%swap3A_1048], %swap3A_1051 {strides = array<i32>} : memref<3328xi32, #tpu.memory_space<vmem>>, vector<16xi32>,
    %get3A_1052 = arith.constant 992 : index
    %get3A_1053 = tpu.vector_load %arg5[%get3A_1052] {strides = array<i32>} : memref<3328xi32, #tpu.memory_space<vmem>>, vector<16xi32>,
    %get3A_1054 = vector.shape_cast %get3A_1053 : vector<16xi32> to vector<16xi32>
    %shift_right_arithmetic3A_1055 = arith.constant 15 : i32
    %shift_right_arithmetic3A_1056 = vector.broadcast %shift_right_arithmetic3A_1055 : i32 to vector<16xi32>
    %shift_right_arithmetic3A_1057 = arith.shrsi %get3A_1054, %shift_right_arithmetic3A_1056 : vector<16xi32>
    %shift_left3A_1058 = arith.constant 13 : i32
    %shift_left3A_1059 = vector.broadcast %shift_left3A_1058 : i32 to vector<16xi32>
    %shift_left3A_1060 = arith.shli %shift_right_arithmetic3A_1057, %shift_left3A_1059 : vector<16xi32>
    %and3A_1061 = arith.constant 8191 : i32
    %and3A_1062 = vector.broadcast %and3A_1061 : i32 to vector<16xi32>
    %and3A_1063 = arith.andi %get3A_1054, %and3A_1062 : vector<16xi32>
    %add3A_1064 = arith.addi %shift_left3A_1060, %and3A_1063 : vector<16xi32>
    %swap3A_1065 = arith.constant 992 : index
    %swap3A_1066 = tpu.vector_load %arg6[%swap3A_1065] {strides = array<i32>} : memref<3328xi32, #tpu.memory_space<vmem>>, vector<16xi32>,
    %swap3A_1067 = vector.shape_cast %swap3A_1066 : vector<16xi32> to vector<16xi32>
    %swap3A_1068 = vector.shape_cast %add3A_1064 : vector<16xi32> to vector<16xi32>
    tpu.vector_store %arg6[%swap3A_1065], %swap3A_1068 {strides = array<i32>} : memref<3328xi32, #tpu.memory_space<vmem>>, vector<16xi32>,
    %get3A_1069 = arith.constant 1008 : index
    %get3A_1070 = tpu.vector_load %arg5[%get3A_1069] {strides = array<i32>} : memref<3328xi32, #tpu.memory_space<vmem>>, vector<16xi32>,
    %get3A_1071 = vector.shape_cast %get3A_1070 : vector<16xi32> to vector<16xi32>
    %shift_right_arithmetic3A_1072 = arith.constant 15 : i32
    %shift_right_arithmetic3A_1073 = vector.broadcast %shift_right_arithmetic3A_1072 : i32 to vector<16xi32>
    %shift_right_arithmetic3A_1074 = arith.shrsi %get3A_1071, %shift_right_arithmetic3A_1073 : vector<16xi32>
    %shift_left3A_1075 = arith.constant 13 : i32
    %shift_left3A_1076 = vector.broadcast %shift_left3A_1075 : i32 to vector<16xi32>
    %shift_left3A_1077 = arith.shli %shift_right_arithmetic3A_1074, %shift_left3A_1076 : vector<16xi32>
    %and3A_1078 = arith.constant 8191 : i32
    %and3A_1079 = vector.broadcast %and3A_1078 : i32 to vector<16xi32>
    %and3A_1080 = arith.andi %get3A_1071, %and3A_1079 : vector<16xi32>
    %add3A_1081 = arith.addi %shift_left3A_1077, %and3A_1080 : vector<16xi32>
    %swap3A_1082 = arith.constant 1008 : index
    %swap3A_1083 = tpu.vector_load %arg6[%swap3A_1082] {strides = array<i32>} : memref<3328xi32, #tpu.memory_space<vmem>>, vector<16xi32>,
    %swap3A_1084 = vector.shape_cast %swap3A_1083 : vector<16xi32> to vector<16xi32>
    %swap3A_1085 = vector.shape_cast %add3A_1081 : vector<16xi32> to vector<16xi32>
    tpu.vector_store %arg6[%swap3A_1082], %swap3A_1085 {strides = array<i32>} : memref<3328xi32, #tpu.memory_space<vmem>>, vector<16xi32>,
    %get3A_1086 = arith.constant 1024 : index
    %get3A_1087 = tpu.vector_load %arg5[%get3A_1086] {strides = array<i32>} : memref<3328xi32, #tpu.memory_space<vmem>>, vector<16xi32>,
    %get3A_1088 = vector.shape_cast %get3A_1087 : vector<16xi32> to vector<16xi32>
    %shift_right_arithmetic3A_1089 = arith.constant 15 : i32
    %shift_right_arithmetic3A_1090 = vector.broadcast %shift_right_arithmetic3A_1089 : i32 to vector<16xi32>
    %shift_right_arithmetic3A_1091 = arith.shrsi %get3A_1088, %shift_right_arithmetic3A_1090 : vector<16xi32>
    %shift_left3A_1092 = arith.constant 13 : i32
    %shift_left3A_1093 = vector.broadcast %shift_left3A_1092 : i32 to vector<16xi32>
    %shift_left3A_1094 = arith.shli %shift_right_arithmetic3A_1091, %shift_left3A_1093 : vector<16xi32>
    %and3A_1095 = arith.constant 8191 : i32
    %and3A_1096 = vector.broadcast %and3A_1095 : i32 to vector<16xi32>
    %and3A_1097 = arith.andi %get3A_1088, %and3A_1096 : vector<16xi32>
    %add3A_1098 = arith.addi %shift_left3A_1094, %and3A_1097 : vector<16xi32>
    %swap3A_1099 = arith.constant 1024 : index
    %swap3A_1100 = tpu.vector_load %arg6[%swap3A_1099] {strides = array<i32>} : memref<3328xi32, #tpu.memory_space<vmem>>, vector<16xi32>,
    %swap3A_1101 = vector.shape_cast %swap3A_1100 : vector<16xi32> to vector<16xi32>
    %swap3A_1102 = vector.shape_cast %add3A_1098 : vector<16xi32> to vector<16xi32>
    tpu.vector_store %arg6[%swap3A_1099], %swap3A_1102 {strides = array<i32>} : memref<3328xi32, #tpu.memory_space<vmem>>, vector<16xi32>,
    %get3A_1103 = arith.constant 1040 : index
    %get3A_1104 = tpu.vector_load %arg5[%get3A_1103] {strides = array<i32>} : memref<3328xi32, #tpu.memory_space<vmem>>, vector<16xi32>,
    %get3A_1105 = vector.shape_cast %get3A_1104 : vector<16xi32> to vector<16xi32>
    %shift_right_arithmetic3A_1106 = arith.constant 15 : i32
    %shift_right_arithmetic3A_1107 = vector.broadcast %shift_right_arithmetic3A_1106 : i32 to vector<16xi32>
    %shift_right_arithmetic3A_1108 = arith.shrsi %get3A_1105, %shift_right_arithmetic3A_1107 : vector<16xi32>
    %shift_left3A_1109 = arith.constant 13 : i32
    %shift_left3A_1110 = vector.broadcast %shift_left3A_1109 : i32 to vector<16xi32>
    %shift_left3A_1111 = arith.shli %shift_right_arithmetic3A_1108, %shift_left3A_1110 : vector<16xi32>
    %and3A_1112 = arith.constant 8191 : i32
    %and3A_1113 = vector.broadcast %and3A_1112 : i32 to vector<16xi32>
    %and3A_1114 = arith.andi %get3A_1105, %and3A_1113 : vector<16xi32>
    %add3A_1115 = arith.addi %shift_left3A_1111, %and3A_1114 : vector<16xi32>
    %swap3A_1116 = arith.constant 1040 : index
    %swap3A_1117 = tpu.vector_load %arg6[%swap3A_1116] {strides = array<i32>} : memref<3328xi32, #tpu.memory_space<vmem>>, vector<16xi32>,
    %swap3A_1118 = vector.shape_cast %swap3A_1117 : vector<16xi32> to vector<16xi32>
    %swap3A_1119 = vector.shape_cast %add3A_1115 : vector<16xi32> to vector<16xi32>
    tpu.vector_store %arg6[%swap3A_1116], %swap3A_1119 {strides = array<i32>} : memref<3328xi32, #tpu.memory_space<vmem>>, vector<16xi32>,
    %get3A_1120 = arith.constant 1056 : index
    %get3A_1121 = tpu.vector_load %arg5[%get3A_1120] {strides = array<i32>} : memref<3328xi32, #tpu.memory_space<vmem>>, vector<16xi32>,
    %get3A_1122 = vector.shape_cast %get3A_1121 : vector<16xi32> to vector<16xi32>
    %shift_right_arithmetic3A_1123 = arith.constant 15 : i32
    %shift_right_arithmetic3A_1124 = vector.broadcast %shift_right_arithmetic3A_1123 : i32 to vector<16xi32>
    %shift_right_arithmetic3A_1125 = arith.shrsi %get3A_1122, %shift_right_arithmetic3A_1124 : vector<16xi32>
    %shift_left3A_1126 = arith.constant 13 : i32
    %shift_left3A_1127 = vector.broadcast %shift_left3A_1126 : i32 to vector<16xi32>
    %shift_left3A_1128 = arith.shli %shift_right_arithmetic3A_1125, %shift_left3A_1127 : vector<16xi32>
    %and3A_1129 = arith.constant 8191 : i32
    %and3A_1130 = vector.broadcast %and3A_1129 : i32 to vector<16xi32>
    %and3A_1131 = arith.andi %get3A_1122, %and3A_1130 : vector<16xi32>
    %add3A_1132 = arith.addi %shift_left3A_1128, %and3A_1131 : vector<16xi32>
    %swap3A_1133 = arith.constant 1056 : index
    %swap3A_1134 = tpu.vector_load %arg6[%swap3A_1133] {strides = array<i32>} : memref<3328xi32, #tpu.memory_space<vmem>>, vector<16xi32>,
    %swap3A_1135 = vector.shape_cast %swap3A_1134 : vector<16xi32> to vector<16xi32>
    %swap3A_1136 = vector.shape_cast %add3A_1132 : vector<16xi32> to vector<16xi32>
    tpu.vector_store %arg6[%swap3A_1133], %swap3A_1136 {strides = array<i32>} : memref<3328xi32, #tpu.memory_space<vmem>>, vector<16xi32>,
    %get3A_1137 = arith.constant 1072 : index
    %get3A_1138 = tpu.vector_load %arg5[%get3A_1137] {strides = array<i32>} : memref<3328xi32, #tpu.memory_space<vmem>>, vector<16xi32>,
    %get3A_1139 = vector.shape_cast %get3A_1138 : vector<16xi32> to vector<16xi32>
    %shift_right_arithmetic3A_1140 = arith.constant 15 : i32
    %shift_right_arithmetic3A_1141 = vector.broadcast %shift_right_arithmetic3A_1140 : i32 to vector<16xi32>
    %shift_right_arithmetic3A_1142 = arith.shrsi %get3A_1139, %shift_right_arithmetic3A_1141 : vector<16xi32>
    %shift_left3A_1143 = arith.constant 13 : i32
    %shift_left3A_1144 = vector.broadcast %shift_left3A_1143 : i32 to vector<16xi32>
    %shift_left3A_1145 = arith.shli %shift_right_arithmetic3A_1142, %shift_left3A_1144 : vector<16xi32>
    %and3A_1146 = arith.constant 8191 : i32
    %and3A_1147 = vector.broadcast %and3A_1146 : i32 to vector<16xi32>
    %and3A_1148 = arith.andi %get3A_1139, %and3A_1147 : vector<16xi32>
    %add3A_1149 = arith.addi %shift_left3A_1145, %and3A_1148 : vector<16xi32>
    %swap3A_1150 = arith.constant 1072 : index
    %swap3A_1151 = tpu.vector_load %arg6[%swap3A_1150] {strides = array<i32>} : memref<3328xi32, #tpu.memory_space<vmem>>, vector<16xi32>,
    %swap3A_1152 = vector.shape_cast %swap3A_1151 : vector<16xi32> to vector<16xi32>
    %swap3A_1153 = vector.shape_cast %add3A_1149 : vector<16xi32> to vector<16xi32>
    tpu.vector_store %arg6[%swap3A_1150], %swap3A_1153 {strides = array<i32>} : memref<3328xi32, #tpu.memory_space<vmem>>, vector<16xi32>,
    %get3A_1154 = arith.constant 1088 : index
    %get3A_1155 = tpu.vector_load %arg5[%get3A_1154] {strides = array<i32>} : memref<3328xi32, #tpu.memory_space<vmem>>, vector<16xi32>,
    %get3A_1156 = vector.shape_cast %get3A_1155 : vector<16xi32> to vector<16xi32>
    %shift_right_arithmetic3A_1157 = arith.constant 15 : i32
    %shift_right_arithmetic3A_1158 = vector.broadcast %shift_right_arithmetic3A_1157 : i32 to vector<16xi32>
    %shift_right_arithmetic3A_1159 = arith.shrsi %get3A_1156, %shift_right_arithmetic3A_1158 : vector<16xi32>
    %shift_left3A_1160 = arith.constant 13 : i32
    %shift_left3A_1161 = vector.broadcast %shift_left3A_1160 : i32 to vector<16xi32>
    %shift_left3A_1162 = arith.shli %shift_right_arithmetic3A_1159, %shift_left3A_1161 : vector<16xi32>
    %and3A_1163 = arith.constant 8191 : i32
    %and3A_1164 = vector.broadcast %and3A_1163 : i32 to vector<16xi32>
    %and3A_1165 = arith.andi %get3A_1156, %and3A_1164 : vector<16xi32>
    %add3A_1166 = arith.addi %shift_left3A_1162, %and3A_1165 : vector<16xi32>
    %swap3A_1167 = arith.constant 1088 : index
    %swap3A_1168 = tpu.vector_load %arg6[%swap3A_1167] {strides = array<i32>} : memref<3328xi32, #tpu.memory_space<vmem>>, vector<16xi32>,
    %swap3A_1169 = vector.shape_cast %swap3A_1168 : vector<16xi32> to vector<16xi32>
    %swap3A_1170 = vector.shape_cast %add3A_1166 : vector<16xi32> to vector<16xi32>
    tpu.vector_store %arg6[%swap3A_1167], %swap3A_1170 {strides = array<i32>} : memref<3328xi32, #tpu.memory_space<vmem>>, vector<16xi32>,
    %get3A_1171 = arith.constant 1104 : index
    %get3A_1172 = tpu.vector_load %arg5[%get3A_1171] {strides = array<i32>} : memref<3328xi32, #tpu.memory_space<vmem>>, vector<16xi32>,
    %get3A_1173 = vector.shape_cast %get3A_1172 : vector<16xi32> to vector<16xi32>
    %shift_right_arithmetic3A_1174 = arith.constant 15 : i32
    %shift_right_arithmetic3A_1175 = vector.broadcast %shift_right_arithmetic3A_1174 : i32 to vector<16xi32>
    %shift_right_arithmetic3A_1176 = arith.shrsi %get3A_1173, %shift_right_arithmetic3A_1175 : vector<16xi32>
    %shift_left3A_1177 = arith.constant 13 : i32
    %shift_left3A_1178 = vector.broadcast %shift_left3A_1177 : i32 to vector<16xi32>
    %shift_left3A_1179 = arith.shli %shift_right_arithmetic3A_1176, %shift_left3A_1178 : vector<16xi32>
    %and3A_1180 = arith.constant 8191 : i32
    %and3A_1181 = vector.broadcast %and3A_1180 : i32 to vector<16xi32>
    %and3A_1182 = arith.andi %get3A_1173, %and3A_1181 : vector<16xi32>
    %add3A_1183 = arith.addi %shift_left3A_1179, %and3A_1182 : vector<16xi32>
    %swap3A_1184 = arith.constant 1104 : index
    %swap3A_1185 = tpu.vector_load %arg6[%swap3A_1184] {strides = array<i32>} : memref<3328xi32, #tpu.memory_space<vmem>>, vector<16xi32>,
    %swap3A_1186 = vector.shape_cast %swap3A_1185 : vector<16xi32> to vector<16xi32>
    %swap3A_1187 = vector.shape_cast %add3A_1183 : vector<16xi32> to vector<16xi32>
    tpu.vector_store %arg6[%swap3A_1184], %swap3A_1187 {strides = array<i32>} : memref<3328xi32, #tpu.memory_space<vmem>>, vector<16xi32>,
    %get3A_1188 = arith.constant 1120 : index
    %get3A_1189 = tpu.vector_load %arg5[%get3A_1188] {strides = array<i32>} : memref<3328xi32, #tpu.memory_space<vmem>>, vector<16xi32>,
    %get3A_1190 = vector.shape_cast %get3A_1189 : vector<16xi32> to vector<16xi32>
    %shift_right_arithmetic3A_1191 = arith.constant 15 : i32
    %shift_right_arithmetic3A_1192 = vector.broadcast %shift_right_arithmetic3A_1191 : i32 to vector<16xi32>
    %shift_right_arithmetic3A_1193 = arith.shrsi %get3A_1190, %shift_right_arithmetic3A_1192 : vector<16xi32>
    %shift_left3A_1194 = arith.constant 13 : i32
    %shift_left3A_1195 = vector.broadcast %shift_left3A_1194 : i32 to vector<16xi32>
    %shift_left3A_1196 = arith.shli %shift_right_arithmetic3A_1193, %shift_left3A_1195 : vector<16xi32>
    %and3A_1197 = arith.constant 8191 : i32
    %and3A_1198 = vector.broadcast %and3A_1197 : i32 to vector<16xi32>
    %and3A_1199 = arith.andi %get3A_1190, %and3A_1198 : vector<16xi32>
    %add3A_1200 = arith.addi %shift_left3A_1196, %and3A_1199 : vector<16xi32>
    %swap3A_1201 = arith.constant 1120 : index
    %swap3A_1202 = tpu.vector_load %arg6[%swap3A_1201] {strides = array<i32>} : memref<3328xi32, #tpu.memory_space<vmem>>, vector<16xi32>,
    %swap3A_1203 = vector.shape_cast %swap3A_1202 : vector<16xi32> to vector<16xi32>
    %swap3A_1204 = vector.shape_cast %add3A_1200 : vector<16xi32> to vector<16xi32>
    tpu.vector_store %arg6[%swap3A_1201], %swap3A_1204 {strides = array<i32>} : memref<3328xi32, #tpu.memory_space<vmem>>, vector<16xi32>,
    %get3A_1205 = arith.constant 1136 : index
    %get3A_1206 = tpu.vector_load %arg5[%get3A_1205] {strides = array<i32>} : memref<3328xi32, #tpu.memory_space<vmem>>, vector<16xi32>,
    %get3A_1207 = vector.shape_cast %get3A_1206 : vector<16xi32> to vector<16xi32>
    %shift_right_arithmetic3A_1208 = arith.constant 15 : i32
    %shift_right_arithmetic3A_1209 = vector.broadcast %shift_right_arithmetic3A_1208 : i32 to vector<16xi32>
    %shift_right_arithmetic3A_1210 = arith.shrsi %get3A_1207, %shift_right_arithmetic3A_1209 : vector<16xi32>
    %shift_left3A_1211 = arith.constant 13 : i32
    %shift_left3A_1212 = vector.broadcast %shift_left3A_1211 : i32 to vector<16xi32>
    %shift_left3A_1213 = arith.shli %shift_right_arithmetic3A_1210, %shift_left3A_1212 : vector<16xi32>
    %and3A_1214 = arith.constant 8191 : i32
    %and3A_1215 = vector.broadcast %and3A_1214 : i32 to vector<16xi32>
    %and3A_1216 = arith.andi %get3A_1207, %and3A_1215 : vector<16xi32>
    %add3A_1217 = arith.addi %shift_left3A_1213, %and3A_1216 : vector<16xi32>
    %swap3A_1218 = arith.constant 1136 : index
    %swap3A_1219 = tpu.vector_load %arg6[%swap3A_1218] {strides = array<i32>} : memref<3328xi32, #tpu.memory_space<vmem>>, vector<16xi32>,
    %swap3A_1220 = vector.shape_cast %swap3A_1219 : vector<16xi32> to vector<16xi32>
    %swap3A_1221 = vector.shape_cast %add3A_1217 : vector<16xi32> to vector<16xi32>
    tpu.vector_store %arg6[%swap3A_1218], %swap3A_1221 {strides = array<i32>} : memref<3328xi32, #tpu.memory_space<vmem>>, vector<16xi32>,
    %get3A_1222 = arith.constant 1152 : index
    %get3A_1223 = tpu.vector_load %arg5[%get3A_1222] {strides = array<i32>} : memref<3328xi32, #tpu.memory_space<vmem>>, vector<16xi32>,
    %get3A_1224 = vector.shape_cast %get3A_1223 : vector<16xi32> to vector<16xi32>
    %shift_right_arithmetic3A_1225 = arith.constant 15 : i32
    %shift_right_arithmetic3A_1226 = vector.broadcast %shift_right_arithmetic3A_1225 : i32 to vector<16xi32>
    %shift_right_arithmetic3A_1227 = arith.shrsi %get3A_1224, %shift_right_arithmetic3A_1226 : vector<16xi32>
    %shift_left3A_1228 = arith.constant 13 : i32
    %shift_left3A_1229 = vector.broadcast %shift_left3A_1228 : i32 to vector<16xi32>
    %shift_left3A_1230 = arith.shli %shift_right_arithmetic3A_1227, %shift_left3A_1229 : vector<16xi32>
    %and3A_1231 = arith.constant 8191 : i32
    %and3A_1232 = vector.broadcast %and3A_1231 : i32 to vector<16xi32>
    %and3A_1233 = arith.andi %get3A_1224, %and3A_1232 : vector<16xi32>
    %add3A_1234 = arith.addi %shift_left3A_1230, %and3A_1233 : vector<16xi32>
    %swap3A_1235 = arith.constant 1152 : index
    %swap3A_1236 = tpu.vector_load %arg6[%swap3A_1235] {strides = array<i32>} : memref<3328xi32, #tpu.memory_space<vmem>>, vector<16xi32>,
    %swap3A_1237 = vector.shape_cast %swap3A_1236 : vector<16xi32> to vector<16xi32>
    %swap3A_1238 = vector.shape_cast %add3A_1234 : vector<16xi32> to vector<16xi32>
    tpu.vector_store %arg6[%swap3A_1235], %swap3A_1238 {strides = array<i32>} : memref<3328xi32, #tpu.memory_space<vmem>>, vector<16xi32>,
    %get3A_1239 = arith.constant 1168 : index
    %get3A_1240 = tpu.vector_load %arg5[%get3A_1239] {strides = array<i32>} : memref<3328xi32, #tpu.memory_space<vmem>>, vector<16xi32>,
    %get3A_1241 = vector.shape_cast %get3A_1240 : vector<16xi32> to vector<16xi32>
    %shift_right_arithmetic3A_1242 = arith.constant 15 : i32
    %shift_right_arithmetic3A_1243 = vector.broadcast %shift_right_arithmetic3A_1242 : i32 to vector<16xi32>
    %shift_right_arithmetic3A_1244 = arith.shrsi %get3A_1241, %shift_right_arithmetic3A_1243 : vector<16xi32>
    %shift_left3A_1245 = arith.constant 13 : i32
    %shift_left3A_1246 = vector.broadcast %shift_left3A_1245 : i32 to vector<16xi32>
    %shift_left3A_1247 = arith.shli %shift_right_arithmetic3A_1244, %shift_left3A_1246 : vector<16xi32>
    %and3A_1248 = arith.constant 8191 : i32
    %and3A_1249 = vector.broadcast %and3A_1248 : i32 to vector<16xi32>
    %and3A_1250 = arith.andi %get3A_1241, %and3A_1249 : vector<16xi32>
    %add3A_1251 = arith.addi %shift_left3A_1247, %and3A_1250 : vector<16xi32>
    %swap3A_1252 = arith.constant 1168 : index
    %swap3A_1253 = tpu.vector_load %arg6[%swap3A_1252] {strides = array<i32>} : memref<3328xi32, #tpu.memory_space<vmem>>, vector<16xi32>,
    %swap3A_1254 = vector.shape_cast %swap3A_1253 : vector<16xi32> to vector<16xi32>
    %swap3A_1255 = vector.shape_cast %add3A_1251 : vector<16xi32> to vector<16xi32>
    tpu.vector_store %arg6[%swap3A_1252], %swap3A_1255 {strides = array<i32>} : memref<3328xi32, #tpu.memory_space<vmem>>, vector<16xi32>,
    %get3A_1256 = arith.constant 1184 : index
    %get3A_1257 = tpu.vector_load %arg5[%get3A_1256] {strides = array<i32>} : memref<3328xi32, #tpu.memory_space<vmem>>, vector<16xi32>,
    %get3A_1258 = vector.shape_cast %get3A_1257 : vector<16xi32> to vector<16xi32>
    %shift_right_arithmetic3A_1259 = arith.constant 15 : i32
    %shift_right_arithmetic3A_1260 = vector.broadcast %shift_right_arithmetic3A_1259 : i32 to vector<16xi32>
    %shift_right_arithmetic3A_1261 = arith.shrsi %get3A_1258, %shift_right_arithmetic3A_1260 : vector<16xi32>
    %shift_left3A_1262 = arith.constant 13 : i32
    %shift_left3A_1263 = vector.broadcast %shift_left3A_1262 : i32 to vector<16xi32>
    %shift_left3A_1264 = arith.shli %shift_right_arithmetic3A_1261, %shift_left3A_1263 : vector<16xi32>
    %and3A_1265 = arith.constant 8191 : i32
    %and3A_1266 = vector.broadcast %and3A_1265 : i32 to vector<16xi32>
    %and3A_1267 = arith.andi %get3A_1258, %and3A_1266 : vector<16xi32>
    %add3A_1268 = arith.addi %shift_left3A_1264, %and3A_1267 : vector<16xi32>
    %swap3A_1269 = arith.constant 1184 : index
    %swap3A_1270 = tpu.vector_load %arg6[%swap3A_1269] {strides = array<i32>} : memref<3328xi32, #tpu.memory_space<vmem>>, vector<16xi32>,
    %swap3A_1271 = vector.shape_cast %swap3A_1270 : vector<16xi32> to vector<16xi32>
    %swap3A_1272 = vector.shape_cast %add3A_1268 : vector<16xi32> to vector<16xi32>
    tpu.vector_store %arg6[%swap3A_1269], %swap3A_1272 {strides = array<i32>} : memref<3328xi32, #tpu.memory_space<vmem>>, vector<16xi32>,
    %get3A_1273 = arith.constant 1200 : index
    %get3A_1274 = tpu.vector_load %arg5[%get3A_1273] {strides = array<i32>} : memref<3328xi32, #tpu.memory_space<vmem>>, vector<16xi32>,
    %get3A_1275 = vector.shape_cast %get3A_1274 : vector<16xi32> to vector<16xi32>
    %shift_right_arithmetic3A_1276 = arith.constant 15 : i32
    %shift_right_arithmetic3A_1277 = vector.broadcast %shift_right_arithmetic3A_1276 : i32 to vector<16xi32>
    %shift_right_arithmetic3A_1278 = arith.shrsi %get3A_1275, %shift_right_arithmetic3A_1277 : vector<16xi32>
    %shift_left3A_1279 = arith.constant 13 : i32
    %shift_left3A_1280 = vector.broadcast %shift_left3A_1279 : i32 to vector<16xi32>
    %shift_left3A_1281 = arith.shli %shift_right_arithmetic3A_1278, %shift_left3A_1280 : vector<16xi32>
    %and3A_1282 = arith.constant 8191 : i32
    %and3A_1283 = vector.broadcast %and3A_1282 : i32 to vector<16xi32>
    %and3A_1284 = arith.andi %get3A_1275, %and3A_1283 : vector<16xi32>
    %add3A_1285 = arith.addi %shift_left3A_1281, %and3A_1284 : vector<16xi32>
    %swap3A_1286 = arith.constant 1200 : index
    %swap3A_1287 = tpu.vector_load %arg6[%swap3A_1286] {strides = array<i32>} : memref<3328xi32, #tpu.memory_space<vmem>>, vector<16xi32>,
    %swap3A_1288 = vector.shape_cast %swap3A_1287 : vector<16xi32> to vector<16xi32>
    %swap3A_1289 = vector.shape_cast %add3A_1285 : vector<16xi32> to vector<16xi32>
    tpu.vector_store %arg6[%swap3A_1286], %swap3A_1289 {strides = array<i32>} : memref<3328xi32, #tpu.memory_space<vmem>>, vector<16xi32>,
    %get3A_1290 = arith.constant 1216 : index
    %get3A_1291 = tpu.vector_load %arg5[%get3A_1290] {strides = array<i32>} : memref<3328xi32, #tpu.memory_space<vmem>>, vector<16xi32>,
    %get3A_1292 = vector.shape_cast %get3A_1291 : vector<16xi32> to vector<16xi32>
    %shift_right_arithmetic3A_1293 = arith.constant 15 : i32
    %shift_right_arithmetic3A_1294 = vector.broadcast %shift_right_arithmetic3A_1293 : i32 to vector<16xi32>
    %shift_right_arithmetic3A_1295 = arith.shrsi %get3A_1292, %shift_right_arithmetic3A_1294 : vector<16xi32>
    %shift_left3A_1296 = arith.constant 13 : i32
    %shift_left3A_1297 = vector.broadcast %shift_left3A_1296 : i32 to vector<16xi32>
    %shift_left3A_1298 = arith.shli %shift_right_arithmetic3A_1295, %shift_left3A_1297 : vector<16xi32>
    %and3A_1299 = arith.constant 8191 : i32
    %and3A_1300 = vector.broadcast %and3A_1299 : i32 to vector<16xi32>
    %and3A_1301 = arith.andi %get3A_1292, %and3A_1300 : vector<16xi32>
    %add3A_1302 = arith.addi %shift_left3A_1298, %and3A_1301 : vector<16xi32>
    %swap3A_1303 = arith.constant 1216 : index
    %swap3A_1304 = tpu.vector_load %arg6[%swap3A_1303] {strides = array<i32>} : memref<3328xi32, #tpu.memory_space<vmem>>, vector<16xi32>,
    %swap3A_1305 = vector.shape_cast %swap3A_1304 : vector<16xi32> to vector<16xi32>
    %swap3A_1306 = vector.shape_cast %add3A_1302 : vector<16xi32> to vector<16xi32>
    tpu.vector_store %arg6[%swap3A_1303], %swap3A_1306 {strides = array<i32>} : memref<3328xi32, #tpu.memory_space<vmem>>, vector<16xi32>,
    %get3A_1307 = arith.constant 1232 : index
    %get3A_1308 = tpu.vector_load %arg5[%get3A_1307] {strides = array<i32>} : memref<3328xi32, #tpu.memory_space<vmem>>, vector<16xi32>,
    %get3A_1309 = vector.shape_cast %get3A_1308 : vector<16xi32> to vector<16xi32>
    %shift_right_arithmetic3A_1310 = arith.constant 15 : i32
    %shift_right_arithmetic3A_1311 = vector.broadcast %shift_right_arithmetic3A_1310 : i32 to vector<16xi32>
    %shift_right_arithmetic3A_1312 = arith.shrsi %get3A_1309, %shift_right_arithmetic3A_1311 : vector<16xi32>
    %shift_left3A_1313 = arith.constant 13 : i32
    %shift_left3A_1314 = vector.broadcast %shift_left3A_1313 : i32 to vector<16xi32>
    %shift_left3A_1315 = arith.shli %shift_right_arithmetic3A_1312, %shift_left3A_1314 : vector<16xi32>
    %and3A_1316 = arith.constant 8191 : i32
    %and3A_1317 = vector.broadcast %and3A_1316 : i32 to vector<16xi32>
    %and3A_1318 = arith.andi %get3A_1309, %and3A_1317 : vector<16xi32>
    %add3A_1319 = arith.addi %shift_left3A_1315, %and3A_1318 : vector<16xi32>
    %swap3A_1320 = arith.constant 1232 : index
    %swap3A_1321 = tpu.vector_load %arg6[%swap3A_1320] {strides = array<i32>} : memref<3328xi32, #tpu.memory_space<vmem>>, vector<16xi32>,
    %swap3A_1322 = vector.shape_cast %swap3A_1321 : vector<16xi32> to vector<16xi32>
    %swap3A_1323 = vector.shape_cast %add3A_1319 : vector<16xi32> to vector<16xi32>
    tpu.vector_store %arg6[%swap3A_1320], %swap3A_1323 {strides = array<i32>} : memref<3328xi32, #tpu.memory_space<vmem>>, vector<16xi32>,
    %get3A_1324 = arith.constant 1248 : index
    %get3A_1325 = tpu.vector_load %arg5[%get3A_1324] {strides = array<i32>} : memref<3328xi32, #tpu.memory_space<vmem>>, vector<16xi32>,
    %get3A_1326 = vector.shape_cast %get3A_1325 : vector<16xi32> to vector<16xi32>
    %shift_right_arithmetic3A_1327 = arith.constant 15 : i32
    %shift_right_arithmetic3A_1328 = vector.broadcast %shift_right_arithmetic3A_1327 : i32 to vector<16xi32>
    %shift_right_arithmetic3A_1329 = arith.shrsi %get3A_1326, %shift_right_arithmetic3A_1328 : vector<16xi32>
    %shift_left3A_1330 = arith.constant 13 : i32
    %shift_left3A_1331 = vector.broadcast %shift_left3A_1330 : i32 to vector<16xi32>
    %shift_left3A_1332 = arith.shli %shift_right_arithmetic3A_1329, %shift_left3A_1331 : vector<16xi32>
    %and3A_1333 = arith.constant 8191 : i32
    %and3A_1334 = vector.broadcast %and3A_1333 : i32 to vector<16xi32>
    %and3A_1335 = arith.andi %get3A_1326, %and3A_1334 : vector<16xi32>
    %add3A_1336 = arith.addi %shift_left3A_1332, %and3A_1335 : vector<16xi32>
    %swap3A_1337 = arith.constant 1248 : index
    %swap3A_1338 = tpu.vector_load %arg6[%swap3A_1337] {strides = array<i32>} : memref<3328xi32, #tpu.memory_space<vmem>>, vector<16xi32>,
    %swap3A_1339 = vector.shape_cast %swap3A_1338 : vector<16xi32> to vector<16xi32>
    %swap3A_1340 = vector.shape_cast %add3A_1336 : vector<16xi32> to vector<16xi32>
    tpu.vector_store %arg6[%swap3A_1337], %swap3A_1340 {strides = array<i32>} : memref<3328xi32, #tpu.memory_space<vmem>>, vector<16xi32>,
    %get3A_1341 = arith.constant 1264 : index
    %get3A_1342 = tpu.vector_load %arg5[%get3A_1341] {strides = array<i32>} : memref<3328xi32, #tpu.memory_space<vmem>>, vector<16xi32>,
    %get3A_1343 = vector.shape_cast %get3A_1342 : vector<16xi32> to vector<16xi32>
    %shift_right_arithmetic3A_1344 = arith.constant 15 : i32
    %shift_right_arithmetic3A_1345 = vector.broadcast %shift_right_arithmetic3A_1344 : i32 to vector<16xi32>
    %shift_right_arithmetic3A_1346 = arith.shrsi %get3A_1343, %shift_right_arithmetic3A_1345 : vector<16xi32>
    %shift_left3A_1347 = arith.constant 13 : i32
    %shift_left3A_1348 = vector.broadcast %shift_left3A_1347 : i32 to vector<16xi32>
    %shift_left3A_1349 = arith.shli %shift_right_arithmetic3A_1346, %shift_left3A_1348 : vector<16xi32>
    %and3A_1350 = arith.constant 8191 : i32
    %and3A_1351 = vector.broadcast %and3A_1350 : i32 to vector<16xi32>
    %and3A_1352 = arith.andi %get3A_1343, %and3A_1351 : vector<16xi32>
    %add3A_1353 = arith.addi %shift_left3A_1349, %and3A_1352 : vector<16xi32>
    %swap3A_1354 = arith.constant 1264 : index
    %swap3A_1355 = tpu.vector_load %arg6[%swap3A_1354] {strides = array<i32>} : memref<3328xi32, #tpu.memory_space<vmem>>, vector<16xi32>,
    %swap3A_1356 = vector.shape_cast %swap3A_1355 : vector<16xi32> to vector<16xi32>
    %swap3A_1357 = vector.shape_cast %add3A_1353 : vector<16xi32> to vector<16xi32>
    tpu.vector_store %arg6[%swap3A_1354], %swap3A_1357 {strides = array<i32>} : memref<3328xi32, #tpu.memory_space<vmem>>, vector<16xi32>,
    %get3A_1358 = arith.constant 1280 : index
    %get3A_1359 = tpu.vector_load %arg5[%get3A_1358] {strides = array<i32>} : memref<3328xi32, #tpu.memory_space<vmem>>, vector<16xi32>,
    %get3A_1360 = vector.shape_cast %get3A_1359 : vector<16xi32> to vector<16xi32>
    %shift_right_arithmetic3A_1361 = arith.constant 15 : i32
    %shift_right_arithmetic3A_1362 = vector.broadcast %shift_right_arithmetic3A_1361 : i32 to vector<16xi32>
    %shift_right_arithmetic3A_1363 = arith.shrsi %get3A_1360, %shift_right_arithmetic3A_1362 : vector<16xi32>
    %shift_left3A_1364 = arith.constant 13 : i32
    %shift_left3A_1365 = vector.broadcast %shift_left3A_1364 : i32 to vector<16xi32>
    %shift_left3A_1366 = arith.shli %shift_right_arithmetic3A_1363, %shift_left3A_1365 : vector<16xi32>
    %and3A_1367 = arith.constant 8191 : i32
    %and3A_1368 = vector.broadcast %and3A_1367 : i32 to vector<16xi32>
    %and3A_1369 = arith.andi %get3A_1360, %and3A_1368 : vector<16xi32>
    %add3A_1370 = arith.addi %shift_left3A_1366, %and3A_1369 : vector<16xi32>
    %swap3A_1371 = arith.constant 1280 : index
    %swap3A_1372 = tpu.vector_load %arg6[%swap3A_1371] {strides = array<i32>} : memref<3328xi32, #tpu.memory_space<vmem>>, vector<16xi32>,
    %swap3A_1373 = vector.shape_cast %swap3A_1372 : vector<16xi32> to vector<16xi32>
    %swap3A_1374 = vector.shape_cast %add3A_1370 : vector<16xi32> to vector<16xi32>
    tpu.vector_store %arg6[%swap3A_1371], %swap3A_1374 {strides = array<i32>} : memref<3328xi32, #tpu.memory_space<vmem>>, vector<16xi32>,
    %get3A_1375 = arith.constant 1296 : index
    %get3A_1376 = tpu.vector_load %arg5[%get3A_1375] {strides = array<i32>} : memref<3328xi32, #tpu.memory_space<vmem>>, vector<16xi32>,
    %get3A_1377 = vector.shape_cast %get3A_1376 : vector<16xi32> to vector<16xi32>
    %shift_right_arithmetic3A_1378 = arith.constant 15 : i32
    %shift_right_arithmetic3A_1379 = vector.broadcast %shift_right_arithmetic3A_1378 : i32 to vector<16xi32>
    %shift_right_arithmetic3A_1380 = arith.shrsi %get3A_1377, %shift_right_arithmetic3A_1379 : vector<16xi32>
    %shift_left3A_1381 = arith.constant 13 : i32
    %shift_left3A_1382 = vector.broadcast %shift_left3A_1381 : i32 to vector<16xi32>
    %shift_left3A_1383 = arith.shli %shift_right_arithmetic3A_1380, %shift_left3A_1382 : vector<16xi32>
    %and3A_1384 = arith.constant 8191 : i32
    %and3A_1385 = vector.broadcast %and3A_1384 : i32 to vector<16xi32>
    %and3A_1386 = arith.andi %get3A_1377, %and3A_1385 : vector<16xi32>
    %add3A_1387 = arith.addi %shift_left3A_1383, %and3A_1386 : vector<16xi32>
    %swap3A_1388 = arith.constant 1296 : index
    %swap3A_1389 = tpu.vector_load %arg6[%swap3A_1388] {strides = array<i32>} : memref<3328xi32, #tpu.memory_space<vmem>>, vector<16xi32>,
    %swap3A_1390 = vector.shape_cast %swap3A_1389 : vector<16xi32> to vector<16xi32>
    %swap3A_1391 = vector.shape_cast %add3A_1387 : vector<16xi32> to vector<16xi32>
    tpu.vector_store %arg6[%swap3A_1388], %swap3A_1391 {strides = array<i32>} : memref<3328xi32, #tpu.memory_space<vmem>>, vector<16xi32>,
    %get3A_1392 = arith.constant 1312 : index
    %get3A_1393 = tpu.vector_load %arg5[%get3A_1392] {strides = array<i32>} : memref<3328xi32, #tpu.memory_space<vmem>>, vector<16xi32>,
    %get3A_1394 = vector.shape_cast %get3A_1393 : vector<16xi32> to vector<16xi32>
    %shift_right_arithmetic3A_1395 = arith.constant 15 : i32
    %shift_right_arithmetic3A_1396 = vector.broadcast %shift_right_arithmetic3A_1395 : i32 to vector<16xi32>
    %shift_right_arithmetic3A_1397 = arith.shrsi %get3A_1394, %shift_right_arithmetic3A_1396 : vector<16xi32>
    %shift_left3A_1398 = arith.constant 13 : i32
    %shift_left3A_1399 = vector.broadcast %shift_left3A_1398 : i32 to vector<16xi32>
    %shift_left3A_1400 = arith.shli %shift_right_arithmetic3A_1397, %shift_left3A_1399 : vector<16xi32>
    %and3A_1401 = arith.constant 8191 : i32
    %and3A_1402 = vector.broadcast %and3A_1401 : i32 to vector<16xi32>
    %and3A_1403 = arith.andi %get3A_1394, %and3A_1402 : vector<16xi32>
    %add3A_1404 = arith.addi %shift_left3A_1400, %and3A_1403 : vector<16xi32>
    %swap3A_1405 = arith.constant 1312 : index
    %swap3A_1406 = tpu.vector_load %arg6[%swap3A_1405] {strides = array<i32>} : memref<3328xi32, #tpu.memory_space<vmem>>, vector<16xi32>,
    %swap3A_1407 = vector.shape_cast %swap3A_1406 : vector<16xi32> to vector<16xi32>
    %swap3A_1408 = vector.shape_cast %add3A_1404 : vector<16xi32> to vector<16xi32>
    tpu.vector_store %arg6[%swap3A_1405], %swap3A_1408 {strides = array<i32>} : memref<3328xi32, #tpu.memory_space<vmem>>, vector<16xi32>,
    %get3A_1409 = arith.constant 1328 : index
    %get3A_1410 = tpu.vector_load %arg5[%get3A_1409] {strides = array<i32>} : memref<3328xi32, #tpu.memory_space<vmem>>, vector<16xi32>,
    %get3A_1411 = vector.shape_cast %get3A_1410 : vector<16xi32> to vector<16xi32>
    %shift_right_arithmetic3A_1412 = arith.constant 15 : i32
    %shift_right_arithmetic3A_1413 = vector.broadcast %shift_right_arithmetic3A_1412 : i32 to vector<16xi32>
    %shift_right_arithmetic3A_1414 = arith.shrsi %get3A_1411, %shift_right_arithmetic3A_1413 : vector<16xi32>
    %shift_left3A_1415 = arith.constant 13 : i32
    %shift_left3A_1416 = vector.broadcast %shift_left3A_1415 : i32 to vector<16xi32>
    %shift_left3A_1417 = arith.shli %shift_right_arithmetic3A_1414, %shift_left3A_1416 : vector<16xi32>
    %and3A_1418 = arith.constant 8191 : i32
    %and3A_1419 = vector.broadcast %and3A_1418 : i32 to vector<16xi32>
    %and3A_1420 = arith.andi %get3A_1411, %and3A_1419 : vector<16xi32>
    %add3A_1421 = arith.addi %shift_left3A_1417, %and3A_1420 : vector<16xi32>
    %swap3A_1422 = arith.constant 1328 : index
    %swap3A_1423 = tpu.vector_load %arg6[%swap3A_1422] {strides = array<i32>} : memref<3328xi32, #tpu.memory_space<vmem>>, vector<16xi32>,
    %swap3A_1424 = vector.shape_cast %swap3A_1423 : vector<16xi32> to vector<16xi32>
    %swap3A_1425 = vector.shape_cast %add3A_1421 : vector<16xi32> to vector<16xi32>
    tpu.vector_store %arg6[%swap3A_1422], %swap3A_1425 {strides = array<i32>} : memref<3328xi32, #tpu.memory_space<vmem>>, vector<16xi32>,
    %get3A_1426 = arith.constant 1344 : index
    %get3A_1427 = tpu.vector_load %arg5[%get3A_1426] {strides = array<i32>} : memref<3328xi32, #tpu.memory_space<vmem>>, vector<16xi32>,
    %get3A_1428 = vector.shape_cast %get3A_1427 : vector<16xi32> to vector<16xi32>
    %shift_right_arithmetic3A_1429 = arith.constant 15 : i32
    %shift_right_arithmetic3A_1430 = vector.broadcast %shift_right_arithmetic3A_1429 : i32 to vector<16xi32>
    %shift_right_arithmetic3A_1431 = arith.shrsi %get3A_1428, %shift_right_arithmetic3A_1430 : vector<16xi32>
    %shift_left3A_1432 = arith.constant 13 : i32
    %shift_left3A_1433 = vector.broadcast %shift_left3A_1432 : i32 to vector<16xi32>
    %shift_left3A_1434 = arith.shli %shift_right_arithmetic3A_1431, %shift_left3A_1433 : vector<16xi32>
    %and3A_1435 = arith.constant 8191 : i32
    %and3A_1436 = vector.broadcast %and3A_1435 : i32 to vector<16xi32>
    %and3A_1437 = arith.andi %get3A_1428, %and3A_1436 : vector<16xi32>
    %add3A_1438 = arith.addi %shift_left3A_1434, %and3A_1437 : vector<16xi32>
    %swap3A_1439 = arith.constant 1344 : index
    %swap3A_1440 = tpu.vector_load %arg6[%swap3A_1439] {strides = array<i32>} : memref<3328xi32, #tpu.memory_space<vmem>>, vector<16xi32>,
    %swap3A_1441 = vector.shape_cast %swap3A_1440 : vector<16xi32> to vector<16xi32>
    %swap3A_1442 = vector.shape_cast %add3A_1438 : vector<16xi32> to vector<16xi32>
    tpu.vector_store %arg6[%swap3A_1439], %swap3A_1442 {strides = array<i32>} : memref<3328xi32, #tpu.memory_space<vmem>>, vector<16xi32>,
    %get3A_1443 = arith.constant 1360 : index
    %get3A_1444 = tpu.vector_load %arg5[%get3A_1443] {strides = array<i32>} : memref<3328xi32, #tpu.memory_space<vmem>>, vector<16xi32>,
    %get3A_1445 = vector.shape_cast %get3A_1444 : vector<16xi32> to vector<16xi32>
    %shift_right_arithmetic3A_1446 = arith.constant 15 : i32
    %shift_right_arithmetic3A_1447 = vector.broadcast %shift_right_arithmetic3A_1446 : i32 to vector<16xi32>
    %shift_right_arithmetic3A_1448 = arith.shrsi %get3A_1445, %shift_right_arithmetic3A_1447 : vector<16xi32>
    %shift_left3A_1449 = arith.constant 13 : i32
    %shift_left3A_1450 = vector.broadcast %shift_left3A_1449 : i32 to vector<16xi32>
    %shift_left3A_1451 = arith.shli %shift_right_arithmetic3A_1448, %shift_left3A_1450 : vector<16xi32>
    %and3A_1452 = arith.constant 8191 : i32
    %and3A_1453 = vector.broadcast %and3A_1452 : i32 to vector<16xi32>
    %and3A_1454 = arith.andi %get3A_1445, %and3A_1453 : vector<16xi32>
    %add3A_1455 = arith.addi %shift_left3A_1451, %and3A_1454 : vector<16xi32>
    %swap3A_1456 = arith.constant 1360 : index
    %swap3A_1457 = tpu.vector_load %arg6[%swap3A_1456] {strides = array<i32>} : memref<3328xi32, #tpu.memory_space<vmem>>, vector<16xi32>,
    %swap3A_1458 = vector.shape_cast %swap3A_1457 : vector<16xi32> to vector<16xi32>
    %swap3A_1459 = vector.shape_cast %add3A_1455 : vector<16xi32> to vector<16xi32>
    tpu.vector_store %arg6[%swap3A_1456], %swap3A_1459 {strides = array<i32>} : memref<3328xi32, #tpu.memory_space<vmem>>, vector<16xi32>,
    %get3A_1460 = arith.constant 1376 : index
    %get3A_1461 = tpu.vector_load %arg5[%get3A_1460] {strides = array<i32>} : memref<3328xi32, #tpu.memory_space<vmem>>, vector<16xi32>,
    %get3A_1462 = vector.shape_cast %get3A_1461 : vector<16xi32> to vector<16xi32>
    %shift_right_arithmetic3A_1463 = arith.constant 15 : i32
    %shift_right_arithmetic3A_1464 = vector.broadcast %shift_right_arithmetic3A_1463 : i32 to vector<16xi32>
    %shift_right_arithmetic3A_1465 = arith.shrsi %get3A_1462, %shift_right_arithmetic3A_1464 : vector<16xi32>
    %shift_left3A_1466 = arith.constant 13 : i32
    %shift_left3A_1467 = vector.broadcast %shift_left3A_1466 : i32 to vector<16xi32>
    %shift_left3A_1468 = arith.shli %shift_right_arithmetic3A_1465, %shift_left3A_1467 : vector<16xi32>
    %and3A_1469 = arith.constant 8191 : i32
    %and3A_1470 = vector.broadcast %and3A_1469 : i32 to vector<16xi32>
    %and3A_1471 = arith.andi %get3A_1462, %and3A_1470 : vector<16xi32>
    %add3A_1472 = arith.addi %shift_left3A_1468, %and3A_1471 : vector<16xi32>
    %swap3A_1473 = arith.constant 1376 : index
    %swap3A_1474 = tpu.vector_load %arg6[%swap3A_1473] {strides = array<i32>} : memref<3328xi32, #tpu.memory_space<vmem>>, vector<16xi32>,
    %swap3A_1475 = vector.shape_cast %swap3A_1474 : vector<16xi32> to vector<16xi32>
    %swap3A_1476 = vector.shape_cast %add3A_1472 : vector<16xi32> to vector<16xi32>
    tpu.vector_store %arg6[%swap3A_1473], %swap3A_1476 {strides = array<i32>} : memref<3328xi32, #tpu.memory_space<vmem>>, vector<16xi32>,
    %get3A_1477 = arith.constant 1392 : index
    %get3A_1478 = tpu.vector_load %arg5[%get3A_1477] {strides = array<i32>} : memref<3328xi32, #tpu.memory_space<vmem>>, vector<16xi32>,
    %get3A_1479 = vector.shape_cast %get3A_1478 : vector<16xi32> to vector<16xi32>
    %shift_right_arithmetic3A_1480 = arith.constant 15 : i32
    %shift_right_arithmetic3A_1481 = vector.broadcast %shift_right_arithmetic3A_1480 : i32 to vector<16xi32>
    %shift_right_arithmetic3A_1482 = arith.shrsi %get3A_1479, %shift_right_arithmetic3A_1481 : vector<16xi32>
    %shift_left3A_1483 = arith.constant 13 : i32
    %shift_left3A_1484 = vector.broadcast %shift_left3A_1483 : i32 to vector<16xi32>
    %shift_left3A_1485 = arith.shli %shift_right_arithmetic3A_1482, %shift_left3A_1484 : vector<16xi32>
    %and3A_1486 = arith.constant 8191 : i32
    %and3A_1487 = vector.broadcast %and3A_1486 : i32 to vector<16xi32>
    %and3A_1488 = arith.andi %get3A_1479, %and3A_1487 : vector<16xi32>
    %add3A_1489 = arith.addi %shift_left3A_1485, %and3A_1488 : vector<16xi32>
    %swap3A_1490 = arith.constant 1392 : index
    %swap3A_1491 = tpu.vector_load %arg6[%swap3A_1490] {strides = array<i32>} : memref<3328xi32, #tpu.memory_space<vmem>>, vector<16xi32>,
    %swap3A_1492 = vector.shape_cast %swap3A_1491 : vector<16xi32> to vector<16xi32>
    %swap3A_1493 = vector.shape_cast %add3A_1489 : vector<16xi32> to vector<16xi32>
    tpu.vector_store %arg6[%swap3A_1490], %swap3A_1493 {strides = array<i32>} : memref<3328xi32, #tpu.memory_space<vmem>>, vector<16xi32>,
    %get3A_1494 = arith.constant 1408 : index
    %get3A_1495 = tpu.vector_load %arg5[%get3A_1494] {strides = array<i32>} : memref<3328xi32, #tpu.memory_space<vmem>>, vector<16xi32>,
    %get3A_1496 = vector.shape_cast %get3A_1495 : vector<16xi32> to vector<16xi32>
    %shift_right_arithmetic3A_1497 = arith.constant 15 : i32
    %shift_right_arithmetic3A_1498 = vector.broadcast %shift_right_arithmetic3A_1497 : i32 to vector<16xi32>
    %shift_right_arithmetic3A_1499 = arith.shrsi %get3A_1496, %shift_right_arithmetic3A_1498 : vector<16xi32>
    %shift_left3A_1500 = arith.constant 13 : i32
    %shift_left3A_1501 = vector.broadcast %shift_left3A_1500 : i32 to vector<16xi32>
    %shift_left3A_1502 = arith.shli %shift_right_arithmetic3A_1499, %shift_left3A_1501 : vector<16xi32>
    %and3A_1503 = arith.constant 8191 : i32
    %and3A_1504 = vector.broadcast %and3A_1503 : i32 to vector<16xi32>
    %and3A_1505 = arith.andi %get3A_1496, %and3A_1504 : vector<16xi32>
    %add3A_1506 = arith.addi %shift_left3A_1502, %and3A_1505 : vector<16xi32>
    %swap3A_1507 = arith.constant 1408 : index
    %swap3A_1508 = tpu.vector_load %arg6[%swap3A_1507] {strides = array<i32>} : memref<3328xi32, #tpu.memory_space<vmem>>, vector<16xi32>,
    %swap3A_1509 = vector.shape_cast %swap3A_1508 : vector<16xi32> to vector<16xi32>
    %swap3A_1510 = vector.shape_cast %add3A_1506 : vector<16xi32> to vector<16xi32>
    tpu.vector_store %arg6[%swap3A_1507], %swap3A_1510 {strides = array<i32>} : memref<3328xi32, #tpu.memory_space<vmem>>, vector<16xi32>,
    %get3A_1511 = arith.constant 1424 : index
    %get3A_1512 = tpu.vector_load %arg5[%get3A_1511] {strides = array<i32>} : memref<3328xi32, #tpu.memory_space<vmem>>, vector<16xi32>,
    %get3A_1513 = vector.shape_cast %get3A_1512 : vector<16xi32> to vector<16xi32>
    %shift_right_arithmetic3A_1514 = arith.constant 15 : i32
    %shift_right_arithmetic3A_1515 = vector.broadcast %shift_right_arithmetic3A_1514 : i32 to vector<16xi32>
    %shift_right_arithmetic3A_1516 = arith.shrsi %get3A_1513, %shift_right_arithmetic3A_1515 : vector<16xi32>
    %shift_left3A_1517 = arith.constant 13 : i32
    %shift_left3A_1518 = vector.broadcast %shift_left3A_1517 : i32 to vector<16xi32>
    %shift_left3A_1519 = arith.shli %shift_right_arithmetic3A_1516, %shift_left3A_1518 : vector<16xi32>
    %and3A_1520 = arith.constant 8191 : i32
    %and3A_1521 = vector.broadcast %and3A_1520 : i32 to vector<16xi32>
    %and3A_1522 = arith.andi %get3A_1513, %and3A_1521 : vector<16xi32>
    %add3A_1523 = arith.addi %shift_left3A_1519, %and3A_1522 : vector<16xi32>
    %swap3A_1524 = arith.constant 1424 : index
    %swap3A_1525 = tpu.vector_load %arg6[%swap3A_1524] {strides = array<i32>} : memref<3328xi32, #tpu.memory_space<vmem>>, vector<16xi32>,
    %swap3A_1526 = vector.shape_cast %swap3A_1525 : vector<16xi32> to vector<16xi32>
    %swap3A_1527 = vector.shape_cast %add3A_1523 : vector<16xi32> to vector<16xi32>
    tpu.vector_store %arg6[%swap3A_1524], %swap3A_1527 {strides = array<i32>} : memref<3328xi32, #tpu.memory_space<vmem>>, vector<16xi32>,
    %get3A_1528 = arith.constant 1440 : index
    %get3A_1529 = tpu.vector_load %arg5[%get3A_1528] {strides = array<i32>} : memref<3328xi32, #tpu.memory_space<vmem>>, vector<16xi32>,
    %get3A_1530 = vector.shape_cast %get3A_1529 : vector<16xi32> to vector<16xi32>
    %shift_right_arithmetic3A_1531 = arith.constant 15 : i32
    %shift_right_arithmetic3A_1532 = vector.broadcast %shift_right_arithmetic3A_1531 : i32 to vector<16xi32>
    %shift_right_arithmetic3A_1533 = arith.shrsi %get3A_1530, %shift_right_arithmetic3A_1532 : vector<16xi32>
    %shift_left3A_1534 = arith.constant 13 : i32
    %shift_left3A_1535 = vector.broadcast %shift_left3A_1534 : i32 to vector<16xi32>
    %shift_left3A_1536 = arith.shli %shift_right_arithmetic3A_1533, %shift_left3A_1535 : vector<16xi32>
    %and3A_1537 = arith.constant 8191 : i32
    %and3A_1538 = vector.broadcast %and3A_1537 : i32 to vector<16xi32>
    %and3A_1539 = arith.andi %get3A_1530, %and3A_1538 : vector<16xi32>
    %add3A_1540 = arith.addi %shift_left3A_1536, %and3A_1539 : vector<16xi32>
    %swap3A_1541 = arith.constant 1440 : index
    %swap3A_1542 = tpu.vector_load %arg6[%swap3A_1541] {strides = array<i32>} : memref<3328xi32, #tpu.memory_space<vmem>>, vector<16xi32>,
    %swap3A_1543 = vector.shape_cast %swap3A_1542 : vector<16xi32> to vector<16xi32>
    %swap3A_1544 = vector.shape_cast %add3A_1540 : vector<16xi32> to vector<16xi32>
    tpu.vector_store %arg6[%swap3A_1541], %swap3A_1544 {strides = array<i32>} : memref<3328xi32, #tpu.memory_space<vmem>>, vector<16xi32>,
    %get3A_1545 = arith.constant 1456 : index
    %get3A_1546 = tpu.vector_load %arg5[%get3A_1545] {strides = array<i32>} : memref<3328xi32, #tpu.memory_space<vmem>>, vector<16xi32>,
    %get3A_1547 = vector.shape_cast %get3A_1546 : vector<16xi32> to vector<16xi32>
    %shift_right_arithmetic3A_1548 = arith.constant 15 : i32
    %shift_right_arithmetic3A_1549 = vector.broadcast %shift_right_arithmetic3A_1548 : i32 to vector<16xi32>
    %shift_right_arithmetic3A_1550 = arith.shrsi %get3A_1547, %shift_right_arithmetic3A_1549 : vector<16xi32>
    %shift_left3A_1551 = arith.constant 13 : i32
    %shift_left3A_1552 = vector.broadcast %shift_left3A_1551 : i32 to vector<16xi32>
    %shift_left3A_1553 = arith.shli %shift_right_arithmetic3A_1550, %shift_left3A_1552 : vector<16xi32>
    %and3A_1554 = arith.constant 8191 : i32
    %and3A_1555 = vector.broadcast %and3A_1554 : i32 to vector<16xi32>
    %and3A_1556 = arith.andi %get3A_1547, %and3A_1555 : vector<16xi32>
    %add3A_1557 = arith.addi %shift_left3A_1553, %and3A_1556 : vector<16xi32>
    %swap3A_1558 = arith.constant 1456 : index
    %swap3A_1559 = tpu.vector_load %arg6[%swap3A_1558] {strides = array<i32>} : memref<3328xi32, #tpu.memory_space<vmem>>, vector<16xi32>,
    %swap3A_1560 = vector.shape_cast %swap3A_1559 : vector<16xi32> to vector<16xi32>
    %swap3A_1561 = vector.shape_cast %add3A_1557 : vector<16xi32> to vector<16xi32>
    tpu.vector_store %arg6[%swap3A_1558], %swap3A_1561 {strides = array<i32>} : memref<3328xi32, #tpu.memory_space<vmem>>, vector<16xi32>,
    %get3A_1562 = arith.constant 1472 : index
    %get3A_1563 = tpu.vector_load %arg5[%get3A_1562] {strides = array<i32>} : memref<3328xi32, #tpu.memory_space<vmem>>, vector<16xi32>,
    %get3A_1564 = vector.shape_cast %get3A_1563 : vector<16xi32> to vector<16xi32>
    %shift_right_arithmetic3A_1565 = arith.constant 15 : i32
    %shift_right_arithmetic3A_1566 = vector.broadcast %shift_right_arithmetic3A_1565 : i32 to vector<16xi32>
    %shift_right_arithmetic3A_1567 = arith.shrsi %get3A_1564, %shift_right_arithmetic3A_1566 : vector<16xi32>
    %shift_left3A_1568 = arith.constant 13 : i32
    %shift_left3A_1569 = vector.broadcast %shift_left3A_1568 : i32 to vector<16xi32>
    %shift_left3A_1570 = arith.shli %shift_right_arithmetic3A_1567, %shift_left3A_1569 : vector<16xi32>
    %and3A_1571 = arith.constant 8191 : i32
    %and3A_1572 = vector.broadcast %and3A_1571 : i32 to vector<16xi32>
    %and3A_1573 = arith.andi %get3A_1564, %and3A_1572 : vector<16xi32>
    %add3A_1574 = arith.addi %shift_left3A_1570, %and3A_1573 : vector<16xi32>
    %swap3A_1575 = arith.constant 1472 : index
    %swap3A_1576 = tpu.vector_load %arg6[%swap3A_1575] {strides = array<i32>} : memref<3328xi32, #tpu.memory_space<vmem>>, vector<16xi32>,
    %swap3A_1577 = vector.shape_cast %swap3A_1576 : vector<16xi32> to vector<16xi32>
    %swap3A_1578 = vector.shape_cast %add3A_1574 : vector<16xi32> to vector<16xi32>
    tpu.vector_store %arg6[%swap3A_1575], %swap3A_1578 {strides = array<i32>} : memref<3328xi32, #tpu.memory_space<vmem>>, vector<16xi32>,
    %get3A_1579 = arith.constant 1488 : index
    %get3A_1580 = tpu.vector_load %arg5[%get3A_1579] {strides = array<i32>} : memref<3328xi32, #tpu.memory_space<vmem>>, vector<16xi32>,
    %get3A_1581 = vector.shape_cast %get3A_1580 : vector<16xi32> to vector<16xi32>
    %shift_right_arithmetic3A_1582 = arith.constant 15 : i32
    %shift_right_arithmetic3A_1583 = vector.broadcast %shift_right_arithmetic3A_1582 : i32 to vector<16xi32>
    %shift_right_arithmetic3A_1584 = arith.shrsi %get3A_1581, %shift_right_arithmetic3A_1583 : vector<16xi32>
    %shift_left3A_1585 = arith.constant 13 : i32
    %shift_left3A_1586 = vector.broadcast %shift_left3A_1585 : i32 to vector<16xi32>
    %shift_left3A_1587 = arith.shli %shift_right_arithmetic3A_1584, %shift_left3A_1586 : vector<16xi32>
    %and3A_1588 = arith.constant 8191 : i32
    %and3A_1589 = vector.broadcast %and3A_1588 : i32 to vector<16xi32>
    %and3A_1590 = arith.andi %get3A_1581, %and3A_1589 : vector<16xi32>
    %add3A_1591 = arith.addi %shift_left3A_1587, %and3A_1590 : vector<16xi32>
    %swap3A_1592 = arith.constant 1488 : index
    %swap3A_1593 = tpu.vector_load %arg6[%swap3A_1592] {strides = array<i32>} : memref<3328xi32, #tpu.memory_space<vmem>>, vector<16xi32>,
    %swap3A_1594 = vector.shape_cast %swap3A_1593 : vector<16xi32> to vector<16xi32>
    %swap3A_1595 = vector.shape_cast %add3A_1591 : vector<16xi32> to vector<16xi32>
    tpu.vector_store %arg6[%swap3A_1592], %swap3A_1595 {strides = array<i32>} : memref<3328xi32, #tpu.memory_space<vmem>>, vector<16xi32>,
    %get3A_1596 = arith.constant 1504 : index
    %get3A_1597 = tpu.vector_load %arg5[%get3A_1596] {strides = array<i32>} : memref<3328xi32, #tpu.memory_space<vmem>>, vector<16xi32>,
    %get3A_1598 = vector.shape_cast %get3A_1597 : vector<16xi32> to vector<16xi32>
    %shift_right_arithmetic3A_1599 = arith.constant 15 : i32
    %shift_right_arithmetic3A_1600 = vector.broadcast %shift_right_arithmetic3A_1599 : i32 to vector<16xi32>
    %shift_right_arithmetic3A_1601 = arith.shrsi %get3A_1598, %shift_right_arithmetic3A_1600 : vector<16xi32>
    %shift_left3A_1602 = arith.constant 13 : i32
    %shift_left3A_1603 = vector.broadcast %shift_left3A_1602 : i32 to vector<16xi32>
    %shift_left3A_1604 = arith.shli %shift_right_arithmetic3A_1601, %shift_left3A_1603 : vector<16xi32>
    %and3A_1605 = arith.constant 8191 : i32
    %and3A_1606 = vector.broadcast %and3A_1605 : i32 to vector<16xi32>
    %and3A_1607 = arith.andi %get3A_1598, %and3A_1606 : vector<16xi32>
    %add3A_1608 = arith.addi %shift_left3A_1604, %and3A_1607 : vector<16xi32>
    %swap3A_1609 = arith.constant 1504 : index
    %swap3A_1610 = tpu.vector_load %arg6[%swap3A_1609] {strides = array<i32>} : memref<3328xi32, #tpu.memory_space<vmem>>, vector<16xi32>,
    %swap3A_1611 = vector.shape_cast %swap3A_1610 : vector<16xi32> to vector<16xi32>
    %swap3A_1612 = vector.shape_cast %add3A_1608 : vector<16xi32> to vector<16xi32>
    tpu.vector_store %arg6[%swap3A_1609], %swap3A_1612 {strides = array<i32>} : memref<3328xi32, #tpu.memory_space<vmem>>, vector<16xi32>,
    %get3A_1613 = arith.constant 1520 : index
    %get3A_1614 = tpu.vector_load %arg5[%get3A_1613] {strides = array<i32>} : memref<3328xi32, #tpu.memory_space<vmem>>, vector<16xi32>,
    %get3A_1615 = vector.shape_cast %get3A_1614 : vector<16xi32> to vector<16xi32>
    %shift_right_arithmetic3A_1616 = arith.constant 15 : i32
    %shift_right_arithmetic3A_1617 = vector.broadcast %shift_right_arithmetic3A_1616 : i32 to vector<16xi32>
    %shift_right_arithmetic3A_1618 = arith.shrsi %get3A_1615, %shift_right_arithmetic3A_1617 : vector<16xi32>
    %shift_left3A_1619 = arith.constant 13 : i32
    %shift_left3A_1620 = vector.broadcast %shift_left3A_1619 : i32 to vector<16xi32>
    %shift_left3A_1621 = arith.shli %shift_right_arithmetic3A_1618, %shift_left3A_1620 : vector<16xi32>
    %and3A_1622 = arith.constant 8191 : i32
    %and3A_1623 = vector.broadcast %and3A_1622 : i32 to vector<16xi32>
    %and3A_1624 = arith.andi %get3A_1615, %and3A_1623 : vector<16xi32>
    %add3A_1625 = arith.addi %shift_left3A_1621, %and3A_1624 : vector<16xi32>
    %swap3A_1626 = arith.constant 1520 : index
    %swap3A_1627 = tpu.vector_load %arg6[%swap3A_1626] {strides = array<i32>} : memref<3328xi32, #tpu.memory_space<vmem>>, vector<16xi32>,
    %swap3A_1628 = vector.shape_cast %swap3A_1627 : vector<16xi32> to vector<16xi32>
    %swap3A_1629 = vector.shape_cast %add3A_1625 : vector<16xi32> to vector<16xi32>
    tpu.vector_store %arg6[%swap3A_1626], %swap3A_1629 {strides = array<i32>} : memref<3328xi32, #tpu.memory_space<vmem>>, vector<16xi32>,
    %get3A_1630 = arith.constant 1536 : index
    %get3A_1631 = tpu.vector_load %arg5[%get3A_1630] {strides = array<i32>} : memref<3328xi32, #tpu.memory_space<vmem>>, vector<16xi32>,
    %get3A_1632 = vector.shape_cast %get3A_1631 : vector<16xi32> to vector<16xi32>
    %shift_right_arithmetic3A_1633 = arith.constant 15 : i32
    %shift_right_arithmetic3A_1634 = vector.broadcast %shift_right_arithmetic3A_1633 : i32 to vector<16xi32>
    %shift_right_arithmetic3A_1635 = arith.shrsi %get3A_1632, %shift_right_arithmetic3A_1634 : vector<16xi32>
    %shift_left3A_1636 = arith.constant 13 : i32
    %shift_left3A_1637 = vector.broadcast %shift_left3A_1636 : i32 to vector<16xi32>
    %shift_left3A_1638 = arith.shli %shift_right_arithmetic3A_1635, %shift_left3A_1637 : vector<16xi32>
    %and3A_1639 = arith.constant 8191 : i32
    %and3A_1640 = vector.broadcast %and3A_1639 : i32 to vector<16xi32>
    %and3A_1641 = arith.andi %get3A_1632, %and3A_1640 : vector<16xi32>
    %add3A_1642 = arith.addi %shift_left3A_1638, %and3A_1641 : vector<16xi32>
    %swap3A_1643 = arith.constant 1536 : index
    %swap3A_1644 = tpu.vector_load %arg6[%swap3A_1643] {strides = array<i32>} : memref<3328xi32, #tpu.memory_space<vmem>>, vector<16xi32>,
    %swap3A_1645 = vector.shape_cast %swap3A_1644 : vector<16xi32> to vector<16xi32>
    %swap3A_1646 = vector.shape_cast %add3A_1642 : vector<16xi32> to vector<16xi32>
    tpu.vector_store %arg6[%swap3A_1643], %swap3A_1646 {strides = array<i32>} : memref<3328xi32, #tpu.memory_space<vmem>>, vector<16xi32>,
    %get3A_1647 = arith.constant 1552 : index
    %get3A_1648 = tpu.vector_load %arg5[%get3A_1647] {strides = array<i32>} : memref<3328xi32, #tpu.memory_space<vmem>>, vector<16xi32>,
    %get3A_1649 = vector.shape_cast %get3A_1648 : vector<16xi32> to vector<16xi32>
    %shift_right_arithmetic3A_1650 = arith.constant 15 : i32
    %shift_right_arithmetic3A_1651 = vector.broadcast %shift_right_arithmetic3A_1650 : i32 to vector<16xi32>
    %shift_right_arithmetic3A_1652 = arith.shrsi %get3A_1649, %shift_right_arithmetic3A_1651 : vector<16xi32>
    %shift_left3A_1653 = arith.constant 13 : i32
    %shift_left3A_1654 = vector.broadcast %shift_left3A_1653 : i32 to vector<16xi32>
    %shift_left3A_1655 = arith.shli %shift_right_arithmetic3A_1652, %shift_left3A_1654 : vector<16xi32>
    %and3A_1656 = arith.constant 8191 : i32
    %and3A_1657 = vector.broadcast %and3A_1656 : i32 to vector<16xi32>
    %and3A_1658 = arith.andi %get3A_1649, %and3A_1657 : vector<16xi32>
    %add3A_1659 = arith.addi %shift_left3A_1655, %and3A_1658 : vector<16xi32>
    %swap3A_1660 = arith.constant 1552 : index
    %swap3A_1661 = tpu.vector_load %arg6[%swap3A_1660] {strides = array<i32>} : memref<3328xi32, #tpu.memory_space<vmem>>, vector<16xi32>,
    %swap3A_1662 = vector.shape_cast %swap3A_1661 : vector<16xi32> to vector<16xi32>
    %swap3A_1663 = vector.shape_cast %add3A_1659 : vector<16xi32> to vector<16xi32>
    tpu.vector_store %arg6[%swap3A_1660], %swap3A_1663 {strides = array<i32>} : memref<3328xi32, #tpu.memory_space<vmem>>, vector<16xi32>,
    %get3A_1664 = arith.constant 1568 : index
    %get3A_1665 = tpu.vector_load %arg5[%get3A_1664] {strides = array<i32>} : memref<3328xi32, #tpu.memory_space<vmem>>, vector<16xi32>,
    %get3A_1666 = vector.shape_cast %get3A_1665 : vector<16xi32> to vector<16xi32>
    %shift_right_arithmetic3A_1667 = arith.constant 15 : i32
    %shift_right_arithmetic3A_1668 = vector.broadcast %shift_right_arithmetic3A_1667 : i32 to vector<16xi32>
    %shift_right_arithmetic3A_1669 = arith.shrsi %get3A_1666, %shift_right_arithmetic3A_1668 : vector<16xi32>
    %shift_left3A_1670 = arith.constant 13 : i32
    %shift_left3A_1671 = vector.broadcast %shift_left3A_1670 : i32 to vector<16xi32>
    %shift_left3A_1672 = arith.shli %shift_right_arithmetic3A_1669, %shift_left3A_1671 : vector<16xi32>
    %and3A_1673 = arith.constant 8191 : i32
    %and3A_1674 = vector.broadcast %and3A_1673 : i32 to vector<16xi32>
    %and3A_1675 = arith.andi %get3A_1666, %and3A_1674 : vector<16xi32>
    %add3A_1676 = arith.addi %shift_left3A_1672, %and3A_1675 : vector<16xi32>
    %swap3A_1677 = arith.constant 1568 : index
    %swap3A_1678 = tpu.vector_load %arg6[%swap3A_1677] {strides = array<i32>} : memref<3328xi32, #tpu.memory_space<vmem>>, vector<16xi32>,
    %swap3A_1679 = vector.shape_cast %swap3A_1678 : vector<16xi32> to vector<16xi32>
    %swap3A_1680 = vector.shape_cast %add3A_1676 : vector<16xi32> to vector<16xi32>
    tpu.vector_store %arg6[%swap3A_1677], %swap3A_1680 {strides = array<i32>} : memref<3328xi32, #tpu.memory_space<vmem>>, vector<16xi32>,
    %get3A_1681 = arith.constant 1584 : index
    %get3A_1682 = tpu.vector_load %arg5[%get3A_1681] {strides = array<i32>} : memref<3328xi32, #tpu.memory_space<vmem>>, vector<16xi32>,
    %get3A_1683 = vector.shape_cast %get3A_1682 : vector<16xi32> to vector<16xi32>
    %shift_right_arithmetic3A_1684 = arith.constant 15 : i32
    %shift_right_arithmetic3A_1685 = vector.broadcast %shift_right_arithmetic3A_1684 : i32 to vector<16xi32>
    %shift_right_arithmetic3A_1686 = arith.shrsi %get3A_1683, %shift_right_arithmetic3A_1685 : vector<16xi32>
    %shift_left3A_1687 = arith.constant 13 : i32
    %shift_left3A_1688 = vector.broadcast %shift_left3A_1687 : i32 to vector<16xi32>
    %shift_left3A_1689 = arith.shli %shift_right_arithmetic3A_1686, %shift_left3A_1688 : vector<16xi32>
    %and3A_1690 = arith.constant 8191 : i32
    %and3A_1691 = vector.broadcast %and3A_1690 : i32 to vector<16xi32>
    %and3A_1692 = arith.andi %get3A_1683, %and3A_1691 : vector<16xi32>
    %add3A_1693 = arith.addi %shift_left3A_1689, %and3A_1692 : vector<16xi32>
    %swap3A_1694 = arith.constant 1584 : index
    %swap3A_1695 = tpu.vector_load %arg6[%swap3A_1694] {strides = array<i32>} : memref<3328xi32, #tpu.memory_space<vmem>>, vector<16xi32>,
    %swap3A_1696 = vector.shape_cast %swap3A_1695 : vector<16xi32> to vector<16xi32>
    %swap3A_1697 = vector.shape_cast %add3A_1693 : vector<16xi32> to vector<16xi32>
    tpu.vector_store %arg6[%swap3A_1694], %swap3A_1697 {strides = array<i32>} : memref<3328xi32, #tpu.memory_space<vmem>>, vector<16xi32>,
    %get3A_1698 = arith.constant 1600 : index
    %get3A_1699 = tpu.vector_load %arg5[%get3A_1698] {strides = array<i32>} : memref<3328xi32, #tpu.memory_space<vmem>>, vector<16xi32>,
    %get3A_1700 = vector.shape_cast %get3A_1699 : vector<16xi32> to vector<16xi32>
    %shift_right_arithmetic3A_1701 = arith.constant 15 : i32
    %shift_right_arithmetic3A_1702 = vector.broadcast %shift_right_arithmetic3A_1701 : i32 to vector<16xi32>
    %shift_right_arithmetic3A_1703 = arith.shrsi %get3A_1700, %shift_right_arithmetic3A_1702 : vector<16xi32>
    %shift_left3A_1704 = arith.constant 13 : i32
    %shift_left3A_1705 = vector.broadcast %shift_left3A_1704 : i32 to vector<16xi32>
    %shift_left3A_1706 = arith.shli %shift_right_arithmetic3A_1703, %shift_left3A_1705 : vector<16xi32>
    %and3A_1707 = arith.constant 8191 : i32
    %and3A_1708 = vector.broadcast %and3A_1707 : i32 to vector<16xi32>
    %and3A_1709 = arith.andi %get3A_1700, %and3A_1708 : vector<16xi32>
    %add3A_1710 = arith.addi %shift_left3A_1706, %and3A_1709 : vector<16xi32>
    %swap3A_1711 = arith.constant 1600 : index
    %swap3A_1712 = tpu.vector_load %arg6[%swap3A_1711] {strides = array<i32>} : memref<3328xi32, #tpu.memory_space<vmem>>, vector<16xi32>,
    %swap3A_1713 = vector.shape_cast %swap3A_1712 : vector<16xi32> to vector<16xi32>
    %swap3A_1714 = vector.shape_cast %add3A_1710 : vector<16xi32> to vector<16xi32>
    tpu.vector_store %arg6[%swap3A_1711], %swap3A_1714 {strides = array<i32>} : memref<3328xi32, #tpu.memory_space<vmem>>, vector<16xi32>,
    %get3A_1715 = arith.constant 1616 : index
    %get3A_1716 = tpu.vector_load %arg5[%get3A_1715] {strides = array<i32>} : memref<3328xi32, #tpu.memory_space<vmem>>, vector<16xi32>,
    %get3A_1717 = vector.shape_cast %get3A_1716 : vector<16xi32> to vector<16xi32>
    %shift_right_arithmetic3A_1718 = arith.constant 15 : i32
    %shift_right_arithmetic3A_1719 = vector.broadcast %shift_right_arithmetic3A_1718 : i32 to vector<16xi32>
    %shift_right_arithmetic3A_1720 = arith.shrsi %get3A_1717, %shift_right_arithmetic3A_1719 : vector<16xi32>
    %shift_left3A_1721 = arith.constant 13 : i32
    %shift_left3A_1722 = vector.broadcast %shift_left3A_1721 : i32 to vector<16xi32>
    %shift_left3A_1723 = arith.shli %shift_right_arithmetic3A_1720, %shift_left3A_1722 : vector<16xi32>
    %and3A_1724 = arith.constant 8191 : i32
    %and3A_1725 = vector.broadcast %and3A_1724 : i32 to vector<16xi32>
    %and3A_1726 = arith.andi %get3A_1717, %and3A_1725 : vector<16xi32>
    %add3A_1727 = arith.addi %shift_left3A_1723, %and3A_1726 : vector<16xi32>
    %swap3A_1728 = arith.constant 1616 : index
    %swap3A_1729 = tpu.vector_load %arg6[%swap3A_1728] {strides = array<i32>} : memref<3328xi32, #tpu.memory_space<vmem>>, vector<16xi32>,
    %swap3A_1730 = vector.shape_cast %swap3A_1729 : vector<16xi32> to vector<16xi32>
    %swap3A_1731 = vector.shape_cast %add3A_1727 : vector<16xi32> to vector<16xi32>
    tpu.vector_store %arg6[%swap3A_1728], %swap3A_1731 {strides = array<i32>} : memref<3328xi32, #tpu.memory_space<vmem>>, vector<16xi32>,
    %get3A_1732 = arith.constant 1632 : index
    %get3A_1733 = tpu.vector_load %arg5[%get3A_1732] {strides = array<i32>} : memref<3328xi32, #tpu.memory_space<vmem>>, vector<16xi32>,
    %get3A_1734 = vector.shape_cast %get3A_1733 : vector<16xi32> to vector<16xi32>
    %shift_right_arithmetic3A_1735 = arith.constant 15 : i32
    %shift_right_arithmetic3A_1736 = vector.broadcast %shift_right_arithmetic3A_1735 : i32 to vector<16xi32>
    %shift_right_arithmetic3A_1737 = arith.shrsi %get3A_1734, %shift_right_arithmetic3A_1736 : vector<16xi32>
    %shift_left3A_1738 = arith.constant 13 : i32
    %shift_left3A_1739 = vector.broadcast %shift_left3A_1738 : i32 to vector<16xi32>
    %shift_left3A_1740 = arith.shli %shift_right_arithmetic3A_1737, %shift_left3A_1739 : vector<16xi32>
    %and3A_1741 = arith.constant 8191 : i32
    %and3A_1742 = vector.broadcast %and3A_1741 : i32 to vector<16xi32>
    %and3A_1743 = arith.andi %get3A_1734, %and3A_1742 : vector<16xi32>
    %add3A_1744 = arith.addi %shift_left3A_1740, %and3A_1743 : vector<16xi32>
    %swap3A_1745 = arith.constant 1632 : index
    %swap3A_1746 = tpu.vector_load %arg6[%swap3A_1745] {strides = array<i32>} : memref<3328xi32, #tpu.memory_space<vmem>>, vector<16xi32>,
    %swap3A_1747 = vector.shape_cast %swap3A_1746 : vector<16xi32> to vector<16xi32>
    %swap3A_1748 = vector.shape_cast %add3A_1744 : vector<16xi32> to vector<16xi32>
    tpu.vector_store %arg6[%swap3A_1745], %swap3A_1748 {strides = array<i32>} : memref<3328xi32, #tpu.memory_space<vmem>>, vector<16xi32>,
    %get3A_1749 = arith.constant 1648 : index
    %get3A_1750 = tpu.vector_load %arg5[%get3A_1749] {strides = array<i32>} : memref<3328xi32, #tpu.memory_space<vmem>>, vector<16xi32>,
    %get3A_1751 = vector.shape_cast %get3A_1750 : vector<16xi32> to vector<16xi32>
    %shift_right_arithmetic3A_1752 = arith.constant 15 : i32
    %shift_right_arithmetic3A_1753 = vector.broadcast %shift_right_arithmetic3A_1752 : i32 to vector<16xi32>
    %shift_right_arithmetic3A_1754 = arith.shrsi %get3A_1751, %shift_right_arithmetic3A_1753 : vector<16xi32>
    %shift_left3A_1755 = arith.constant 13 : i32
    %shift_left3A_1756 = vector.broadcast %shift_left3A_1755 : i32 to vector<16xi32>
    %shift_left3A_1757 = arith.shli %shift_right_arithmetic3A_1754, %shift_left3A_1756 : vector<16xi32>
    %and3A_1758 = arith.constant 8191 : i32
    %and3A_1759 = vector.broadcast %and3A_1758 : i32 to vector<16xi32>
    %and3A_1760 = arith.andi %get3A_1751, %and3A_1759 : vector<16xi32>
    %add3A_1761 = arith.addi %shift_left3A_1757, %and3A_1760 : vector<16xi32>
    %swap3A_1762 = arith.constant 1648 : index
    %swap3A_1763 = tpu.vector_load %arg6[%swap3A_1762] {strides = array<i32>} : memref<3328xi32, #tpu.memory_space<vmem>>, vector<16xi32>,
    %swap3A_1764 = vector.shape_cast %swap3A_1763 : vector<16xi32> to vector<16xi32>
    %swap3A_1765 = vector.shape_cast %add3A_1761 : vector<16xi32> to vector<16xi32>
    tpu.vector_store %arg6[%swap3A_1762], %swap3A_1765 {strides = array<i32>} : memref<3328xi32, #tpu.memory_space<vmem>>, vector<16xi32>,
    %get3A_1766 = arith.constant 1664 : index
    %get3A_1767 = tpu.vector_load %arg5[%get3A_1766] {strides = array<i32>} : memref<3328xi32, #tpu.memory_space<vmem>>, vector<16xi32>,
    %get3A_1768 = vector.shape_cast %get3A_1767 : vector<16xi32> to vector<16xi32>
    %shift_right_arithmetic3A_1769 = arith.constant 15 : i32
    %shift_right_arithmetic3A_1770 = vector.broadcast %shift_right_arithmetic3A_1769 : i32 to vector<16xi32>
    %shift_right_arithmetic3A_1771 = arith.shrsi %get3A_1768, %shift_right_arithmetic3A_1770 : vector<16xi32>
    %shift_left3A_1772 = arith.constant 13 : i32
    %shift_left3A_1773 = vector.broadcast %shift_left3A_1772 : i32 to vector<16xi32>
    %shift_left3A_1774 = arith.shli %shift_right_arithmetic3A_1771, %shift_left3A_1773 : vector<16xi32>
    %and3A_1775 = arith.constant 8191 : i32
    %and3A_1776 = vector.broadcast %and3A_1775 : i32 to vector<16xi32>
    %and3A_1777 = arith.andi %get3A_1768, %and3A_1776 : vector<16xi32>
    %add3A_1778 = arith.addi %shift_left3A_1774, %and3A_1777 : vector<16xi32>
    %swap3A_1779 = arith.constant 1664 : index
    %swap3A_1780 = tpu.vector_load %arg6[%swap3A_1779] {strides = array<i32>} : memref<3328xi32, #tpu.memory_space<vmem>>, vector<16xi32>,
    %swap3A_1781 = vector.shape_cast %swap3A_1780 : vector<16xi32> to vector<16xi32>
    %swap3A_1782 = vector.shape_cast %add3A_1778 : vector<16xi32> to vector<16xi32>
    tpu.vector_store %arg6[%swap3A_1779], %swap3A_1782 {strides = array<i32>} : memref<3328xi32, #tpu.memory_space<vmem>>, vector<16xi32>,
    %get3A_1783 = arith.constant 1680 : index
    %get3A_1784 = tpu.vector_load %arg5[%get3A_1783] {strides = array<i32>} : memref<3328xi32, #tpu.memory_space<vmem>>, vector<16xi32>,
    %get3A_1785 = vector.shape_cast %get3A_1784 : vector<16xi32> to vector<16xi32>
    %shift_right_arithmetic3A_1786 = arith.constant 15 : i32
    %shift_right_arithmetic3A_1787 = vector.broadcast %shift_right_arithmetic3A_1786 : i32 to vector<16xi32>
    %shift_right_arithmetic3A_1788 = arith.shrsi %get3A_1785, %shift_right_arithmetic3A_1787 : vector<16xi32>
    %shift_left3A_1789 = arith.constant 13 : i32
    %shift_left3A_1790 = vector.broadcast %shift_left3A_1789 : i32 to vector<16xi32>
    %shift_left3A_1791 = arith.shli %shift_right_arithmetic3A_1788, %shift_left3A_1790 : vector<16xi32>
    %and3A_1792 = arith.constant 8191 : i32
    %and3A_1793 = vector.broadcast %and3A_1792 : i32 to vector<16xi32>
    %and3A_1794 = arith.andi %get3A_1785, %and3A_1793 : vector<16xi32>
    %add3A_1795 = arith.addi %shift_left3A_1791, %and3A_1794 : vector<16xi32>
    %swap3A_1796 = arith.constant 1680 : index
    %swap3A_1797 = tpu.vector_load %arg6[%swap3A_1796] {strides = array<i32>} : memref<3328xi32, #tpu.memory_space<vmem>>, vector<16xi32>,
    %swap3A_1798 = vector.shape_cast %swap3A_1797 : vector<16xi32> to vector<16xi32>
    %swap3A_1799 = vector.shape_cast %add3A_1795 : vector<16xi32> to vector<16xi32>
    tpu.vector_store %arg6[%swap3A_1796], %swap3A_1799 {strides = array<i32>} : memref<3328xi32, #tpu.memory_space<vmem>>, vector<16xi32>,
    %get3A_1800 = arith.constant 1696 : index
    %get3A_1801 = tpu.vector_load %arg5[%get3A_1800] {strides = array<i32>} : memref<3328xi32, #tpu.memory_space<vmem>>, vector<16xi32>,
    %get3A_1802 = vector.shape_cast %get3A_1801 : vector<16xi32> to vector<16xi32>
    %shift_right_arithmetic3A_1803 = arith.constant 15 : i32
    %shift_right_arithmetic3A_1804 = vector.broadcast %shift_right_arithmetic3A_1803 : i32 to vector<16xi32>
    %shift_right_arithmetic3A_1805 = arith.shrsi %get3A_1802, %shift_right_arithmetic3A_1804 : vector<16xi32>
    %shift_left3A_1806 = arith.constant 13 : i32
    %shift_left3A_1807 = vector.broadcast %shift_left3A_1806 : i32 to vector<16xi32>
    %shift_left3A_1808 = arith.shli %shift_right_arithmetic3A_1805, %shift_left3A_1807 : vector<16xi32>
    %and3A_1809 = arith.constant 8191 : i32
    %and3A_1810 = vector.broadcast %and3A_1809 : i32 to vector<16xi32>
    %and3A_1811 = arith.andi %get3A_1802, %and3A_1810 : vector<16xi32>
    %add3A_1812 = arith.addi %shift_left3A_1808, %and3A_1811 : vector<16xi32>
    %swap3A_1813 = arith.constant 1696 : index
    %swap3A_1814 = tpu.vector_load %arg6[%swap3A_1813] {strides = array<i32>} : memref<3328xi32, #tpu.memory_space<vmem>>, vector<16xi32>,
    %swap3A_1815 = vector.shape_cast %swap3A_1814 : vector<16xi32> to vector<16xi32>
    %swap3A_1816 = vector.shape_cast %add3A_1812 : vector<16xi32> to vector<16xi32>
    tpu.vector_store %arg6[%swap3A_1813], %swap3A_1816 {strides = array<i32>} : memref<3328xi32, #tpu.memory_space<vmem>>, vector<16xi32>,
    %get3A_1817 = arith.constant 1712 : index
    %get3A_1818 = tpu.vector_load %arg5[%get3A_1817] {strides = array<i32>} : memref<3328xi32, #tpu.memory_space<vmem>>, vector<16xi32>,
    %get3A_1819 = vector.shape_cast %get3A_1818 : vector<16xi32> to vector<16xi32>
    %shift_right_arithmetic3A_1820 = arith.constant 15 : i32
    %shift_right_arithmetic3A_1821 = vector.broadcast %shift_right_arithmetic3A_1820 : i32 to vector<16xi32>
    %shift_right_arithmetic3A_1822 = arith.shrsi %get3A_1819, %shift_right_arithmetic3A_1821 : vector<16xi32>
    %shift_left3A_1823 = arith.constant 13 : i32
    %shift_left3A_1824 = vector.broadcast %shift_left3A_1823 : i32 to vector<16xi32>
    %shift_left3A_1825 = arith.shli %shift_right_arithmetic3A_1822, %shift_left3A_1824 : vector<16xi32>
    %and3A_1826 = arith.constant 8191 : i32
    %and3A_1827 = vector.broadcast %and3A_1826 : i32 to vector<16xi32>
    %and3A_1828 = arith.andi %get3A_1819, %and3A_1827 : vector<16xi32>
    %add3A_1829 = arith.addi %shift_left3A_1825, %and3A_1828 : vector<16xi32>
    %swap3A_1830 = arith.constant 1712 : index
    %swap3A_1831 = tpu.vector_load %arg6[%swap3A_1830] {strides = array<i32>} : memref<3328xi32, #tpu.memory_space<vmem>>, vector<16xi32>,
    %swap3A_1832 = vector.shape_cast %swap3A_1831 : vector<16xi32> to vector<16xi32>
    %swap3A_1833 = vector.shape_cast %add3A_1829 : vector<16xi32> to vector<16xi32>
    tpu.vector_store %arg6[%swap3A_1830], %swap3A_1833 {strides = array<i32>} : memref<3328xi32, #tpu.memory_space<vmem>>, vector<16xi32>,
    %get3A_1834 = arith.constant 1728 : index
    %get3A_1835 = tpu.vector_load %arg5[%get3A_1834] {strides = array<i32>} : memref<3328xi32, #tpu.memory_space<vmem>>, vector<16xi32>,
    %get3A_1836 = vector.shape_cast %get3A_1835 : vector<16xi32> to vector<16xi32>
    %shift_right_arithmetic3A_1837 = arith.constant 15 : i32
    %shift_right_arithmetic3A_1838 = vector.broadcast %shift_right_arithmetic3A_1837 : i32 to vector<16xi32>
    %shift_right_arithmetic3A_1839 = arith.shrsi %get3A_1836, %shift_right_arithmetic3A_1838 : vector<16xi32>
    %shift_left3A_1840 = arith.constant 13 : i32
    %shift_left3A_1841 = vector.broadcast %shift_left3A_1840 : i32 to vector<16xi32>
    %shift_left3A_1842 = arith.shli %shift_right_arithmetic3A_1839, %shift_left3A_1841 : vector<16xi32>
    %and3A_1843 = arith.constant 8191 : i32
    %and3A_1844 = vector.broadcast %and3A_1843 : i32 to vector<16xi32>
    %and3A_1845 = arith.andi %get3A_1836, %and3A_1844 : vector<16xi32>
    %add3A_1846 = arith.addi %shift_left3A_1842, %and3A_1845 : vector<16xi32>
    %swap3A_1847 = arith.constant 1728 : index
    %swap3A_1848 = tpu.vector_load %arg6[%swap3A_1847] {strides = array<i32>} : memref<3328xi32, #tpu.memory_space<vmem>>, vector<16xi32>,
    %swap3A_1849 = vector.shape_cast %swap3A_1848 : vector<16xi32> to vector<16xi32>
    %swap3A_1850 = vector.shape_cast %add3A_1846 : vector<16xi32> to vector<16xi32>
    tpu.vector_store %arg6[%swap3A_1847], %swap3A_1850 {strides = array<i32>} : memref<3328xi32, #tpu.memory_space<vmem>>, vector<16xi32>,
    %get3A_1851 = arith.constant 1744 : index
    %get3A_1852 = tpu.vector_load %arg5[%get3A_1851] {strides = array<i32>} : memref<3328xi32, #tpu.memory_space<vmem>>, vector<16xi32>,
    %get3A_1853 = vector.shape_cast %get3A_1852 : vector<16xi32> to vector<16xi32>
    %shift_right_arithmetic3A_1854 = arith.constant 15 : i32
    %shift_right_arithmetic3A_1855 = vector.broadcast %shift_right_arithmetic3A_1854 : i32 to vector<16xi32>
    %shift_right_arithmetic3A_1856 = arith.shrsi %get3A_1853, %shift_right_arithmetic3A_1855 : vector<16xi32>
    %shift_left3A_1857 = arith.constant 13 : i32
    %shift_left3A_1858 = vector.broadcast %shift_left3A_1857 : i32 to vector<16xi32>
    %shift_left3A_1859 = arith.shli %shift_right_arithmetic3A_1856, %shift_left3A_1858 : vector<16xi32>
    %and3A_1860 = arith.constant 8191 : i32
    %and3A_1861 = vector.broadcast %and3A_1860 : i32 to vector<16xi32>
    %and3A_1862 = arith.andi %get3A_1853, %and3A_1861 : vector<16xi32>
    %add3A_1863 = arith.addi %shift_left3A_1859, %and3A_1862 : vector<16xi32>
    %swap3A_1864 = arith.constant 1744 : index
    %swap3A_1865 = tpu.vector_load %arg6[%swap3A_1864] {strides = array<i32>} : memref<3328xi32, #tpu.memory_space<vmem>>, vector<16xi32>,
    %swap3A_1866 = vector.shape_cast %swap3A_1865 : vector<16xi32> to vector<16xi32>
    %swap3A_1867 = vector.shape_cast %add3A_1863 : vector<16xi32> to vector<16xi32>
    tpu.vector_store %arg6[%swap3A_1864], %swap3A_1867 {strides = array<i32>} : memref<3328xi32, #tpu.memory_space<vmem>>, vector<16xi32>,
    %get3A_1868 = arith.constant 1760 : index
    %get3A_1869 = tpu.vector_load %arg5[%get3A_1868] {strides = array<i32>} : memref<3328xi32, #tpu.memory_space<vmem>>, vector<16xi32>,
    %get3A_1870 = vector.shape_cast %get3A_1869 : vector<16xi32> to vector<16xi32>
    %shift_right_arithmetic3A_1871 = arith.constant 15 : i32
    %shift_right_arithmetic3A_1872 = vector.broadcast %shift_right_arithmetic3A_1871 : i32 to vector<16xi32>
    %shift_right_arithmetic3A_1873 = arith.shrsi %get3A_1870, %shift_right_arithmetic3A_1872 : vector<16xi32>
    %shift_left3A_1874 = arith.constant 13 : i32
    %shift_left3A_1875 = vector.broadcast %shift_left3A_1874 : i32 to vector<16xi32>
    %shift_left3A_1876 = arith.shli %shift_right_arithmetic3A_1873, %shift_left3A_1875 : vector<16xi32>
    %and3A_1877 = arith.constant 8191 : i32
    %and3A_1878 = vector.broadcast %and3A_1877 : i32 to vector<16xi32>
    %and3A_1879 = arith.andi %get3A_1870, %and3A_1878 : vector<16xi32>
    %add3A_1880 = arith.addi %shift_left3A_1876, %and3A_1879 : vector<16xi32>
    %swap3A_1881 = arith.constant 1760 : index
    %swap3A_1882 = tpu.vector_load %arg6[%swap3A_1881] {strides = array<i32>} : memref<3328xi32, #tpu.memory_space<vmem>>, vector<16xi32>,
    %swap3A_1883 = vector.shape_cast %swap3A_1882 : vector<16xi32> to vector<16xi32>
    %swap3A_1884 = vector.shape_cast %add3A_1880 : vector<16xi32> to vector<16xi32>
    tpu.vector_store %arg6[%swap3A_1881], %swap3A_1884 {strides = array<i32>} : memref<3328xi32, #tpu.memory_space<vmem>>, vector<16xi32>,
    %get3A_1885 = arith.constant 1776 : index
    %get3A_1886 = tpu.vector_load %arg5[%get3A_1885] {strides = array<i32>} : memref<3328xi32, #tpu.memory_space<vmem>>, vector<16xi32>,
    %get3A_1887 = vector.shape_cast %get3A_1886 : vector<16xi32> to vector<16xi32>
    %shift_right_arithmetic3A_1888 = arith.constant 15 : i32
    %shift_right_arithmetic3A_1889 = vector.broadcast %shift_right_arithmetic3A_1888 : i32 to vector<16xi32>
    %shift_right_arithmetic3A_1890 = arith.shrsi %get3A_1887, %shift_right_arithmetic3A_1889 : vector<16xi32>
    %shift_left3A_1891 = arith.constant 13 : i32
    %shift_left3A_1892 = vector.broadcast %shift_left3A_1891 : i32 to vector<16xi32>
    %shift_left3A_1893 = arith.shli %shift_right_arithmetic3A_1890, %shift_left3A_1892 : vector<16xi32>
    %and3A_1894 = arith.constant 8191 : i32
    %and3A_1895 = vector.broadcast %and3A_1894 : i32 to vector<16xi32>
    %and3A_1896 = arith.andi %get3A_1887, %and3A_1895 : vector<16xi32>
    %add3A_1897 = arith.addi %shift_left3A_1893, %and3A_1896 : vector<16xi32>
    %swap3A_1898 = arith.constant 1776 : index
    %swap3A_1899 = tpu.vector_load %arg6[%swap3A_1898] {strides = array<i32>} : memref<3328xi32, #tpu.memory_space<vmem>>, vector<16xi32>,
    %swap3A_1900 = vector.shape_cast %swap3A_1899 : vector<16xi32> to vector<16xi32>
    %swap3A_1901 = vector.shape_cast %add3A_1897 : vector<16xi32> to vector<16xi32>
    tpu.vector_store %arg6[%swap3A_1898], %swap3A_1901 {strides = array<i32>} : memref<3328xi32, #tpu.memory_space<vmem>>, vector<16xi32>,
    %get3A_1902 = arith.constant 1792 : index
    %get3A_1903 = tpu.vector_load %arg5[%get3A_1902] {strides = array<i32>} : memref<3328xi32, #tpu.memory_space<vmem>>, vector<16xi32>,
    %get3A_1904 = vector.shape_cast %get3A_1903 : vector<16xi32> to vector<16xi32>
    %shift_right_arithmetic3A_1905 = arith.constant 15 : i32
    %shift_right_arithmetic3A_1906 = vector.broadcast %shift_right_arithmetic3A_1905 : i32 to vector<16xi32>
    %shift_right_arithmetic3A_1907 = arith.shrsi %get3A_1904, %shift_right_arithmetic3A_1906 : vector<16xi32>
    %shift_left3A_1908 = arith.constant 13 : i32
    %shift_left3A_1909 = vector.broadcast %shift_left3A_1908 : i32 to vector<16xi32>
    %shift_left3A_1910 = arith.shli %shift_right_arithmetic3A_1907, %shift_left3A_1909 : vector<16xi32>
    %and3A_1911 = arith.constant 8191 : i32
    %and3A_1912 = vector.broadcast %and3A_1911 : i32 to vector<16xi32>
    %and3A_1913 = arith.andi %get3A_1904, %and3A_1912 : vector<16xi32>
    %add3A_1914 = arith.addi %shift_left3A_1910, %and3A_1913 : vector<16xi32>
    %swap3A_1915 = arith.constant 1792 : index
    %swap3A_1916 = tpu.vector_load %arg6[%swap3A_1915] {strides = array<i32>} : memref<3328xi32, #tpu.memory_space<vmem>>, vector<16xi32>,
    %swap3A_1917 = vector.shape_cast %swap3A_1916 : vector<16xi32> to vector<16xi32>
    %swap3A_1918 = vector.shape_cast %add3A_1914 : vector<16xi32> to vector<16xi32>
    tpu.vector_store %arg6[%swap3A_1915], %swap3A_1918 {strides = array<i32>} : memref<3328xi32, #tpu.memory_space<vmem>>, vector<16xi32>,
    %get3A_1919 = arith.constant 1808 : index
    %get3A_1920 = tpu.vector_load %arg5[%get3A_1919] {strides = array<i32>} : memref<3328xi32, #tpu.memory_space<vmem>>, vector<16xi32>,
    %get3A_1921 = vector.shape_cast %get3A_1920 : vector<16xi32> to vector<16xi32>
    %shift_right_arithmetic3A_1922 = arith.constant 15 : i32
    %shift_right_arithmetic3A_1923 = vector.broadcast %shift_right_arithmetic3A_1922 : i32 to vector<16xi32>
    %shift_right_arithmetic3A_1924 = arith.shrsi %get3A_1921, %shift_right_arithmetic3A_1923 : vector<16xi32>
    %shift_left3A_1925 = arith.constant 13 : i32
    %shift_left3A_1926 = vector.broadcast %shift_left3A_1925 : i32 to vector<16xi32>
    %shift_left3A_1927 = arith.shli %shift_right_arithmetic3A_1924, %shift_left3A_1926 : vector<16xi32>
    %and3A_1928 = arith.constant 8191 : i32
    %and3A_1929 = vector.broadcast %and3A_1928 : i32 to vector<16xi32>
    %and3A_1930 = arith.andi %get3A_1921, %and3A_1929 : vector<16xi32>
    %add3A_1931 = arith.addi %shift_left3A_1927, %and3A_1930 : vector<16xi32>
    %swap3A_1932 = arith.constant 1808 : index
    %swap3A_1933 = tpu.vector_load %arg6[%swap3A_1932] {strides = array<i32>} : memref<3328xi32, #tpu.memory_space<vmem>>, vector<16xi32>,
    %swap3A_1934 = vector.shape_cast %swap3A_1933 : vector<16xi32> to vector<16xi32>
    %swap3A_1935 = vector.shape_cast %add3A_1931 : vector<16xi32> to vector<16xi32>
    tpu.vector_store %arg6[%swap3A_1932], %swap3A_1935 {strides = array<i32>} : memref<3328xi32, #tpu.memory_space<vmem>>, vector<16xi32>,
    %get3A_1936 = arith.constant 1824 : index
    %get3A_1937 = tpu.vector_load %arg5[%get3A_1936] {strides = array<i32>} : memref<3328xi32, #tpu.memory_space<vmem>>, vector<16xi32>,
    %get3A_1938 = vector.shape_cast %get3A_1937 : vector<16xi32> to vector<16xi32>
    %shift_right_arithmetic3A_1939 = arith.constant 15 : i32
    %shift_right_arithmetic3A_1940 = vector.broadcast %shift_right_arithmetic3A_1939 : i32 to vector<16xi32>
    %shift_right_arithmetic3A_1941 = arith.shrsi %get3A_1938, %shift_right_arithmetic3A_1940 : vector<16xi32>
    %shift_left3A_1942 = arith.constant 13 : i32
    %shift_left3A_1943 = vector.broadcast %shift_left3A_1942 : i32 to vector<16xi32>
    %shift_left3A_1944 = arith.shli %shift_right_arithmetic3A_1941, %shift_left3A_1943 : vector<16xi32>
    %and3A_1945 = arith.constant 8191 : i32
    %and3A_1946 = vector.broadcast %and3A_1945 : i32 to vector<16xi32>
    %and3A_1947 = arith.andi %get3A_1938, %and3A_1946 : vector<16xi32>
    %add3A_1948 = arith.addi %shift_left3A_1944, %and3A_1947 : vector<16xi32>
    %swap3A_1949 = arith.constant 1824 : index
    %swap3A_1950 = tpu.vector_load %arg6[%swap3A_1949] {strides = array<i32>} : memref<3328xi32, #tpu.memory_space<vmem>>, vector<16xi32>,
    %swap3A_1951 = vector.shape_cast %swap3A_1950 : vector<16xi32> to vector<16xi32>
    %swap3A_1952 = vector.shape_cast %add3A_1948 : vector<16xi32> to vector<16xi32>
    tpu.vector_store %arg6[%swap3A_1949], %swap3A_1952 {strides = array<i32>} : memref<3328xi32, #tpu.memory_space<vmem>>, vector<16xi32>,
    %get3A_1953 = arith.constant 1840 : index
    %get3A_1954 = tpu.vector_load %arg5[%get3A_1953] {strides = array<i32>} : memref<3328xi32, #tpu.memory_space<vmem>>, vector<16xi32>,
    %get3A_1955 = vector.shape_cast %get3A_1954 : vector<16xi32> to vector<16xi32>
    %shift_right_arithmetic3A_1956 = arith.constant 15 : i32
    %shift_right_arithmetic3A_1957 = vector.broadcast %shift_right_arithmetic3A_1956 : i32 to vector<16xi32>
    %shift_right_arithmetic3A_1958 = arith.shrsi %get3A_1955, %shift_right_arithmetic3A_1957 : vector<16xi32>
    %shift_left3A_1959 = arith.constant 13 : i32
    %shift_left3A_1960 = vector.broadcast %shift_left3A_1959 : i32 to vector<16xi32>
    %shift_left3A_1961 = arith.shli %shift_right_arithmetic3A_1958, %shift_left3A_1960 : vector<16xi32>
    %and3A_1962 = arith.constant 8191 : i32
    %and3A_1963 = vector.broadcast %and3A_1962 : i32 to vector<16xi32>
    %and3A_1964 = arith.andi %get3A_1955, %and3A_1963 : vector<16xi32>
    %add3A_1965 = arith.addi %shift_left3A_1961, %and3A_1964 : vector<16xi32>
    %swap3A_1966 = arith.constant 1840 : index
    %swap3A_1967 = tpu.vector_load %arg6[%swap3A_1966] {strides = array<i32>} : memref<3328xi32, #tpu.memory_space<vmem>>, vector<16xi32>,
    %swap3A_1968 = vector.shape_cast %swap3A_1967 : vector<16xi32> to vector<16xi32>
    %swap3A_1969 = vector.shape_cast %add3A_1965 : vector<16xi32> to vector<16xi32>
    tpu.vector_store %arg6[%swap3A_1966], %swap3A_1969 {strides = array<i32>} : memref<3328xi32, #tpu.memory_space<vmem>>, vector<16xi32>,
    %get3A_1970 = arith.constant 1856 : index
    %get3A_1971 = tpu.vector_load %arg5[%get3A_1970] {strides = array<i32>} : memref<3328xi32, #tpu.memory_space<vmem>>, vector<16xi32>,
    %get3A_1972 = vector.shape_cast %get3A_1971 : vector<16xi32> to vector<16xi32>
    %shift_right_arithmetic3A_1973 = arith.constant 15 : i32
    %shift_right_arithmetic3A_1974 = vector.broadcast %shift_right_arithmetic3A_1973 : i32 to vector<16xi32>
    %shift_right_arithmetic3A_1975 = arith.shrsi %get3A_1972, %shift_right_arithmetic3A_1974 : vector<16xi32>
    %shift_left3A_1976 = arith.constant 13 : i32
    %shift_left3A_1977 = vector.broadcast %shift_left3A_1976 : i32 to vector<16xi32>
    %shift_left3A_1978 = arith.shli %shift_right_arithmetic3A_1975, %shift_left3A_1977 : vector<16xi32>
    %and3A_1979 = arith.constant 8191 : i32
    %and3A_1980 = vector.broadcast %and3A_1979 : i32 to vector<16xi32>
    %and3A_1981 = arith.andi %get3A_1972, %and3A_1980 : vector<16xi32>
    %add3A_1982 = arith.addi %shift_left3A_1978, %and3A_1981 : vector<16xi32>
    %swap3A_1983 = arith.constant 1856 : index
    %swap3A_1984 = tpu.vector_load %arg6[%swap3A_1983] {strides = array<i32>} : memref<3328xi32, #tpu.memory_space<vmem>>, vector<16xi32>,
    %swap3A_1985 = vector.shape_cast %swap3A_1984 : vector<16xi32> to vector<16xi32>
    %swap3A_1986 = vector.shape_cast %add3A_1982 : vector<16xi32> to vector<16xi32>
    tpu.vector_store %arg6[%swap3A_1983], %swap3A_1986 {strides = array<i32>} : memref<3328xi32, #tpu.memory_space<vmem>>, vector<16xi32>,
    %get3A_1987 = arith.constant 1872 : index
    %get3A_1988 = tpu.vector_load %arg5[%get3A_1987] {strides = array<i32>} : memref<3328xi32, #tpu.memory_space<vmem>>, vector<16xi32>,
    %get3A_1989 = vector.shape_cast %get3A_1988 : vector<16xi32> to vector<16xi32>
    %shift_right_arithmetic3A_1990 = arith.constant 15 : i32
    %shift_right_arithmetic3A_1991 = vector.broadcast %shift_right_arithmetic3A_1990 : i32 to vector<16xi32>
    %shift_right_arithmetic3A_1992 = arith.shrsi %get3A_1989, %shift_right_arithmetic3A_1991 : vector<16xi32>
    %shift_left3A_1993 = arith.constant 13 : i32
    %shift_left3A_1994 = vector.broadcast %shift_left3A_1993 : i32 to vector<16xi32>
    %shift_left3A_1995 = arith.shli %shift_right_arithmetic3A_1992, %shift_left3A_1994 : vector<16xi32>
    %and3A_1996 = arith.constant 8191 : i32
    %and3A_1997 = vector.broadcast %and3A_1996 : i32 to vector<16xi32>
    %and3A_1998 = arith.andi %get3A_1989, %and3A_1997 : vector<16xi32>
    %add3A_1999 = arith.addi %shift_left3A_1995, %and3A_1998 : vector<16xi32>
    %swap3A_2000 = arith.constant 1872 : index
    %swap3A_2001 = tpu.vector_load %arg6[%swap3A_2000] {strides = array<i32>} : memref<3328xi32, #tpu.memory_space<vmem>>, vector<16xi32>,
    %swap3A_2002 = vector.shape_cast %swap3A_2001 : vector<16xi32> to vector<16xi32>
    %swap3A_2003 = vector.shape_cast %add3A_1999 : vector<16xi32> to vector<16xi32>
    tpu.vector_store %arg6[%swap3A_2000], %swap3A_2003 {strides = array<i32>} : memref<3328xi32, #tpu.memory_space<vmem>>, vector<16xi32>,
    %get3A_2004 = arith.constant 1888 : index
    %get3A_2005 = tpu.vector_load %arg5[%get3A_2004] {strides = array<i32>} : memref<3328xi32, #tpu.memory_space<vmem>>, vector<16xi32>,
    %get3A_2006 = vector.shape_cast %get3A_2005 : vector<16xi32> to vector<16xi32>
    %shift_right_arithmetic3A_2007 = arith.constant 15 : i32
    %shift_right_arithmetic3A_2008 = vector.broadcast %shift_right_arithmetic3A_2007 : i32 to vector<16xi32>
    %shift_right_arithmetic3A_2009 = arith.shrsi %get3A_2006, %shift_right_arithmetic3A_2008 : vector<16xi32>
    %shift_left3A_2010 = arith.constant 13 : i32
    %shift_left3A_2011 = vector.broadcast %shift_left3A_2010 : i32 to vector<16xi32>
    %shift_left3A_2012 = arith.shli %shift_right_arithmetic3A_2009, %shift_left3A_2011 : vector<16xi32>
    %and3A_2013 = arith.constant 8191 : i32
    %and3A_2014 = vector.broadcast %and3A_2013 : i32 to vector<16xi32>
    %and3A_2015 = arith.andi %get3A_2006, %and3A_2014 : vector<16xi32>
    %add3A_2016 = arith.addi %shift_left3A_2012, %and3A_2015 : vector<16xi32>
    %swap3A_2017 = arith.constant 1888 : index
    %swap3A_2018 = tpu.vector_load %arg6[%swap3A_2017] {strides = array<i32>} : memref<3328xi32, #tpu.memory_space<vmem>>, vector<16xi32>,
    %swap3A_2019 = vector.shape_cast %swap3A_2018 : vector<16xi32> to vector<16xi32>
    %swap3A_2020 = vector.shape_cast %add3A_2016 : vector<16xi32> to vector<16xi32>
    tpu.vector_store %arg6[%swap3A_2017], %swap3A_2020 {strides = array<i32>} : memref<3328xi32, #tpu.memory_space<vmem>>, vector<16xi32>,
    %get3A_2021 = arith.constant 1904 : index
    %get3A_2022 = tpu.vector_load %arg5[%get3A_2021] {strides = array<i32>} : memref<3328xi32, #tpu.memory_space<vmem>>, vector<16xi32>,
    %get3A_2023 = vector.shape_cast %get3A_2022 : vector<16xi32> to vector<16xi32>
    %shift_right_arithmetic3A_2024 = arith.constant 15 : i32
    %shift_right_arithmetic3A_2025 = vector.broadcast %shift_right_arithmetic3A_2024 : i32 to vector<16xi32>
    %shift_right_arithmetic3A_2026 = arith.shrsi %get3A_2023, %shift_right_arithmetic3A_2025 : vector<16xi32>
    %shift_left3A_2027 = arith.constant 13 : i32
    %shift_left3A_2028 = vector.broadcast %shift_left3A_2027 : i32 to vector<16xi32>
    %shift_left3A_2029 = arith.shli %shift_right_arithmetic3A_2026, %shift_left3A_2028 : vector<16xi32>
    %and3A_2030 = arith.constant 8191 : i32
    %and3A_2031 = vector.broadcast %and3A_2030 : i32 to vector<16xi32>
    %and3A_2032 = arith.andi %get3A_2023, %and3A_2031 : vector<16xi32>
    %add3A_2033 = arith.addi %shift_left3A_2029, %and3A_2032 : vector<16xi32>
    %swap3A_2034 = arith.constant 1904 : index
    %swap3A_2035 = tpu.vector_load %arg6[%swap3A_2034] {strides = array<i32>} : memref<3328xi32, #tpu.memory_space<vmem>>, vector<16xi32>,
    %swap3A_2036 = vector.shape_cast %swap3A_2035 : vector<16xi32> to vector<16xi32>
    %swap3A_2037 = vector.shape_cast %add3A_2033 : vector<16xi32> to vector<16xi32>
    tpu.vector_store %arg6[%swap3A_2034], %swap3A_2037 {strides = array<i32>} : memref<3328xi32, #tpu.memory_space<vmem>>, vector<16xi32>,
    %get3A_2038 = arith.constant 1920 : index
    %get3A_2039 = tpu.vector_load %arg5[%get3A_2038] {strides = array<i32>} : memref<3328xi32, #tpu.memory_space<vmem>>, vector<16xi32>,
    %get3A_2040 = vector.shape_cast %get3A_2039 : vector<16xi32> to vector<16xi32>
    %shift_right_arithmetic3A_2041 = arith.constant 15 : i32
    %shift_right_arithmetic3A_2042 = vector.broadcast %shift_right_arithmetic3A_2041 : i32 to vector<16xi32>
    %shift_right_arithmetic3A_2043 = arith.shrsi %get3A_2040, %shift_right_arithmetic3A_2042 : vector<16xi32>
    %shift_left3A_2044 = arith.constant 13 : i32
    %shift_left3A_2045 = vector.broadcast %shift_left3A_2044 : i32 to vector<16xi32>
    %shift_left3A_2046 = arith.shli %shift_right_arithmetic3A_2043, %shift_left3A_2045 : vector<16xi32>
    %and3A_2047 = arith.constant 8191 : i32
    %and3A_2048 = vector.broadcast %and3A_2047 : i32 to vector<16xi32>
    %and3A_2049 = arith.andi %get3A_2040, %and3A_2048 : vector<16xi32>
    %add3A_2050 = arith.addi %shift_left3A_2046, %and3A_2049 : vector<16xi32>
    %swap3A_2051 = arith.constant 1920 : index
    %swap3A_2052 = tpu.vector_load %arg6[%swap3A_2051] {strides = array<i32>} : memref<3328xi32, #tpu.memory_space<vmem>>, vector<16xi32>,
    %swap3A_2053 = vector.shape_cast %swap3A_2052 : vector<16xi32> to vector<16xi32>
    %swap3A_2054 = vector.shape_cast %add3A_2050 : vector<16xi32> to vector<16xi32>
    tpu.vector_store %arg6[%swap3A_2051], %swap3A_2054 {strides = array<i32>} : memref<3328xi32, #tpu.memory_space<vmem>>, vector<16xi32>,
    %get3A_2055 = arith.constant 1936 : index
    %get3A_2056 = tpu.vector_load %arg5[%get3A_2055] {strides = array<i32>} : memref<3328xi32, #tpu.memory_space<vmem>>, vector<16xi32>,
    %get3A_2057 = vector.shape_cast %get3A_2056 : vector<16xi32> to vector<16xi32>
    %shift_right_arithmetic3A_2058 = arith.constant 15 : i32
    %shift_right_arithmetic3A_2059 = vector.broadcast %shift_right_arithmetic3A_2058 : i32 to vector<16xi32>
    %shift_right_arithmetic3A_2060 = arith.shrsi %get3A_2057, %shift_right_arithmetic3A_2059 : vector<16xi32>
    %shift_left3A_2061 = arith.constant 13 : i32
    %shift_left3A_2062 = vector.broadcast %shift_left3A_2061 : i32 to vector<16xi32>
    %shift_left3A_2063 = arith.shli %shift_right_arithmetic3A_2060, %shift_left3A_2062 : vector<16xi32>
    %and3A_2064 = arith.constant 8191 : i32
    %and3A_2065 = vector.broadcast %and3A_2064 : i32 to vector<16xi32>
    %and3A_2066 = arith.andi %get3A_2057, %and3A_2065 : vector<16xi32>
    %add3A_2067 = arith.addi %shift_left3A_2063, %and3A_2066 : vector<16xi32>
    %swap3A_2068 = arith.constant 1936 : index
    %swap3A_2069 = tpu.vector_load %arg6[%swap3A_2068] {strides = array<i32>} : memref<3328xi32, #tpu.memory_space<vmem>>, vector<16xi32>,
    %swap3A_2070 = vector.shape_cast %swap3A_2069 : vector<16xi32> to vector<16xi32>
    %swap3A_2071 = vector.shape_cast %add3A_2067 : vector<16xi32> to vector<16xi32>
    tpu.vector_store %arg6[%swap3A_2068], %swap3A_2071 {strides = array<i32>} : memref<3328xi32, #tpu.memory_space<vmem>>, vector<16xi32>,
    %get3A_2072 = arith.constant 1952 : index
    %get3A_2073 = tpu.vector_load %arg5[%get3A_2072] {strides = array<i32>} : memref<3328xi32, #tpu.memory_space<vmem>>, vector<16xi32>,
    %get3A_2074 = vector.shape_cast %get3A_2073 : vector<16xi32> to vector<16xi32>
    %shift_right_arithmetic3A_2075 = arith.constant 15 : i32
    %shift_right_arithmetic3A_2076 = vector.broadcast %shift_right_arithmetic3A_2075 : i32 to vector<16xi32>
    %shift_right_arithmetic3A_2077 = arith.shrsi %get3A_2074, %shift_right_arithmetic3A_2076 : vector<16xi32>
    %shift_left3A_2078 = arith.constant 13 : i32
    %shift_left3A_2079 = vector.broadcast %shift_left3A_2078 : i32 to vector<16xi32>
    %shift_left3A_2080 = arith.shli %shift_right_arithmetic3A_2077, %shift_left3A_2079 : vector<16xi32>
    %and3A_2081 = arith.constant 8191 : i32
    %and3A_2082 = vector.broadcast %and3A_2081 : i32 to vector<16xi32>
    %and3A_2083 = arith.andi %get3A_2074, %and3A_2082 : vector<16xi32>
    %add3A_2084 = arith.addi %shift_left3A_2080, %and3A_2083 : vector<16xi32>
    %swap3A_2085 = arith.constant 1952 : index
    %swap3A_2086 = tpu.vector_load %arg6[%swap3A_2085] {strides = array<i32>} : memref<3328xi32, #tpu.memory_space<vmem>>, vector<16xi32>,
    %swap3A_2087 = vector.shape_cast %swap3A_2086 : vector<16xi32> to vector<16xi32>
    %swap3A_2088 = vector.shape_cast %add3A_2084 : vector<16xi32> to vector<16xi32>
    tpu.vector_store %arg6[%swap3A_2085], %swap3A_2088 {strides = array<i32>} : memref<3328xi32, #tpu.memory_space<vmem>>, vector<16xi32>,
    %get3A_2089 = arith.constant 1968 : index
    %get3A_2090 = tpu.vector_load %arg5[%get3A_2089] {strides = array<i32>} : memref<3328xi32, #tpu.memory_space<vmem>>, vector<16xi32>,
    %get3A_2091 = vector.shape_cast %get3A_2090 : vector<16xi32> to vector<16xi32>
    %shift_right_arithmetic3A_2092 = arith.constant 15 : i32
    %shift_right_arithmetic3A_2093 = vector.broadcast %shift_right_arithmetic3A_2092 : i32 to vector<16xi32>
    %shift_right_arithmetic3A_2094 = arith.shrsi %get3A_2091, %shift_right_arithmetic3A_2093 : vector<16xi32>
    %shift_left3A_2095 = arith.constant 13 : i32
    %shift_left3A_2096 = vector.broadcast %shift_left3A_2095 : i32 to vector<16xi32>
    %shift_left3A_2097 = arith.shli %shift_right_arithmetic3A_2094, %shift_left3A_2096 : vector<16xi32>
    %and3A_2098 = arith.constant 8191 : i32
    %and3A_2099 = vector.broadcast %and3A_2098 : i32 to vector<16xi32>
    %and3A_2100 = arith.andi %get3A_2091, %and3A_2099 : vector<16xi32>
    %add3A_2101 = arith.addi %shift_left3A_2097, %and3A_2100 : vector<16xi32>
    %swap3A_2102 = arith.constant 1968 : index
    %swap3A_2103 = tpu.vector_load %arg6[%swap3A_2102] {strides = array<i32>} : memref<3328xi32, #tpu.memory_space<vmem>>, vector<16xi32>,
    %swap3A_2104 = vector.shape_cast %swap3A_2103 : vector<16xi32> to vector<16xi32>
    %swap3A_2105 = vector.shape_cast %add3A_2101 : vector<16xi32> to vector<16xi32>
    tpu.vector_store %arg6[%swap3A_2102], %swap3A_2105 {strides = array<i32>} : memref<3328xi32, #tpu.memory_space<vmem>>, vector<16xi32>,
    %get3A_2106 = arith.constant 1984 : index
    %get3A_2107 = tpu.vector_load %arg5[%get3A_2106] {strides = array<i32>} : memref<3328xi32, #tpu.memory_space<vmem>>, vector<16xi32>,
    %get3A_2108 = vector.shape_cast %get3A_2107 : vector<16xi32> to vector<16xi32>
    %shift_right_arithmetic3A_2109 = arith.constant 15 : i32
    %shift_right_arithmetic3A_2110 = vector.broadcast %shift_right_arithmetic3A_2109 : i32 to vector<16xi32>
    %shift_right_arithmetic3A_2111 = arith.shrsi %get3A_2108, %shift_right_arithmetic3A_2110 : vector<16xi32>
    %shift_left3A_2112 = arith.constant 13 : i32
    %shift_left3A_2113 = vector.broadcast %shift_left3A_2112 : i32 to vector<16xi32>
    %shift_left3A_2114 = arith.shli %shift_right_arithmetic3A_2111, %shift_left3A_2113 : vector<16xi32>
    %and3A_2115 = arith.constant 8191 : i32
    %and3A_2116 = vector.broadcast %and3A_2115 : i32 to vector<16xi32>
    %and3A_2117 = arith.andi %get3A_2108, %and3A_2116 : vector<16xi32>
    %add3A_2118 = arith.addi %shift_left3A_2114, %and3A_2117 : vector<16xi32>
    %swap3A_2119 = arith.constant 1984 : index
    %swap3A_2120 = tpu.vector_load %arg6[%swap3A_2119] {strides = array<i32>} : memref<3328xi32, #tpu.memory_space<vmem>>, vector<16xi32>,
    %swap3A_2121 = vector.shape_cast %swap3A_2120 : vector<16xi32> to vector<16xi32>
    %swap3A_2122 = vector.shape_cast %add3A_2118 : vector<16xi32> to vector<16xi32>
    tpu.vector_store %arg6[%swap3A_2119], %swap3A_2122 {strides = array<i32>} : memref<3328xi32, #tpu.memory_space<vmem>>, vector<16xi32>,
    %get3A_2123 = arith.constant 2000 : index
    %get3A_2124 = tpu.vector_load %arg5[%get3A_2123] {strides = array<i32>} : memref<3328xi32, #tpu.memory_space<vmem>>, vector<16xi32>,
    %get3A_2125 = vector.shape_cast %get3A_2124 : vector<16xi32> to vector<16xi32>
    %shift_right_arithmetic3A_2126 = arith.constant 15 : i32
    %shift_right_arithmetic3A_2127 = vector.broadcast %shift_right_arithmetic3A_2126 : i32 to vector<16xi32>
    %shift_right_arithmetic3A_2128 = arith.shrsi %get3A_2125, %shift_right_arithmetic3A_2127 : vector<16xi32>
    %shift_left3A_2129 = arith.constant 13 : i32
    %shift_left3A_2130 = vector.broadcast %shift_left3A_2129 : i32 to vector<16xi32>
    %shift_left3A_2131 = arith.shli %shift_right_arithmetic3A_2128, %shift_left3A_2130 : vector<16xi32>
    %and3A_2132 = arith.constant 8191 : i32
    %and3A_2133 = vector.broadcast %and3A_2132 : i32 to vector<16xi32>
    %and3A_2134 = arith.andi %get3A_2125, %and3A_2133 : vector<16xi32>
    %add3A_2135 = arith.addi %shift_left3A_2131, %and3A_2134 : vector<16xi32>
    %swap3A_2136 = arith.constant 2000 : index
    %swap3A_2137 = tpu.vector_load %arg6[%swap3A_2136] {strides = array<i32>} : memref<3328xi32, #tpu.memory_space<vmem>>, vector<16xi32>,
    %swap3A_2138 = vector.shape_cast %swap3A_2137 : vector<16xi32> to vector<16xi32>
    %swap3A_2139 = vector.shape_cast %add3A_2135 : vector<16xi32> to vector<16xi32>
    tpu.vector_store %arg6[%swap3A_2136], %swap3A_2139 {strides = array<i32>} : memref<3328xi32, #tpu.memory_space<vmem>>, vector<16xi32>,
    %get3A_2140 = arith.constant 2016 : index
    %get3A_2141 = tpu.vector_load %arg5[%get3A_2140] {strides = array<i32>} : memref<3328xi32, #tpu.memory_space<vmem>>, vector<16xi32>,
    %get3A_2142 = vector.shape_cast %get3A_2141 : vector<16xi32> to vector<16xi32>
    %shift_right_arithmetic3A_2143 = arith.constant 15 : i32
    %shift_right_arithmetic3A_2144 = vector.broadcast %shift_right_arithmetic3A_2143 : i32 to vector<16xi32>
    %shift_right_arithmetic3A_2145 = arith.shrsi %get3A_2142, %shift_right_arithmetic3A_2144 : vector<16xi32>
    %shift_left3A_2146 = arith.constant 13 : i32
    %shift_left3A_2147 = vector.broadcast %shift_left3A_2146 : i32 to vector<16xi32>
    %shift_left3A_2148 = arith.shli %shift_right_arithmetic3A_2145, %shift_left3A_2147 : vector<16xi32>
    %and3A_2149 = arith.constant 8191 : i32
    %and3A_2150 = vector.broadcast %and3A_2149 : i32 to vector<16xi32>
    %and3A_2151 = arith.andi %get3A_2142, %and3A_2150 : vector<16xi32>
    %add3A_2152 = arith.addi %shift_left3A_2148, %and3A_2151 : vector<16xi32>
    %swap3A_2153 = arith.constant 2016 : index
    %swap3A_2154 = tpu.vector_load %arg6[%swap3A_2153] {strides = array<i32>} : memref<3328xi32, #tpu.memory_space<vmem>>, vector<16xi32>,
    %swap3A_2155 = vector.shape_cast %swap3A_2154 : vector<16xi32> to vector<16xi32>
    %swap3A_2156 = vector.shape_cast %add3A_2152 : vector<16xi32> to vector<16xi32>
    tpu.vector_store %arg6[%swap3A_2153], %swap3A_2156 {strides = array<i32>} : memref<3328xi32, #tpu.memory_space<vmem>>, vector<16xi32>,
    %get3A_2157 = arith.constant 2032 : index
    %get3A_2158 = tpu.vector_load %arg5[%get3A_2157] {strides = array<i32>} : memref<3328xi32, #tpu.memory_space<vmem>>, vector<16xi32>,
    %get3A_2159 = vector.shape_cast %get3A_2158 : vector<16xi32> to vector<16xi32>
    %shift_right_arithmetic3A_2160 = arith.constant 15 : i32
    %shift_right_arithmetic3A_2161 = vector.broadcast %shift_right_arithmetic3A_2160 : i32 to vector<16xi32>
    %shift_right_arithmetic3A_2162 = arith.shrsi %get3A_2159, %shift_right_arithmetic3A_2161 : vector<16xi32>
    %shift_left3A_2163 = arith.constant 13 : i32
    %shift_left3A_2164 = vector.broadcast %shift_left3A_2163 : i32 to vector<16xi32>
    %shift_left3A_2165 = arith.shli %shift_right_arithmetic3A_2162, %shift_left3A_2164 : vector<16xi32>
    %and3A_2166 = arith.constant 8191 : i32
    %and3A_2167 = vector.broadcast %and3A_2166 : i32 to vector<16xi32>
    %and3A_2168 = arith.andi %get3A_2159, %and3A_2167 : vector<16xi32>
    %add3A_2169 = arith.addi %shift_left3A_2165, %and3A_2168 : vector<16xi32>
    %swap3A_2170 = arith.constant 2032 : index
    %swap3A_2171 = tpu.vector_load %arg6[%swap3A_2170] {strides = array<i32>} : memref<3328xi32, #tpu.memory_space<vmem>>, vector<16xi32>,
    %swap3A_2172 = vector.shape_cast %swap3A_2171 : vector<16xi32> to vector<16xi32>
    %swap3A_2173 = vector.shape_cast %add3A_2169 : vector<16xi32> to vector<16xi32>
    tpu.vector_store %arg6[%swap3A_2170], %swap3A_2173 {strides = array<i32>} : memref<3328xi32, #tpu.memory_space<vmem>>, vector<16xi32>,
    %get3A_2174 = arith.constant 2048 : index
    %get3A_2175 = tpu.vector_load %arg5[%get3A_2174] {strides = array<i32>} : memref<3328xi32, #tpu.memory_space<vmem>>, vector<16xi32>,
    %get3A_2176 = vector.shape_cast %get3A_2175 : vector<16xi32> to vector<16xi32>
    %shift_right_arithmetic3A_2177 = arith.constant 15 : i32
    %shift_right_arithmetic3A_2178 = vector.broadcast %shift_right_arithmetic3A_2177 : i32 to vector<16xi32>
    %shift_right_arithmetic3A_2179 = arith.shrsi %get3A_2176, %shift_right_arithmetic3A_2178 : vector<16xi32>
    %shift_left3A_2180 = arith.constant 13 : i32
    %shift_left3A_2181 = vector.broadcast %shift_left3A_2180 : i32 to vector<16xi32>
    %shift_left3A_2182 = arith.shli %shift_right_arithmetic3A_2179, %shift_left3A_2181 : vector<16xi32>
    %and3A_2183 = arith.constant 8191 : i32
    %and3A_2184 = vector.broadcast %and3A_2183 : i32 to vector<16xi32>
    %and3A_2185 = arith.andi %get3A_2176, %and3A_2184 : vector<16xi32>
    %add3A_2186 = arith.addi %shift_left3A_2182, %and3A_2185 : vector<16xi32>
    %swap3A_2187 = arith.constant 2048 : index
    %swap3A_2188 = tpu.vector_load %arg6[%swap3A_2187] {strides = array<i32>} : memref<3328xi32, #tpu.memory_space<vmem>>, vector<16xi32>,
    %swap3A_2189 = vector.shape_cast %swap3A_2188 : vector<16xi32> to vector<16xi32>
    %swap3A_2190 = vector.shape_cast %add3A_2186 : vector<16xi32> to vector<16xi32>
    tpu.vector_store %arg6[%swap3A_2187], %swap3A_2190 {strides = array<i32>} : memref<3328xi32, #tpu.memory_space<vmem>>, vector<16xi32>,
    %get3A_2191 = arith.constant 2064 : index
    %get3A_2192 = tpu.vector_load %arg5[%get3A_2191] {strides = array<i32>} : memref<3328xi32, #tpu.memory_space<vmem>>, vector<16xi32>,
    %get3A_2193 = vector.shape_cast %get3A_2192 : vector<16xi32> to vector<16xi32>
    %shift_right_arithmetic3A_2194 = arith.constant 15 : i32
    %shift_right_arithmetic3A_2195 = vector.broadcast %shift_right_arithmetic3A_2194 : i32 to vector<16xi32>
    %shift_right_arithmetic3A_2196 = arith.shrsi %get3A_2193, %shift_right_arithmetic3A_2195 : vector<16xi32>
    %shift_left3A_2197 = arith.constant 13 : i32
    %shift_left3A_2198 = vector.broadcast %shift_left3A_2197 : i32 to vector<16xi32>
    %shift_left3A_2199 = arith.shli %shift_right_arithmetic3A_2196, %shift_left3A_2198 : vector<16xi32>
    %and3A_2200 = arith.constant 8191 : i32
    %and3A_2201 = vector.broadcast %and3A_2200 : i32 to vector<16xi32>
    %and3A_2202 = arith.andi %get3A_2193, %and3A_2201 : vector<16xi32>
    %add3A_2203 = arith.addi %shift_left3A_2199, %and3A_2202 : vector<16xi32>
    %swap3A_2204 = arith.constant 2064 : index
    %swap3A_2205 = tpu.vector_load %arg6[%swap3A_2204] {strides = array<i32>} : memref<3328xi32, #tpu.memory_space<vmem>>, vector<16xi32>,
    %swap3A_2206 = vector.shape_cast %swap3A_2205 : vector<16xi32> to vector<16xi32>
    %swap3A_2207 = vector.shape_cast %add3A_2203 : vector<16xi32> to vector<16xi32>
    tpu.vector_store %arg6[%swap3A_2204], %swap3A_2207 {strides = array<i32>} : memref<3328xi32, #tpu.memory_space<vmem>>, vector<16xi32>,
    %get3A_2208 = arith.constant 2080 : index
    %get3A_2209 = tpu.vector_load %arg5[%get3A_2208] {strides = array<i32>} : memref<3328xi32, #tpu.memory_space<vmem>>, vector<16xi32>,
    %get3A_2210 = vector.shape_cast %get3A_2209 : vector<16xi32> to vector<16xi32>
    %shift_right_arithmetic3A_2211 = arith.constant 15 : i32
    %shift_right_arithmetic3A_2212 = vector.broadcast %shift_right_arithmetic3A_2211 : i32 to vector<16xi32>
    %shift_right_arithmetic3A_2213 = arith.shrsi %get3A_2210, %shift_right_arithmetic3A_2212 : vector<16xi32>
    %shift_left3A_2214 = arith.constant 13 : i32
    %shift_left3A_2215 = vector.broadcast %shift_left3A_2214 : i32 to vector<16xi32>
    %shift_left3A_2216 = arith.shli %shift_right_arithmetic3A_2213, %shift_left3A_2215 : vector<16xi32>
    %and3A_2217 = arith.constant 8191 : i32
    %and3A_2218 = vector.broadcast %and3A_2217 : i32 to vector<16xi32>
    %and3A_2219 = arith.andi %get3A_2210, %and3A_2218 : vector<16xi32>
    %add3A_2220 = arith.addi %shift_left3A_2216, %and3A_2219 : vector<16xi32>
    %swap3A_2221 = arith.constant 2080 : index
    %swap3A_2222 = tpu.vector_load %arg6[%swap3A_2221] {strides = array<i32>} : memref<3328xi32, #tpu.memory_space<vmem>>, vector<16xi32>,
    %swap3A_2223 = vector.shape_cast %swap3A_2222 : vector<16xi32> to vector<16xi32>
    %swap3A_2224 = vector.shape_cast %add3A_2220 : vector<16xi32> to vector<16xi32>
    tpu.vector_store %arg6[%swap3A_2221], %swap3A_2224 {strides = array<i32>} : memref<3328xi32, #tpu.memory_space<vmem>>, vector<16xi32>,
    %get3A_2225 = arith.constant 2096 : index
    %get3A_2226 = tpu.vector_load %arg5[%get3A_2225] {strides = array<i32>} : memref<3328xi32, #tpu.memory_space<vmem>>, vector<16xi32>,
    %get3A_2227 = vector.shape_cast %get3A_2226 : vector<16xi32> to vector<16xi32>
    %shift_right_arithmetic3A_2228 = arith.constant 15 : i32
    %shift_right_arithmetic3A_2229 = vector.broadcast %shift_right_arithmetic3A_2228 : i32 to vector<16xi32>
    %shift_right_arithmetic3A_2230 = arith.shrsi %get3A_2227, %shift_right_arithmetic3A_2229 : vector<16xi32>
    %shift_left3A_2231 = arith.constant 13 : i32
    %shift_left3A_2232 = vector.broadcast %shift_left3A_2231 : i32 to vector<16xi32>
    %shift_left3A_2233 = arith.shli %shift_right_arithmetic3A_2230, %shift_left3A_2232 : vector<16xi32>
    %and3A_2234 = arith.constant 8191 : i32
    %and3A_2235 = vector.broadcast %and3A_2234 : i32 to vector<16xi32>
    %and3A_2236 = arith.andi %get3A_2227, %and3A_2235 : vector<16xi32>
    %add3A_2237 = arith.addi %shift_left3A_2233, %and3A_2236 : vector<16xi32>
    %swap3A_2238 = arith.constant 2096 : index
    %swap3A_2239 = tpu.vector_load %arg6[%swap3A_2238] {strides = array<i32>} : memref<3328xi32, #tpu.memory_space<vmem>>, vector<16xi32>,
    %swap3A_2240 = vector.shape_cast %swap3A_2239 : vector<16xi32> to vector<16xi32>
    %swap3A_2241 = vector.shape_cast %add3A_2237 : vector<16xi32> to vector<16xi32>
    tpu.vector_store %arg6[%swap3A_2238], %swap3A_2241 {strides = array<i32>} : memref<3328xi32, #tpu.memory_space<vmem>>, vector<16xi32>,
    %get3A_2242 = arith.constant 2112 : index
    %get3A_2243 = tpu.vector_load %arg5[%get3A_2242] {strides = array<i32>} : memref<3328xi32, #tpu.memory_space<vmem>>, vector<16xi32>,
    %get3A_2244 = vector.shape_cast %get3A_2243 : vector<16xi32> to vector<16xi32>
    %shift_right_arithmetic3A_2245 = arith.constant 15 : i32
    %shift_right_arithmetic3A_2246 = vector.broadcast %shift_right_arithmetic3A_2245 : i32 to vector<16xi32>
    %shift_right_arithmetic3A_2247 = arith.shrsi %get3A_2244, %shift_right_arithmetic3A_2246 : vector<16xi32>
    %shift_left3A_2248 = arith.constant 13 : i32
    %shift_left3A_2249 = vector.broadcast %shift_left3A_2248 : i32 to vector<16xi32>
    %shift_left3A_2250 = arith.shli %shift_right_arithmetic3A_2247, %shift_left3A_2249 : vector<16xi32>
    %and3A_2251 = arith.constant 8191 : i32
    %and3A_2252 = vector.broadcast %and3A_2251 : i32 to vector<16xi32>
    %and3A_2253 = arith.andi %get3A_2244, %and3A_2252 : vector<16xi32>
    %add3A_2254 = arith.addi %shift_left3A_2250, %and3A_2253 : vector<16xi32>
    %swap3A_2255 = arith.constant 2112 : index
    %swap3A_2256 = tpu.vector_load %arg6[%swap3A_2255] {strides = array<i32>} : memref<3328xi32, #tpu.memory_space<vmem>>, vector<16xi32>,
    %swap3A_2257 = vector.shape_cast %swap3A_2256 : vector<16xi32> to vector<16xi32>
    %swap3A_2258 = vector.shape_cast %add3A_2254 : vector<16xi32> to vector<16xi32>
    tpu.vector_store %arg6[%swap3A_2255], %swap3A_2258 {strides = array<i32>} : memref<3328xi32, #tpu.memory_space<vmem>>, vector<16xi32>,
    %get3A_2259 = arith.constant 2128 : index
    %get3A_2260 = tpu.vector_load %arg5[%get3A_2259] {strides = array<i32>} : memref<3328xi32, #tpu.memory_space<vmem>>, vector<16xi32>,
    %get3A_2261 = vector.shape_cast %get3A_2260 : vector<16xi32> to vector<16xi32>
    %shift_right_arithmetic3A_2262 = arith.constant 15 : i32
    %shift_right_arithmetic3A_2263 = vector.broadcast %shift_right_arithmetic3A_2262 : i32 to vector<16xi32>
    %shift_right_arithmetic3A_2264 = arith.shrsi %get3A_2261, %shift_right_arithmetic3A_2263 : vector<16xi32>
    %shift_left3A_2265 = arith.constant 13 : i32
    %shift_left3A_2266 = vector.broadcast %shift_left3A_2265 : i32 to vector<16xi32>
    %shift_left3A_2267 = arith.shli %shift_right_arithmetic3A_2264, %shift_left3A_2266 : vector<16xi32>
    %and3A_2268 = arith.constant 8191 : i32
    %and3A_2269 = vector.broadcast %and3A_2268 : i32 to vector<16xi32>
    %and3A_2270 = arith.andi %get3A_2261, %and3A_2269 : vector<16xi32>
    %add3A_2271 = arith.addi %shift_left3A_2267, %and3A_2270 : vector<16xi32>
    %swap3A_2272 = arith.constant 2128 : index
    %swap3A_2273 = tpu.vector_load %arg6[%swap3A_2272] {strides = array<i32>} : memref<3328xi32, #tpu.memory_space<vmem>>, vector<16xi32>,
    %swap3A_2274 = vector.shape_cast %swap3A_2273 : vector<16xi32> to vector<16xi32>
    %swap3A_2275 = vector.shape_cast %add3A_2271 : vector<16xi32> to vector<16xi32>
    tpu.vector_store %arg6[%swap3A_2272], %swap3A_2275 {strides = array<i32>} : memref<3328xi32, #tpu.memory_space<vmem>>, vector<16xi32>,
    %get3A_2276 = arith.constant 2144 : index
    %get3A_2277 = tpu.vector_load %arg5[%get3A_2276] {strides = array<i32>} : memref<3328xi32, #tpu.memory_space<vmem>>, vector<16xi32>,
    %get3A_2278 = vector.shape_cast %get3A_2277 : vector<16xi32> to vector<16xi32>
    %shift_right_arithmetic3A_2279 = arith.constant 15 : i32
    %shift_right_arithmetic3A_2280 = vector.broadcast %shift_right_arithmetic3A_2279 : i32 to vector<16xi32>
    %shift_right_arithmetic3A_2281 = arith.shrsi %get3A_2278, %shift_right_arithmetic3A_2280 : vector<16xi32>
    %shift_left3A_2282 = arith.constant 13 : i32
    %shift_left3A_2283 = vector.broadcast %shift_left3A_2282 : i32 to vector<16xi32>
    %shift_left3A_2284 = arith.shli %shift_right_arithmetic3A_2281, %shift_left3A_2283 : vector<16xi32>
    %and3A_2285 = arith.constant 8191 : i32
    %and3A_2286 = vector.broadcast %and3A_2285 : i32 to vector<16xi32>
    %and3A_2287 = arith.andi %get3A_2278, %and3A_2286 : vector<16xi32>
    %add3A_2288 = arith.addi %shift_left3A_2284, %and3A_2287 : vector<16xi32>
    %swap3A_2289 = arith.constant 2144 : index
    %swap3A_2290 = tpu.vector_load %arg6[%swap3A_2289] {strides = array<i32>} : memref<3328xi32, #tpu.memory_space<vmem>>, vector<16xi32>,
    %swap3A_2291 = vector.shape_cast %swap3A_2290 : vector<16xi32> to vector<16xi32>
    %swap3A_2292 = vector.shape_cast %add3A_2288 : vector<16xi32> to vector<16xi32>
    tpu.vector_store %arg6[%swap3A_2289], %swap3A_2292 {strides = array<i32>} : memref<3328xi32, #tpu.memory_space<vmem>>, vector<16xi32>,
    %get3A_2293 = arith.constant 2160 : index
    %get3A_2294 = tpu.vector_load %arg5[%get3A_2293] {strides = array<i32>} : memref<3328xi32, #tpu.memory_space<vmem>>, vector<16xi32>,
    %get3A_2295 = vector.shape_cast %get3A_2294 : vector<16xi32> to vector<16xi32>
    %shift_right_arithmetic3A_2296 = arith.constant 15 : i32
    %shift_right_arithmetic3A_2297 = vector.broadcast %shift_right_arithmetic3A_2296 : i32 to vector<16xi32>
    %shift_right_arithmetic3A_2298 = arith.shrsi %get3A_2295, %shift_right_arithmetic3A_2297 : vector<16xi32>
    %shift_left3A_2299 = arith.constant 13 : i32
    %shift_left3A_2300 = vector.broadcast %shift_left3A_2299 : i32 to vector<16xi32>
    %shift_left3A_2301 = arith.shli %shift_right_arithmetic3A_2298, %shift_left3A_2300 : vector<16xi32>
    %and3A_2302 = arith.constant 8191 : i32
    %and3A_2303 = vector.broadcast %and3A_2302 : i32 to vector<16xi32>
    %and3A_2304 = arith.andi %get3A_2295, %and3A_2303 : vector<16xi32>
    %add3A_2305 = arith.addi %shift_left3A_2301, %and3A_2304 : vector<16xi32>
    %swap3A_2306 = arith.constant 2160 : index
    %swap3A_2307 = tpu.vector_load %arg6[%swap3A_2306] {strides = array<i32>} : memref<3328xi32, #tpu.memory_space<vmem>>, vector<16xi32>,
    %swap3A_2308 = vector.shape_cast %swap3A_2307 : vector<16xi32> to vector<16xi32>
    %swap3A_2309 = vector.shape_cast %add3A_2305 : vector<16xi32> to vector<16xi32>
    tpu.vector_store %arg6[%swap3A_2306], %swap3A_2309 {strides = array<i32>} : memref<3328xi32, #tpu.memory_space<vmem>>, vector<16xi32>,
    %get3A_2310 = arith.constant 2176 : index
    %get3A_2311 = tpu.vector_load %arg5[%get3A_2310] {strides = array<i32>} : memref<3328xi32, #tpu.memory_space<vmem>>, vector<16xi32>,
    %get3A_2312 = vector.shape_cast %get3A_2311 : vector<16xi32> to vector<16xi32>
    %shift_right_arithmetic3A_2313 = arith.constant 15 : i32
    %shift_right_arithmetic3A_2314 = vector.broadcast %shift_right_arithmetic3A_2313 : i32 to vector<16xi32>
    %shift_right_arithmetic3A_2315 = arith.shrsi %get3A_2312, %shift_right_arithmetic3A_2314 : vector<16xi32>
    %shift_left3A_2316 = arith.constant 13 : i32
    %shift_left3A_2317 = vector.broadcast %shift_left3A_2316 : i32 to vector<16xi32>
    %shift_left3A_2318 = arith.shli %shift_right_arithmetic3A_2315, %shift_left3A_2317 : vector<16xi32>
    %and3A_2319 = arith.constant 8191 : i32
    %and3A_2320 = vector.broadcast %and3A_2319 : i32 to vector<16xi32>
    %and3A_2321 = arith.andi %get3A_2312, %and3A_2320 : vector<16xi32>
    %add3A_2322 = arith.addi %shift_left3A_2318, %and3A_2321 : vector<16xi32>
    %swap3A_2323 = arith.constant 2176 : index
    %swap3A_2324 = tpu.vector_load %arg6[%swap3A_2323] {strides = array<i32>} : memref<3328xi32, #tpu.memory_space<vmem>>, vector<16xi32>,
    %swap3A_2325 = vector.shape_cast %swap3A_2324 : vector<16xi32> to vector<16xi32>
    %swap3A_2326 = vector.shape_cast %add3A_2322 : vector<16xi32> to vector<16xi32>
    tpu.vector_store %arg6[%swap3A_2323], %swap3A_2326 {strides = array<i32>} : memref<3328xi32, #tpu.memory_space<vmem>>, vector<16xi32>,
    %get3A_2327 = arith.constant 2192 : index
    %get3A_2328 = tpu.vector_load %arg5[%get3A_2327] {strides = array<i32>} : memref<3328xi32, #tpu.memory_space<vmem>>, vector<16xi32>,
    %get3A_2329 = vector.shape_cast %get3A_2328 : vector<16xi32> to vector<16xi32>
    %shift_right_arithmetic3A_2330 = arith.constant 15 : i32
    %shift_right_arithmetic3A_2331 = vector.broadcast %shift_right_arithmetic3A_2330 : i32 to vector<16xi32>
    %shift_right_arithmetic3A_2332 = arith.shrsi %get3A_2329, %shift_right_arithmetic3A_2331 : vector<16xi32>
    %shift_left3A_2333 = arith.constant 13 : i32
    %shift_left3A_2334 = vector.broadcast %shift_left3A_2333 : i32 to vector<16xi32>
    %shift_left3A_2335 = arith.shli %shift_right_arithmetic3A_2332, %shift_left3A_2334 : vector<16xi32>
    %and3A_2336 = arith.constant 8191 : i32
    %and3A_2337 = vector.broadcast %and3A_2336 : i32 to vector<16xi32>
    %and3A_2338 = arith.andi %get3A_2329, %and3A_2337 : vector<16xi32>
    %add3A_2339 = arith.addi %shift_left3A_2335, %and3A_2338 : vector<16xi32>
    %swap3A_2340 = arith.constant 2192 : index
    %swap3A_2341 = tpu.vector_load %arg6[%swap3A_2340] {strides = array<i32>} : memref<3328xi32, #tpu.memory_space<vmem>>, vector<16xi32>,
    %swap3A_2342 = vector.shape_cast %swap3A_2341 : vector<16xi32> to vector<16xi32>
    %swap3A_2343 = vector.shape_cast %add3A_2339 : vector<16xi32> to vector<16xi32>
    tpu.vector_store %arg6[%swap3A_2340], %swap3A_2343 {strides = array<i32>} : memref<3328xi32, #tpu.memory_space<vmem>>, vector<16xi32>,
    %get3A_2344 = arith.constant 2208 : index
    %get3A_2345 = tpu.vector_load %arg5[%get3A_2344] {strides = array<i32>} : memref<3328xi32, #tpu.memory_space<vmem>>, vector<16xi32>,
    %get3A_2346 = vector.shape_cast %get3A_2345 : vector<16xi32> to vector<16xi32>
    %shift_right_arithmetic3A_2347 = arith.constant 15 : i32
    %shift_right_arithmetic3A_2348 = vector.broadcast %shift_right_arithmetic3A_2347 : i32 to vector<16xi32>
    %shift_right_arithmetic3A_2349 = arith.shrsi %get3A_2346, %shift_right_arithmetic3A_2348 : vector<16xi32>
    %shift_left3A_2350 = arith.constant 13 : i32
    %shift_left3A_2351 = vector.broadcast %shift_left3A_2350 : i32 to vector<16xi32>
    %shift_left3A_2352 = arith.shli %shift_right_arithmetic3A_2349, %shift_left3A_2351 : vector<16xi32>
    %and3A_2353 = arith.constant 8191 : i32
    %and3A_2354 = vector.broadcast %and3A_2353 : i32 to vector<16xi32>
    %and3A_2355 = arith.andi %get3A_2346, %and3A_2354 : vector<16xi32>
    %add3A_2356 = arith.addi %shift_left3A_2352, %and3A_2355 : vector<16xi32>
    %swap3A_2357 = arith.constant 2208 : index
    %swap3A_2358 = tpu.vector_load %arg6[%swap3A_2357] {strides = array<i32>} : memref<3328xi32, #tpu.memory_space<vmem>>, vector<16xi32>,
    %swap3A_2359 = vector.shape_cast %swap3A_2358 : vector<16xi32> to vector<16xi32>
    %swap3A_2360 = vector.shape_cast %add3A_2356 : vector<16xi32> to vector<16xi32>
    tpu.vector_store %arg6[%swap3A_2357], %swap3A_2360 {strides = array<i32>} : memref<3328xi32, #tpu.memory_space<vmem>>, vector<16xi32>,
    %get3A_2361 = arith.constant 2224 : index
    %get3A_2362 = tpu.vector_load %arg5[%get3A_2361] {strides = array<i32>} : memref<3328xi32, #tpu.memory_space<vmem>>, vector<16xi32>,
    %get3A_2363 = vector.shape_cast %get3A_2362 : vector<16xi32> to vector<16xi32>
    %shift_right_arithmetic3A_2364 = arith.constant 15 : i32
    %shift_right_arithmetic3A_2365 = vector.broadcast %shift_right_arithmetic3A_2364 : i32 to vector<16xi32>
    %shift_right_arithmetic3A_2366 = arith.shrsi %get3A_2363, %shift_right_arithmetic3A_2365 : vector<16xi32>
    %shift_left3A_2367 = arith.constant 13 : i32
    %shift_left3A_2368 = vector.broadcast %shift_left3A_2367 : i32 to vector<16xi32>
    %shift_left3A_2369 = arith.shli %shift_right_arithmetic3A_2366, %shift_left3A_2368 : vector<16xi32>
    %and3A_2370 = arith.constant 8191 : i32
    %and3A_2371 = vector.broadcast %and3A_2370 : i32 to vector<16xi32>
    %and3A_2372 = arith.andi %get3A_2363, %and3A_2371 : vector<16xi32>
    %add3A_2373 = arith.addi %shift_left3A_2369, %and3A_2372 : vector<16xi32>
    %swap3A_2374 = arith.constant 2224 : index
    %swap3A_2375 = tpu.vector_load %arg6[%swap3A_2374] {strides = array<i32>} : memref<3328xi32, #tpu.memory_space<vmem>>, vector<16xi32>,
    %swap3A_2376 = vector.shape_cast %swap3A_2375 : vector<16xi32> to vector<16xi32>
    %swap3A_2377 = vector.shape_cast %add3A_2373 : vector<16xi32> to vector<16xi32>
    tpu.vector_store %arg6[%swap3A_2374], %swap3A_2377 {strides = array<i32>} : memref<3328xi32, #tpu.memory_space<vmem>>, vector<16xi32>,
    %get3A_2378 = arith.constant 2240 : index
    %get3A_2379 = tpu.vector_load %arg5[%get3A_2378] {strides = array<i32>} : memref<3328xi32, #tpu.memory_space<vmem>>, vector<16xi32>,
    %get3A_2380 = vector.shape_cast %get3A_2379 : vector<16xi32> to vector<16xi32>
    %shift_right_arithmetic3A_2381 = arith.constant 15 : i32
    %shift_right_arithmetic3A_2382 = vector.broadcast %shift_right_arithmetic3A_2381 : i32 to vector<16xi32>
    %shift_right_arithmetic3A_2383 = arith.shrsi %get3A_2380, %shift_right_arithmetic3A_2382 : vector<16xi32>
    %shift_left3A_2384 = arith.constant 13 : i32
    %shift_left3A_2385 = vector.broadcast %shift_left3A_2384 : i32 to vector<16xi32>
    %shift_left3A_2386 = arith.shli %shift_right_arithmetic3A_2383, %shift_left3A_2385 : vector<16xi32>
    %and3A_2387 = arith.constant 8191 : i32
    %and3A_2388 = vector.broadcast %and3A_2387 : i32 to vector<16xi32>
    %and3A_2389 = arith.andi %get3A_2380, %and3A_2388 : vector<16xi32>
    %add3A_2390 = arith.addi %shift_left3A_2386, %and3A_2389 : vector<16xi32>
    %swap3A_2391 = arith.constant 2240 : index
    %swap3A_2392 = tpu.vector_load %arg6[%swap3A_2391] {strides = array<i32>} : memref<3328xi32, #tpu.memory_space<vmem>>, vector<16xi32>,
    %swap3A_2393 = vector.shape_cast %swap3A_2392 : vector<16xi32> to vector<16xi32>
    %swap3A_2394 = vector.shape_cast %add3A_2390 : vector<16xi32> to vector<16xi32>
    tpu.vector_store %arg6[%swap3A_2391], %swap3A_2394 {strides = array<i32>} : memref<3328xi32, #tpu.memory_space<vmem>>, vector<16xi32>,
    %get3A_2395 = arith.constant 2256 : index
    %get3A_2396 = tpu.vector_load %arg5[%get3A_2395] {strides = array<i32>} : memref<3328xi32, #tpu.memory_space<vmem>>, vector<16xi32>,
    %get3A_2397 = vector.shape_cast %get3A_2396 : vector<16xi32> to vector<16xi32>
    %shift_right_arithmetic3A_2398 = arith.constant 15 : i32
    %shift_right_arithmetic3A_2399 = vector.broadcast %shift_right_arithmetic3A_2398 : i32 to vector<16xi32>
    %shift_right_arithmetic3A_2400 = arith.shrsi %get3A_2397, %shift_right_arithmetic3A_2399 : vector<16xi32>
    %shift_left3A_2401 = arith.constant 13 : i32
    %shift_left3A_2402 = vector.broadcast %shift_left3A_2401 : i32 to vector<16xi32>
    %shift_left3A_2403 = arith.shli %shift_right_arithmetic3A_2400, %shift_left3A_2402 : vector<16xi32>
    %and3A_2404 = arith.constant 8191 : i32
    %and3A_2405 = vector.broadcast %and3A_2404 : i32 to vector<16xi32>
    %and3A_2406 = arith.andi %get3A_2397, %and3A_2405 : vector<16xi32>
    %add3A_2407 = arith.addi %shift_left3A_2403, %and3A_2406 : vector<16xi32>
    %swap3A_2408 = arith.constant 2256 : index
    %swap3A_2409 = tpu.vector_load %arg6[%swap3A_2408] {strides = array<i32>} : memref<3328xi32, #tpu.memory_space<vmem>>, vector<16xi32>,
    %swap3A_2410 = vector.shape_cast %swap3A_2409 : vector<16xi32> to vector<16xi32>
    %swap3A_2411 = vector.shape_cast %add3A_2407 : vector<16xi32> to vector<16xi32>
    tpu.vector_store %arg6[%swap3A_2408], %swap3A_2411 {strides = array<i32>} : memref<3328xi32, #tpu.memory_space<vmem>>, vector<16xi32>,
    %get3A_2412 = arith.constant 2272 : index
    %get3A_2413 = tpu.vector_load %arg5[%get3A_2412] {strides = array<i32>} : memref<3328xi32, #tpu.memory_space<vmem>>, vector<16xi32>,
    %get3A_2414 = vector.shape_cast %get3A_2413 : vector<16xi32> to vector<16xi32>
    %shift_right_arithmetic3A_2415 = arith.constant 15 : i32
    %shift_right_arithmetic3A_2416 = vector.broadcast %shift_right_arithmetic3A_2415 : i32 to vector<16xi32>
    %shift_right_arithmetic3A_2417 = arith.shrsi %get3A_2414, %shift_right_arithmetic3A_2416 : vector<16xi32>
    %shift_left3A_2418 = arith.constant 13 : i32
    %shift_left3A_2419 = vector.broadcast %shift_left3A_2418 : i32 to vector<16xi32>
    %shift_left3A_2420 = arith.shli %shift_right_arithmetic3A_2417, %shift_left3A_2419 : vector<16xi32>
    %and3A_2421 = arith.constant 8191 : i32
    %and3A_2422 = vector.broadcast %and3A_2421 : i32 to vector<16xi32>
    %and3A_2423 = arith.andi %get3A_2414, %and3A_2422 : vector<16xi32>
    %add3A_2424 = arith.addi %shift_left3A_2420, %and3A_2423 : vector<16xi32>
    %swap3A_2425 = arith.constant 2272 : index
    %swap3A_2426 = tpu.vector_load %arg6[%swap3A_2425] {strides = array<i32>} : memref<3328xi32, #tpu.memory_space<vmem>>, vector<16xi32>,
    %swap3A_2427 = vector.shape_cast %swap3A_2426 : vector<16xi32> to vector<16xi32>
    %swap3A_2428 = vector.shape_cast %add3A_2424 : vector<16xi32> to vector<16xi32>
    tpu.vector_store %arg6[%swap3A_2425], %swap3A_2428 {strides = array<i32>} : memref<3328xi32, #tpu.memory_space<vmem>>, vector<16xi32>,
    %get3A_2429 = arith.constant 2288 : index
    %get3A_2430 = tpu.vector_load %arg5[%get3A_2429] {strides = array<i32>} : memref<3328xi32, #tpu.memory_space<vmem>>, vector<16xi32>,
    %get3A_2431 = vector.shape_cast %get3A_2430 : vector<16xi32> to vector<16xi32>
    %shift_right_arithmetic3A_2432 = arith.constant 15 : i32
    %shift_right_arithmetic3A_2433 = vector.broadcast %shift_right_arithmetic3A_2432 : i32 to vector<16xi32>
    %shift_right_arithmetic3A_2434 = arith.shrsi %get3A_2431, %shift_right_arithmetic3A_2433 : vector<16xi32>
    %shift_left3A_2435 = arith.constant 13 : i32
    %shift_left3A_2436 = vector.broadcast %shift_left3A_2435 : i32 to vector<16xi32>
    %shift_left3A_2437 = arith.shli %shift_right_arithmetic3A_2434, %shift_left3A_2436 : vector<16xi32>
    %and3A_2438 = arith.constant 8191 : i32
    %and3A_2439 = vector.broadcast %and3A_2438 : i32 to vector<16xi32>
    %and3A_2440 = arith.andi %get3A_2431, %and3A_2439 : vector<16xi32>
    %add3A_2441 = arith.addi %shift_left3A_2437, %and3A_2440 : vector<16xi32>
    %swap3A_2442 = arith.constant 2288 : index
    %swap3A_2443 = tpu.vector_load %arg6[%swap3A_2442] {strides = array<i32>} : memref<3328xi32, #tpu.memory_space<vmem>>, vector<16xi32>,
    %swap3A_2444 = vector.shape_cast %swap3A_2443 : vector<16xi32> to vector<16xi32>
    %swap3A_2445 = vector.shape_cast %add3A_2441 : vector<16xi32> to vector<16xi32>
    tpu.vector_store %arg6[%swap3A_2442], %swap3A_2445 {strides = array<i32>} : memref<3328xi32, #tpu.memory_space<vmem>>, vector<16xi32>,
    %get3A_2446 = arith.constant 2304 : index
    %get3A_2447 = tpu.vector_load %arg5[%get3A_2446] {strides = array<i32>} : memref<3328xi32, #tpu.memory_space<vmem>>, vector<16xi32>,
    %get3A_2448 = vector.shape_cast %get3A_2447 : vector<16xi32> to vector<16xi32>
    %shift_right_arithmetic3A_2449 = arith.constant 15 : i32
    %shift_right_arithmetic3A_2450 = vector.broadcast %shift_right_arithmetic3A_2449 : i32 to vector<16xi32>
    %shift_right_arithmetic3A_2451 = arith.shrsi %get3A_2448, %shift_right_arithmetic3A_2450 : vector<16xi32>
    %shift_left3A_2452 = arith.constant 13 : i32
    %shift_left3A_2453 = vector.broadcast %shift_left3A_2452 : i32 to vector<16xi32>
    %shift_left3A_2454 = arith.shli %shift_right_arithmetic3A_2451, %shift_left3A_2453 : vector<16xi32>
    %and3A_2455 = arith.constant 8191 : i32
    %and3A_2456 = vector.broadcast %and3A_2455 : i32 to vector<16xi32>
    %and3A_2457 = arith.andi %get3A_2448, %and3A_2456 : vector<16xi32>
    %add3A_2458 = arith.addi %shift_left3A_2454, %and3A_2457 : vector<16xi32>
    %swap3A_2459 = arith.constant 2304 : index
    %swap3A_2460 = tpu.vector_load %arg6[%swap3A_2459] {strides = array<i32>} : memref<3328xi32, #tpu.memory_space<vmem>>, vector<16xi32>,
    %swap3A_2461 = vector.shape_cast %swap3A_2460 : vector<16xi32> to vector<16xi32>
    %swap3A_2462 = vector.shape_cast %add3A_2458 : vector<16xi32> to vector<16xi32>
    tpu.vector_store %arg6[%swap3A_2459], %swap3A_2462 {strides = array<i32>} : memref<3328xi32, #tpu.memory_space<vmem>>, vector<16xi32>,
    %get3A_2463 = arith.constant 2320 : index
    %get3A_2464 = tpu.vector_load %arg5[%get3A_2463] {strides = array<i32>} : memref<3328xi32, #tpu.memory_space<vmem>>, vector<16xi32>,
    %get3A_2465 = vector.shape_cast %get3A_2464 : vector<16xi32> to vector<16xi32>
    %shift_right_arithmetic3A_2466 = arith.constant 15 : i32
    %shift_right_arithmetic3A_2467 = vector.broadcast %shift_right_arithmetic3A_2466 : i32 to vector<16xi32>
    %shift_right_arithmetic3A_2468 = arith.shrsi %get3A_2465, %shift_right_arithmetic3A_2467 : vector<16xi32>
    %shift_left3A_2469 = arith.constant 13 : i32
    %shift_left3A_2470 = vector.broadcast %shift_left3A_2469 : i32 to vector<16xi32>
    %shift_left3A_2471 = arith.shli %shift_right_arithmetic3A_2468, %shift_left3A_2470 : vector<16xi32>
    %and3A_2472 = arith.constant 8191 : i32
    %and3A_2473 = vector.broadcast %and3A_2472 : i32 to vector<16xi32>
    %and3A_2474 = arith.andi %get3A_2465, %and3A_2473 : vector<16xi32>
    %add3A_2475 = arith.addi %shift_left3A_2471, %and3A_2474 : vector<16xi32>
    %swap3A_2476 = arith.constant 2320 : index
    %swap3A_2477 = tpu.vector_load %arg6[%swap3A_2476] {strides = array<i32>} : memref<3328xi32, #tpu.memory_space<vmem>>, vector<16xi32>,
    %swap3A_2478 = vector.shape_cast %swap3A_2477 : vector<16xi32> to vector<16xi32>
    %swap3A_2479 = vector.shape_cast %add3A_2475 : vector<16xi32> to vector<16xi32>
    tpu.vector_store %arg6[%swap3A_2476], %swap3A_2479 {strides = array<i32>} : memref<3328xi32, #tpu.memory_space<vmem>>, vector<16xi32>,
    %get3A_2480 = arith.constant 2336 : index
    %get3A_2481 = tpu.vector_load %arg5[%get3A_2480] {strides = array<i32>} : memref<3328xi32, #tpu.memory_space<vmem>>, vector<16xi32>,
    %get3A_2482 = vector.shape_cast %get3A_2481 : vector<16xi32> to vector<16xi32>
    %shift_right_arithmetic3A_2483 = arith.constant 15 : i32
    %shift_right_arithmetic3A_2484 = vector.broadcast %shift_right_arithmetic3A_2483 : i32 to vector<16xi32>
    %shift_right_arithmetic3A_2485 = arith.shrsi %get3A_2482, %shift_right_arithmetic3A_2484 : vector<16xi32>
    %shift_left3A_2486 = arith.constant 13 : i32
    %shift_left3A_2487 = vector.broadcast %shift_left3A_2486 : i32 to vector<16xi32>
    %shift_left3A_2488 = arith.shli %shift_right_arithmetic3A_2485, %shift_left3A_2487 : vector<16xi32>
    %and3A_2489 = arith.constant 8191 : i32
    %and3A_2490 = vector.broadcast %and3A_2489 : i32 to vector<16xi32>
    %and3A_2491 = arith.andi %get3A_2482, %and3A_2490 : vector<16xi32>
    %add3A_2492 = arith.addi %shift_left3A_2488, %and3A_2491 : vector<16xi32>
    %swap3A_2493 = arith.constant 2336 : index
    %swap3A_2494 = tpu.vector_load %arg6[%swap3A_2493] {strides = array<i32>} : memref<3328xi32, #tpu.memory_space<vmem>>, vector<16xi32>,
    %swap3A_2495 = vector.shape_cast %swap3A_2494 : vector<16xi32> to vector<16xi32>
    %swap3A_2496 = vector.shape_cast %add3A_2492 : vector<16xi32> to vector<16xi32>
    tpu.vector_store %arg6[%swap3A_2493], %swap3A_2496 {strides = array<i32>} : memref<3328xi32, #tpu.memory_space<vmem>>, vector<16xi32>,
    %get3A_2497 = arith.constant 2352 : index
    %get3A_2498 = tpu.vector_load %arg5[%get3A_2497] {strides = array<i32>} : memref<3328xi32, #tpu.memory_space<vmem>>, vector<16xi32>,
    %get3A_2499 = vector.shape_cast %get3A_2498 : vector<16xi32> to vector<16xi32>
    %shift_right_arithmetic3A_2500 = arith.constant 15 : i32
    %shift_right_arithmetic3A_2501 = vector.broadcast %shift_right_arithmetic3A_2500 : i32 to vector<16xi32>
    %shift_right_arithmetic3A_2502 = arith.shrsi %get3A_2499, %shift_right_arithmetic3A_2501 : vector<16xi32>
    %shift_left3A_2503 = arith.constant 13 : i32
    %shift_left3A_2504 = vector.broadcast %shift_left3A_2503 : i32 to vector<16xi32>
    %shift_left3A_2505 = arith.shli %shift_right_arithmetic3A_2502, %shift_left3A_2504 : vector<16xi32>
    %and3A_2506 = arith.constant 8191 : i32
    %and3A_2507 = vector.broadcast %and3A_2506 : i32 to vector<16xi32>
    %and3A_2508 = arith.andi %get3A_2499, %and3A_2507 : vector<16xi32>
    %add3A_2509 = arith.addi %shift_left3A_2505, %and3A_2508 : vector<16xi32>
    %swap3A_2510 = arith.constant 2352 : index
    %swap3A_2511 = tpu.vector_load %arg6[%swap3A_2510] {strides = array<i32>} : memref<3328xi32, #tpu.memory_space<vmem>>, vector<16xi32>,
    %swap3A_2512 = vector.shape_cast %swap3A_2511 : vector<16xi32> to vector<16xi32>
    %swap3A_2513 = vector.shape_cast %add3A_2509 : vector<16xi32> to vector<16xi32>
    tpu.vector_store %arg6[%swap3A_2510], %swap3A_2513 {strides = array<i32>} : memref<3328xi32, #tpu.memory_space<vmem>>, vector<16xi32>,
    %get3A_2514 = arith.constant 2368 : index
    %get3A_2515 = tpu.vector_load %arg5[%get3A_2514] {strides = array<i32>} : memref<3328xi32, #tpu.memory_space<vmem>>, vector<16xi32>,
    %get3A_2516 = vector.shape_cast %get3A_2515 : vector<16xi32> to vector<16xi32>
    %shift_right_arithmetic3A_2517 = arith.constant 15 : i32
    %shift_right_arithmetic3A_2518 = vector.broadcast %shift_right_arithmetic3A_2517 : i32 to vector<16xi32>
    %shift_right_arithmetic3A_2519 = arith.shrsi %get3A_2516, %shift_right_arithmetic3A_2518 : vector<16xi32>
    %shift_left3A_2520 = arith.constant 13 : i32
    %shift_left3A_2521 = vector.broadcast %shift_left3A_2520 : i32 to vector<16xi32>
    %shift_left3A_2522 = arith.shli %shift_right_arithmetic3A_2519, %shift_left3A_2521 : vector<16xi32>
    %and3A_2523 = arith.constant 8191 : i32
    %and3A_2524 = vector.broadcast %and3A_2523 : i32 to vector<16xi32>
    %and3A_2525 = arith.andi %get3A_2516, %and3A_2524 : vector<16xi32>
    %add3A_2526 = arith.addi %shift_left3A_2522, %and3A_2525 : vector<16xi32>
    %swap3A_2527 = arith.constant 2368 : index
    %swap3A_2528 = tpu.vector_load %arg6[%swap3A_2527] {strides = array<i32>} : memref<3328xi32, #tpu.memory_space<vmem>>, vector<16xi32>,
    %swap3A_2529 = vector.shape_cast %swap3A_2528 : vector<16xi32> to vector<16xi32>
    %swap3A_2530 = vector.shape_cast %add3A_2526 : vector<16xi32> to vector<16xi32>
    tpu.vector_store %arg6[%swap3A_2527], %swap3A_2530 {strides = array<i32>} : memref<3328xi32, #tpu.memory_space<vmem>>, vector<16xi32>,
    %get3A_2531 = arith.constant 2384 : index
    %get3A_2532 = tpu.vector_load %arg5[%get3A_2531] {strides = array<i32>} : memref<3328xi32, #tpu.memory_space<vmem>>, vector<16xi32>,
    %get3A_2533 = vector.shape_cast %get3A_2532 : vector<16xi32> to vector<16xi32>
    %shift_right_arithmetic3A_2534 = arith.constant 15 : i32
    %shift_right_arithmetic3A_2535 = vector.broadcast %shift_right_arithmetic3A_2534 : i32 to vector<16xi32>
    %shift_right_arithmetic3A_2536 = arith.shrsi %get3A_2533, %shift_right_arithmetic3A_2535 : vector<16xi32>
    %shift_left3A_2537 = arith.constant 13 : i32
    %shift_left3A_2538 = vector.broadcast %shift_left3A_2537 : i32 to vector<16xi32>
    %shift_left3A_2539 = arith.shli %shift_right_arithmetic3A_2536, %shift_left3A_2538 : vector<16xi32>
    %and3A_2540 = arith.constant 8191 : i32
    %and3A_2541 = vector.broadcast %and3A_2540 : i32 to vector<16xi32>
    %and3A_2542 = arith.andi %get3A_2533, %and3A_2541 : vector<16xi32>
    %add3A_2543 = arith.addi %shift_left3A_2539, %and3A_2542 : vector<16xi32>
    %swap3A_2544 = arith.constant 2384 : index
    %swap3A_2545 = tpu.vector_load %arg6[%swap3A_2544] {strides = array<i32>} : memref<3328xi32, #tpu.memory_space<vmem>>, vector<16xi32>,
    %swap3A_2546 = vector.shape_cast %swap3A_2545 : vector<16xi32> to vector<16xi32>
    %swap3A_2547 = vector.shape_cast %add3A_2543 : vector<16xi32> to vector<16xi32>
    tpu.vector_store %arg6[%swap3A_2544], %swap3A_2547 {strides = array<i32>} : memref<3328xi32, #tpu.memory_space<vmem>>, vector<16xi32>,
    %get3A_2548 = arith.constant 2400 : index
    %get3A_2549 = tpu.vector_load %arg5[%get3A_2548] {strides = array<i32>} : memref<3328xi32, #tpu.memory_space<vmem>>, vector<16xi32>,
    %get3A_2550 = vector.shape_cast %get3A_2549 : vector<16xi32> to vector<16xi32>
    %shift_right_arithmetic3A_2551 = arith.constant 15 : i32
    %shift_right_arithmetic3A_2552 = vector.broadcast %shift_right_arithmetic3A_2551 : i32 to vector<16xi32>
    %shift_right_arithmetic3A_2553 = arith.shrsi %get3A_2550, %shift_right_arithmetic3A_2552 : vector<16xi32>
    %shift_left3A_2554 = arith.constant 13 : i32
    %shift_left3A_2555 = vector.broadcast %shift_left3A_2554 : i32 to vector<16xi32>
    %shift_left3A_2556 = arith.shli %shift_right_arithmetic3A_2553, %shift_left3A_2555 : vector<16xi32>
    %and3A_2557 = arith.constant 8191 : i32
    %and3A_2558 = vector.broadcast %and3A_2557 : i32 to vector<16xi32>
    %and3A_2559 = arith.andi %get3A_2550, %and3A_2558 : vector<16xi32>
    %add3A_2560 = arith.addi %shift_left3A_2556, %and3A_2559 : vector<16xi32>
    %swap3A_2561 = arith.constant 2400 : index
    %swap3A_2562 = tpu.vector_load %arg6[%swap3A_2561] {strides = array<i32>} : memref<3328xi32, #tpu.memory_space<vmem>>, vector<16xi32>,
    %swap3A_2563 = vector.shape_cast %swap3A_2562 : vector<16xi32> to vector<16xi32>
    %swap3A_2564 = vector.shape_cast %add3A_2560 : vector<16xi32> to vector<16xi32>
    tpu.vector_store %arg6[%swap3A_2561], %swap3A_2564 {strides = array<i32>} : memref<3328xi32, #tpu.memory_space<vmem>>, vector<16xi32>,
    %get3A_2565 = arith.constant 2416 : index
    %get3A_2566 = tpu.vector_load %arg5[%get3A_2565] {strides = array<i32>} : memref<3328xi32, #tpu.memory_space<vmem>>, vector<16xi32>,
    %get3A_2567 = vector.shape_cast %get3A_2566 : vector<16xi32> to vector<16xi32>
    %shift_right_arithmetic3A_2568 = arith.constant 15 : i32
    %shift_right_arithmetic3A_2569 = vector.broadcast %shift_right_arithmetic3A_2568 : i32 to vector<16xi32>
    %shift_right_arithmetic3A_2570 = arith.shrsi %get3A_2567, %shift_right_arithmetic3A_2569 : vector<16xi32>
    %shift_left3A_2571 = arith.constant 13 : i32
    %shift_left3A_2572 = vector.broadcast %shift_left3A_2571 : i32 to vector<16xi32>
    %shift_left3A_2573 = arith.shli %shift_right_arithmetic3A_2570, %shift_left3A_2572 : vector<16xi32>
    %and3A_2574 = arith.constant 8191 : i32
    %and3A_2575 = vector.broadcast %and3A_2574 : i32 to vector<16xi32>
    %and3A_2576 = arith.andi %get3A_2567, %and3A_2575 : vector<16xi32>
    %add3A_2577 = arith.addi %shift_left3A_2573, %and3A_2576 : vector<16xi32>
    %swap3A_2578 = arith.constant 2416 : index
    %swap3A_2579 = tpu.vector_load %arg6[%swap3A_2578] {strides = array<i32>} : memref<3328xi32, #tpu.memory_space<vmem>>, vector<16xi32>,
    %swap3A_2580 = vector.shape_cast %swap3A_2579 : vector<16xi32> to vector<16xi32>
    %swap3A_2581 = vector.shape_cast %add3A_2577 : vector<16xi32> to vector<16xi32>
    tpu.vector_store %arg6[%swap3A_2578], %swap3A_2581 {strides = array<i32>} : memref<3328xi32, #tpu.memory_space<vmem>>, vector<16xi32>,
    %get3A_2582 = arith.constant 2432 : index
    %get3A_2583 = tpu.vector_load %arg5[%get3A_2582] {strides = array<i32>} : memref<3328xi32, #tpu.memory_space<vmem>>, vector<16xi32>,
    %get3A_2584 = vector.shape_cast %get3A_2583 : vector<16xi32> to vector<16xi32>
    %shift_right_arithmetic3A_2585 = arith.constant 15 : i32
    %shift_right_arithmetic3A_2586 = vector.broadcast %shift_right_arithmetic3A_2585 : i32 to vector<16xi32>
    %shift_right_arithmetic3A_2587 = arith.shrsi %get3A_2584, %shift_right_arithmetic3A_2586 : vector<16xi32>
    %shift_left3A_2588 = arith.constant 13 : i32
    %shift_left3A_2589 = vector.broadcast %shift_left3A_2588 : i32 to vector<16xi32>
    %shift_left3A_2590 = arith.shli %shift_right_arithmetic3A_2587, %shift_left3A_2589 : vector<16xi32>
    %and3A_2591 = arith.constant 8191 : i32
    %and3A_2592 = vector.broadcast %and3A_2591 : i32 to vector<16xi32>
    %and3A_2593 = arith.andi %get3A_2584, %and3A_2592 : vector<16xi32>
    %add3A_2594 = arith.addi %shift_left3A_2590, %and3A_2593 : vector<16xi32>
    %swap3A_2595 = arith.constant 2432 : index
    %swap3A_2596 = tpu.vector_load %arg6[%swap3A_2595] {strides = array<i32>} : memref<3328xi32, #tpu.memory_space<vmem>>, vector<16xi32>,
    %swap3A_2597 = vector.shape_cast %swap3A_2596 : vector<16xi32> to vector<16xi32>
    %swap3A_2598 = vector.shape_cast %add3A_2594 : vector<16xi32> to vector<16xi32>
    tpu.vector_store %arg6[%swap3A_2595], %swap3A_2598 {strides = array<i32>} : memref<3328xi32, #tpu.memory_space<vmem>>, vector<16xi32>,
    %get3A_2599 = arith.constant 2448 : index
    %get3A_2600 = tpu.vector_load %arg5[%get3A_2599] {strides = array<i32>} : memref<3328xi32, #tpu.memory_space<vmem>>, vector<16xi32>,
    %get3A_2601 = vector.shape_cast %get3A_2600 : vector<16xi32> to vector<16xi32>
    %shift_right_arithmetic3A_2602 = arith.constant 15 : i32
    %shift_right_arithmetic3A_2603 = vector.broadcast %shift_right_arithmetic3A_2602 : i32 to vector<16xi32>
    %shift_right_arithmetic3A_2604 = arith.shrsi %get3A_2601, %shift_right_arithmetic3A_2603 : vector<16xi32>
    %shift_left3A_2605 = arith.constant 13 : i32
    %shift_left3A_2606 = vector.broadcast %shift_left3A_2605 : i32 to vector<16xi32>
    %shift_left3A_2607 = arith.shli %shift_right_arithmetic3A_2604, %shift_left3A_2606 : vector<16xi32>
    %and3A_2608 = arith.constant 8191 : i32
    %and3A_2609 = vector.broadcast %and3A_2608 : i32 to vector<16xi32>
    %and3A_2610 = arith.andi %get3A_2601, %and3A_2609 : vector<16xi32>
    %add3A_2611 = arith.addi %shift_left3A_2607, %and3A_2610 : vector<16xi32>
    %swap3A_2612 = arith.constant 2448 : index
    %swap3A_2613 = tpu.vector_load %arg6[%swap3A_2612] {strides = array<i32>} : memref<3328xi32, #tpu.memory_space<vmem>>, vector<16xi32>,
    %swap3A_2614 = vector.shape_cast %swap3A_2613 : vector<16xi32> to vector<16xi32>
    %swap3A_2615 = vector.shape_cast %add3A_2611 : vector<16xi32> to vector<16xi32>
    tpu.vector_store %arg6[%swap3A_2612], %swap3A_2615 {strides = array<i32>} : memref<3328xi32, #tpu.memory_space<vmem>>, vector<16xi32>,
    %get3A_2616 = arith.constant 2464 : index
    %get3A_2617 = tpu.vector_load %arg5[%get3A_2616] {strides = array<i32>} : memref<3328xi32, #tpu.memory_space<vmem>>, vector<16xi32>,
    %get3A_2618 = vector.shape_cast %get3A_2617 : vector<16xi32> to vector<16xi32>
    %shift_right_arithmetic3A_2619 = arith.constant 15 : i32
    %shift_right_arithmetic3A_2620 = vector.broadcast %shift_right_arithmetic3A_2619 : i32 to vector<16xi32>
    %shift_right_arithmetic3A_2621 = arith.shrsi %get3A_2618, %shift_right_arithmetic3A_2620 : vector<16xi32>
    %shift_left3A_2622 = arith.constant 13 : i32
    %shift_left3A_2623 = vector.broadcast %shift_left3A_2622 : i32 to vector<16xi32>
    %shift_left3A_2624 = arith.shli %shift_right_arithmetic3A_2621, %shift_left3A_2623 : vector<16xi32>
    %and3A_2625 = arith.constant 8191 : i32
    %and3A_2626 = vector.broadcast %and3A_2625 : i32 to vector<16xi32>
    %and3A_2627 = arith.andi %get3A_2618, %and3A_2626 : vector<16xi32>
    %add3A_2628 = arith.addi %shift_left3A_2624, %and3A_2627 : vector<16xi32>
    %swap3A_2629 = arith.constant 2464 : index
    %swap3A_2630 = tpu.vector_load %arg6[%swap3A_2629] {strides = array<i32>} : memref<3328xi32, #tpu.memory_space<vmem>>, vector<16xi32>,
    %swap3A_2631 = vector.shape_cast %swap3A_2630 : vector<16xi32> to vector<16xi32>
    %swap3A_2632 = vector.shape_cast %add3A_2628 : vector<16xi32> to vector<16xi32>
    tpu.vector_store %arg6[%swap3A_2629], %swap3A_2632 {strides = array<i32>} : memref<3328xi32, #tpu.memory_space<vmem>>, vector<16xi32>,
    %get3A_2633 = arith.constant 2480 : index
    %get3A_2634 = tpu.vector_load %arg5[%get3A_2633] {strides = array<i32>} : memref<3328xi32, #tpu.memory_space<vmem>>, vector<16xi32>,
    %get3A_2635 = vector.shape_cast %get3A_2634 : vector<16xi32> to vector<16xi32>
    %shift_right_arithmetic3A_2636 = arith.constant 15 : i32
    %shift_right_arithmetic3A_2637 = vector.broadcast %shift_right_arithmetic3A_2636 : i32 to vector<16xi32>
    %shift_right_arithmetic3A_2638 = arith.shrsi %get3A_2635, %shift_right_arithmetic3A_2637 : vector<16xi32>
    %shift_left3A_2639 = arith.constant 13 : i32
    %shift_left3A_2640 = vector.broadcast %shift_left3A_2639 : i32 to vector<16xi32>
    %shift_left3A_2641 = arith.shli %shift_right_arithmetic3A_2638, %shift_left3A_2640 : vector<16xi32>
    %and3A_2642 = arith.constant 8191 : i32
    %and3A_2643 = vector.broadcast %and3A_2642 : i32 to vector<16xi32>
    %and3A_2644 = arith.andi %get3A_2635, %and3A_2643 : vector<16xi32>
    %add3A_2645 = arith.addi %shift_left3A_2641, %and3A_2644 : vector<16xi32>
    %swap3A_2646 = arith.constant 2480 : index
    %swap3A_2647 = tpu.vector_load %arg6[%swap3A_2646] {strides = array<i32>} : memref<3328xi32, #tpu.memory_space<vmem>>, vector<16xi32>,
    %swap3A_2648 = vector.shape_cast %swap3A_2647 : vector<16xi32> to vector<16xi32>
    %swap3A_2649 = vector.shape_cast %add3A_2645 : vector<16xi32> to vector<16xi32>
    tpu.vector_store %arg6[%swap3A_2646], %swap3A_2649 {strides = array<i32>} : memref<3328xi32, #tpu.memory_space<vmem>>, vector<16xi32>,
    %get3A_2650 = arith.constant 2496 : index
    %get3A_2651 = tpu.vector_load %arg5[%get3A_2650] {strides = array<i32>} : memref<3328xi32, #tpu.memory_space<vmem>>, vector<16xi32>,
    %get3A_2652 = vector.shape_cast %get3A_2651 : vector<16xi32> to vector<16xi32>
    %shift_right_arithmetic3A_2653 = arith.constant 15 : i32
    %shift_right_arithmetic3A_2654 = vector.broadcast %shift_right_arithmetic3A_2653 : i32 to vector<16xi32>
    %shift_right_arithmetic3A_2655 = arith.shrsi %get3A_2652, %shift_right_arithmetic3A_2654 : vector<16xi32>
    %shift_left3A_2656 = arith.constant 13 : i32
    %shift_left3A_2657 = vector.broadcast %shift_left3A_2656 : i32 to vector<16xi32>
    %shift_left3A_2658 = arith.shli %shift_right_arithmetic3A_2655, %shift_left3A_2657 : vector<16xi32>
    %and3A_2659 = arith.constant 8191 : i32
    %and3A_2660 = vector.broadcast %and3A_2659 : i32 to vector<16xi32>
    %and3A_2661 = arith.andi %get3A_2652, %and3A_2660 : vector<16xi32>
    %add3A_2662 = arith.addi %shift_left3A_2658, %and3A_2661 : vector<16xi32>
    %swap3A_2663 = arith.constant 2496 : index
    %swap3A_2664 = tpu.vector_load %arg6[%swap3A_2663] {strides = array<i32>} : memref<3328xi32, #tpu.memory_space<vmem>>, vector<16xi32>,
    %swap3A_2665 = vector.shape_cast %swap3A_2664 : vector<16xi32> to vector<16xi32>
    %swap3A_2666 = vector.shape_cast %add3A_2662 : vector<16xi32> to vector<16xi32>
    tpu.vector_store %arg6[%swap3A_2663], %swap3A_2666 {strides = array<i32>} : memref<3328xi32, #tpu.memory_space<vmem>>, vector<16xi32>,
    %get3A_2667 = arith.constant 2512 : index
    %get3A_2668 = tpu.vector_load %arg5[%get3A_2667] {strides = array<i32>} : memref<3328xi32, #tpu.memory_space<vmem>>, vector<16xi32>,
    %get3A_2669 = vector.shape_cast %get3A_2668 : vector<16xi32> to vector<16xi32>
    %shift_right_arithmetic3A_2670 = arith.constant 15 : i32
    %shift_right_arithmetic3A_2671 = vector.broadcast %shift_right_arithmetic3A_2670 : i32 to vector<16xi32>
    %shift_right_arithmetic3A_2672 = arith.shrsi %get3A_2669, %shift_right_arithmetic3A_2671 : vector<16xi32>
    %shift_left3A_2673 = arith.constant 13 : i32
    %shift_left3A_2674 = vector.broadcast %shift_left3A_2673 : i32 to vector<16xi32>
    %shift_left3A_2675 = arith.shli %shift_right_arithmetic3A_2672, %shift_left3A_2674 : vector<16xi32>
    %and3A_2676 = arith.constant 8191 : i32
    %and3A_2677 = vector.broadcast %and3A_2676 : i32 to vector<16xi32>
    %and3A_2678 = arith.andi %get3A_2669, %and3A_2677 : vector<16xi32>
    %add3A_2679 = arith.addi %shift_left3A_2675, %and3A_2678 : vector<16xi32>
    %swap3A_2680 = arith.constant 2512 : index
    %swap3A_2681 = tpu.vector_load %arg6[%swap3A_2680] {strides = array<i32>} : memref<3328xi32, #tpu.memory_space<vmem>>, vector<16xi32>,
    %swap3A_2682 = vector.shape_cast %swap3A_2681 : vector<16xi32> to vector<16xi32>
    %swap3A_2683 = vector.shape_cast %add3A_2679 : vector<16xi32> to vector<16xi32>
    tpu.vector_store %arg6[%swap3A_2680], %swap3A_2683 {strides = array<i32>} : memref<3328xi32, #tpu.memory_space<vmem>>, vector<16xi32>,
    %get3A_2684 = arith.constant 2528 : index
    %get3A_2685 = tpu.vector_load %arg5[%get3A_2684] {strides = array<i32>} : memref<3328xi32, #tpu.memory_space<vmem>>, vector<16xi32>,
    %get3A_2686 = vector.shape_cast %get3A_2685 : vector<16xi32> to vector<16xi32>
    %shift_right_arithmetic3A_2687 = arith.constant 15 : i32
    %shift_right_arithmetic3A_2688 = vector.broadcast %shift_right_arithmetic3A_2687 : i32 to vector<16xi32>
    %shift_right_arithmetic3A_2689 = arith.shrsi %get3A_2686, %shift_right_arithmetic3A_2688 : vector<16xi32>
    %shift_left3A_2690 = arith.constant 13 : i32
    %shift_left3A_2691 = vector.broadcast %shift_left3A_2690 : i32 to vector<16xi32>
    %shift_left3A_2692 = arith.shli %shift_right_arithmetic3A_2689, %shift_left3A_2691 : vector<16xi32>
    %and3A_2693 = arith.constant 8191 : i32
    %and3A_2694 = vector.broadcast %and3A_2693 : i32 to vector<16xi32>
    %and3A_2695 = arith.andi %get3A_2686, %and3A_2694 : vector<16xi32>
    %add3A_2696 = arith.addi %shift_left3A_2692, %and3A_2695 : vector<16xi32>
    %swap3A_2697 = arith.constant 2528 : index
    %swap3A_2698 = tpu.vector_load %arg6[%swap3A_2697] {strides = array<i32>} : memref<3328xi32, #tpu.memory_space<vmem>>, vector<16xi32>,
    %swap3A_2699 = vector.shape_cast %swap3A_2698 : vector<16xi32> to vector<16xi32>
    %swap3A_2700 = vector.shape_cast %add3A_2696 : vector<16xi32> to vector<16xi32>
    tpu.vector_store %arg6[%swap3A_2697], %swap3A_2700 {strides = array<i32>} : memref<3328xi32, #tpu.memory_space<vmem>>, vector<16xi32>,
    %get3A_2701 = arith.constant 2544 : index
    %get3A_2702 = tpu.vector_load %arg5[%get3A_2701] {strides = array<i32>} : memref<3328xi32, #tpu.memory_space<vmem>>, vector<16xi32>,
    %get3A_2703 = vector.shape_cast %get3A_2702 : vector<16xi32> to vector<16xi32>
    %shift_right_arithmetic3A_2704 = arith.constant 15 : i32
    %shift_right_arithmetic3A_2705 = vector.broadcast %shift_right_arithmetic3A_2704 : i32 to vector<16xi32>
    %shift_right_arithmetic3A_2706 = arith.shrsi %get3A_2703, %shift_right_arithmetic3A_2705 : vector<16xi32>
    %shift_left3A_2707 = arith.constant 13 : i32
    %shift_left3A_2708 = vector.broadcast %shift_left3A_2707 : i32 to vector<16xi32>
    %shift_left3A_2709 = arith.shli %shift_right_arithmetic3A_2706, %shift_left3A_2708 : vector<16xi32>
    %and3A_2710 = arith.constant 8191 : i32
    %and3A_2711 = vector.broadcast %and3A_2710 : i32 to vector<16xi32>
    %and3A_2712 = arith.andi %get3A_2703, %and3A_2711 : vector<16xi32>
    %add3A_2713 = arith.addi %shift_left3A_2709, %and3A_2712 : vector<16xi32>
    %swap3A_2714 = arith.constant 2544 : index
    %swap3A_2715 = tpu.vector_load %arg6[%swap3A_2714] {strides = array<i32>} : memref<3328xi32, #tpu.memory_space<vmem>>, vector<16xi32>,
    %swap3A_2716 = vector.shape_cast %swap3A_2715 : vector<16xi32> to vector<16xi32>
    %swap3A_2717 = vector.shape_cast %add3A_2713 : vector<16xi32> to vector<16xi32>
    tpu.vector_store %arg6[%swap3A_2714], %swap3A_2717 {strides = array<i32>} : memref<3328xi32, #tpu.memory_space<vmem>>, vector<16xi32>,
    %get3A_2718 = arith.constant 2560 : index
    %get3A_2719 = tpu.vector_load %arg5[%get3A_2718] {strides = array<i32>} : memref<3328xi32, #tpu.memory_space<vmem>>, vector<16xi32>,
    %get3A_2720 = vector.shape_cast %get3A_2719 : vector<16xi32> to vector<16xi32>
    %shift_right_arithmetic3A_2721 = arith.constant 15 : i32
    %shift_right_arithmetic3A_2722 = vector.broadcast %shift_right_arithmetic3A_2721 : i32 to vector<16xi32>
    %shift_right_arithmetic3A_2723 = arith.shrsi %get3A_2720, %shift_right_arithmetic3A_2722 : vector<16xi32>
    %shift_left3A_2724 = arith.constant 13 : i32
    %shift_left3A_2725 = vector.broadcast %shift_left3A_2724 : i32 to vector<16xi32>
    %shift_left3A_2726 = arith.shli %shift_right_arithmetic3A_2723, %shift_left3A_2725 : vector<16xi32>
    %and3A_2727 = arith.constant 8191 : i32
    %and3A_2728 = vector.broadcast %and3A_2727 : i32 to vector<16xi32>
    %and3A_2729 = arith.andi %get3A_2720, %and3A_2728 : vector<16xi32>
    %add3A_2730 = arith.addi %shift_left3A_2726, %and3A_2729 : vector<16xi32>
    %swap3A_2731 = arith.constant 2560 : index
    %swap3A_2732 = tpu.vector_load %arg6[%swap3A_2731] {strides = array<i32>} : memref<3328xi32, #tpu.memory_space<vmem>>, vector<16xi32>,
    %swap3A_2733 = vector.shape_cast %swap3A_2732 : vector<16xi32> to vector<16xi32>
    %swap3A_2734 = vector.shape_cast %add3A_2730 : vector<16xi32> to vector<16xi32>
    tpu.vector_store %arg6[%swap3A_2731], %swap3A_2734 {strides = array<i32>} : memref<3328xi32, #tpu.memory_space<vmem>>, vector<16xi32>,
    %get3A_2735 = arith.constant 2576 : index
    %get3A_2736 = tpu.vector_load %arg5[%get3A_2735] {strides = array<i32>} : memref<3328xi32, #tpu.memory_space<vmem>>, vector<16xi32>,
    %get3A_2737 = vector.shape_cast %get3A_2736 : vector<16xi32> to vector<16xi32>
    %shift_right_arithmetic3A_2738 = arith.constant 15 : i32
    %shift_right_arithmetic3A_2739 = vector.broadcast %shift_right_arithmetic3A_2738 : i32 to vector<16xi32>
    %shift_right_arithmetic3A_2740 = arith.shrsi %get3A_2737, %shift_right_arithmetic3A_2739 : vector<16xi32>
    %shift_left3A_2741 = arith.constant 13 : i32
    %shift_left3A_2742 = vector.broadcast %shift_left3A_2741 : i32 to vector<16xi32>
    %shift_left3A_2743 = arith.shli %shift_right_arithmetic3A_2740, %shift_left3A_2742 : vector<16xi32>
    %and3A_2744 = arith.constant 8191 : i32
    %and3A_2745 = vector.broadcast %and3A_2744 : i32 to vector<16xi32>
    %and3A_2746 = arith.andi %get3A_2737, %and3A_2745 : vector<16xi32>
    %add3A_2747 = arith.addi %shift_left3A_2743, %and3A_2746 : vector<16xi32>
    %swap3A_2748 = arith.constant 2576 : index
    %swap3A_2749 = tpu.vector_load %arg6[%swap3A_2748] {strides = array<i32>} : memref<3328xi32, #tpu.memory_space<vmem>>, vector<16xi32>,
    %swap3A_2750 = vector.shape_cast %swap3A_2749 : vector<16xi32> to vector<16xi32>
    %swap3A_2751 = vector.shape_cast %add3A_2747 : vector<16xi32> to vector<16xi32>
    tpu.vector_store %arg6[%swap3A_2748], %swap3A_2751 {strides = array<i32>} : memref<3328xi32, #tpu.memory_space<vmem>>, vector<16xi32>,
    %get3A_2752 = arith.constant 2592 : index
    %get3A_2753 = tpu.vector_load %arg5[%get3A_2752] {strides = array<i32>} : memref<3328xi32, #tpu.memory_space<vmem>>, vector<16xi32>,
    %get3A_2754 = vector.shape_cast %get3A_2753 : vector<16xi32> to vector<16xi32>
    %shift_right_arithmetic3A_2755 = arith.constant 15 : i32
    %shift_right_arithmetic3A_2756 = vector.broadcast %shift_right_arithmetic3A_2755 : i32 to vector<16xi32>
    %shift_right_arithmetic3A_2757 = arith.shrsi %get3A_2754, %shift_right_arithmetic3A_2756 : vector<16xi32>
    %shift_left3A_2758 = arith.constant 13 : i32
    %shift_left3A_2759 = vector.broadcast %shift_left3A_2758 : i32 to vector<16xi32>
    %shift_left3A_2760 = arith.shli %shift_right_arithmetic3A_2757, %shift_left3A_2759 : vector<16xi32>
    %and3A_2761 = arith.constant 8191 : i32
    %and3A_2762 = vector.broadcast %and3A_2761 : i32 to vector<16xi32>
    %and3A_2763 = arith.andi %get3A_2754, %and3A_2762 : vector<16xi32>
    %add3A_2764 = arith.addi %shift_left3A_2760, %and3A_2763 : vector<16xi32>
    %swap3A_2765 = arith.constant 2592 : index
    %swap3A_2766 = tpu.vector_load %arg6[%swap3A_2765] {strides = array<i32>} : memref<3328xi32, #tpu.memory_space<vmem>>, vector<16xi32>,
    %swap3A_2767 = vector.shape_cast %swap3A_2766 : vector<16xi32> to vector<16xi32>
    %swap3A_2768 = vector.shape_cast %add3A_2764 : vector<16xi32> to vector<16xi32>
    tpu.vector_store %arg6[%swap3A_2765], %swap3A_2768 {strides = array<i32>} : memref<3328xi32, #tpu.memory_space<vmem>>, vector<16xi32>,
    %get3A_2769 = arith.constant 2608 : index
    %get3A_2770 = tpu.vector_load %arg5[%get3A_2769] {strides = array<i32>} : memref<3328xi32, #tpu.memory_space<vmem>>, vector<16xi32>,
    %get3A_2771 = vector.shape_cast %get3A_2770 : vector<16xi32> to vector<16xi32>
    %shift_right_arithmetic3A_2772 = arith.constant 15 : i32
    %shift_right_arithmetic3A_2773 = vector.broadcast %shift_right_arithmetic3A_2772 : i32 to vector<16xi32>
    %shift_right_arithmetic3A_2774 = arith.shrsi %get3A_2771, %shift_right_arithmetic3A_2773 : vector<16xi32>
    %shift_left3A_2775 = arith.constant 13 : i32
    %shift_left3A_2776 = vector.broadcast %shift_left3A_2775 : i32 to vector<16xi32>
    %shift_left3A_2777 = arith.shli %shift_right_arithmetic3A_2774, %shift_left3A_2776 : vector<16xi32>
    %and3A_2778 = arith.constant 8191 : i32
    %and3A_2779 = vector.broadcast %and3A_2778 : i32 to vector<16xi32>
    %and3A_2780 = arith.andi %get3A_2771, %and3A_2779 : vector<16xi32>
    %add3A_2781 = arith.addi %shift_left3A_2777, %and3A_2780 : vector<16xi32>
    %swap3A_2782 = arith.constant 2608 : index
    %swap3A_2783 = tpu.vector_load %arg6[%swap3A_2782] {strides = array<i32>} : memref<3328xi32, #tpu.memory_space<vmem>>, vector<16xi32>,
    %swap3A_2784 = vector.shape_cast %swap3A_2783 : vector<16xi32> to vector<16xi32>
    %swap3A_2785 = vector.shape_cast %add3A_2781 : vector<16xi32> to vector<16xi32>
    tpu.vector_store %arg6[%swap3A_2782], %swap3A_2785 {strides = array<i32>} : memref<3328xi32, #tpu.memory_space<vmem>>, vector<16xi32>,
    %get3A_2786 = arith.constant 2624 : index
    %get3A_2787 = tpu.vector_load %arg5[%get3A_2786] {strides = array<i32>} : memref<3328xi32, #tpu.memory_space<vmem>>, vector<16xi32>,
    %get3A_2788 = vector.shape_cast %get3A_2787 : vector<16xi32> to vector<16xi32>
    %shift_right_arithmetic3A_2789 = arith.constant 15 : i32
    %shift_right_arithmetic3A_2790 = vector.broadcast %shift_right_arithmetic3A_2789 : i32 to vector<16xi32>
    %shift_right_arithmetic3A_2791 = arith.shrsi %get3A_2788, %shift_right_arithmetic3A_2790 : vector<16xi32>
    %shift_left3A_2792 = arith.constant 13 : i32
    %shift_left3A_2793 = vector.broadcast %shift_left3A_2792 : i32 to vector<16xi32>
    %shift_left3A_2794 = arith.shli %shift_right_arithmetic3A_2791, %shift_left3A_2793 : vector<16xi32>
    %and3A_2795 = arith.constant 8191 : i32
    %and3A_2796 = vector.broadcast %and3A_2795 : i32 to vector<16xi32>
    %and3A_2797 = arith.andi %get3A_2788, %and3A_2796 : vector<16xi32>
    %add3A_2798 = arith.addi %shift_left3A_2794, %and3A_2797 : vector<16xi32>
    %swap3A_2799 = arith.constant 2624 : index
    %swap3A_2800 = tpu.vector_load %arg6[%swap3A_2799] {strides = array<i32>} : memref<3328xi32, #tpu.memory_space<vmem>>, vector<16xi32>,
    %swap3A_2801 = vector.shape_cast %swap3A_2800 : vector<16xi32> to vector<16xi32>
    %swap3A_2802 = vector.shape_cast %add3A_2798 : vector<16xi32> to vector<16xi32>
    tpu.vector_store %arg6[%swap3A_2799], %swap3A_2802 {strides = array<i32>} : memref<3328xi32, #tpu.memory_space<vmem>>, vector<16xi32>,
    %get3A_2803 = arith.constant 2640 : index
    %get3A_2804 = tpu.vector_load %arg5[%get3A_2803] {strides = array<i32>} : memref<3328xi32, #tpu.memory_space<vmem>>, vector<16xi32>,
    %get3A_2805 = vector.shape_cast %get3A_2804 : vector<16xi32> to vector<16xi32>
    %shift_right_arithmetic3A_2806 = arith.constant 15 : i32
    %shift_right_arithmetic3A_2807 = vector.broadcast %shift_right_arithmetic3A_2806 : i32 to vector<16xi32>
    %shift_right_arithmetic3A_2808 = arith.shrsi %get3A_2805, %shift_right_arithmetic3A_2807 : vector<16xi32>
    %shift_left3A_2809 = arith.constant 13 : i32
    %shift_left3A_2810 = vector.broadcast %shift_left3A_2809 : i32 to vector<16xi32>
    %shift_left3A_2811 = arith.shli %shift_right_arithmetic3A_2808, %shift_left3A_2810 : vector<16xi32>
    %and3A_2812 = arith.constant 8191 : i32
    %and3A_2813 = vector.broadcast %and3A_2812 : i32 to vector<16xi32>
    %and3A_2814 = arith.andi %get3A_2805, %and3A_2813 : vector<16xi32>
    %add3A_2815 = arith.addi %shift_left3A_2811, %and3A_2814 : vector<16xi32>
    %swap3A_2816 = arith.constant 2640 : index
    %swap3A_2817 = tpu.vector_load %arg6[%swap3A_2816] {strides = array<i32>} : memref<3328xi32, #tpu.memory_space<vmem>>, vector<16xi32>,
    %swap3A_2818 = vector.shape_cast %swap3A_2817 : vector<16xi32> to vector<16xi32>
    %swap3A_2819 = vector.shape_cast %add3A_2815 : vector<16xi32> to vector<16xi32>
    tpu.vector_store %arg6[%swap3A_2816], %swap3A_2819 {strides = array<i32>} : memref<3328xi32, #tpu.memory_space<vmem>>, vector<16xi32>,
    %get3A_2820 = arith.constant 2656 : index
    %get3A_2821 = tpu.vector_load %arg5[%get3A_2820] {strides = array<i32>} : memref<3328xi32, #tpu.memory_space<vmem>>, vector<16xi32>,
    %get3A_2822 = vector.shape_cast %get3A_2821 : vector<16xi32> to vector<16xi32>
    %shift_right_arithmetic3A_2823 = arith.constant 15 : i32
    %shift_right_arithmetic3A_2824 = vector.broadcast %shift_right_arithmetic3A_2823 : i32 to vector<16xi32>
    %shift_right_arithmetic3A_2825 = arith.shrsi %get3A_2822, %shift_right_arithmetic3A_2824 : vector<16xi32>
    %shift_left3A_2826 = arith.constant 13 : i32
    %shift_left3A_2827 = vector.broadcast %shift_left3A_2826 : i32 to vector<16xi32>
    %shift_left3A_2828 = arith.shli %shift_right_arithmetic3A_2825, %shift_left3A_2827 : vector<16xi32>
    %and3A_2829 = arith.constant 8191 : i32
    %and3A_2830 = vector.broadcast %and3A_2829 : i32 to vector<16xi32>
    %and3A_2831 = arith.andi %get3A_2822, %and3A_2830 : vector<16xi32>
    %add3A_2832 = arith.addi %shift_left3A_2828, %and3A_2831 : vector<16xi32>
    %swap3A_2833 = arith.constant 2656 : index
    %swap3A_2834 = tpu.vector_load %arg6[%swap3A_2833] {strides = array<i32>} : memref<3328xi32, #tpu.memory_space<vmem>>, vector<16xi32>,
    %swap3A_2835 = vector.shape_cast %swap3A_2834 : vector<16xi32> to vector<16xi32>
    %swap3A_2836 = vector.shape_cast %add3A_2832 : vector<16xi32> to vector<16xi32>
    tpu.vector_store %arg6[%swap3A_2833], %swap3A_2836 {strides = array<i32>} : memref<3328xi32, #tpu.memory_space<vmem>>, vector<16xi32>,
    %get3A_2837 = arith.constant 2672 : index
    %get3A_2838 = tpu.vector_load %arg5[%get3A_2837] {strides = array<i32>} : memref<3328xi32, #tpu.memory_space<vmem>>, vector<16xi32>,
    %get3A_2839 = vector.shape_cast %get3A_2838 : vector<16xi32> to vector<16xi32>
    %shift_right_arithmetic3A_2840 = arith.constant 15 : i32
    %shift_right_arithmetic3A_2841 = vector.broadcast %shift_right_arithmetic3A_2840 : i32 to vector<16xi32>
    %shift_right_arithmetic3A_2842 = arith.shrsi %get3A_2839, %shift_right_arithmetic3A_2841 : vector<16xi32>
    %shift_left3A_2843 = arith.constant 13 : i32
    %shift_left3A_2844 = vector.broadcast %shift_left3A_2843 : i32 to vector<16xi32>
    %shift_left3A_2845 = arith.shli %shift_right_arithmetic3A_2842, %shift_left3A_2844 : vector<16xi32>
    %and3A_2846 = arith.constant 8191 : i32
    %and3A_2847 = vector.broadcast %and3A_2846 : i32 to vector<16xi32>
    %and3A_2848 = arith.andi %get3A_2839, %and3A_2847 : vector<16xi32>
    %add3A_2849 = arith.addi %shift_left3A_2845, %and3A_2848 : vector<16xi32>
    %swap3A_2850 = arith.constant 2672 : index
    %swap3A_2851 = tpu.vector_load %arg6[%swap3A_2850] {strides = array<i32>} : memref<3328xi32, #tpu.memory_space<vmem>>, vector<16xi32>,
    %swap3A_2852 = vector.shape_cast %swap3A_2851 : vector<16xi32> to vector<16xi32>
    %swap3A_2853 = vector.shape_cast %add3A_2849 : vector<16xi32> to vector<16xi32>
    tpu.vector_store %arg6[%swap3A_2850], %swap3A_2853 {strides = array<i32>} : memref<3328xi32, #tpu.memory_space<vmem>>, vector<16xi32>,
    %get3A_2854 = arith.constant 2688 : index
    %get3A_2855 = tpu.vector_load %arg5[%get3A_2854] {strides = array<i32>} : memref<3328xi32, #tpu.memory_space<vmem>>, vector<16xi32>,
    %get3A_2856 = vector.shape_cast %get3A_2855 : vector<16xi32> to vector<16xi32>
    %shift_right_arithmetic3A_2857 = arith.constant 15 : i32
    %shift_right_arithmetic3A_2858 = vector.broadcast %shift_right_arithmetic3A_2857 : i32 to vector<16xi32>
    %shift_right_arithmetic3A_2859 = arith.shrsi %get3A_2856, %shift_right_arithmetic3A_2858 : vector<16xi32>
    %shift_left3A_2860 = arith.constant 13 : i32
    %shift_left3A_2861 = vector.broadcast %shift_left3A_2860 : i32 to vector<16xi32>
    %shift_left3A_2862 = arith.shli %shift_right_arithmetic3A_2859, %shift_left3A_2861 : vector<16xi32>
    %and3A_2863 = arith.constant 8191 : i32
    %and3A_2864 = vector.broadcast %and3A_2863 : i32 to vector<16xi32>
    %and3A_2865 = arith.andi %get3A_2856, %and3A_2864 : vector<16xi32>
    %add3A_2866 = arith.addi %shift_left3A_2862, %and3A_2865 : vector<16xi32>
    %swap3A_2867 = arith.constant 2688 : index
    %swap3A_2868 = tpu.vector_load %arg6[%swap3A_2867] {strides = array<i32>} : memref<3328xi32, #tpu.memory_space<vmem>>, vector<16xi32>,
    %swap3A_2869 = vector.shape_cast %swap3A_2868 : vector<16xi32> to vector<16xi32>
    %swap3A_2870 = vector.shape_cast %add3A_2866 : vector<16xi32> to vector<16xi32>
    tpu.vector_store %arg6[%swap3A_2867], %swap3A_2870 {strides = array<i32>} : memref<3328xi32, #tpu.memory_space<vmem>>, vector<16xi32>,
    %get3A_2871 = arith.constant 2704 : index
    %get3A_2872 = tpu.vector_load %arg5[%get3A_2871] {strides = array<i32>} : memref<3328xi32, #tpu.memory_space<vmem>>, vector<16xi32>,
    %get3A_2873 = vector.shape_cast %get3A_2872 : vector<16xi32> to vector<16xi32>
    %shift_right_arithmetic3A_2874 = arith.constant 15 : i32
    %shift_right_arithmetic3A_2875 = vector.broadcast %shift_right_arithmetic3A_2874 : i32 to vector<16xi32>
    %shift_right_arithmetic3A_2876 = arith.shrsi %get3A_2873, %shift_right_arithmetic3A_2875 : vector<16xi32>
    %shift_left3A_2877 = arith.constant 13 : i32
    %shift_left3A_2878 = vector.broadcast %shift_left3A_2877 : i32 to vector<16xi32>
    %shift_left3A_2879 = arith.shli %shift_right_arithmetic3A_2876, %shift_left3A_2878 : vector<16xi32>
    %and3A_2880 = arith.constant 8191 : i32
    %and3A_2881 = vector.broadcast %and3A_2880 : i32 to vector<16xi32>
    %and3A_2882 = arith.andi %get3A_2873, %and3A_2881 : vector<16xi32>
    %add3A_2883 = arith.addi %shift_left3A_2879, %and3A_2882 : vector<16xi32>
    %swap3A_2884 = arith.constant 2704 : index
    %swap3A_2885 = tpu.vector_load %arg6[%swap3A_2884] {strides = array<i32>} : memref<3328xi32, #tpu.memory_space<vmem>>, vector<16xi32>,
    %swap3A_2886 = vector.shape_cast %swap3A_2885 : vector<16xi32> to vector<16xi32>
    %swap3A_2887 = vector.shape_cast %add3A_2883 : vector<16xi32> to vector<16xi32>
    tpu.vector_store %arg6[%swap3A_2884], %swap3A_2887 {strides = array<i32>} : memref<3328xi32, #tpu.memory_space<vmem>>, vector<16xi32>,
    %get3A_2888 = arith.constant 2720 : index
    %get3A_2889 = tpu.vector_load %arg5[%get3A_2888] {strides = array<i32>} : memref<3328xi32, #tpu.memory_space<vmem>>, vector<16xi32>,
    %get3A_2890 = vector.shape_cast %get3A_2889 : vector<16xi32> to vector<16xi32>
    %shift_right_arithmetic3A_2891 = arith.constant 15 : i32
    %shift_right_arithmetic3A_2892 = vector.broadcast %shift_right_arithmetic3A_2891 : i32 to vector<16xi32>
    %shift_right_arithmetic3A_2893 = arith.shrsi %get3A_2890, %shift_right_arithmetic3A_2892 : vector<16xi32>
    %shift_left3A_2894 = arith.constant 13 : i32
    %shift_left3A_2895 = vector.broadcast %shift_left3A_2894 : i32 to vector<16xi32>
    %shift_left3A_2896 = arith.shli %shift_right_arithmetic3A_2893, %shift_left3A_2895 : vector<16xi32>
    %and3A_2897 = arith.constant 8191 : i32
    %and3A_2898 = vector.broadcast %and3A_2897 : i32 to vector<16xi32>
    %and3A_2899 = arith.andi %get3A_2890, %and3A_2898 : vector<16xi32>
    %add3A_2900 = arith.addi %shift_left3A_2896, %and3A_2899 : vector<16xi32>
    %swap3A_2901 = arith.constant 2720 : index
    %swap3A_2902 = tpu.vector_load %arg6[%swap3A_2901] {strides = array<i32>} : memref<3328xi32, #tpu.memory_space<vmem>>, vector<16xi32>,
    %swap3A_2903 = vector.shape_cast %swap3A_2902 : vector<16xi32> to vector<16xi32>
    %swap3A_2904 = vector.shape_cast %add3A_2900 : vector<16xi32> to vector<16xi32>
    tpu.vector_store %arg6[%swap3A_2901], %swap3A_2904 {strides = array<i32>} : memref<3328xi32, #tpu.memory_space<vmem>>, vector<16xi32>,
    %get3A_2905 = arith.constant 2736 : index
    %get3A_2906 = tpu.vector_load %arg5[%get3A_2905] {strides = array<i32>} : memref<3328xi32, #tpu.memory_space<vmem>>, vector<16xi32>,
    %get3A_2907 = vector.shape_cast %get3A_2906 : vector<16xi32> to vector<16xi32>
    %shift_right_arithmetic3A_2908 = arith.constant 15 : i32
    %shift_right_arithmetic3A_2909 = vector.broadcast %shift_right_arithmetic3A_2908 : i32 to vector<16xi32>
    %shift_right_arithmetic3A_2910 = arith.shrsi %get3A_2907, %shift_right_arithmetic3A_2909 : vector<16xi32>
    %shift_left3A_2911 = arith.constant 13 : i32
    %shift_left3A_2912 = vector.broadcast %shift_left3A_2911 : i32 to vector<16xi32>
    %shift_left3A_2913 = arith.shli %shift_right_arithmetic3A_2910, %shift_left3A_2912 : vector<16xi32>
    %and3A_2914 = arith.constant 8191 : i32
    %and3A_2915 = vector.broadcast %and3A_2914 : i32 to vector<16xi32>
    %and3A_2916 = arith.andi %get3A_2907, %and3A_2915 : vector<16xi32>
    %add3A_2917 = arith.addi %shift_left3A_2913, %and3A_2916 : vector<16xi32>
    %swap3A_2918 = arith.constant 2736 : index
    %swap3A_2919 = tpu.vector_load %arg6[%swap3A_2918] {strides = array<i32>} : memref<3328xi32, #tpu.memory_space<vmem>>, vector<16xi32>,
    %swap3A_2920 = vector.shape_cast %swap3A_2919 : vector<16xi32> to vector<16xi32>
    %swap3A_2921 = vector.shape_cast %add3A_2917 : vector<16xi32> to vector<16xi32>
    tpu.vector_store %arg6[%swap3A_2918], %swap3A_2921 {strides = array<i32>} : memref<3328xi32, #tpu.memory_space<vmem>>, vector<16xi32>,
    %get3A_2922 = arith.constant 2752 : index
    %get3A_2923 = tpu.vector_load %arg5[%get3A_2922] {strides = array<i32>} : memref<3328xi32, #tpu.memory_space<vmem>>, vector<16xi32>,
    %get3A_2924 = vector.shape_cast %get3A_2923 : vector<16xi32> to vector<16xi32>
    %shift_right_arithmetic3A_2925 = arith.constant 15 : i32
    %shift_right_arithmetic3A_2926 = vector.broadcast %shift_right_arithmetic3A_2925 : i32 to vector<16xi32>
    %shift_right_arithmetic3A_2927 = arith.shrsi %get3A_2924, %shift_right_arithmetic3A_2926 : vector<16xi32>
    %shift_left3A_2928 = arith.constant 13 : i32
    %shift_left3A_2929 = vector.broadcast %shift_left3A_2928 : i32 to vector<16xi32>
    %shift_left3A_2930 = arith.shli %shift_right_arithmetic3A_2927, %shift_left3A_2929 : vector<16xi32>
    %and3A_2931 = arith.constant 8191 : i32
    %and3A_2932 = vector.broadcast %and3A_2931 : i32 to vector<16xi32>
    %and3A_2933 = arith.andi %get3A_2924, %and3A_2932 : vector<16xi32>
    %add3A_2934 = arith.addi %shift_left3A_2930, %and3A_2933 : vector<16xi32>
    %swap3A_2935 = arith.constant 2752 : index
    %swap3A_2936 = tpu.vector_load %arg6[%swap3A_2935] {strides = array<i32>} : memref<3328xi32, #tpu.memory_space<vmem>>, vector<16xi32>,
    %swap3A_2937 = vector.shape_cast %swap3A_2936 : vector<16xi32> to vector<16xi32>
    %swap3A_2938 = vector.shape_cast %add3A_2934 : vector<16xi32> to vector<16xi32>
    tpu.vector_store %arg6[%swap3A_2935], %swap3A_2938 {strides = array<i32>} : memref<3328xi32, #tpu.memory_space<vmem>>, vector<16xi32>,
    %get3A_2939 = arith.constant 2768 : index
    %get3A_2940 = tpu.vector_load %arg5[%get3A_2939] {strides = array<i32>} : memref<3328xi32, #tpu.memory_space<vmem>>, vector<16xi32>,
    %get3A_2941 = vector.shape_cast %get3A_2940 : vector<16xi32> to vector<16xi32>
    %shift_right_arithmetic3A_2942 = arith.constant 15 : i32
    %shift_right_arithmetic3A_2943 = vector.broadcast %shift_right_arithmetic3A_2942 : i32 to vector<16xi32>
    %shift_right_arithmetic3A_2944 = arith.shrsi %get3A_2941, %shift_right_arithmetic3A_2943 : vector<16xi32>
    %shift_left3A_2945 = arith.constant 13 : i32
    %shift_left3A_2946 = vector.broadcast %shift_left3A_2945 : i32 to vector<16xi32>
    %shift_left3A_2947 = arith.shli %shift_right_arithmetic3A_2944, %shift_left3A_2946 : vector<16xi32>
    %and3A_2948 = arith.constant 8191 : i32
    %and3A_2949 = vector.broadcast %and3A_2948 : i32 to vector<16xi32>
    %and3A_2950 = arith.andi %get3A_2941, %and3A_2949 : vector<16xi32>
    %add3A_2951 = arith.addi %shift_left3A_2947, %and3A_2950 : vector<16xi32>
    %swap3A_2952 = arith.constant 2768 : index
    %swap3A_2953 = tpu.vector_load %arg6[%swap3A_2952] {strides = array<i32>} : memref<3328xi32, #tpu.memory_space<vmem>>, vector<16xi32>,
    %swap3A_2954 = vector.shape_cast %swap3A_2953 : vector<16xi32> to vector<16xi32>
    %swap3A_2955 = vector.shape_cast %add3A_2951 : vector<16xi32> to vector<16xi32>
    tpu.vector_store %arg6[%swap3A_2952], %swap3A_2955 {strides = array<i32>} : memref<3328xi32, #tpu.memory_space<vmem>>, vector<16xi32>,
    %get3A_2956 = arith.constant 2784 : index
    %get3A_2957 = tpu.vector_load %arg5[%get3A_2956] {strides = array<i32>} : memref<3328xi32, #tpu.memory_space<vmem>>, vector<16xi32>,
    %get3A_2958 = vector.shape_cast %get3A_2957 : vector<16xi32> to vector<16xi32>
    %shift_right_arithmetic3A_2959 = arith.constant 15 : i32
    %shift_right_arithmetic3A_2960 = vector.broadcast %shift_right_arithmetic3A_2959 : i32 to vector<16xi32>
    %shift_right_arithmetic3A_2961 = arith.shrsi %get3A_2958, %shift_right_arithmetic3A_2960 : vector<16xi32>
    %shift_left3A_2962 = arith.constant 13 : i32
    %shift_left3A_2963 = vector.broadcast %shift_left3A_2962 : i32 to vector<16xi32>
    %shift_left3A_2964 = arith.shli %shift_right_arithmetic3A_2961, %shift_left3A_2963 : vector<16xi32>
    %and3A_2965 = arith.constant 8191 : i32
    %and3A_2966 = vector.broadcast %and3A_2965 : i32 to vector<16xi32>
    %and3A_2967 = arith.andi %get3A_2958, %and3A_2966 : vector<16xi32>
    %add3A_2968 = arith.addi %shift_left3A_2964, %and3A_2967 : vector<16xi32>
    %swap3A_2969 = arith.constant 2784 : index
    %swap3A_2970 = tpu.vector_load %arg6[%swap3A_2969] {strides = array<i32>} : memref<3328xi32, #tpu.memory_space<vmem>>, vector<16xi32>,
    %swap3A_2971 = vector.shape_cast %swap3A_2970 : vector<16xi32> to vector<16xi32>
    %swap3A_2972 = vector.shape_cast %add3A_2968 : vector<16xi32> to vector<16xi32>
    tpu.vector_store %arg6[%swap3A_2969], %swap3A_2972 {strides = array<i32>} : memref<3328xi32, #tpu.memory_space<vmem>>, vector<16xi32>,
    %get3A_2973 = arith.constant 2800 : index
    %get3A_2974 = tpu.vector_load %arg5[%get3A_2973] {strides = array<i32>} : memref<3328xi32, #tpu.memory_space<vmem>>, vector<16xi32>,
    %get3A_2975 = vector.shape_cast %get3A_2974 : vector<16xi32> to vector<16xi32>
    %shift_right_arithmetic3A_2976 = arith.constant 15 : i32
    %shift_right_arithmetic3A_2977 = vector.broadcast %shift_right_arithmetic3A_2976 : i32 to vector<16xi32>
    %shift_right_arithmetic3A_2978 = arith.shrsi %get3A_2975, %shift_right_arithmetic3A_2977 : vector<16xi32>
    %shift_left3A_2979 = arith.constant 13 : i32
    %shift_left3A_2980 = vector.broadcast %shift_left3A_2979 : i32 to vector<16xi32>
    %shift_left3A_2981 = arith.shli %shift_right_arithmetic3A_2978, %shift_left3A_2980 : vector<16xi32>
    %and3A_2982 = arith.constant 8191 : i32
    %and3A_2983 = vector.broadcast %and3A_2982 : i32 to vector<16xi32>
    %and3A_2984 = arith.andi %get3A_2975, %and3A_2983 : vector<16xi32>
    %add3A_2985 = arith.addi %shift_left3A_2981, %and3A_2984 : vector<16xi32>
    %swap3A_2986 = arith.constant 2800 : index
    %swap3A_2987 = tpu.vector_load %arg6[%swap3A_2986] {strides = array<i32>} : memref<3328xi32, #tpu.memory_space<vmem>>, vector<16xi32>,
    %swap3A_2988 = vector.shape_cast %swap3A_2987 : vector<16xi32> to vector<16xi32>
    %swap3A_2989 = vector.shape_cast %add3A_2985 : vector<16xi32> to vector<16xi32>
    tpu.vector_store %arg6[%swap3A_2986], %swap3A_2989 {strides = array<i32>} : memref<3328xi32, #tpu.memory_space<vmem>>, vector<16xi32>,
    %get3A_2990 = arith.constant 2816 : index
    %get3A_2991 = tpu.vector_load %arg5[%get3A_2990] {strides = array<i32>} : memref<3328xi32, #tpu.memory_space<vmem>>, vector<16xi32>,
    %get3A_2992 = vector.shape_cast %get3A_2991 : vector<16xi32> to vector<16xi32>
    %shift_right_arithmetic3A_2993 = arith.constant 15 : i32
    %shift_right_arithmetic3A_2994 = vector.broadcast %shift_right_arithmetic3A_2993 : i32 to vector<16xi32>
    %shift_right_arithmetic3A_2995 = arith.shrsi %get3A_2992, %shift_right_arithmetic3A_2994 : vector<16xi32>
    %shift_left3A_2996 = arith.constant 13 : i32
    %shift_left3A_2997 = vector.broadcast %shift_left3A_2996 : i32 to vector<16xi32>
    %shift_left3A_2998 = arith.shli %shift_right_arithmetic3A_2995, %shift_left3A_2997 : vector<16xi32>
    %and3A_2999 = arith.constant 8191 : i32
    %and3A_3000 = vector.broadcast %and3A_2999 : i32 to vector<16xi32>
    %and3A_3001 = arith.andi %get3A_2992, %and3A_3000 : vector<16xi32>
    %add3A_3002 = arith.addi %shift_left3A_2998, %and3A_3001 : vector<16xi32>
    %swap3A_3003 = arith.constant 2816 : index
    %swap3A_3004 = tpu.vector_load %arg6[%swap3A_3003] {strides = array<i32>} : memref<3328xi32, #tpu.memory_space<vmem>>, vector<16xi32>,
    %swap3A_3005 = vector.shape_cast %swap3A_3004 : vector<16xi32> to vector<16xi32>
    %swap3A_3006 = vector.shape_cast %add3A_3002 : vector<16xi32> to vector<16xi32>
    tpu.vector_store %arg6[%swap3A_3003], %swap3A_3006 {strides = array<i32>} : memref<3328xi32, #tpu.memory_space<vmem>>, vector<16xi32>,
    %get3A_3007 = arith.constant 2832 : index
    %get3A_3008 = tpu.vector_load %arg5[%get3A_3007] {strides = array<i32>} : memref<3328xi32, #tpu.memory_space<vmem>>, vector<16xi32>,
    %get3A_3009 = vector.shape_cast %get3A_3008 : vector<16xi32> to vector<16xi32>
    %shift_right_arithmetic3A_3010 = arith.constant 15 : i32
    %shift_right_arithmetic3A_3011 = vector.broadcast %shift_right_arithmetic3A_3010 : i32 to vector<16xi32>
    %shift_right_arithmetic3A_3012 = arith.shrsi %get3A_3009, %shift_right_arithmetic3A_3011 : vector<16xi32>
    %shift_left3A_3013 = arith.constant 13 : i32
    %shift_left3A_3014 = vector.broadcast %shift_left3A_3013 : i32 to vector<16xi32>
    %shift_left3A_3015 = arith.shli %shift_right_arithmetic3A_3012, %shift_left3A_3014 : vector<16xi32>
    %and3A_3016 = arith.constant 8191 : i32
    %and3A_3017 = vector.broadcast %and3A_3016 : i32 to vector<16xi32>
    %and3A_3018 = arith.andi %get3A_3009, %and3A_3017 : vector<16xi32>
    %add3A_3019 = arith.addi %shift_left3A_3015, %and3A_3018 : vector<16xi32>
    %swap3A_3020 = arith.constant 2832 : index
    %swap3A_3021 = tpu.vector_load %arg6[%swap3A_3020] {strides = array<i32>} : memref<3328xi32, #tpu.memory_space<vmem>>, vector<16xi32>,
    %swap3A_3022 = vector.shape_cast %swap3A_3021 : vector<16xi32> to vector<16xi32>
    %swap3A_3023 = vector.shape_cast %add3A_3019 : vector<16xi32> to vector<16xi32>
    tpu.vector_store %arg6[%swap3A_3020], %swap3A_3023 {strides = array<i32>} : memref<3328xi32, #tpu.memory_space<vmem>>, vector<16xi32>,
    %get3A_3024 = arith.constant 2848 : index
    %get3A_3025 = tpu.vector_load %arg5[%get3A_3024] {strides = array<i32>} : memref<3328xi32, #tpu.memory_space<vmem>>, vector<16xi32>,
    %get3A_3026 = vector.shape_cast %get3A_3025 : vector<16xi32> to vector<16xi32>
    %shift_right_arithmetic3A_3027 = arith.constant 15 : i32
    %shift_right_arithmetic3A_3028 = vector.broadcast %shift_right_arithmetic3A_3027 : i32 to vector<16xi32>
    %shift_right_arithmetic3A_3029 = arith.shrsi %get3A_3026, %shift_right_arithmetic3A_3028 : vector<16xi32>
    %shift_left3A_3030 = arith.constant 13 : i32
    %shift_left3A_3031 = vector.broadcast %shift_left3A_3030 : i32 to vector<16xi32>
    %shift_left3A_3032 = arith.shli %shift_right_arithmetic3A_3029, %shift_left3A_3031 : vector<16xi32>
    %and3A_3033 = arith.constant 8191 : i32
    %and3A_3034 = vector.broadcast %and3A_3033 : i32 to vector<16xi32>
    %and3A_3035 = arith.andi %get3A_3026, %and3A_3034 : vector<16xi32>
    %add3A_3036 = arith.addi %shift_left3A_3032, %and3A_3035 : vector<16xi32>
    %swap3A_3037 = arith.constant 2848 : index
    %swap3A_3038 = tpu.vector_load %arg6[%swap3A_3037] {strides = array<i32>} : memref<3328xi32, #tpu.memory_space<vmem>>, vector<16xi32>,
    %swap3A_3039 = vector.shape_cast %swap3A_3038 : vector<16xi32> to vector<16xi32>
    %swap3A_3040 = vector.shape_cast %add3A_3036 : vector<16xi32> to vector<16xi32>
    tpu.vector_store %arg6[%swap3A_3037], %swap3A_3040 {strides = array<i32>} : memref<3328xi32, #tpu.memory_space<vmem>>, vector<16xi32>,
    %get3A_3041 = arith.constant 2864 : index
    %get3A_3042 = tpu.vector_load %arg5[%get3A_3041] {strides = array<i32>} : memref<3328xi32, #tpu.memory_space<vmem>>, vector<16xi32>,
    %get3A_3043 = vector.shape_cast %get3A_3042 : vector<16xi32> to vector<16xi32>
    %shift_right_arithmetic3A_3044 = arith.constant 15 : i32
    %shift_right_arithmetic3A_3045 = vector.broadcast %shift_right_arithmetic3A_3044 : i32 to vector<16xi32>
    %shift_right_arithmetic3A_3046 = arith.shrsi %get3A_3043, %shift_right_arithmetic3A_3045 : vector<16xi32>
    %shift_left3A_3047 = arith.constant 13 : i32
    %shift_left3A_3048 = vector.broadcast %shift_left3A_3047 : i32 to vector<16xi32>
    %shift_left3A_3049 = arith.shli %shift_right_arithmetic3A_3046, %shift_left3A_3048 : vector<16xi32>
    %and3A_3050 = arith.constant 8191 : i32
    %and3A_3051 = vector.broadcast %and3A_3050 : i32 to vector<16xi32>
    %and3A_3052 = arith.andi %get3A_3043, %and3A_3051 : vector<16xi32>
    %add3A_3053 = arith.addi %shift_left3A_3049, %and3A_3052 : vector<16xi32>
    %swap3A_3054 = arith.constant 2864 : index
    %swap3A_3055 = tpu.vector_load %arg6[%swap3A_3054] {strides = array<i32>} : memref<3328xi32, #tpu.memory_space<vmem>>, vector<16xi32>,
    %swap3A_3056 = vector.shape_cast %swap3A_3055 : vector<16xi32> to vector<16xi32>
    %swap3A_3057 = vector.shape_cast %add3A_3053 : vector<16xi32> to vector<16xi32>
    tpu.vector_store %arg6[%swap3A_3054], %swap3A_3057 {strides = array<i32>} : memref<3328xi32, #tpu.memory_space<vmem>>, vector<16xi32>,
    %get3A_3058 = arith.constant 2880 : index
    %get3A_3059 = tpu.vector_load %arg5[%get3A_3058] {strides = array<i32>} : memref<3328xi32, #tpu.memory_space<vmem>>, vector<16xi32>,
    %get3A_3060 = vector.shape_cast %get3A_3059 : vector<16xi32> to vector<16xi32>
    %shift_right_arithmetic3A_3061 = arith.constant 15 : i32
    %shift_right_arithmetic3A_3062 = vector.broadcast %shift_right_arithmetic3A_3061 : i32 to vector<16xi32>
    %shift_right_arithmetic3A_3063 = arith.shrsi %get3A_3060, %shift_right_arithmetic3A_3062 : vector<16xi32>
    %shift_left3A_3064 = arith.constant 13 : i32
    %shift_left3A_3065 = vector.broadcast %shift_left3A_3064 : i32 to vector<16xi32>
    %shift_left3A_3066 = arith.shli %shift_right_arithmetic3A_3063, %shift_left3A_3065 : vector<16xi32>
    %and3A_3067 = arith.constant 8191 : i32
    %and3A_3068 = vector.broadcast %and3A_3067 : i32 to vector<16xi32>
    %and3A_3069 = arith.andi %get3A_3060, %and3A_3068 : vector<16xi32>
    %add3A_3070 = arith.addi %shift_left3A_3066, %and3A_3069 : vector<16xi32>
    %swap3A_3071 = arith.constant 2880 : index
    %swap3A_3072 = tpu.vector_load %arg6[%swap3A_3071] {strides = array<i32>} : memref<3328xi32, #tpu.memory_space<vmem>>, vector<16xi32>,
    %swap3A_3073 = vector.shape_cast %swap3A_3072 : vector<16xi32> to vector<16xi32>
    %swap3A_3074 = vector.shape_cast %add3A_3070 : vector<16xi32> to vector<16xi32>
    tpu.vector_store %arg6[%swap3A_3071], %swap3A_3074 {strides = array<i32>} : memref<3328xi32, #tpu.memory_space<vmem>>, vector<16xi32>,
    %get3A_3075 = arith.constant 2896 : index
    %get3A_3076 = tpu.vector_load %arg5[%get3A_3075] {strides = array<i32>} : memref<3328xi32, #tpu.memory_space<vmem>>, vector<16xi32>,
    %get3A_3077 = vector.shape_cast %get3A_3076 : vector<16xi32> to vector<16xi32>
    %shift_right_arithmetic3A_3078 = arith.constant 15 : i32
    %shift_right_arithmetic3A_3079 = vector.broadcast %shift_right_arithmetic3A_3078 : i32 to vector<16xi32>
    %shift_right_arithmetic3A_3080 = arith.shrsi %get3A_3077, %shift_right_arithmetic3A_3079 : vector<16xi32>
    %shift_left3A_3081 = arith.constant 13 : i32
    %shift_left3A_3082 = vector.broadcast %shift_left3A_3081 : i32 to vector<16xi32>
    %shift_left3A_3083 = arith.shli %shift_right_arithmetic3A_3080, %shift_left3A_3082 : vector<16xi32>
    %and3A_3084 = arith.constant 8191 : i32
    %and3A_3085 = vector.broadcast %and3A_3084 : i32 to vector<16xi32>
    %and3A_3086 = arith.andi %get3A_3077, %and3A_3085 : vector<16xi32>
    %add3A_3087 = arith.addi %shift_left3A_3083, %and3A_3086 : vector<16xi32>
    %swap3A_3088 = arith.constant 2896 : index
    %swap3A_3089 = tpu.vector_load %arg6[%swap3A_3088] {strides = array<i32>} : memref<3328xi32, #tpu.memory_space<vmem>>, vector<16xi32>,
    %swap3A_3090 = vector.shape_cast %swap3A_3089 : vector<16xi32> to vector<16xi32>
    %swap3A_3091 = vector.shape_cast %add3A_3087 : vector<16xi32> to vector<16xi32>
    tpu.vector_store %arg6[%swap3A_3088], %swap3A_3091 {strides = array<i32>} : memref<3328xi32, #tpu.memory_space<vmem>>, vector<16xi32>,
    %get3A_3092 = arith.constant 2912 : index
    %get3A_3093 = tpu.vector_load %arg5[%get3A_3092] {strides = array<i32>} : memref<3328xi32, #tpu.memory_space<vmem>>, vector<16xi32>,
    %get3A_3094 = vector.shape_cast %get3A_3093 : vector<16xi32> to vector<16xi32>
    %shift_right_arithmetic3A_3095 = arith.constant 15 : i32
    %shift_right_arithmetic3A_3096 = vector.broadcast %shift_right_arithmetic3A_3095 : i32 to vector<16xi32>
    %shift_right_arithmetic3A_3097 = arith.shrsi %get3A_3094, %shift_right_arithmetic3A_3096 : vector<16xi32>
    %shift_left3A_3098 = arith.constant 13 : i32
    %shift_left3A_3099 = vector.broadcast %shift_left3A_3098 : i32 to vector<16xi32>
    %shift_left3A_3100 = arith.shli %shift_right_arithmetic3A_3097, %shift_left3A_3099 : vector<16xi32>
    %and3A_3101 = arith.constant 8191 : i32
    %and3A_3102 = vector.broadcast %and3A_3101 : i32 to vector<16xi32>
    %and3A_3103 = arith.andi %get3A_3094, %and3A_3102 : vector<16xi32>
    %add3A_3104 = arith.addi %shift_left3A_3100, %and3A_3103 : vector<16xi32>
    %swap3A_3105 = arith.constant 2912 : index
    %swap3A_3106 = tpu.vector_load %arg6[%swap3A_3105] {strides = array<i32>} : memref<3328xi32, #tpu.memory_space<vmem>>, vector<16xi32>,
    %swap3A_3107 = vector.shape_cast %swap3A_3106 : vector<16xi32> to vector<16xi32>
    %swap3A_3108 = vector.shape_cast %add3A_3104 : vector<16xi32> to vector<16xi32>
    tpu.vector_store %arg6[%swap3A_3105], %swap3A_3108 {strides = array<i32>} : memref<3328xi32, #tpu.memory_space<vmem>>, vector<16xi32>,
    %get3A_3109 = arith.constant 2928 : index
    %get3A_3110 = tpu.vector_load %arg5[%get3A_3109] {strides = array<i32>} : memref<3328xi32, #tpu.memory_space<vmem>>, vector<16xi32>,
    %get3A_3111 = vector.shape_cast %get3A_3110 : vector<16xi32> to vector<16xi32>
    %shift_right_arithmetic3A_3112 = arith.constant 15 : i32
    %shift_right_arithmetic3A_3113 = vector.broadcast %shift_right_arithmetic3A_3112 : i32 to vector<16xi32>
    %shift_right_arithmetic3A_3114 = arith.shrsi %get3A_3111, %shift_right_arithmetic3A_3113 : vector<16xi32>
    %shift_left3A_3115 = arith.constant 13 : i32
    %shift_left3A_3116 = vector.broadcast %shift_left3A_3115 : i32 to vector<16xi32>
    %shift_left3A_3117 = arith.shli %shift_right_arithmetic3A_3114, %shift_left3A_3116 : vector<16xi32>
    %and3A_3118 = arith.constant 8191 : i32
    %and3A_3119 = vector.broadcast %and3A_3118 : i32 to vector<16xi32>
    %and3A_3120 = arith.andi %get3A_3111, %and3A_3119 : vector<16xi32>
    %add3A_3121 = arith.addi %shift_left3A_3117, %and3A_3120 : vector<16xi32>
    %swap3A_3122 = arith.constant 2928 : index
    %swap3A_3123 = tpu.vector_load %arg6[%swap3A_3122] {strides = array<i32>} : memref<3328xi32, #tpu.memory_space<vmem>>, vector<16xi32>,
    %swap3A_3124 = vector.shape_cast %swap3A_3123 : vector<16xi32> to vector<16xi32>
    %swap3A_3125 = vector.shape_cast %add3A_3121 : vector<16xi32> to vector<16xi32>
    tpu.vector_store %arg6[%swap3A_3122], %swap3A_3125 {strides = array<i32>} : memref<3328xi32, #tpu.memory_space<vmem>>, vector<16xi32>,
    %get3A_3126 = arith.constant 2944 : index
    %get3A_3127 = tpu.vector_load %arg5[%get3A_3126] {strides = array<i32>} : memref<3328xi32, #tpu.memory_space<vmem>>, vector<16xi32>,
    %get3A_3128 = vector.shape_cast %get3A_3127 : vector<16xi32> to vector<16xi32>
    %shift_right_arithmetic3A_3129 = arith.constant 15 : i32
    %shift_right_arithmetic3A_3130 = vector.broadcast %shift_right_arithmetic3A_3129 : i32 to vector<16xi32>
    %shift_right_arithmetic3A_3131 = arith.shrsi %get3A_3128, %shift_right_arithmetic3A_3130 : vector<16xi32>
    %shift_left3A_3132 = arith.constant 13 : i32
    %shift_left3A_3133 = vector.broadcast %shift_left3A_3132 : i32 to vector<16xi32>
    %shift_left3A_3134 = arith.shli %shift_right_arithmetic3A_3131, %shift_left3A_3133 : vector<16xi32>
    %and3A_3135 = arith.constant 8191 : i32
    %and3A_3136 = vector.broadcast %and3A_3135 : i32 to vector<16xi32>
    %and3A_3137 = arith.andi %get3A_3128, %and3A_3136 : vector<16xi32>
    %add3A_3138 = arith.addi %shift_left3A_3134, %and3A_3137 : vector<16xi32>
    %swap3A_3139 = arith.constant 2944 : index
    %swap3A_3140 = tpu.vector_load %arg6[%swap3A_3139] {strides = array<i32>} : memref<3328xi32, #tpu.memory_space<vmem>>, vector<16xi32>,
    %swap3A_3141 = vector.shape_cast %swap3A_3140 : vector<16xi32> to vector<16xi32>
    %swap3A_3142 = vector.shape_cast %add3A_3138 : vector<16xi32> to vector<16xi32>
    tpu.vector_store %arg6[%swap3A_3139], %swap3A_3142 {strides = array<i32>} : memref<3328xi32, #tpu.memory_space<vmem>>, vector<16xi32>,
    %get3A_3143 = arith.constant 2960 : index
    %get3A_3144 = tpu.vector_load %arg5[%get3A_3143] {strides = array<i32>} : memref<3328xi32, #tpu.memory_space<vmem>>, vector<16xi32>,
    %get3A_3145 = vector.shape_cast %get3A_3144 : vector<16xi32> to vector<16xi32>
    %shift_right_arithmetic3A_3146 = arith.constant 15 : i32
    %shift_right_arithmetic3A_3147 = vector.broadcast %shift_right_arithmetic3A_3146 : i32 to vector<16xi32>
    %shift_right_arithmetic3A_3148 = arith.shrsi %get3A_3145, %shift_right_arithmetic3A_3147 : vector<16xi32>
    %shift_left3A_3149 = arith.constant 13 : i32
    %shift_left3A_3150 = vector.broadcast %shift_left3A_3149 : i32 to vector<16xi32>
    %shift_left3A_3151 = arith.shli %shift_right_arithmetic3A_3148, %shift_left3A_3150 : vector<16xi32>
    %and3A_3152 = arith.constant 8191 : i32
    %and3A_3153 = vector.broadcast %and3A_3152 : i32 to vector<16xi32>
    %and3A_3154 = arith.andi %get3A_3145, %and3A_3153 : vector<16xi32>
    %add3A_3155 = arith.addi %shift_left3A_3151, %and3A_3154 : vector<16xi32>
    %swap3A_3156 = arith.constant 2960 : index
    %swap3A_3157 = tpu.vector_load %arg6[%swap3A_3156] {strides = array<i32>} : memref<3328xi32, #tpu.memory_space<vmem>>, vector<16xi32>,
    %swap3A_3158 = vector.shape_cast %swap3A_3157 : vector<16xi32> to vector<16xi32>
    %swap3A_3159 = vector.shape_cast %add3A_3155 : vector<16xi32> to vector<16xi32>
    tpu.vector_store %arg6[%swap3A_3156], %swap3A_3159 {strides = array<i32>} : memref<3328xi32, #tpu.memory_space<vmem>>, vector<16xi32>,
    %get3A_3160 = arith.constant 2976 : index
    %get3A_3161 = tpu.vector_load %arg5[%get3A_3160] {strides = array<i32>} : memref<3328xi32, #tpu.memory_space<vmem>>, vector<16xi32>,
    %get3A_3162 = vector.shape_cast %get3A_3161 : vector<16xi32> to vector<16xi32>
    %shift_right_arithmetic3A_3163 = arith.constant 15 : i32
    %shift_right_arithmetic3A_3164 = vector.broadcast %shift_right_arithmetic3A_3163 : i32 to vector<16xi32>
    %shift_right_arithmetic3A_3165 = arith.shrsi %get3A_3162, %shift_right_arithmetic3A_3164 : vector<16xi32>
    %shift_left3A_3166 = arith.constant 13 : i32
    %shift_left3A_3167 = vector.broadcast %shift_left3A_3166 : i32 to vector<16xi32>
    %shift_left3A_3168 = arith.shli %shift_right_arithmetic3A_3165, %shift_left3A_3167 : vector<16xi32>
    %and3A_3169 = arith.constant 8191 : i32
    %and3A_3170 = vector.broadcast %and3A_3169 : i32 to vector<16xi32>
    %and3A_3171 = arith.andi %get3A_3162, %and3A_3170 : vector<16xi32>
    %add3A_3172 = arith.addi %shift_left3A_3168, %and3A_3171 : vector<16xi32>
    %swap3A_3173 = arith.constant 2976 : index
    %swap3A_3174 = tpu.vector_load %arg6[%swap3A_3173] {strides = array<i32>} : memref<3328xi32, #tpu.memory_space<vmem>>, vector<16xi32>,
    %swap3A_3175 = vector.shape_cast %swap3A_3174 : vector<16xi32> to vector<16xi32>
    %swap3A_3176 = vector.shape_cast %add3A_3172 : vector<16xi32> to vector<16xi32>
    tpu.vector_store %arg6[%swap3A_3173], %swap3A_3176 {strides = array<i32>} : memref<3328xi32, #tpu.memory_space<vmem>>, vector<16xi32>,
    %get3A_3177 = arith.constant 2992 : index
    %get3A_3178 = tpu.vector_load %arg5[%get3A_3177] {strides = array<i32>} : memref<3328xi32, #tpu.memory_space<vmem>>, vector<16xi32>,
    %get3A_3179 = vector.shape_cast %get3A_3178 : vector<16xi32> to vector<16xi32>
    %shift_right_arithmetic3A_3180 = arith.constant 15 : i32
    %shift_right_arithmetic3A_3181 = vector.broadcast %shift_right_arithmetic3A_3180 : i32 to vector<16xi32>
    %shift_right_arithmetic3A_3182 = arith.shrsi %get3A_3179, %shift_right_arithmetic3A_3181 : vector<16xi32>
    %shift_left3A_3183 = arith.constant 13 : i32
    %shift_left3A_3184 = vector.broadcast %shift_left3A_3183 : i32 to vector<16xi32>
    %shift_left3A_3185 = arith.shli %shift_right_arithmetic3A_3182, %shift_left3A_3184 : vector<16xi32>
    %and3A_3186 = arith.constant 8191 : i32
    %and3A_3187 = vector.broadcast %and3A_3186 : i32 to vector<16xi32>
    %and3A_3188 = arith.andi %get3A_3179, %and3A_3187 : vector<16xi32>
    %add3A_3189 = arith.addi %shift_left3A_3185, %and3A_3188 : vector<16xi32>
    %swap3A_3190 = arith.constant 2992 : index
    %swap3A_3191 = tpu.vector_load %arg6[%swap3A_3190] {strides = array<i32>} : memref<3328xi32, #tpu.memory_space<vmem>>, vector<16xi32>,
    %swap3A_3192 = vector.shape_cast %swap3A_3191 : vector<16xi32> to vector<16xi32>
    %swap3A_3193 = vector.shape_cast %add3A_3189 : vector<16xi32> to vector<16xi32>
    tpu.vector_store %arg6[%swap3A_3190], %swap3A_3193 {strides = array<i32>} : memref<3328xi32, #tpu.memory_space<vmem>>, vector<16xi32>,
    %get3A_3194 = arith.constant 3008 : index
    %get3A_3195 = tpu.vector_load %arg5[%get3A_3194] {strides = array<i32>} : memref<3328xi32, #tpu.memory_space<vmem>>, vector<16xi32>,
    %get3A_3196 = vector.shape_cast %get3A_3195 : vector<16xi32> to vector<16xi32>
    %shift_right_arithmetic3A_3197 = arith.constant 15 : i32
    %shift_right_arithmetic3A_3198 = vector.broadcast %shift_right_arithmetic3A_3197 : i32 to vector<16xi32>
    %shift_right_arithmetic3A_3199 = arith.shrsi %get3A_3196, %shift_right_arithmetic3A_3198 : vector<16xi32>
    %shift_left3A_3200 = arith.constant 13 : i32
    %shift_left3A_3201 = vector.broadcast %shift_left3A_3200 : i32 to vector<16xi32>
    %shift_left3A_3202 = arith.shli %shift_right_arithmetic3A_3199, %shift_left3A_3201 : vector<16xi32>
    %and3A_3203 = arith.constant 8191 : i32
    %and3A_3204 = vector.broadcast %and3A_3203 : i32 to vector<16xi32>
    %and3A_3205 = arith.andi %get3A_3196, %and3A_3204 : vector<16xi32>
    %add3A_3206 = arith.addi %shift_left3A_3202, %and3A_3205 : vector<16xi32>
    %swap3A_3207 = arith.constant 3008 : index
    %swap3A_3208 = tpu.vector_load %arg6[%swap3A_3207] {strides = array<i32>} : memref<3328xi32, #tpu.memory_space<vmem>>, vector<16xi32>,
    %swap3A_3209 = vector.shape_cast %swap3A_3208 : vector<16xi32> to vector<16xi32>
    %swap3A_3210 = vector.shape_cast %add3A_3206 : vector<16xi32> to vector<16xi32>
    tpu.vector_store %arg6[%swap3A_3207], %swap3A_3210 {strides = array<i32>} : memref<3328xi32, #tpu.memory_space<vmem>>, vector<16xi32>,
    %get3A_3211 = arith.constant 3024 : index
    %get3A_3212 = tpu.vector_load %arg5[%get3A_3211] {strides = array<i32>} : memref<3328xi32, #tpu.memory_space<vmem>>, vector<16xi32>,
    %get3A_3213 = vector.shape_cast %get3A_3212 : vector<16xi32> to vector<16xi32>
    %shift_right_arithmetic3A_3214 = arith.constant 15 : i32
    %shift_right_arithmetic3A_3215 = vector.broadcast %shift_right_arithmetic3A_3214 : i32 to vector<16xi32>
    %shift_right_arithmetic3A_3216 = arith.shrsi %get3A_3213, %shift_right_arithmetic3A_3215 : vector<16xi32>
    %shift_left3A_3217 = arith.constant 13 : i32
    %shift_left3A_3218 = vector.broadcast %shift_left3A_3217 : i32 to vector<16xi32>
    %shift_left3A_3219 = arith.shli %shift_right_arithmetic3A_3216, %shift_left3A_3218 : vector<16xi32>
    %and3A_3220 = arith.constant 8191 : i32
    %and3A_3221 = vector.broadcast %and3A_3220 : i32 to vector<16xi32>
    %and3A_3222 = arith.andi %get3A_3213, %and3A_3221 : vector<16xi32>
    %add3A_3223 = arith.addi %shift_left3A_3219, %and3A_3222 : vector<16xi32>
    %swap3A_3224 = arith.constant 3024 : index
    %swap3A_3225 = tpu.vector_load %arg6[%swap3A_3224] {strides = array<i32>} : memref<3328xi32, #tpu.memory_space<vmem>>, vector<16xi32>,
    %swap3A_3226 = vector.shape_cast %swap3A_3225 : vector<16xi32> to vector<16xi32>
    %swap3A_3227 = vector.shape_cast %add3A_3223 : vector<16xi32> to vector<16xi32>
    tpu.vector_store %arg6[%swap3A_3224], %swap3A_3227 {strides = array<i32>} : memref<3328xi32, #tpu.memory_space<vmem>>, vector<16xi32>,
    %get3A_3228 = arith.constant 3040 : index
    %get3A_3229 = tpu.vector_load %arg5[%get3A_3228] {strides = array<i32>} : memref<3328xi32, #tpu.memory_space<vmem>>, vector<16xi32>,
    %get3A_3230 = vector.shape_cast %get3A_3229 : vector<16xi32> to vector<16xi32>
    %shift_right_arithmetic3A_3231 = arith.constant 15 : i32
    %shift_right_arithmetic3A_3232 = vector.broadcast %shift_right_arithmetic3A_3231 : i32 to vector<16xi32>
    %shift_right_arithmetic3A_3233 = arith.shrsi %get3A_3230, %shift_right_arithmetic3A_3232 : vector<16xi32>
    %shift_left3A_3234 = arith.constant 13 : i32
    %shift_left3A_3235 = vector.broadcast %shift_left3A_3234 : i32 to vector<16xi32>
    %shift_left3A_3236 = arith.shli %shift_right_arithmetic3A_3233, %shift_left3A_3235 : vector<16xi32>
    %and3A_3237 = arith.constant 8191 : i32
    %and3A_3238 = vector.broadcast %and3A_3237 : i32 to vector<16xi32>
    %and3A_3239 = arith.andi %get3A_3230, %and3A_3238 : vector<16xi32>
    %add3A_3240 = arith.addi %shift_left3A_3236, %and3A_3239 : vector<16xi32>
    %swap3A_3241 = arith.constant 3040 : index
    %swap3A_3242 = tpu.vector_load %arg6[%swap3A_3241] {strides = array<i32>} : memref<3328xi32, #tpu.memory_space<vmem>>, vector<16xi32>,
    %swap3A_3243 = vector.shape_cast %swap3A_3242 : vector<16xi32> to vector<16xi32>
    %swap3A_3244 = vector.shape_cast %add3A_3240 : vector<16xi32> to vector<16xi32>
    tpu.vector_store %arg6[%swap3A_3241], %swap3A_3244 {strides = array<i32>} : memref<3328xi32, #tpu.memory_space<vmem>>, vector<16xi32>,
    %get3A_3245 = arith.constant 3056 : index
    %get3A_3246 = tpu.vector_load %arg5[%get3A_3245] {strides = array<i32>} : memref<3328xi32, #tpu.memory_space<vmem>>, vector<16xi32>,
    %get3A_3247 = vector.shape_cast %get3A_3246 : vector<16xi32> to vector<16xi32>
    %shift_right_arithmetic3A_3248 = arith.constant 15 : i32
    %shift_right_arithmetic3A_3249 = vector.broadcast %shift_right_arithmetic3A_3248 : i32 to vector<16xi32>
    %shift_right_arithmetic3A_3250 = arith.shrsi %get3A_3247, %shift_right_arithmetic3A_3249 : vector<16xi32>
    %shift_left3A_3251 = arith.constant 13 : i32
    %shift_left3A_3252 = vector.broadcast %shift_left3A_3251 : i32 to vector<16xi32>
    %shift_left3A_3253 = arith.shli %shift_right_arithmetic3A_3250, %shift_left3A_3252 : vector<16xi32>
    %and3A_3254 = arith.constant 8191 : i32
    %and3A_3255 = vector.broadcast %and3A_3254 : i32 to vector<16xi32>
    %and3A_3256 = arith.andi %get3A_3247, %and3A_3255 : vector<16xi32>
    %add3A_3257 = arith.addi %shift_left3A_3253, %and3A_3256 : vector<16xi32>
    %swap3A_3258 = arith.constant 3056 : index
    %swap3A_3259 = tpu.vector_load %arg6[%swap3A_3258] {strides = array<i32>} : memref<3328xi32, #tpu.memory_space<vmem>>, vector<16xi32>,
    %swap3A_3260 = vector.shape_cast %swap3A_3259 : vector<16xi32> to vector<16xi32>
    %swap3A_3261 = vector.shape_cast %add3A_3257 : vector<16xi32> to vector<16xi32>
    tpu.vector_store %arg6[%swap3A_3258], %swap3A_3261 {strides = array<i32>} : memref<3328xi32, #tpu.memory_space<vmem>>, vector<16xi32>,
    %get3A_3262 = arith.constant 3072 : index
    %get3A_3263 = tpu.vector_load %arg5[%get3A_3262] {strides = array<i32>} : memref<3328xi32, #tpu.memory_space<vmem>>, vector<16xi32>,
    %get3A_3264 = vector.shape_cast %get3A_3263 : vector<16xi32> to vector<16xi32>
    %shift_right_arithmetic3A_3265 = arith.constant 15 : i32
    %shift_right_arithmetic3A_3266 = vector.broadcast %shift_right_arithmetic3A_3265 : i32 to vector<16xi32>
    %shift_right_arithmetic3A_3267 = arith.shrsi %get3A_3264, %shift_right_arithmetic3A_3266 : vector<16xi32>
    %shift_left3A_3268 = arith.constant 13 : i32
    %shift_left3A_3269 = vector.broadcast %shift_left3A_3268 : i32 to vector<16xi32>
    %shift_left3A_3270 = arith.shli %shift_right_arithmetic3A_3267, %shift_left3A_3269 : vector<16xi32>
    %and3A_3271 = arith.constant 8191 : i32
    %and3A_3272 = vector.broadcast %and3A_3271 : i32 to vector<16xi32>
    %and3A_3273 = arith.andi %get3A_3264, %and3A_3272 : vector<16xi32>
    %add3A_3274 = arith.addi %shift_left3A_3270, %and3A_3273 : vector<16xi32>
    %swap3A_3275 = arith.constant 3072 : index
    %swap3A_3276 = tpu.vector_load %arg6[%swap3A_3275] {strides = array<i32>} : memref<3328xi32, #tpu.memory_space<vmem>>, vector<16xi32>,
    %swap3A_3277 = vector.shape_cast %swap3A_3276 : vector<16xi32> to vector<16xi32>
    %swap3A_3278 = vector.shape_cast %add3A_3274 : vector<16xi32> to vector<16xi32>
    tpu.vector_store %arg6[%swap3A_3275], %swap3A_3278 {strides = array<i32>} : memref<3328xi32, #tpu.memory_space<vmem>>, vector<16xi32>,
    %get3A_3279 = arith.constant 3088 : index
    %get3A_3280 = tpu.vector_load %arg5[%get3A_3279] {strides = array<i32>} : memref<3328xi32, #tpu.memory_space<vmem>>, vector<16xi32>,
    %get3A_3281 = vector.shape_cast %get3A_3280 : vector<16xi32> to vector<16xi32>
    %shift_right_arithmetic3A_3282 = arith.constant 15 : i32
    %shift_right_arithmetic3A_3283 = vector.broadcast %shift_right_arithmetic3A_3282 : i32 to vector<16xi32>
    %shift_right_arithmetic3A_3284 = arith.shrsi %get3A_3281, %shift_right_arithmetic3A_3283 : vector<16xi32>
    %shift_left3A_3285 = arith.constant 13 : i32
    %shift_left3A_3286 = vector.broadcast %shift_left3A_3285 : i32 to vector<16xi32>
    %shift_left3A_3287 = arith.shli %shift_right_arithmetic3A_3284, %shift_left3A_3286 : vector<16xi32>
    %and3A_3288 = arith.constant 8191 : i32
    %and3A_3289 = vector.broadcast %and3A_3288 : i32 to vector<16xi32>
    %and3A_3290 = arith.andi %get3A_3281, %and3A_3289 : vector<16xi32>
    %add3A_3291 = arith.addi %shift_left3A_3287, %and3A_3290 : vector<16xi32>
    %swap3A_3292 = arith.constant 3088 : index
    %swap3A_3293 = tpu.vector_load %arg6[%swap3A_3292] {strides = array<i32>} : memref<3328xi32, #tpu.memory_space<vmem>>, vector<16xi32>,
    %swap3A_3294 = vector.shape_cast %swap3A_3293 : vector<16xi32> to vector<16xi32>
    %swap3A_3295 = vector.shape_cast %add3A_3291 : vector<16xi32> to vector<16xi32>
    tpu.vector_store %arg6[%swap3A_3292], %swap3A_3295 {strides = array<i32>} : memref<3328xi32, #tpu.memory_space<vmem>>, vector<16xi32>,
    %get3A_3296 = arith.constant 3104 : index
    %get3A_3297 = tpu.vector_load %arg5[%get3A_3296] {strides = array<i32>} : memref<3328xi32, #tpu.memory_space<vmem>>, vector<16xi32>,
    %get3A_3298 = vector.shape_cast %get3A_3297 : vector<16xi32> to vector<16xi32>
    %shift_right_arithmetic3A_3299 = arith.constant 15 : i32
    %shift_right_arithmetic3A_3300 = vector.broadcast %shift_right_arithmetic3A_3299 : i32 to vector<16xi32>
    %shift_right_arithmetic3A_3301 = arith.shrsi %get3A_3298, %shift_right_arithmetic3A_3300 : vector<16xi32>
    %shift_left3A_3302 = arith.constant 13 : i32
    %shift_left3A_3303 = vector.broadcast %shift_left3A_3302 : i32 to vector<16xi32>
    %shift_left3A_3304 = arith.shli %shift_right_arithmetic3A_3301, %shift_left3A_3303 : vector<16xi32>
    %and3A_3305 = arith.constant 8191 : i32
    %and3A_3306 = vector.broadcast %and3A_3305 : i32 to vector<16xi32>
    %and3A_3307 = arith.andi %get3A_3298, %and3A_3306 : vector<16xi32>
    %add3A_3308 = arith.addi %shift_left3A_3304, %and3A_3307 : vector<16xi32>
    %swap3A_3309 = arith.constant 3104 : index
    %swap3A_3310 = tpu.vector_load %arg6[%swap3A_3309] {strides = array<i32>} : memref<3328xi32, #tpu.memory_space<vmem>>, vector<16xi32>,
    %swap3A_3311 = vector.shape_cast %swap3A_3310 : vector<16xi32> to vector<16xi32>
    %swap3A_3312 = vector.shape_cast %add3A_3308 : vector<16xi32> to vector<16xi32>
    tpu.vector_store %arg6[%swap3A_3309], %swap3A_3312 {strides = array<i32>} : memref<3328xi32, #tpu.memory_space<vmem>>, vector<16xi32>,
    %get3A_3313 = arith.constant 3120 : index
    %get3A_3314 = tpu.vector_load %arg5[%get3A_3313] {strides = array<i32>} : memref<3328xi32, #tpu.memory_space<vmem>>, vector<16xi32>,
    %get3A_3315 = vector.shape_cast %get3A_3314 : vector<16xi32> to vector<16xi32>
    %shift_right_arithmetic3A_3316 = arith.constant 15 : i32
    %shift_right_arithmetic3A_3317 = vector.broadcast %shift_right_arithmetic3A_3316 : i32 to vector<16xi32>
    %shift_right_arithmetic3A_3318 = arith.shrsi %get3A_3315, %shift_right_arithmetic3A_3317 : vector<16xi32>
    %shift_left3A_3319 = arith.constant 13 : i32
    %shift_left3A_3320 = vector.broadcast %shift_left3A_3319 : i32 to vector<16xi32>
    %shift_left3A_3321 = arith.shli %shift_right_arithmetic3A_3318, %shift_left3A_3320 : vector<16xi32>
    %and3A_3322 = arith.constant 8191 : i32
    %and3A_3323 = vector.broadcast %and3A_3322 : i32 to vector<16xi32>
    %and3A_3324 = arith.andi %get3A_3315, %and3A_3323 : vector<16xi32>
    %add3A_3325 = arith.addi %shift_left3A_3321, %and3A_3324 : vector<16xi32>
    %swap3A_3326 = arith.constant 3120 : index
    %swap3A_3327 = tpu.vector_load %arg6[%swap3A_3326] {strides = array<i32>} : memref<3328xi32, #tpu.memory_space<vmem>>, vector<16xi32>,
    %swap3A_3328 = vector.shape_cast %swap3A_3327 : vector<16xi32> to vector<16xi32>
    %swap3A_3329 = vector.shape_cast %add3A_3325 : vector<16xi32> to vector<16xi32>
    tpu.vector_store %arg6[%swap3A_3326], %swap3A_3329 {strides = array<i32>} : memref<3328xi32, #tpu.memory_space<vmem>>, vector<16xi32>,
    %get3A_3330 = arith.constant 3136 : index
    %get3A_3331 = tpu.vector_load %arg5[%get3A_3330] {strides = array<i32>} : memref<3328xi32, #tpu.memory_space<vmem>>, vector<16xi32>,
    %get3A_3332 = vector.shape_cast %get3A_3331 : vector<16xi32> to vector<16xi32>
    %shift_right_arithmetic3A_3333 = arith.constant 15 : i32
    %shift_right_arithmetic3A_3334 = vector.broadcast %shift_right_arithmetic3A_3333 : i32 to vector<16xi32>
    %shift_right_arithmetic3A_3335 = arith.shrsi %get3A_3332, %shift_right_arithmetic3A_3334 : vector<16xi32>
    %shift_left3A_3336 = arith.constant 13 : i32
    %shift_left3A_3337 = vector.broadcast %shift_left3A_3336 : i32 to vector<16xi32>
    %shift_left3A_3338 = arith.shli %shift_right_arithmetic3A_3335, %shift_left3A_3337 : vector<16xi32>
    %and3A_3339 = arith.constant 8191 : i32
    %and3A_3340 = vector.broadcast %and3A_3339 : i32 to vector<16xi32>
    %and3A_3341 = arith.andi %get3A_3332, %and3A_3340 : vector<16xi32>
    %add3A_3342 = arith.addi %shift_left3A_3338, %and3A_3341 : vector<16xi32>
    %swap3A_3343 = arith.constant 3136 : index
    %swap3A_3344 = tpu.vector_load %arg6[%swap3A_3343] {strides = array<i32>} : memref<3328xi32, #tpu.memory_space<vmem>>, vector<16xi32>,
    %swap3A_3345 = vector.shape_cast %swap3A_3344 : vector<16xi32> to vector<16xi32>
    %swap3A_3346 = vector.shape_cast %add3A_3342 : vector<16xi32> to vector<16xi32>
    tpu.vector_store %arg6[%swap3A_3343], %swap3A_3346 {strides = array<i32>} : memref<3328xi32, #tpu.memory_space<vmem>>, vector<16xi32>,
    %get3A_3347 = arith.constant 3152 : index
    %get3A_3348 = tpu.vector_load %arg5[%get3A_3347] {strides = array<i32>} : memref<3328xi32, #tpu.memory_space<vmem>>, vector<16xi32>,
    %get3A_3349 = vector.shape_cast %get3A_3348 : vector<16xi32> to vector<16xi32>
    %shift_right_arithmetic3A_3350 = arith.constant 15 : i32
    %shift_right_arithmetic3A_3351 = vector.broadcast %shift_right_arithmetic3A_3350 : i32 to vector<16xi32>
    %shift_right_arithmetic3A_3352 = arith.shrsi %get3A_3349, %shift_right_arithmetic3A_3351 : vector<16xi32>
    %shift_left3A_3353 = arith.constant 13 : i32
    %shift_left3A_3354 = vector.broadcast %shift_left3A_3353 : i32 to vector<16xi32>
    %shift_left3A_3355 = arith.shli %shift_right_arithmetic3A_3352, %shift_left3A_3354 : vector<16xi32>
    %and3A_3356 = arith.constant 8191 : i32
    %and3A_3357 = vector.broadcast %and3A_3356 : i32 to vector<16xi32>
    %and3A_3358 = arith.andi %get3A_3349, %and3A_3357 : vector<16xi32>
    %add3A_3359 = arith.addi %shift_left3A_3355, %and3A_3358 : vector<16xi32>
    %swap3A_3360 = arith.constant 3152 : index
    %swap3A_3361 = tpu.vector_load %arg6[%swap3A_3360] {strides = array<i32>} : memref<3328xi32, #tpu.memory_space<vmem>>, vector<16xi32>,
    %swap3A_3362 = vector.shape_cast %swap3A_3361 : vector<16xi32> to vector<16xi32>
    %swap3A_3363 = vector.shape_cast %add3A_3359 : vector<16xi32> to vector<16xi32>
    tpu.vector_store %arg6[%swap3A_3360], %swap3A_3363 {strides = array<i32>} : memref<3328xi32, #tpu.memory_space<vmem>>, vector<16xi32>,
    %get3A_3364 = arith.constant 3168 : index
    %get3A_3365 = tpu.vector_load %arg5[%get3A_3364] {strides = array<i32>} : memref<3328xi32, #tpu.memory_space<vmem>>, vector<16xi32>,
    %get3A_3366 = vector.shape_cast %get3A_3365 : vector<16xi32> to vector<16xi32>
    %shift_right_arithmetic3A_3367 = arith.constant 15 : i32
    %shift_right_arithmetic3A_3368 = vector.broadcast %shift_right_arithmetic3A_3367 : i32 to vector<16xi32>
    %shift_right_arithmetic3A_3369 = arith.shrsi %get3A_3366, %shift_right_arithmetic3A_3368 : vector<16xi32>
    %shift_left3A_3370 = arith.constant 13 : i32
    %shift_left3A_3371 = vector.broadcast %shift_left3A_3370 : i32 to vector<16xi32>
    %shift_left3A_3372 = arith.shli %shift_right_arithmetic3A_3369, %shift_left3A_3371 : vector<16xi32>
    %and3A_3373 = arith.constant 8191 : i32
    %and3A_3374 = vector.broadcast %and3A_3373 : i32 to vector<16xi32>
    %and3A_3375 = arith.andi %get3A_3366, %and3A_3374 : vector<16xi32>
    %add3A_3376 = arith.addi %shift_left3A_3372, %and3A_3375 : vector<16xi32>
    %swap3A_3377 = arith.constant 3168 : index
    %swap3A_3378 = tpu.vector_load %arg6[%swap3A_3377] {strides = array<i32>} : memref<3328xi32, #tpu.memory_space<vmem>>, vector<16xi32>,
    %swap3A_3379 = vector.shape_cast %swap3A_3378 : vector<16xi32> to vector<16xi32>
    %swap3A_3380 = vector.shape_cast %add3A_3376 : vector<16xi32> to vector<16xi32>
    tpu.vector_store %arg6[%swap3A_3377], %swap3A_3380 {strides = array<i32>} : memref<3328xi32, #tpu.memory_space<vmem>>, vector<16xi32>,
    %get3A_3381 = arith.constant 3184 : index
    %get3A_3382 = tpu.vector_load %arg5[%get3A_3381] {strides = array<i32>} : memref<3328xi32, #tpu.memory_space<vmem>>, vector<16xi32>,
    %get3A_3383 = vector.shape_cast %get3A_3382 : vector<16xi32> to vector<16xi32>
    %shift_right_arithmetic3A_3384 = arith.constant 15 : i32
    %shift_right_arithmetic3A_3385 = vector.broadcast %shift_right_arithmetic3A_3384 : i32 to vector<16xi32>
    %shift_right_arithmetic3A_3386 = arith.shrsi %get3A_3383, %shift_right_arithmetic3A_3385 : vector<16xi32>
    %shift_left3A_3387 = arith.constant 13 : i32
    %shift_left3A_3388 = vector.broadcast %shift_left3A_3387 : i32 to vector<16xi32>
    %shift_left3A_3389 = arith.shli %shift_right_arithmetic3A_3386, %shift_left3A_3388 : vector<16xi32>
    %and3A_3390 = arith.constant 8191 : i32
    %and3A_3391 = vector.broadcast %and3A_3390 : i32 to vector<16xi32>
    %and3A_3392 = arith.andi %get3A_3383, %and3A_3391 : vector<16xi32>
    %add3A_3393 = arith.addi %shift_left3A_3389, %and3A_3392 : vector<16xi32>
    %swap3A_3394 = arith.constant 3184 : index
    %swap3A_3395 = tpu.vector_load %arg6[%swap3A_3394] {strides = array<i32>} : memref<3328xi32, #tpu.memory_space<vmem>>, vector<16xi32>,
    %swap3A_3396 = vector.shape_cast %swap3A_3395 : vector<16xi32> to vector<16xi32>
    %swap3A_3397 = vector.shape_cast %add3A_3393 : vector<16xi32> to vector<16xi32>
    tpu.vector_store %arg6[%swap3A_3394], %swap3A_3397 {strides = array<i32>} : memref<3328xi32, #tpu.memory_space<vmem>>, vector<16xi32>,
    %get3A_3398 = arith.constant 3200 : index
    %get3A_3399 = tpu.vector_load %arg5[%get3A_3398] {strides = array<i32>} : memref<3328xi32, #tpu.memory_space<vmem>>, vector<16xi32>,
    %get3A_3400 = vector.shape_cast %get3A_3399 : vector<16xi32> to vector<16xi32>
    %shift_right_arithmetic3A_3401 = arith.constant 15 : i32
    %shift_right_arithmetic3A_3402 = vector.broadcast %shift_right_arithmetic3A_3401 : i32 to vector<16xi32>
    %shift_right_arithmetic3A_3403 = arith.shrsi %get3A_3400, %shift_right_arithmetic3A_3402 : vector<16xi32>
    %shift_left3A_3404 = arith.constant 13 : i32
    %shift_left3A_3405 = vector.broadcast %shift_left3A_3404 : i32 to vector<16xi32>
    %shift_left3A_3406 = arith.shli %shift_right_arithmetic3A_3403, %shift_left3A_3405 : vector<16xi32>
    %and3A_3407 = arith.constant 8191 : i32
    %and3A_3408 = vector.broadcast %and3A_3407 : i32 to vector<16xi32>
    %and3A_3409 = arith.andi %get3A_3400, %and3A_3408 : vector<16xi32>
    %add3A_3410 = arith.addi %shift_left3A_3406, %and3A_3409 : vector<16xi32>
    %swap3A_3411 = arith.constant 3200 : index
    %swap3A_3412 = tpu.vector_load %arg6[%swap3A_3411] {strides = array<i32>} : memref<3328xi32, #tpu.memory_space<vmem>>, vector<16xi32>,
    %swap3A_3413 = vector.shape_cast %swap3A_3412 : vector<16xi32> to vector<16xi32>
    %swap3A_3414 = vector.shape_cast %add3A_3410 : vector<16xi32> to vector<16xi32>
    tpu.vector_store %arg6[%swap3A_3411], %swap3A_3414 {strides = array<i32>} : memref<3328xi32, #tpu.memory_space<vmem>>, vector<16xi32>,
    %get3A_3415 = arith.constant 3216 : index
    %get3A_3416 = tpu.vector_load %arg5[%get3A_3415] {strides = array<i32>} : memref<3328xi32, #tpu.memory_space<vmem>>, vector<16xi32>,
    %get3A_3417 = vector.shape_cast %get3A_3416 : vector<16xi32> to vector<16xi32>
    %shift_right_arithmetic3A_3418 = arith.constant 15 : i32
    %shift_right_arithmetic3A_3419 = vector.broadcast %shift_right_arithmetic3A_3418 : i32 to vector<16xi32>
    %shift_right_arithmetic3A_3420 = arith.shrsi %get3A_3417, %shift_right_arithmetic3A_3419 : vector<16xi32>
    %shift_left3A_3421 = arith.constant 13 : i32
    %shift_left3A_3422 = vector.broadcast %shift_left3A_3421 : i32 to vector<16xi32>
    %shift_left3A_3423 = arith.shli %shift_right_arithmetic3A_3420, %shift_left3A_3422 : vector<16xi32>
    %and3A_3424 = arith.constant 8191 : i32
    %and3A_3425 = vector.broadcast %and3A_3424 : i32 to vector<16xi32>
    %and3A_3426 = arith.andi %get3A_3417, %and3A_3425 : vector<16xi32>
    %add3A_3427 = arith.addi %shift_left3A_3423, %and3A_3426 : vector<16xi32>
    %swap3A_3428 = arith.constant 3216 : index
    %swap3A_3429 = tpu.vector_load %arg6[%swap3A_3428] {strides = array<i32>} : memref<3328xi32, #tpu.memory_space<vmem>>, vector<16xi32>,
    %swap3A_3430 = vector.shape_cast %swap3A_3429 : vector<16xi32> to vector<16xi32>
    %swap3A_3431 = vector.shape_cast %add3A_3427 : vector<16xi32> to vector<16xi32>
    tpu.vector_store %arg6[%swap3A_3428], %swap3A_3431 {strides = array<i32>} : memref<3328xi32, #tpu.memory_space<vmem>>, vector<16xi32>,
    %get3A_3432 = arith.constant 3232 : index
    %get3A_3433 = tpu.vector_load %arg5[%get3A_3432] {strides = array<i32>} : memref<3328xi32, #tpu.memory_space<vmem>>, vector<16xi32>,
    %get3A_3434 = vector.shape_cast %get3A_3433 : vector<16xi32> to vector<16xi32>
    %shift_right_arithmetic3A_3435 = arith.constant 15 : i32
    %shift_right_arithmetic3A_3436 = vector.broadcast %shift_right_arithmetic3A_3435 : i32 to vector<16xi32>
    %shift_right_arithmetic3A_3437 = arith.shrsi %get3A_3434, %shift_right_arithmetic3A_3436 : vector<16xi32>
    %shift_left3A_3438 = arith.constant 13 : i32
    %shift_left3A_3439 = vector.broadcast %shift_left3A_3438 : i32 to vector<16xi32>
    %shift_left3A_3440 = arith.shli %shift_right_arithmetic3A_3437, %shift_left3A_3439 : vector<16xi32>
    %and3A_3441 = arith.constant 8191 : i32
    %and3A_3442 = vector.broadcast %and3A_3441 : i32 to vector<16xi32>
    %and3A_3443 = arith.andi %get3A_3434, %and3A_3442 : vector<16xi32>
    %add3A_3444 = arith.addi %shift_left3A_3440, %and3A_3443 : vector<16xi32>
    %swap3A_3445 = arith.constant 3232 : index
    %swap3A_3446 = tpu.vector_load %arg6[%swap3A_3445] {strides = array<i32>} : memref<3328xi32, #tpu.memory_space<vmem>>, vector<16xi32>,
    %swap3A_3447 = vector.shape_cast %swap3A_3446 : vector<16xi32> to vector<16xi32>
    %swap3A_3448 = vector.shape_cast %add3A_3444 : vector<16xi32> to vector<16xi32>
    tpu.vector_store %arg6[%swap3A_3445], %swap3A_3448 {strides = array<i32>} : memref<3328xi32, #tpu.memory_space<vmem>>, vector<16xi32>,
    %get3A_3449 = arith.constant 3248 : index
    %get3A_3450 = tpu.vector_load %arg5[%get3A_3449] {strides = array<i32>} : memref<3328xi32, #tpu.memory_space<vmem>>, vector<16xi32>,
    %get3A_3451 = vector.shape_cast %get3A_3450 : vector<16xi32> to vector<16xi32>
    %shift_right_arithmetic3A_3452 = arith.constant 15 : i32
    %shift_right_arithmetic3A_3453 = vector.broadcast %shift_right_arithmetic3A_3452 : i32 to vector<16xi32>
    %shift_right_arithmetic3A_3454 = arith.shrsi %get3A_3451, %shift_right_arithmetic3A_3453 : vector<16xi32>
    %shift_left3A_3455 = arith.constant 13 : i32
    %shift_left3A_3456 = vector.broadcast %shift_left3A_3455 : i32 to vector<16xi32>
    %shift_left3A_3457 = arith.shli %shift_right_arithmetic3A_3454, %shift_left3A_3456 : vector<16xi32>
    %and3A_3458 = arith.constant 8191 : i32
    %and3A_3459 = vector.broadcast %and3A_3458 : i32 to vector<16xi32>
    %and3A_3460 = arith.andi %get3A_3451, %and3A_3459 : vector<16xi32>
    %add3A_3461 = arith.addi %shift_left3A_3457, %and3A_3460 : vector<16xi32>
    %swap3A_3462 = arith.constant 3248 : index
    %swap3A_3463 = tpu.vector_load %arg6[%swap3A_3462] {strides = array<i32>} : memref<3328xi32, #tpu.memory_space<vmem>>, vector<16xi32>,
    %swap3A_3464 = vector.shape_cast %swap3A_3463 : vector<16xi32> to vector<16xi32>
    %swap3A_3465 = vector.shape_cast %add3A_3461 : vector<16xi32> to vector<16xi32>
    tpu.vector_store %arg6[%swap3A_3462], %swap3A_3465 {strides = array<i32>} : memref<3328xi32, #tpu.memory_space<vmem>>, vector<16xi32>,
    %get3A_3466 = arith.constant 3264 : index
    %get3A_3467 = tpu.vector_load %arg5[%get3A_3466] {strides = array<i32>} : memref<3328xi32, #tpu.memory_space<vmem>>, vector<16xi32>,
    %get3A_3468 = vector.shape_cast %get3A_3467 : vector<16xi32> to vector<16xi32>
    %shift_right_arithmetic3A_3469 = arith.constant 15 : i32
    %shift_right_arithmetic3A_3470 = vector.broadcast %shift_right_arithmetic3A_3469 : i32 to vector<16xi32>
    %shift_right_arithmetic3A_3471 = arith.shrsi %get3A_3468, %shift_right_arithmetic3A_3470 : vector<16xi32>
    %shift_left3A_3472 = arith.constant 13 : i32
    %shift_left3A_3473 = vector.broadcast %shift_left3A_3472 : i32 to vector<16xi32>
    %shift_left3A_3474 = arith.shli %shift_right_arithmetic3A_3471, %shift_left3A_3473 : vector<16xi32>
    %and3A_3475 = arith.constant 8191 : i32
    %and3A_3476 = vector.broadcast %and3A_3475 : i32 to vector<16xi32>
    %and3A_3477 = arith.andi %get3A_3468, %and3A_3476 : vector<16xi32>
    %add3A_3478 = arith.addi %shift_left3A_3474, %and3A_3477 : vector<16xi32>
    %swap3A_3479 = arith.constant 3264 : index
    %swap3A_3480 = tpu.vector_load %arg6[%swap3A_3479] {strides = array<i32>} : memref<3328xi32, #tpu.memory_space<vmem>>, vector<16xi32>,
    %swap3A_3481 = vector.shape_cast %swap3A_3480 : vector<16xi32> to vector<16xi32>
    %swap3A_3482 = vector.shape_cast %add3A_3478 : vector<16xi32> to vector<16xi32>
    tpu.vector_store %arg6[%swap3A_3479], %swap3A_3482 {strides = array<i32>} : memref<3328xi32, #tpu.memory_space<vmem>>, vector<16xi32>,
    %get3A_3483 = arith.constant 3280 : index
    %get3A_3484 = tpu.vector_load %arg5[%get3A_3483] {strides = array<i32>} : memref<3328xi32, #tpu.memory_space<vmem>>, vector<16xi32>,
    %get3A_3485 = vector.shape_cast %get3A_3484 : vector<16xi32> to vector<16xi32>
    %shift_right_arithmetic3A_3486 = arith.constant 15 : i32
    %shift_right_arithmetic3A_3487 = vector.broadcast %shift_right_arithmetic3A_3486 : i32 to vector<16xi32>
    %shift_right_arithmetic3A_3488 = arith.shrsi %get3A_3485, %shift_right_arithmetic3A_3487 : vector<16xi32>
    %shift_left3A_3489 = arith.constant 13 : i32
    %shift_left3A_3490 = vector.broadcast %shift_left3A_3489 : i32 to vector<16xi32>
    %shift_left3A_3491 = arith.shli %shift_right_arithmetic3A_3488, %shift_left3A_3490 : vector<16xi32>
    %and3A_3492 = arith.constant 8191 : i32
    %and3A_3493 = vector.broadcast %and3A_3492 : i32 to vector<16xi32>
    %and3A_3494 = arith.andi %get3A_3485, %and3A_3493 : vector<16xi32>
    %add3A_3495 = arith.addi %shift_left3A_3491, %and3A_3494 : vector<16xi32>
    %swap3A_3496 = arith.constant 3280 : index
    %swap3A_3497 = tpu.vector_load %arg6[%swap3A_3496] {strides = array<i32>} : memref<3328xi32, #tpu.memory_space<vmem>>, vector<16xi32>,
    %swap3A_3498 = vector.shape_cast %swap3A_3497 : vector<16xi32> to vector<16xi32>
    %swap3A_3499 = vector.shape_cast %add3A_3495 : vector<16xi32> to vector<16xi32>
    tpu.vector_store %arg6[%swap3A_3496], %swap3A_3499 {strides = array<i32>} : memref<3328xi32, #tpu.memory_space<vmem>>, vector<16xi32>,
    %get3A_3500 = arith.constant 3296 : index
    %get3A_3501 = tpu.vector_load %arg5[%get3A_3500] {strides = array<i32>} : memref<3328xi32, #tpu.memory_space<vmem>>, vector<16xi32>,
    %get3A_3502 = vector.shape_cast %get3A_3501 : vector<16xi32> to vector<16xi32>
    %shift_right_arithmetic3A_3503 = arith.constant 15 : i32
    %shift_right_arithmetic3A_3504 = vector.broadcast %shift_right_arithmetic3A_3503 : i32 to vector<16xi32>
    %shift_right_arithmetic3A_3505 = arith.shrsi %get3A_3502, %shift_right_arithmetic3A_3504 : vector<16xi32>
    %shift_left3A_3506 = arith.constant 13 : i32
    %shift_left3A_3507 = vector.broadcast %shift_left3A_3506 : i32 to vector<16xi32>
    %shift_left3A_3508 = arith.shli %shift_right_arithmetic3A_3505, %shift_left3A_3507 : vector<16xi32>
    %and3A_3509 = arith.constant 8191 : i32
    %and3A_3510 = vector.broadcast %and3A_3509 : i32 to vector<16xi32>
    %and3A_3511 = arith.andi %get3A_3502, %and3A_3510 : vector<16xi32>
    %add3A_3512 = arith.addi %shift_left3A_3508, %and3A_3511 : vector<16xi32>
    %swap3A_3513 = arith.constant 3296 : index
    %swap3A_3514 = tpu.vector_load %arg6[%swap3A_3513] {strides = array<i32>} : memref<3328xi32, #tpu.memory_space<vmem>>, vector<16xi32>,
    %swap3A_3515 = vector.shape_cast %swap3A_3514 : vector<16xi32> to vector<16xi32>
    %swap3A_3516 = vector.shape_cast %add3A_3512 : vector<16xi32> to vector<16xi32>
    tpu.vector_store %arg6[%swap3A_3513], %swap3A_3516 {strides = array<i32>} : memref<3328xi32, #tpu.memory_space<vmem>>, vector<16xi32>,
    %get3A_3517 = arith.constant 3312 : index
    %get3A_3518 = tpu.vector_load %arg5[%get3A_3517] {strides = array<i32>} : memref<3328xi32, #tpu.memory_space<vmem>>, vector<16xi32>,
    %get3A_3519 = vector.shape_cast %get3A_3518 : vector<16xi32> to vector<16xi32>
    %shift_right_arithmetic3A_3520 = arith.constant 15 : i32
    %shift_right_arithmetic3A_3521 = vector.broadcast %shift_right_arithmetic3A_3520 : i32 to vector<16xi32>
    %shift_right_arithmetic3A_3522 = arith.shrsi %get3A_3519, %shift_right_arithmetic3A_3521 : vector<16xi32>
    %shift_left3A_3523 = arith.constant 13 : i32
    %shift_left3A_3524 = vector.broadcast %shift_left3A_3523 : i32 to vector<16xi32>
    %shift_left3A_3525 = arith.shli %shift_right_arithmetic3A_3522, %shift_left3A_3524 : vector<16xi32>
    %and3A_3526 = arith.constant 8191 : i32
    %and3A_3527 = vector.broadcast %and3A_3526 : i32 to vector<16xi32>
    %and3A_3528 = arith.andi %get3A_3519, %and3A_3527 : vector<16xi32>
    %add3A_3529 = arith.addi %shift_left3A_3525, %and3A_3528 : vector<16xi32>
    %swap3A_3530 = arith.constant 3312 : index
    %swap3A_3531 = tpu.vector_load %arg6[%swap3A_3530] {strides = array<i32>} : memref<3328xi32, #tpu.memory_space<vmem>>, vector<16xi32>,
    %swap3A_3532 = vector.shape_cast %swap3A_3531 : vector<16xi32> to vector<16xi32>
    %swap3A_3533 = vector.shape_cast %add3A_3529 : vector<16xi32> to vector<16xi32>
    tpu.vector_store %arg6[%swap3A_3530], %swap3A_3533 {strides = array<i32>} : memref<3328xi32, #tpu.memory_space<vmem>>, vector<16xi32>,
    %multiple_of3A_3534 = arith.constant 0 : i32
    %multiple_of3A_3535 = tpu.assume_multiple %multiple_of3A_3534, 8 : i32
    %dma_start3A = arith.constant 0 : i32
    %dma_start3A_3536 = arith.constant 0 : i32
    %dma_start3A_3537 = arith.constant 0 : i32
    %dma_start3A_3538 = tpu.memref_slice %arg7[%dma_start3A, %dma_start3A_3536, %dma_start3A_3537] : memref<2x128x128xf32, #tpu.memory_space<vmem>> -> memref<1x128x128xf32, #tpu.memory_space<vmem>>
    %dma_start3A_3539 = tpu.memref_squeeze %dma_start3A_3538 : memref<1x128x128xf32, #tpu.memory_space<vmem>> -> memref<128x128xf32, #tpu.memory_space<vmem>>
    %dma_start3A_3540 = tpu.memref_slice %arg6[%multiple_of3A_3535] : memref<3328xi32, #tpu.memory_space<vmem>> -> memref<128xi32, #tpu.memory_space<vmem>>
    %dma_start3A_3541 = arith.constant 0 : i32
    %dma_start3A_3542 = arith.constant 0 : i32
    %dma_start3A_3543 = tpu.memref_slice %arg3[%dma_start3A_3541, %dma_start3A_3542] : memref<253952x128xf32, #tpu.memory_space<hbm>> -> memref<253952x128xf32, #tpu.memory_space<hbm>>
    tpu.enqueue_indirect_dma source(%dma_start3A_3543 : memref<253952x128xf32, #tpu.memory_space<hbm>>) target(%dma_start3A_3539 : memref<128x128xf32, #tpu.memory_space<vmem>>) offsets(%dma_start3A_3540 : memref<128xi32, #tpu.memory_space<vmem>>) semaphore(%arg8 : memref<!tpu.dma_semaphore, #tpu.memory_space<semaphore_mem>>)
    %scan3A = arith.constant 0 : i32
    %scan3A_3544 = arith.constant 0 : i32
    %scan3A_3545 = arith.constant 26 : i32
    %scan3A_3546 = arith.addi %scan3A_3544, %scan3A_3545 : i32
    %scan3A_3547 = arith.constant 1 : i32
    scf.for %scan3A_3549 = %scan3A_3544 to %scan3A_3546 step %scan3A_3547  : i32 {
      %mul3A_3550 = arith.constant 128 : i32
      %mul3A_3551 = arith.muli %scan3A_3549, %mul3A_3550 : i32
      %multiple_of3A_3552 = tpu.assume_multiple %mul3A_3551, 8 : i32
      %add3A_3553 = arith.constant 1 : i32
      %add3A_3554 = arith.addi %scan3A_3549, %add3A_3553 : i32
      %lt3A = arith.constant 26 : i32
      %lt3A_3555 = arith.cmpi slt, %add3A_3554, %lt3A : i32
      %convert_element_type3A = arith.extui %lt3A_3555 : i1 to i32
      %cond3A = arith.constant 0 : i32
      %cond3A_3556 = arith.cmpi ne, %convert_element_type3A, %cond3A : i32
      scf.if %cond3A_3556 {
        %add3A_3595 = arith.constant 1 : i32
        %add3A_3596 = arith.addi %scan3A_3549, %add3A_3595 : i32
        %mul3A_3597 = arith.constant 128 : i32
        %mul3A_3598 = arith.muli %add3A_3596, %mul3A_3597 : i32
        %multiple_of3A_3599 = tpu.assume_multiple %mul3A_3598, 8 : i32
        %jit3A_3600 = arith.constant 2 : i32
        %eq3A_3601 = arith.constant 0 : i32
        %eq3A_3602 = arith.cmpi eq, %jit3A_3600, %eq3A_3601 : i32
        %jit3A_3603 = arith.constant 1 : i32
        %select_n3A_3604 = arith.select %eq3A_3602, %jit3A_3603, %jit3A_3600 : i32
        %rem3A_3605 = arith.remsi %add3A_3596, %select_n3A_3604 : i32
        %ne3A_3606 = arith.constant 0 : i32
        %ne3A_3607 = arith.cmpi ne, %rem3A_3605, %ne3A_3606 : i32
        %lt3A_3608 = arith.constant 0 : i32
        %lt3A_3609 = arith.cmpi slt, %rem3A_3605, %lt3A_3608 : i32
        %lt3A_3610 = arith.constant 0 : i32
        %lt3A_3611 = arith.cmpi slt, %select_n3A_3604, %lt3A_3610 : i32
        %ne3A_3612 = arith.xori %lt3A_3609, %lt3A_3611 : i1
        %and3A_3613 = arith.andi %ne3A_3612, %ne3A_3607 : i1
        %add3A_3614 = arith.addi %rem3A_3605, %select_n3A_3604 : i32
        %select_n3A_3615 = arith.select %and3A_3613, %add3A_3614, %rem3A_3605 : i32
        %dma_start3A_3616 = arith.constant 0 : i32
        %dma_start3A_3617 = arith.constant 0 : i32
        %dma_start3A_3618 = tpu.memref_slice %arg7[%select_n3A_3615, %dma_start3A_3616, %dma_start3A_3617] : memref<2x128x128xf32, #tpu.memory_space<vmem>> -> memref<1x128x128xf32, #tpu.memory_space<vmem>>
        %dma_start3A_3619 = tpu.memref_squeeze %dma_start3A_3618 : memref<1x128x128xf32, #tpu.memory_space<vmem>> -> memref<128x128xf32, #tpu.memory_space<vmem>>
        %dma_start3A_3620 = tpu.memref_slice %arg6[%multiple_of3A_3599] : memref<3328xi32, #tpu.memory_space<vmem>> -> memref<128xi32, #tpu.memory_space<vmem>>
        %dma_start3A_3621 = arith.constant 0 : i32
        %dma_start3A_3622 = arith.constant 0 : i32
        %dma_start3A_3623 = tpu.memref_slice %arg3[%dma_start3A_3621, %dma_start3A_3622] : memref<253952x128xf32, #tpu.memory_space<hbm>> -> memref<253952x128xf32, #tpu.memory_space<hbm>>
        tpu.enqueue_indirect_dma source(%dma_start3A_3623 : memref<253952x128xf32, #tpu.memory_space<hbm>>) target(%dma_start3A_3619 : memref<128x128xf32, #tpu.memory_space<vmem>>) offsets(%dma_start3A_3620 : memref<128xi32, #tpu.memory_space<vmem>>) semaphore(%arg8 : memref<!tpu.dma_semaphore, #tpu.memory_space<semaphore_mem>>)
      } else {
      }
      %jit3A = arith.constant 2 : i32
      %eq3A = arith.constant 0 : i32
      %eq3A_3557 = arith.cmpi eq, %jit3A, %eq3A : i32
      %jit3A_3558 = arith.constant 1 : i32
      %select_n3A = arith.select %eq3A_3557, %jit3A_3558, %jit3A : i32
      %rem3A = arith.remsi %scan3A_3549, %select_n3A : i32
      %ne3A = arith.constant 0 : i32
      %ne3A_3559 = arith.cmpi ne, %rem3A, %ne3A : i32
      %lt3A_3560 = arith.constant 0 : i32
      %lt3A_3561 = arith.cmpi slt, %rem3A, %lt3A_3560 : i32
      %lt3A_3562 = arith.constant 0 : i32
      %lt3A_3563 = arith.cmpi slt, %select_n3A, %lt3A_3562 : i32
      %ne3A_3564 = arith.xori %lt3A_3561, %lt3A_3563 : i1
      %and3A_3565 = arith.andi %ne3A_3564, %ne3A_3559 : i1
      %add3A_3566 = arith.addi %rem3A, %select_n3A : i32
      %select_n3A_3567 = arith.select %and3A_3565, %add3A_3566, %rem3A : i32
      %dma_wait3A = arith.constant 0 : i32
      %dma_wait3A_3568 = arith.constant 0 : i32
      %dma_wait3A_3569 = tpu.memref_slice %arg7[%select_n3A_3567, %dma_wait3A, %dma_wait3A_3568] : memref<2x128x128xf32, #tpu.memory_space<vmem>> -> memref<1x128x128xf32, #tpu.memory_space<vmem>>
      %dma_wait3A_3570 = tpu.memref_squeeze %dma_wait3A_3569 : memref<1x128x128xf32, #tpu.memory_space<vmem>> -> memref<128x128xf32, #tpu.memory_space<vmem>>
      %dma_wait3A_3571 = tpu.memref_slice %arg6[%multiple_of3A_3552] : memref<3328xi32, #tpu.memory_space<vmem>> -> memref<128xi32, #tpu.memory_space<vmem>>
      %dma_wait3A_3572 = arith.constant 0 : i32
      %dma_wait3A_3573 = arith.constant 0 : i32
      %dma_wait3A_3574 = tpu.memref_slice %arg3[%dma_wait3A_3572, %dma_wait3A_3573] : memref<253952x128xf32, #tpu.memory_space<hbm>> -> memref<253952x128xf32, #tpu.memory_space<hbm>>
      tpu.wait_indirect_dma semaphore(%arg8 : memref<!tpu.dma_semaphore, #tpu.memory_space<semaphore_mem>>) src(%dma_wait3A_3574 : memref<253952x128xf32, #tpu.memory_space<hbm>>) dst(%dma_wait3A_3570 : memref<128x128xf32, #tpu.memory_space<vmem>>)
      %mul3A_3575 = arith.constant 128 : i32
      %mul3A_3576 = arith.muli %scan3A_3549, %mul3A_3575 : i32
      %add3A_3577 = arith.addi %multiple_of3A, %mul3A_3576 : i32
      %multiple_of3A_3578 = tpu.assume_multiple %add3A_3577, 8 : i32
      %jit3A_3579 = arith.constant 2 : i32
      %eq3A_3580 = arith.constant 0 : i32
      %eq3A_3581 = arith.cmpi eq, %jit3A_3579, %eq3A_3580 : i32
      %jit3A_3582 = arith.constant 1 : i32
      %select_n3A_3583 = arith.select %eq3A_3581, %jit3A_3582, %jit3A_3579 : i32
      %rem3A_3584 = arith.remsi %scan3A_3549, %select_n3A_3583 : i32
      %ne3A_3585 = arith.constant 0 : i32
      %ne3A_3586 = arith.cmpi ne, %rem3A_3584, %ne3A_3585 : i32
      %lt3A_3587 = arith.constant 0 : i32
      %lt3A_3588 = arith.cmpi slt, %rem3A_3584, %lt3A_3587 : i32
      %lt3A_3589 = arith.constant 0 : i32
      %lt3A_3590 = arith.cmpi slt, %select_n3A_3583, %lt3A_3589 : i32
      %ne3A_3591 = arith.xori %lt3A_3588, %lt3A_3590 : i1
      %and3A_3592 = arith.andi %ne3A_3591, %ne3A_3586 : i1
      %add3A_3593 = arith.addi %rem3A_3584, %select_n3A_3583 : i32
      %select_n3A_3594 = arith.select %and3A_3592, %add3A_3593, %rem3A_3584 : i32
      "tpu.region"() ({
        %run_scoped3A = tpu.sem_alloc : memref<!tpu.dma_semaphore, #tpu.memory_space<semaphore_mem>>
        %dma_start3A_3595 = arith.constant 0 : i32
        %dma_start3A_3596 = arith.constant 0 : i32
        %dma_start3A_3597 = tpu.memref_slice %arg7[%select_n3A_3594, %dma_start3A_3595, %dma_start3A_3596] : memref<2x128x128xf32, #tpu.memory_space<vmem>> -> memref<1x128x128xf32, #tpu.memory_space<vmem>>
        %dma_start3A_3598 = tpu.memref_squeeze %dma_start3A_3597 : memref<1x128x128xf32, #tpu.memory_space<vmem>> -> memref<128x128xf32, #tpu.memory_space<vmem>>
        %dma_start3A_3599 = arith.constant 0 : i32
        %dma_start3A_3600 = tpu.memref_slice %arg4[%multiple_of3A_3578, %dma_start3A_3599] : memref<106496x128xf32, #tpu.memory_space<hbm>> -> memref<128x128xf32, #tpu.memory_space<hbm>>
        %dma_start3A_3601 = arith.constant 0 : i32
        %dma_start3A_3602 = tpu.memref_slice %arg4[%multiple_of3A_3578, %dma_start3A_3601] : memref<106496x128xf32, #tpu.memory_space<hbm>> -> memref<128x128xf32, #tpu.memory_space<hbm>>
        %dma_start3A_3603 = arith.constant 0 : i32
        %dma_start3A_3604 = arith.constant 0 : i32
        %dma_start3A_3605 = tpu.memref_slice %arg7[%select_n3A_3594, %dma_start3A_3603, %dma_start3A_3604] : memref<2x128x128xf32, #tpu.memory_space<vmem>> -> memref<1x128x128xf32, #tpu.memory_space<vmem>>
        %dma_start3A_3606 = tpu.memref_squeeze %dma_start3A_3605 : memref<1x128x128xf32, #tpu.memory_space<vmem>> -> memref<128x128xf32, #tpu.memory_space<vmem>>
        tpu.enqueue_dma source(%dma_start3A_3606 : memref<128x128xf32, #tpu.memory_space<vmem>>) target(%dma_start3A_3602 : memref<128x128xf32, #tpu.memory_space<hbm>>) target_semaphore(%run_scoped3A : memref<!tpu.dma_semaphore, #tpu.memory_space<semaphore_mem>>)
        %dma_wait3A_3607 = arith.constant 0 : i32
        %dma_wait3A_3608 = arith.constant 0 : i32
        %dma_wait3A_3609 = tpu.memref_slice %arg7[%select_n3A_3594, %dma_wait3A_3607, %dma_wait3A_3608] : memref<2x128x128xf32, #tpu.memory_space<vmem>> -> memref<1x128x128xf32, #tpu.memory_space<vmem>>
        %dma_wait3A_3610 = tpu.memref_squeeze %dma_wait3A_3609 : memref<1x128x128xf32, #tpu.memory_space<vmem>> -> memref<128x128xf32, #tpu.memory_space<vmem>>
        %dma_wait3A_3611 = arith.constant 0 : i32
        %dma_wait3A_3612 = tpu.memref_slice %arg4[%multiple_of3A_3578, %dma_wait3A_3611] : memref<106496x128xf32, #tpu.memory_space<hbm>> -> memref<128x128xf32, #tpu.memory_space<hbm>>
        %dma_wait3A_3613 = arith.constant 0 : i32
        %dma_wait3A_3614 = tpu.memref_slice %arg4[%multiple_of3A_3578, %dma_wait3A_3613] : memref<106496x128xf32, #tpu.memory_space<hbm>> -> memref<128x128xf32, #tpu.memory_space<hbm>>
        %dma_wait3A_3615 = arith.constant 0 : i32
        %dma_wait3A_3616 = arith.constant 0 : i32
        %dma_wait3A_3617 = tpu.memref_slice %arg7[%select_n3A_3594, %dma_wait3A_3615, %dma_wait3A_3616] : memref<2x128x128xf32, #tpu.memory_space<vmem>> -> memref<1x128x128xf32, #tpu.memory_space<vmem>>
        %dma_wait3A_3618 = tpu.memref_squeeze %dma_wait3A_3617 : memref<1x128x128xf32, #tpu.memory_space<vmem>> -> memref<128x128xf32, #tpu.memory_space<vmem>>
        tpu.wait_dma2 semaphore(%run_scoped3A : memref<!tpu.dma_semaphore, #tpu.memory_space<semaphore_mem>>) src(%dma_wait3A_3618 : memref<128x128xf32, #tpu.memory_space<vmem>>) dst(%dma_wait3A_3614 : memref<128x128xf32, #tpu.memory_space<hbm>>)
        tpu.yield
      }) : () -> ()
    }
    %scan3A_3548 = arith.constant 26 : i32
    return
  }
}

module attributes {stable_mosaic.version = 14 : i64} {
  func.func @_t_body(%arg0: i32, %arg1: memref<32x32768xf32, #tpu.memory_space<vmem>>, %arg2: memref<8192x128xf32, #tpu.memory_space<vmem>>) attributes {dimension_semantics = [#tpu.dimension_semantics<arbitrary>], iteration_bounds = array<i64: 31>, scalar_prefetch = 0 : i64, scratch_operands = 0 : i64, tpu.core_type = #tpu.core_type<tc>, window_params = [{transform_indices = @transform_0, window_bounds = array<i64: 32, 32768>}, {transform_indices = @transform_1, window_bounds = array<i64: 8192, 128>}]} {
    %get3A = arith.constant 0 : index
    %get3A_0 = arith.constant 0 : index
    %get3A_1 = vector.load %arg1[%get3A, %get3A_0] : memref<32x32768xf32, #tpu.memory_space<vmem>>, vector<32x32768xf32>
    %slice3A = vector.extract_strided_slice %get3A_1 {offsets = [0, 0], sizes = [32, 8192], strides = [1, 1]} : vector<32x32768xf32> to vector<32x8192xf32>
    %slice3A_2 = vector.extract_strided_slice %get3A_1 {offsets = [0, 8192], sizes = [32, 8192], strides = [1, 1]} : vector<32x32768xf32> to vector<32x8192xf32>
    %slice3A_3 = vector.extract_strided_slice %get3A_1 {offsets = [0, 16384], sizes = [32, 8192], strides = [1, 1]} : vector<32x32768xf32> to vector<32x8192xf32>
    %slice3A_4 = vector.extract_strided_slice %get3A_1 {offsets = [0, 24576], sizes = [32, 8192], strides = [1, 1]} : vector<32x32768xf32> to vector<32x8192xf32>
    %concatenate3A = tpu.concatenate %slice3A, %slice3A_2, %slice3A_3, %slice3A_4 in 0 : vector<32x8192xf32>, vector<32x8192xf32>, vector<32x8192xf32>, vector<32x8192xf32> -> vector<128x8192xf32>
    %transpose3A = tpu.transpose %concatenate3A, [1, 0] : vector<128x8192xf32> -> vector<8192x128xf32>
    %swap3A = arith.constant 0 : index
    %swap3A_5 = arith.constant 0 : index
    %swap3A_6 = vector.load %arg2[%swap3A, %swap3A_5] : memref<8192x128xf32, #tpu.memory_space<vmem>>, vector<8192x128xf32>
    tpu.vector_store %arg2[%swap3A, %swap3A_5], %transpose3A {strides = array<i32>} : memref<8192x128xf32, #tpu.memory_space<vmem>>, vector<8192x128xf32>,
    return
  }
  func.func @transform_0(%arg0: i32) -> (i32, i32) {
    %c0_i32 = arith.constant 0 : i32
    %c0_i32_0 = arith.constant 0 : i32
    return %c0_i32, %arg0 : i32, i32
  }
  func.func @transform_1(%arg0: i32) -> (i32, i32) {
    %c0_i32 = arith.constant 0 : i32
    %c0_i32_0 = arith.constant 0 : i32
    return %arg0, %c0_i32 : i32, i32
  }
}

module attributes {stable_mosaic.version = 14 : i64} {
  func.func @_x_body(%arg0: i32, %arg1: memref<26x4096xi32, #tpu.memory_space<vmem>>, %arg2: memref<4096x128xf32, #tpu.memory_space<vmem>>, %arg3: memref<1x32x4096xf32, #tpu.memory_space<vmem>>) attributes {dimension_semantics = [#tpu.dimension_semantics<arbitrary>], iteration_bounds = array<i64: 26>, scalar_prefetch = 0 : i64, scratch_operands = 0 : i64, tpu.core_type = #tpu.core_type<tc>, window_params = [{pipeline_mode = #tpu.pipeline_mode<synchronous>, transform_indices = @transform_0, window_bounds = array<i64: 26, 4096>}, {transform_indices = @transform_1, window_bounds = array<i64: 4096, 128>}, {transform_indices = @transform_2, window_bounds = array<i64: 1, 32, 4096>}]} {
    %get3A = arith.index_cast %arg0 : i32 to index
    %get3A_0 = arith.constant 0 : index
    %get3A_1 = vector.load %arg1[%get3A, %get3A_0] : memref<26x4096xi32, #tpu.memory_space<vmem>>, vector<1x4096xi32>
    %shift_right_arithmetic3A = arith.constant 13 : i32
    %shift_right_arithmetic3A_2 = vector.broadcast %shift_right_arithmetic3A : i32 to vector<1x4096xi32>
    %shift_right_arithmetic3A_3 = arith.shrsi %get3A_1, %shift_right_arithmetic3A_2 : vector<1x4096xi32>
    %and3A = arith.constant 3 : i32
    %and3A_4 = vector.broadcast %and3A : i32 to vector<1x4096xi32>
    %and3A_5 = arith.andi %shift_right_arithmetic3A_3, %and3A_4 : vector<1x4096xi32>
    %get3A_6 = arith.constant 0 : index
    %get3A_7 = arith.constant 0 : index
    %get3A_8 = vector.load %arg2[%get3A_6, %get3A_7] : memref<4096x128xf32, #tpu.memory_space<vmem>>, vector<4096x128xf32>
    %transpose3A = tpu.transpose %get3A_8, [1, 0] : vector<4096x128xf32> -> vector<128x4096xf32>
    %eq3A = arith.constant 0 : i32
    %eq3A_9 = vector.broadcast %eq3A : i32 to vector<1x4096xi32>
    %eq3A_10 = arith.cmpi eq, %and3A_5, %eq3A_9 : vector<1x4096xi32>
    %convert_element_type3A = arith.extui %eq3A_10 : vector<1x4096xi1> to vector<1x4096xi32>
    %convert_element_type3A_11 = arith.sitofp %convert_element_type3A : vector<1x4096xi32> to vector<1x4096xf32>
    %eq3A_12 = arith.constant 1 : i32
    %eq3A_13 = vector.broadcast %eq3A_12 : i32 to vector<1x4096xi32>
    %eq3A_14 = arith.cmpi eq, %and3A_5, %eq3A_13 : vector<1x4096xi32>
    %convert_element_type3A_15 = arith.extui %eq3A_14 : vector<1x4096xi1> to vector<1x4096xi32>
    %convert_element_type3A_16 = arith.sitofp %convert_element_type3A_15 : vector<1x4096xi32> to vector<1x4096xf32>
    %eq3A_17 = arith.constant 2 : i32
    %eq3A_18 = vector.broadcast %eq3A_17 : i32 to vector<1x4096xi32>
    %eq3A_19 = arith.cmpi eq, %and3A_5, %eq3A_18 : vector<1x4096xi32>
    %convert_element_type3A_20 = arith.extui %eq3A_19 : vector<1x4096xi1> to vector<1x4096xi32>
    %convert_element_type3A_21 = arith.sitofp %convert_element_type3A_20 : vector<1x4096xi32> to vector<1x4096xf32>
    %eq3A_22 = arith.constant 3 : i32
    %eq3A_23 = vector.broadcast %eq3A_22 : i32 to vector<1x4096xi32>
    %eq3A_24 = arith.cmpi eq, %and3A_5, %eq3A_23 : vector<1x4096xi32>
    %convert_element_type3A_25 = arith.extui %eq3A_24 : vector<1x4096xi1> to vector<1x4096xi32>
    %convert_element_type3A_26 = arith.sitofp %convert_element_type3A_25 : vector<1x4096xi32> to vector<1x4096xf32>
    %broadcast_in_dim3A = vector.shape_cast %convert_element_type3A_11 : vector<1x4096xf32> to vector<1x4096xf32>
    %broadcast_in_dim3A_27 = vector.broadcast %broadcast_in_dim3A : vector<1x4096xf32> to vector<8x4096xf32>
    %broadcast_in_dim3A_28 = vector.shape_cast %convert_element_type3A_16 : vector<1x4096xf32> to vector<1x4096xf32>
    %broadcast_in_dim3A_29 = vector.broadcast %broadcast_in_dim3A_28 : vector<1x4096xf32> to vector<8x4096xf32>
    %broadcast_in_dim3A_30 = vector.shape_cast %convert_element_type3A_21 : vector<1x4096xf32> to vector<1x4096xf32>
    %broadcast_in_dim3A_31 = vector.broadcast %broadcast_in_dim3A_30 : vector<1x4096xf32> to vector<8x4096xf32>
    %broadcast_in_dim3A_32 = vector.shape_cast %convert_element_type3A_26 : vector<1x4096xf32> to vector<1x4096xf32>
    %broadcast_in_dim3A_33 = vector.broadcast %broadcast_in_dim3A_32 : vector<1x4096xf32> to vector<8x4096xf32>
    %slice3A = vector.extract_strided_slice %transpose3A {offsets = [0, 0], sizes = [8, 4096], strides = [1, 1]} : vector<128x4096xf32> to vector<8x4096xf32>
    %mul3A = arith.mulf %broadcast_in_dim3A_27, %slice3A : vector<8x4096xf32>
    %slice3A_34 = vector.extract_strided_slice %transpose3A {offsets = [32, 0], sizes = [8, 4096], strides = [1, 1]} : vector<128x4096xf32> to vector<8x4096xf32>
    %mul3A_35 = arith.mulf %broadcast_in_dim3A_29, %slice3A_34 : vector<8x4096xf32>
    %add3A = arith.addf %mul3A, %mul3A_35 : vector<8x4096xf32>
    %slice3A_36 = vector.extract_strided_slice %transpose3A {offsets = [64, 0], sizes = [8, 4096], strides = [1, 1]} : vector<128x4096xf32> to vector<8x4096xf32>
    %mul3A_37 = arith.mulf %broadcast_in_dim3A_31, %slice3A_36 : vector<8x4096xf32>
    %add3A_38 = arith.addf %add3A, %mul3A_37 : vector<8x4096xf32>
    %slice3A_39 = vector.extract_strided_slice %transpose3A {offsets = [96, 0], sizes = [8, 4096], strides = [1, 1]} : vector<128x4096xf32> to vector<8x4096xf32>
    %mul3A_40 = arith.mulf %broadcast_in_dim3A_33, %slice3A_39 : vector<8x4096xf32>
    %add3A_41 = arith.addf %add3A_38, %mul3A_40 : vector<8x4096xf32>
    %swap3A = arith.constant 0 : index
    %swap3A_42 = arith.constant 0 : index
    %swap3A_43 = arith.constant 0 : index
    %swap3A_44 = vector.load %arg3[%swap3A, %swap3A_42, %swap3A_43] : memref<1x32x4096xf32, #tpu.memory_space<vmem>>, vector<1x8x4096xf32>
    %swap3A_45 = vector.shape_cast %swap3A_44 : vector<1x8x4096xf32> to vector<8x4096xf32>
    %swap3A_46 = vector.shape_cast %add3A_41 : vector<8x4096xf32> to vector<1x8x4096xf32>
    tpu.vector_store %arg3[%swap3A, %swap3A_42, %swap3A_43], %swap3A_46 {strides = array<i32>} : memref<1x32x4096xf32, #tpu.memory_space<vmem>>, vector<1x8x4096xf32>,
    %slice3A_47 = vector.extract_strided_slice %transpose3A {offsets = [8, 0], sizes = [8, 4096], strides = [1, 1]} : vector<128x4096xf32> to vector<8x4096xf32>
    %mul3A_48 = arith.mulf %broadcast_in_dim3A_27, %slice3A_47 : vector<8x4096xf32>
    %slice3A_49 = vector.extract_strided_slice %transpose3A {offsets = [40, 0], sizes = [8, 4096], strides = [1, 1]} : vector<128x4096xf32> to vector<8x4096xf32>
    %mul3A_50 = arith.mulf %broadcast_in_dim3A_29, %slice3A_49 : vector<8x4096xf32>
    %add3A_51 = arith.addf %mul3A_48, %mul3A_50 : vector<8x4096xf32>
    %slice3A_52 = vector.extract_strided_slice %transpose3A {offsets = [72, 0], sizes = [8, 4096], strides = [1, 1]} : vector<128x4096xf32> to vector<8x4096xf32>
    %mul3A_53 = arith.mulf %broadcast_in_dim3A_31, %slice3A_52 : vector<8x4096xf32>
    %add3A_54 = arith.addf %add3A_51, %mul3A_53 : vector<8x4096xf32>
    %slice3A_55 = vector.extract_strided_slice %transpose3A {offsets = [104, 0], sizes = [8, 4096], strides = [1, 1]} : vector<128x4096xf32> to vector<8x4096xf32>
    %mul3A_56 = arith.mulf %broadcast_in_dim3A_33, %slice3A_55 : vector<8x4096xf32>
    %add3A_57 = arith.addf %add3A_54, %mul3A_56 : vector<8x4096xf32>
    %swap3A_58 = arith.constant 0 : index
    %swap3A_59 = arith.constant 8 : index
    %swap3A_60 = arith.constant 0 : index
    %swap3A_61 = vector.load %arg3[%swap3A_58, %swap3A_59, %swap3A_60] : memref<1x32x4096xf32, #tpu.memory_space<vmem>>, vector<1x8x4096xf32>
    %swap3A_62 = vector.shape_cast %swap3A_61 : vector<1x8x4096xf32> to vector<8x4096xf32>
    %swap3A_63 = vector.shape_cast %add3A_57 : vector<8x4096xf32> to vector<1x8x4096xf32>
    tpu.vector_store %arg3[%swap3A_58, %swap3A_59, %swap3A_60], %swap3A_63 {strides = array<i32>} : memref<1x32x4096xf32, #tpu.memory_space<vmem>>, vector<1x8x4096xf32>,
    %slice3A_64 = vector.extract_strided_slice %transpose3A {offsets = [16, 0], sizes = [8, 4096], strides = [1, 1]} : vector<128x4096xf32> to vector<8x4096xf32>
    %mul3A_65 = arith.mulf %broadcast_in_dim3A_27, %slice3A_64 : vector<8x4096xf32>
    %slice3A_66 = vector.extract_strided_slice %transpose3A {offsets = [48, 0], sizes = [8, 4096], strides = [1, 1]} : vector<128x4096xf32> to vector<8x4096xf32>
    %mul3A_67 = arith.mulf %broadcast_in_dim3A_29, %slice3A_66 : vector<8x4096xf32>
    %add3A_68 = arith.addf %mul3A_65, %mul3A_67 : vector<8x4096xf32>
    %slice3A_69 = vector.extract_strided_slice %transpose3A {offsets = [80, 0], sizes = [8, 4096], strides = [1, 1]} : vector<128x4096xf32> to vector<8x4096xf32>
    %mul3A_70 = arith.mulf %broadcast_in_dim3A_31, %slice3A_69 : vector<8x4096xf32>
    %add3A_71 = arith.addf %add3A_68, %mul3A_70 : vector<8x4096xf32>
    %slice3A_72 = vector.extract_strided_slice %transpose3A {offsets = [112, 0], sizes = [8, 4096], strides = [1, 1]} : vector<128x4096xf32> to vector<8x4096xf32>
    %mul3A_73 = arith.mulf %broadcast_in_dim3A_33, %slice3A_72 : vector<8x4096xf32>
    %add3A_74 = arith.addf %add3A_71, %mul3A_73 : vector<8x4096xf32>
    %swap3A_75 = arith.constant 0 : index
    %swap3A_76 = arith.constant 16 : index
    %swap3A_77 = arith.constant 0 : index
    %swap3A_78 = vector.load %arg3[%swap3A_75, %swap3A_76, %swap3A_77] : memref<1x32x4096xf32, #tpu.memory_space<vmem>>, vector<1x8x4096xf32>
    %swap3A_79 = vector.shape_cast %swap3A_78 : vector<1x8x4096xf32> to vector<8x4096xf32>
    %swap3A_80 = vector.shape_cast %add3A_74 : vector<8x4096xf32> to vector<1x8x4096xf32>
    tpu.vector_store %arg3[%swap3A_75, %swap3A_76, %swap3A_77], %swap3A_80 {strides = array<i32>} : memref<1x32x4096xf32, #tpu.memory_space<vmem>>, vector<1x8x4096xf32>,
    %slice3A_81 = vector.extract_strided_slice %transpose3A {offsets = [24, 0], sizes = [8, 4096], strides = [1, 1]} : vector<128x4096xf32> to vector<8x4096xf32>
    %mul3A_82 = arith.mulf %broadcast_in_dim3A_27, %slice3A_81 : vector<8x4096xf32>
    %slice3A_83 = vector.extract_strided_slice %transpose3A {offsets = [56, 0], sizes = [8, 4096], strides = [1, 1]} : vector<128x4096xf32> to vector<8x4096xf32>
    %mul3A_84 = arith.mulf %broadcast_in_dim3A_29, %slice3A_83 : vector<8x4096xf32>
    %add3A_85 = arith.addf %mul3A_82, %mul3A_84 : vector<8x4096xf32>
    %slice3A_86 = vector.extract_strided_slice %transpose3A {offsets = [88, 0], sizes = [8, 4096], strides = [1, 1]} : vector<128x4096xf32> to vector<8x4096xf32>
    %mul3A_87 = arith.mulf %broadcast_in_dim3A_31, %slice3A_86 : vector<8x4096xf32>
    %add3A_88 = arith.addf %add3A_85, %mul3A_87 : vector<8x4096xf32>
    %slice3A_89 = vector.extract_strided_slice %transpose3A {offsets = [120, 0], sizes = [8, 4096], strides = [1, 1]} : vector<128x4096xf32> to vector<8x4096xf32>
    %mul3A_90 = arith.mulf %broadcast_in_dim3A_33, %slice3A_89 : vector<8x4096xf32>
    %add3A_91 = arith.addf %add3A_88, %mul3A_90 : vector<8x4096xf32>
    %swap3A_92 = arith.constant 0 : index
    %swap3A_93 = arith.constant 24 : index
    %swap3A_94 = arith.constant 0 : index
    %swap3A_95 = vector.load %arg3[%swap3A_92, %swap3A_93, %swap3A_94] : memref<1x32x4096xf32, #tpu.memory_space<vmem>>, vector<1x8x4096xf32>
    %swap3A_96 = vector.shape_cast %swap3A_95 : vector<1x8x4096xf32> to vector<8x4096xf32>
    %swap3A_97 = vector.shape_cast %add3A_91 : vector<8x4096xf32> to vector<1x8x4096xf32>
    tpu.vector_store %arg3[%swap3A_92, %swap3A_93, %swap3A_94], %swap3A_97 {strides = array<i32>} : memref<1x32x4096xf32, #tpu.memory_space<vmem>>, vector<1x8x4096xf32>,
    return
  }
  func.func @transform_0(%arg0: i32) -> (i32, i32) {
    %c0_i32 = arith.constant 0 : i32
    %c0_i32_0 = arith.constant 0 : i32
    %c0_i32_1 = arith.constant 0 : i32
    return %c0_i32, %c0_i32_0 : i32, i32
  }
  func.func @transform_1(%arg0: i32) -> (i32, i32) {
    %c0_i32 = arith.constant 0 : i32
    %c0_i32_0 = arith.constant 0 : i32
    return %arg0, %c0_i32 : i32, i32
  }
  func.func @transform_2(%arg0: i32) -> (i32, i32, i32) {
    %c0_i32 = arith.constant 0 : i32
    %c0_i32_0 = arith.constant 0 : i32
    %c0_i32_1 = arith.constant 0 : i32
    return %arg0, %c0_i32, %c0_i32_0 : i32, i32, i32
  }
}

</mosaic_0001>

<sc_bundles>
// kernel: _run.5.cloned.1.call-start
scs
__scs_entry_jumppad:
0x0: {  	(pc) =	sbr.rel $0x88, $3  }
0x1: {  	(tag) =	ssettag $0x0;
	lr =	simm.s32 $0x1  }
0x2: {  	[smem:$0x3F9F] =	sst lr;
	_ =	strace $0xD0000000  }
0x3: {  	_ = 	snop  }
0x4: {  	_ = 	snop  }
0x5: {  	_ = 	snop  }
0x6: {  	_ = 	snop  }
0x7: {  	_ = 	snop  }
__scs_overlays_trampoline_lowered:
0x8: {  	[smem:$0x3FAE] =	sst s0  }
0x9: {  	[smem:$0x3FAF] =	sst s1  }
0xa: {  	[smem:$0x3FB0] =	sst s2  }
0xb: {  	[smem:$0x3FB1] =	sst s3  }
0xc: {  	[smem:$0x3FB2] =	sst s4  }
0xd: {  	[smem:$0x3FB3] =	sst s5  }
0xe: {  	[smem:$0x3FB4] =	sst s6  }
0xf: {  	[smem:$0x3FB5] =	sst s7  }
0x10: {  	[smem:$0x3FB6] =	sst s8  }
0x11: {  	[smem:$0x3FB7] =	sst s9;
	s0 =	simm.s32 @!p0 $0x0  }
0x12: {  	s1 =	sld [smem:$0x3F9D];
	s0 =	simm.s32 @p0 $0x1  }
0x13: {  	[smem:$0x3FB8] =	sst s0;
	s0 =	simm.s32 @!p1 $0x0  }
0x14: {  	s2 =	sld [smem:$0x3F9C];
	s0 =	simm.s32 @p1 $0x1  }
0x15: {  	[smem:$0x3FB9] =	sst s0;
	s0 =	simm.s32 @!p2 $0x0  }
0x16: {  	s3 =	sld [smem:$0x3FDB];
	s0 =	simm.s32 @p2 $0x1  }
0x17: {  	s4 =	simm.s32 $0x1BF5;
	[smem:$0x3FBB] =	sst s0  }
0x18: {  	s0 =	sld [smem:$0x3F9E];
	_ =	swait.ge [sflag:s4], $0x0  }
0x19: {  	s7 =	sld [smem:$0x3F9F]  }
0x1a: {  	s8 =	sadd.s32 $0xFFFFE003, lr  }
0x1b: {  	s9 =	sadd.s32 $0xFFFFFEF7, lr;
	s5 =	simm.s32 $0xFFFFFFFF;
	p2 =	slt.u32 s8, $0xFFFFF086  }
0x1c: {  	p1 =	slt.u32 s9, $0xF7A;
	s5 =	simm.s32 @!p2 $0x0  }
0x1d: {  	s5 =	simm.s32 @p1 $0x1;
	p0 =	seq.s32 s7, s2  }
0x1e: {  	s7 =	smul.u32 @!p0 $0xF7A, s2;
	p2 =	seq.s32 @!p0 s5, $0x0  }
0x1f: {  	s9 =	smul.u32 $0xF7A, s1;
	s8 =	simm.s32 @!p0 $0x1BF5;
	p2 =	por !p2, p0  }
0x20: {  	[sflag:s8] =	ssyncset.s32 @!p0 $0xFFFFF086;
	s6 =	sadd.s32 @!p0 s3, s7;
	s7 =	simm.s32 @!p0 $0x108  }
0x21: {  	s3 =	sadd.s32 s3, s9;
	s6 =	sadd.s32 @!p0 $0x88, s6;
	s7 =	simm.s32 @p2 $0x1082  }
0x22: {  	[simem:s7], [sflag:s8] =	dma.local @!p0 [hbm:s6], $0xF7A  }
0x23: {  	s9 =	sor.u32 $0xD0000000, s2;
	s6 =	simm.s32 $0x108;
	_ =	swait.ge @!p0 [sflag:s8], $0x0  }
0x24: {  	s3 =	sadd.s32 $0x88, s3;
	s6 =	simm.s32 @!p1 $0x1082;
	[sflag:s4] =	ssyncset.s32 $0xFFFFF086  }
0x25: {  	[simem:s6], [sflag:s4] =	dma.local [hbm:s3], $0xF7A  }
0x26: {  	[smem:$0x3F9F] =	sst s1;
	(tag) =	ssettag s2;
	_ =	strace s9  }
0x27: {  	s1 =	sld [smem:$0x3FAF]  }
0x28: {  	s2 =	sld [smem:$0x3FB0]  }
0x29: {  	s4 =	sld [smem:$0x3FB2]  }
0x2a: {  	p0 =	seq.s32 s5, $0x0;
	s5 =	sld [smem:$0x3FB3]  }
0x2b: {  	s6 =	sld [smem:$0x3FB4]  }
0x2c: {  	s7 =	sld [smem:$0x3FB5]  }
0x2d: {  	s3 =	simm.s32 $0x108;
	s8 =	sld [smem:$0x3FB6]  }
0x2e: {  	s3 =	simm.s32 @!p0 $0x1082;
	s9 =	sld [smem:$0x3FB7]  }
0x2f: {  	lr =	sadd.s32 s0, s3;
	s0 =	sld [smem:$0x3FAE]  }
0x30: {  	s3 =	sld [smem:$0x3FB1]  }
0x31: {  	[smem:$0x3FBA] =	sst s10  }
0x32: {  	s10 =	sld [smem:$0x3FB8];
	_ =	sdelay $0x3  }
0x33: {  	p0 =	seq.s32 s10, $0x1;
	s10 =	sld [smem:$0x3FBA];
	_ =	sdelay $0x3  }
0x34: {  	[smem:$0x3FBA] =	sst s10  }
0x35: {  	s10 =	sld [smem:$0x3FB9];
	_ =	sdelay $0x3  }
0x36: {  	p1 =	seq.s32 s10, $0x1;
	s10 =	sld [smem:$0x3FBA];
	_ =	sdelay $0x3  }
0x37: {  	[smem:$0x3FBA] =	sst s10  }
0x38: {  	s10 =	sld [smem:$0x3FBB]  }
0x39: {  	_ = 	snop;
	(pc) =	sbr.ind lr, $3  }
0x3a: {  	_ = 	snop  }
0x3b: {  	_ = 	snop  }
0x3c: {  	p2 =	seq.s32 s10, $0x1;
	s10 =	sld [smem:$0x3FBA]  }
0x3d: {  	_ =	shalt  }
0x3e: {  	_ =	shalt  }
0x3f: {  	_ =	shalt  }
0x40: {  	_ =	shalt  }
0x41: {  	_ =	shalt  }
0x42: {  	_ =	shalt  }
0x43: {  	_ =	shalt  }
0x44: {  	_ =	shalt  }
0x45: {  	_ =	shalt  }
0x46: {  	_ =	shalt  }
0x47: {  	_ =	shalt  }
0x48: {  	_ =	shalt  }
0x49: {  	_ =	shalt  }
0x4a: {  	_ =	shalt  }
0x4b: {  	_ =	shalt  }
0x4c: {  	_ =	shalt  }
0x4d: {  	_ =	shalt  }
0x4e: {  	_ =	shalt  }
0x4f: {  	_ =	shalt  }
0x50: {  	_ =	shalt  }
0x51: {  	_ =	shalt  }
0x52: {  	_ =	shalt  }
0x53: {  	_ =	shalt  }
0x54: {  	_ =	shalt  }
0x55: {  	_ =	shalt  }
0x56: {  	_ =	shalt  }
0x57: {  	_ =	shalt  }
0x58: {  	_ =	shalt  }
0x59: {  	_ =	shalt  }
0x5a: {  	_ =	shalt  }
0x5b: {  	_ =	shalt  }
0x5c: {  	_ =	shalt  }
0x5d: {  	_ =	shalt  }
0x5e: {  	_ =	shalt  }
0x5f: {  	_ =	shalt  }
0x60: {  	_ =	shalt  }
0x61: {  	_ =	shalt  }
0x62: {  	_ =	shalt  }
0x63: {  	_ =	shalt  }
0x64: {  	_ =	shalt  }
0x65: {  	_ =	shalt  }
0x66: {  	_ =	shalt  }
0x67: {  	_ =	shalt  }
0x68: {  	_ =	shalt  }
0x69: {  	_ =	shalt  }
0x6a: {  	_ =	shalt  }
0x6b: {  	_ =	shalt  }
0x6c: {  	_ =	shalt  }
0x6d: {  	_ =	shalt  }
0x6e: {  	_ =	shalt  }
0x6f: {  	_ =	shalt  }
0x70: {  	_ =	shalt  }
0x71: {  	_ =	shalt  }
0x72: {  	_ =	shalt  }
0x73: {  	_ =	shalt  }
0x74: {  	_ =	shalt  }
0x75: {  	_ =	shalt  }
0x76: {  	_ =	shalt  }
0x77: {  	_ =	shalt  }
0x78: {  	_ =	shalt  }
0x79: {  	_ =	shalt  }
0x7a: {  	_ =	shalt  }
0x7b: {  	_ =	shalt  }
0x7c: {  	_ =	shalt  }
0x7d: {  	_ =	shalt  }
0x7e: {  	_ =	shalt  }
0x7f: {  	_ =	shalt  }
0x80: {  	_ =	shalt  }
0x81: {  	_ =	shalt  }
0x82: {  	_ =	shalt  }
0x83: {  	_ =	shalt  }
0x84: {  	_ =	shalt  }
0x85: {  	_ =	shalt  }
0x86: {  	_ =	shalt  }
0x87: {  	_ =	shalt  }
.Lfunc_end0:
.L_simem_size_0:
called_computation_lowered:
.L_overlay_start_0:
0x88: {  	s2 =	sld [smem:$0x3FD9]  }
0x89: {  	s3 =	sld [smem:$0x3FFE];
	_ =	sdelay $0x1  }
0x8a: {  	s1 =	srdreg.scid  }
0x8b: {  	s0 =	sand.u32 $0x1, s1  }
0x8c: {  	s17 =	sshll.u32 s0, $0xA;
	s2 =	sadd.s32 s3, s2  }
0x8d: {  	s2 =	sadd.s32 s2, s17  }
0x8e: {  	[smem:$0x3FC6] =	sst s2  }
0x8f: {  	_ = 	snop  }
0x90: {  	s2 =	sld [smem:$0x3FD0];
	(tm) =	ssettm $0x1  }
0x91: {  	s18 =	sld [smem:$0x3FFB];
	_ =	sdelay $0x3  }
0x92: {  	_ =	strace s18  }
0x93: {  	s3 =	sld [smem:$0x3FFC];
	_ =	sdelay $0x3  }
0x94: {  	_ =	strace s3  }
0x95: {  	s3 =	sld [smem:$0x3FFD];
	_ =	sdelay $0x3  }
0x96: {  	_ =	strace s3  }
0x97: {  	_ =	strace $0x8FFFFFFF  }
0x98: {  	s19 =	sld [smem:$0x3FDB];
	_ =	sdelay $0x1  }
0x99: {  	s4 =	simm.s32 $_scs_section_size  }
0x9a: {  	s5 =	simm.s32 $_size__tile_overlayer_lowered;
	s6 =	simm.s32 $_tile_overlayer_lowered  }
0x9b: {  	s22 =	simm.s32 $0x1BFF;
	s21 =	sshll.u32 s6, $0x1;
	s3 =	sadd.s32 s4, s19  }
0x9c: {  	s7 =	simm.s32 $0x0;
	s20 =	sshll.u32 s5, $0x1;
	s5 =	sadd.s32 s21, s3  }
0x9d: {  	[timem:s7], [sflag:s22] =	dma.local [hbm:s5], s20  }
0x9e: {  	_ =	swait.ge [sflag:s22], s20  }
0x9f: {  	s4 =	ssub.s32 $0x0, s20;
	[sflag:s22] =	ssyncset.done $0x0  }
0xa0: {  	[sflag:s22] =	ssyncadd.s32 s4;
	_ =	sdelay $0x1  }
0xa1: {  	s23 =	simm.s32 $0x1B8B  }
0xa2: {  	_ =	swait.ge [sflag:s23], $0x1  }
0xa3: {  	[sflag:s23] =	ssyncset.done $0x0  }
0xa4: {  	s25 =	simm.s32 $0x1B8E;
	s24 =	sld [smem:$0x3FFE];
	[sflag:s23] =	ssyncadd.s32 $0xFFFFFFFF  }
0xa5: {  	s26 =	simm.s32 $execute0_lowered;
	[smem:$0x3FD2] =	sst s25  }
0xa6: {  	s5 =	sshll.u32 s26, $0x1;
	_ =	strace $0x80000046;
	[dreg:$0x1] =	wrdreg $0xFFFFFFFF  }
0xa7: {  	s28 =	simm.s32 $_size_execute0_lowered;
	s3 =	sadd.s32 s3, s5;
	[dreg:$0x0] =	wrdreg $0x0  }
0xa8: {  	s5 =	sshll.u32 s28, $0x1;
	[dreg:$0x2] =	wrdreg s3  }
0xa9: {  	[dreg:$0x3] =	wrdreg s5  }
0xaa: {  	[dreg:$0x4] =	wrdreg $0xC0  }
0xab: {  	_ =	task [dreg:s7], $0x5FFFF  }
0xac: {  	[dreg:$0x1] =	wrdreg $0xFFFFFFFF  }
0xad: {  	[dreg:$0x0] =	wrdreg $0x60  }
0xae: {  	[dreg:$0x2] =	wrdreg s2  }
0xaf: {  	[dreg:$0x3] =	wrdreg s24  }
0xb0: {  	[dreg:$0x4] =	wrdreg $0x9  }
0xb1: {  	_ =	task.clear_ibuf [dreg:s7], $0x5FFFF;
	_ =	strace $0x90000046  }
0xb2: {  	s29 =	simm.s32 $0x9;
	_ =	strace $0x80000048  }
0xb3: {  	_ =	swait.ge [sflag:s29], $0x1  }
0xb4: {  	[sflag:s29] =	ssyncadd.s32 $0xFFFFFFFF  }
0xb5: {  	_ =	strace $0x90000048  }
0xb6: {  	_ =	sfence  }
0xb7: {  	s30 =	sld [smem:$0x0];
	_ =	sdelay $0x2  }
0xb8: {  	s31 =	sshll.u32 s1, $0xD;
	s1 =	sshrl.u32 s1, $0x2  }
0xb9: {  	s3 =	sand.u32 $0x4000, s31;
	s1 =	sadd.s32 s1, s30  }
0xba: {  	s0 =	sor.u32 s3, s0;
	s1 =	sshll.u32 s1, $0x11  }
0xbb: {  	s0 =	sor.u32 s1, s0  }
0xbc: {  	s0 =	sadd.s32 $0x8F2B, s0  }
0xbd: {  	[sflag:s0] =	ssyncadd.remote.s32 $0x1  }
0xbe: {  	_ =	sfence.sel $0xFFFF  }
0xbf: {  	[dreg:$0x0] =	wrdreg $0xFFFFFFFF;
	(pc) =	sbr.abs _section_cstart, $3  }
0xc0: {  	[dreg:$0x1] =	wrdreg $0xFFFFFFFF  }
0xc1: {  	_ =	task.clear_ibuf [dreg:s7], $0x2FFFF;
	_ =	strace $0x9FFFFFFF  }
0xc2: {  	(tm) =	ssettm $0x7FFFFFFF  }
0xc3: {  	_ =	shalt  }
tec
execute0_lowered:
.L_overlay_start_1:
0x0: {  	(tag) =	ssettag $0x1  }
0x1: {  	s1 =	srdreg.scid;
	s4 =	rddreg [dreg:$0x0]  }
0x2: {  	s0 =	stileid.u32;
	s6 =	rddreg [dreg:$0x1];
	s2 =	simm.s32 $0x0  }
0x3: {  	s13 =	simm.s32 $0x5A00;
	s3 =	sand.u32 $0x1, s1;
	s1 =	rddreg [dreg:$0x2]  }
0x4: {  	s14 =	simm.s32 $0x0;
	s25 =	sshll.u32 s0, $0x1;
	[smem:$0x7FF] =	sst s2  }
0x5: {  	s9 =	smul.u32 $0xD0000, s0;
	s12 =	sadd.s32 $0x3E0600, s6;
	s5 =	sor.u32 s3, s25  }
0x6: {  	s8 =	ssub.s32 $0x2, s3;
	_ =	strace $0x80000047;
	s11 =	smul.u32 $0x68000, s3  }
0x7: {  	s3 =	sadd.s32 $0x600, s6;
	s7 =	smul.u32 $0x1A0, s5;
	s10 =	sshrl.u32 s8, $0x1  }
0x8: {  	s5 =	smul.u32 $0x68000, s5;
	s26 =	ssub.s32 s8, s10;
	s29 =	sadd.s32 s11, s9  }
0x9: {  	s8 =	simm.s32 $0x2;
	s9 =	simm.s32 $0x80;
	s10 =	simm.s32 $0xD00  }
0xa: {  	s11 =	simm.s32 $0x1A00;
	s4 =	sadd.s32 s4, s7;
	s28 =	sshrl.u32 s5, $0x3  }
0xb: {  	s5 =	smax.u32 s26, $0x1;
	s31 =	sshrl.u32 s29, $0x3;
	s30 =	sadd.s32 s12, s28  }
0xc: {  	s7 =	sadd.s32 s31, s12;
	s12 =	simm.s32 $0x1;
	s6 =	sadd.s32 $0xC800, s30  }
.LBB2_1:
0xd: {  	[tilespmem:s2], [sflag:$0x2] =	stream.linear.gather [hbm4b:s4+s2], $0xD00, $0x38;
	[tilespmem:$0x9A00] =	vst v63  }
0xe: {  	_ =	swait.ge [sflag:s8], $0xD00  }
0xf: {  	[sflag:s8] =	ssyncset.done $0x0  }
0x10: {  	[sflag:s8] =	ssyncadd.s32 $0xFFFFF300  }
0x11: {  	v0 =	vld [tilespmem:$0x0]  }
0x12: {  	v1 =	vld [tilespmem:$0x10]  }
0x13: {  	v2 =	vld [tilespmem:$0x20]  }
0x14: {  	v4 =	vld [tilespmem:$0x30]  }
0x15: {  	v5 =	vld [tilespmem:$0x40]  }
0x16: {  	v8 =	vld [tilespmem:$0x50]  }
0x17: {  	v45 =	vld [tilespmem:$0x60]  }
0x18: {  	v11 =	vld [tilespmem:$0x70]  }
0x19: {  	v48 =	vld [tilespmem:$0x80]  }
0x1a: {  	v50 =	vld [tilespmem:$0x90]  }
0x1b: {  	v12 =	vld [tilespmem:$0xA0]  }
0x1c: {  	v15 =	vld [tilespmem:$0xB0]  }
0x1d: {  	v16 =	vld [tilespmem:$0xC0]  }
0x1e: {  	v17 =	vld [tilespmem:$0xD0];
	v3 =	vshra.s32 v0, $0x2;
	v6 =	vshra.s32 v1, $0x2;
	v0 =	vand.u32 $0x1FFF, v0  }
0x1f: {  	v61 =	vld [tilespmem:$0xE0];
	v1 =	vand.u32 $0x1FFF, v1;
	v44 =	vshra.s32 v2, $0x2;
	v2 =	vand.u32 $0x1FFF, v2  }
0x20: {  	v63 =	vld [tilespmem:$0xF0];
	v9 =	vshra.s32 v4, $0x2;
	v47 =	vshra.s32 v5, $0x2;
	v4 =	vand.u32 $0x1FFF, v4  }
0x21: {  	v18 =	vld [tilespmem:$0x100];
	v5 =	vand.u32 $0x1FFF, v5;
	v49 =	vshra.s32 v8, $0x2;
	v51 =	vand.u32 $0x1FFF, v8  }
0x22: {  	v20 =	vld [tilespmem:$0x110];
	v52 =	vshra.s32 v45, $0x2;
	v54 =	vshra.s32 v11, $0x2;
	v11 =	vand.u32 $0x1FFF, v11  }
0x23: {  	v28 =	vld [tilespmem:$0x120];
	v55 =	vshra.s32 v48, $0x2;
	v56 =	vand.u32 $0x1FFF, v48;
	v57 =	vshra.s32 v50, $0x2  }
0x24: {  	v21 =	vld [tilespmem:$0x130];
	v59 =	vshra.s32 v12, $0x2;
	v60 =	vand.u32 $0x1FFF, v12;
	v62 =	vshra.s32 v15, $0x2  }
0x25: {  	v33 =	vld [tilespmem:$0x150];
	v23 =	vand.u32 $0x1FFF, v15;
	v24 =	vshra.s32 v16, $0x2;
	v26 =	vshra.s32 v17, $0x2  }
0x26: {  	v16 =	vand.u32 $0x1FFF, v16;
	v17 =	vand.u32 $0x1FFF, v17;
	v27 =	vshra.s32 v61, $0x2  }
0x27: {  	v12 =	vand.u32 $0x1FFF, v61;
	v29 =	vshra.s32 v63, $0x2;
	v31 =	vshra.s32 v18, $0x2  }
0x28: {  	v18 =	vand.u32 $0x1FFF, v18;
	v32 =	vshra.s32 v20, $0x2;
	v34 =	vand.u32 $0x1FFF, v20  }
0x29: {  	v35 =	vshra.s32 v28, $0x2;
	v37 =	vshra.s32 v21, $0x2;
	v21 =	vand.u32 $0x1FFF, v21  }
0x2a: {  	v41 =	vshra.s32 v33, $0x2;
	v3 =	vand.u32 $0xFFFFE000, v3;
	v6 =	vand.u32 $0xFFFFE000, v6  }
0x2b: {  	v46 =	vand.u32 $0xFFFFE000, v9;
	v53 =	vand.u32 $0xFFFFE000, v52;
	v8 =	vand.u32 $0xFFFFE000, v54  }
0x2c: {  	v58 =	vand.u32 $0xFFFFE000, v57;
	v9 =	vand.u32 $0xFFFFE000, v59;
	v25 =	vand.u32 $0xFFFFE000, v24  }
0x2d: {  	v39 =	vld [tilespmem:$0x180];
	v15 =	vand.u32 $0xFFFFE000, v26;
	v30 =	vand.u32 $0xFFFFE000, v29;
	v36 =	vand.u32 $0xFFFFE000, v35  }
0x2e: {  	v20 =	vand.u32 $0xFFFFE000, v37;
	v42 =	vand.u32 $0xFFFFE000, v41;
	v7 =	vor.u32 v0, v3  }
0x2f: {  	v0 =	vor.u32 v1, v6;
	v1 =	vand.u32 $0xFFFFE000, v44;
	v10 =	vor.u32 v4, v46  }
0x30: {  	v6 =	vand.u32 $0x1FFF, v45;
	v19 =	vor.u32 v16, v25;
	v16 =	vand.u32 $0xFFFFE000, v31  }
0x31: {  	v3 =	vor.u32 v2, v1;
	v2 =	vand.u32 $0xFFFFE000, v47;
	v13 =	vor.u32 v6, v53  }
0x32: {  	v6 =	vand.u32 $0xFFFFE000, v55;
	v47 =	vshra.s32 v39, $0x2;
	v1 =	vor.u32 v5, v2  }
0x33: {  	v24 =	vld [tilespmem:$0x160];
	v2 =	vand.u32 $0xFFFFE000, v49;
	v5 =	vand.u32 $0x1FFF, v50;
	v48 =	vand.u32 $0xFFFFE000, v47  }
0x34: {  	v29 =	vld [tilespmem:$0x1A0];
	v4 =	vor.u32 v51, v2;
	v2 =	vor.u32 v11, v8;
	v8 =	vor.u32 v56, v6  }
0x35: {  	v35 =	vld [tilespmem:$0x200];
	v14 =	vor.u32 v5, v58;
	v5 =	vor.u32 v60, v9;
	v6 =	vand.u32 $0xFFFFE000, v62  }
0x36: {  	v45 =	vld [tilespmem:$0x1B0];
	v9 =	vand.u32 $0x1FFF, v63;
	v11 =	vor.u32 v23, v6;
	v6 =	vor.u32 v17, v15  }
0x37: {  	v53 =	vld [tilespmem:$0x1F0];
	v15 =	vand.u32 $0xFFFFE000, v27;
	v22 =	vor.u32 v9, v30;
	v9 =	vor.u32 v18, v16  }
0x38: {  	v63 =	vld [tilespmem:$0x240];
	v17 =	vand.u32 $0x1FFF, v28;
	v43 =	vshra.s32 v24, $0x2;
	v18 =	vand.u32 $0x1FFF, v33  }
0x39: {  	v23 =	vld [tilespmem:$0x140];
	v24 =	vand.u32 $0x1FFF, v24;
	v50 =	vshra.s32 v29, $0x2;
	v51 =	vand.u32 $0x1FFF, v29  }
0x3a: {  	v27 =	vld [tilespmem:$0x170];
	v62 =	vshra.s32 v35, $0x2;
	v15 =	vor.u32 v12, v15;
	v12 =	vand.u32 $0xFFFFE000, v32  }
0x3b: {  	v28 =	vld [tilespmem:$0x190];
	v25 =	vor.u32 v17, v36;
	v26 =	vor.u32 v18, v42;
	v52 =	vshra.s32 v45, $0x2  }
0x3c: {  	v30 =	vld [tilespmem:$0x1C0];
	v16 =	vor.u32 v34, v12;
	v12 =	vor.u32 v21, v20;
	v21 =	vand.u32 $0x1FFF, v39  }
0x3d: {  	v33 =	vld [tilespmem:$0x1E0];
	v54 =	vand.u32 $0xFFFFE000, v52;
	v61 =	vshra.s32 v53, $0x2;
	v29 =	vand.u32 $0x1FFF, v53  }
0x3e: {  	v31 =	vor.u32 v21, v48;
	v21 =	vand.u32 $0xFFFFE000, v50;
	v52 =	vshra.s32 v63, $0x2  }
0x3f: {  	v32 =	vld [tilespmem:$0x1D0];
	v38 =	vshra.s32 v23, $0x2;
	v40 =	vand.u32 $0x1FFF, v23;
	v23 =	vand.u32 $0xFFFFE000, v43  }
0x40: {  	v36 =	vld [tilespmem:$0x220];
	v44 =	vshra.s32 v27, $0x2;
	v46 =	vand.u32 $0x1FFF, v27;
	v49 =	vshra.s32 v28, $0x2  }
0x41: {  	v28 =	vand.u32 $0x1FFF, v28;
	v55 =	vshra.s32 v30, $0x2;
	v30 =	vand.u32 $0x1FFF, v30  }
0x42: {  	v59 =	vshra.s32 v33, $0x2;
	v33 =	vand.u32 $0x1FFF, v33;
	v53 =	vand.u32 $0xFFFFE000, v52  }
0x43: {  	v57 =	vld [tilespmem:$0x210];
	v17 =	vand.u32 $0xFFFFE000, v38;
	v18 =	vand.u32 $0xFFFFE000, v44;
	v27 =	vand.u32 $0xFFFFE000, v49  }
0x44: {  	v39 =	vld [tilespmem:$0x230];
	v56 =	vshra.s32 v32, $0x2;
	v58 =	vand.u32 $0x1FFF, v32;
	v60 =	vand.u32 $0xFFFFE000, v59  }
0x45: {  	v41 =	vld [tilespmem:$0x260];
	v32 =	vand.u32 $0xFFFFE000, v61;
	v48 =	vshra.s32 v36, $0x2;
	v36 =	vand.u32 $0x1FFF, v36  }
0x46: {  	v42 =	vld [tilespmem:$0x280];
	v20 =	vor.u32 v40, v17;
	v17 =	vor.u32 v24, v23;
	v23 =	vor.u32 v46, v18  }
0x47: {  	v18 =	vor.u32 v28, v27;
	v27 =	vor.u32 v51, v21;
	v24 =	vand.u32 $0x1FFF, v45  }
0x48: {  	v28 =	vand.u32 $0xFFFFE000, v55;
	v37 =	vor.u32 v33, v60;
	v45 =	vand.u32 $0x1FFF, v35  }
0x49: {  	v50 =	vld [tilespmem:$0x270];
	v46 =	vshra.s32 v57, $0x2;
	v35 =	vand.u32 $0xFFFFE000, v48;
	v49 =	vshra.s32 v39, $0x2  }
0x4a: {  	v51 =	vand.u32 $0x1FFF, v39;
	v33 =	vand.u32 $0x1FFF, v63;
	v55 =	vshra.s32 v41, $0x2  }
0x4b: {  	v60 =	vshra.s32 v42, $0x2;
	v42 =	vand.u32 $0x1FFF, v42;
	v34 =	vor.u32 v24, v54  }
0x4c: {  	v44 =	vld [tilespmem:$0x290];
	v21 =	vor.u32 v30, v28;
	v24 =	vand.u32 $0xFFFFE000, v56;
	v47 =	vand.u32 $0xFFFFE000, v46  }
0x4d: {  	v40 =	vld [tilespmem:$0x250];
	v30 =	vand.u32 $0x1FFF, v57;
	v43 =	vor.u32 v33, v53;
	v33 =	vand.u32 $0xFFFFE000, v55  }
0x4e: {  	v56 =	vand.u32 $0x1FFF, v41;
	v57 =	vshra.s32 v50, $0x2;
	[tilespmem:$0xE70] =	vst v23;
	v23 =	vld [tilespmem:$0x4B0];
	v28 =	vor.u32 v58, v24  }
0x4f: {  	v24 =	vor.u32 v29, v32;
	v29 =	vand.u32 $0xFFFFE000, v62;
	v38 =	vor.u32 v30, v47;
	v58 =	vld [tilespmem:$0x2B0]  }
0x50: {  	v30 =	vand.u32 $0xFFFFE000, v49;
	v59 =	vand.u32 $0xFFFFE000, v57;
	v47 =	vld [tilespmem:$0x2C0];
	v32 =	vor.u32 v45, v29  }
0x51: {  	v62 =	vld [tilespmem:$0x2D0];
	v29 =	vor.u32 v36, v35;
	v35 =	vor.u32 v51, v30;
	v36 =	vand.u32 $0x1FFF, v50  }
0x52: {  	v49 =	vld [tilespmem:$0x2E0];
	v46 =	vor.u32 v36, v59;
	v61 =	vshra.s32 v44, $0x2;
	v54 =	vshra.s32 v40, $0x2  }
0x53: {  	v45 =	vld [tilespmem:$0x2A0];
	v63 =	vand.u32 $0x1FFF, v44;
	v40 =	vand.u32 $0x1FFF, v40;
	v39 =	vand.u32 $0xFFFFE000, v54  }
0x54: {  	[tilespmem:$0xEB0] =	vst v34;
	v36 =	vand.u32 $0xFFFFE000, v61;
	v34 =	vshra.s32 v23, $0x2;
	v30 =	vor.u32 v40, v39  }
0x55: {  	v50 =	vld [tilespmem:$0x2F0];
	v39 =	vor.u32 v56, v33;
	v40 =	vand.u32 $0xFFFFE000, v60;
	v54 =	vshra.s32 v58, $0x2  }
0x56: {  	v51 =	vld [tilespmem:$0x310];
	v41 =	vand.u32 $0x1FFF, v58;
	v55 =	vshra.s32 v47, $0x2;
	v56 =	vand.u32 $0x1FFF, v47  }
0x57: {  	v57 =	vshra.s32 v62, $0x2;
	v59 =	vshra.s32 v49, $0x2;
	v33 =	vor.u32 v42, v40  }
0x58: {  	v52 =	vshra.s32 v45, $0x2;
	v40 =	vor.u32 v63, v36;
	v45 =	vand.u32 $0x1FFF, v45  }
0x59: {  	v44 =	vand.u32 $0xFFFFE000, v54;
	v58 =	vand.u32 $0xFFFFE000, v57;
	v42 =	vand.u32 $0x1FFF, v62  }
0x5a: {  	v47 =	vand.u32 $0xFFFFE000, v59;
	v60 =	vshra.s32 v50, $0x2;
	v54 =	vld [tilespmem:$0x340];
	v53 =	vand.u32 $0xFFFFE000, v52  }
0x5b: {  	v61 =	vand.u32 $0x1FFF, v50;
	v59 =	vshra.s32 v51, $0x2;
	v48 =	vor.u32 v45, v53;
	v45 =	vld [tilespmem:$0x300]  }
0x5c: {  	v36 =	vor.u32 v41, v44;
	v41 =	vand.u32 $0xFFFFE000, v55;
	v52 =	vand.u32 $0x1FFF, v49;
	v53 =	vld [tilespmem:$0x320]  }
0x5d: {  	v49 =	vor.u32 v42, v58;
	v44 =	vor.u32 v56, v41;
	v41 =	vor.u32 v52, v47;
	v52 =	vld [tilespmem:$0x330]  }
0x5e: {  	v42 =	vand.u32 $0xFFFFE000, v60;
	v50 =	vand.u32 $0xFFFFE000, v59;
	v55 =	vand.u32 $0x1FFF, v51;
	[tilespmem:$0xFA0] =	vst v48;
	v48 =	vld [tilespmem:$0x5C0]  }
0x5f: {  	v23 =	vand.u32 $0x1FFF, v23;
	v47 =	vor.u32 v61, v42;
	v56 =	vld [tilespmem:$0x350];
	v42 =	vor.u32 v55, v50  }
0x60: {  	v59 =	vshra.s32 v54, $0x2;
	v54 =	vand.u32 $0x1FFF, v54;
	v62 =	vshra.s32 v45, $0x2  }
0x61: {  	v55 =	vld [tilespmem:$0x360];
	v45 =	vand.u32 $0x1FFF, v45;
	v60 =	vshra.s32 v53, $0x2;
	v61 =	vand.u32 $0x1FFF, v53  }
0x62: {  	v57 =	vld [tilespmem:$0x370];
	v53 =	vand.u32 $0xFFFFE000, v59;
	v63 =	vand.u32 $0xFFFFE000, v62;
	v62 =	vshra.s32 v52, $0x2  }
0x63: {  	[tilespmem:$0xFE0] =	vst v41;
	v52 =	vand.u32 $0x1FFF, v52;
	v41 =	vand.u32 $0x1FFF, v48;
	v51 =	vor.u32 v45, v63  }
0x64: {  	v58 =	vld [tilespmem:$0x380];
	v45 =	vand.u32 $0xFFFFE000, v60;
	v63 =	vand.u32 $0xFFFFE000, v62;
	v60 =	vshra.s32 v56, $0x2  }
0x65: {  	v59 =	vld [tilespmem:$0x3A0];
	v62 =	vand.u32 $0x1FFF, v56;
	v50 =	vor.u32 v61, v45;
	v52 =	vor.u32 v52, v63  }
0x66: {  	[tilespmem:$0xD00] =	vst v7;
	v56 =	vld [tilespmem:$0x3B0];
	v45 =	vor.u32 v54, v53;
	v61 =	vand.u32 $0xFFFFE000, v60;
	v63 =	vshra.s32 v55, $0x2  }
0x67: {  	[tilespmem:$0xD10] =	vst v0;
	v54 =	vld [tilespmem:$0x390];
	v0 =	vor.u32 v62, v61;
	v60 =	vand.u32 $0xFFFFE000, v63;
	v61 =	vshra.s32 v57, $0x2  }
0x68: {  	[tilespmem:$0xD30] =	vst v10;
	v62 =	vand.u32 $0x1FFF, v55;
	v63 =	vand.u32 $0x1FFF, v57;
	v53 =	vand.u32 $0xFFFFE000, v61  }
0x69: {  	[tilespmem:$0xD20] =	vst v3;
	v57 =	vshra.s32 v58, $0x2;
	v7 =	vor.u32 v62, v60;
	v3 =	vor.u32 v63, v53;
	v53 =	vld [tilespmem:$0x3C0]  }
0x6a: {  	[tilespmem:$0xDC0] =	vst v19;
	v60 =	vand.u32 $0xFFFFE000, v57;
	v61 =	vand.u32 $0x1FFF, v58;
	v57 =	vld [tilespmem:$0x3D0];
	v55 =	vshra.s32 v59, $0x2  }
0x6b: {  	[tilespmem:$0xD40] =	vst v1;
	v1 =	vor.u32 v61, v60;
	v10 =	vand.u32 $0xFFFFE000, v55;
	v60 =	vand.u32 $0x1FFF, v59;
	v55 =	vld [tilespmem:$0x3E0]  }
0x6c: {  	[tilespmem:$0xD70] =	vst v2;
	v2 =	vor.u32 v60, v10;
	v61 =	vshra.s32 v56, $0x2;
	v62 =	vshra.s32 v54, $0x2  }
0x6d: {  	[tilespmem:$0xD60] =	vst v13;
	v13 =	vld [tilespmem:$0x3F0];
	v58 =	vand.u32 $0x1FFF, v54;
	v63 =	vand.u32 $0xFFFFE000, v62;
	v62 =	vand.u32 $0xFFFFE000, v61  }
0x6e: {  	v19 =	vld [tilespmem:$0x450];
	[tilespmem:$0xD50] =	vst v4;
	v4 =	vor.u32 v58, v63;
	v63 =	vand.u32 $0x1FFF, v56;
	v60 =	vshra.s32 v53, $0x2  }
0x6f: {  	[tilespmem:$0xD80] =	vst v8;
	v54 =	vld [tilespmem:$0x410];
	v8 =	vor.u32 v63, v62;
	v62 =	vshra.s32 v57, $0x2;
	v63 =	vand.u32 $0x1FFF, v53  }
0x70: {  	[tilespmem:$0xD90] =	vst v14;
	v56 =	vld [tilespmem:$0x400];
	v57 =	vand.u32 $0x1FFF, v57;
	v58 =	vshra.s32 v55, $0x2;
	v59 =	vand.u32 $0x1FFF, v55  }
0x71: {  	[tilespmem:$0xDB0] =	vst v11;
	v61 =	vand.u32 $0xFFFFE000, v60;
	v14 =	vand.u32 $0xFFFFE000, v62;
	v11 =	vand.u32 $0xFFFFE000, v58  }
0x72: {  	[tilespmem:$0xDA0] =	vst v5;
	v55 =	vld [tilespmem:$0x430];
	v60 =	vshra.s32 v13, $0x2;
	v13 =	vand.u32 $0x1FFF, v13;
	v10 =	vor.u32 v63, v61  }
0x73: {  	[tilespmem:$0xDD0] =	vst v6;
	v53 =	vld [tilespmem:$0x440];
	v5 =	vor.u32 v57, v14;
	v6 =	vor.u32 v59, v11;
	v61 =	vand.u32 $0xFFFFE000, v60  }
0x74: {  	[tilespmem:$0xDF0] =	vst v22;
	v14 =	vld [tilespmem:$0x420];
	v57 =	vshra.s32 v54, $0x2;
	v59 =	vand.u32 $0x1FFF, v54;
	v13 =	vor.u32 v13, v61  }
0x75: {  	[tilespmem:$0xE00] =	vst v9;
	v54 =	vld [tilespmem:$0x460];
	v58 =	vand.u32 $0xFFFFE000, v57;
	v57 =	vshra.s32 v19, $0x2;
	v62 =	vshra.s32 v56, $0x2  }
0x76: {  	[tilespmem:$0xE20] =	vst v25;
	v25 =	vld [tilespmem:$0x470];
	v56 =	vand.u32 $0x1FFF, v56;
	v9 =	vor.u32 v59, v58;
	v63 =	vand.u32 $0xFFFFE000, v62  }
0x77: {  	v22 =	vld [tilespmem:$0x480];
	[tilespmem:$0xDE0] =	vst v15;
	v58 =	vand.u32 $0xFFFFE000, v57;
	v62 =	vshra.s32 v55, $0x2;
	v11 =	vor.u32 v56, v63  }
0x78: {  	[tilespmem:$0xE10] =	vst v16;
	v16 =	vand.u32 $0xFFFFE000, v62;
	v63 =	vand.u32 $0x1FFF, v55;
	v55 =	vshra.s32 v53, $0x2  }
0x79: {  	[tilespmem:$0xE50] =	vst v26;
	v26 =	vld [tilespmem:$0x4A0];
	v56 =	vand.u32 $0x1FFF, v53;
	v60 =	vshra.s32 v14, $0x2;
	v14 =	vand.u32 $0x1FFF, v14  }
0x7a: {  	[tilespmem:$0xE30] =	vst v12;
	v12 =	vor.u32 v63, v16;
	v15 =	vand.u32 $0xFFFFE000, v55;
	v59 =	vshra.s32 v54, $0x2  }
0x7b: {  	[tilespmem:$0xE80] =	vst v31;
	v31 =	vld [tilespmem:$0x4C0];
	v62 =	vand.u32 $0x1FFF, v54;
	v63 =	vshra.s32 v25, $0x2;
	v54 =	vand.u32 $0x1FFF, v25  }
0x7c: {  	v55 =	vshra.s32 v22, $0x2;
	v22 =	vand.u32 $0x1FFF, v22;
	v61 =	vand.u32 $0xFFFFE000, v60  }
0x7d: {  	[tilespmem:$0xE40] =	vst v20;
	v53 =	vld [tilespmem:$0x490];
	v15 =	vor.u32 v56, v15;
	v60 =	vand.u32 $0x1FFF, v19;
	v19 =	vand.u32 $0xFFFFE000, v63  }
0x7e: {  	[tilespmem:$0xE60] =	vst v17;
	v56 =	vand.u32 $0xFFFFE000, v55;
	v63 =	vand.u32 $0x1FFF, v26;
	v55 =	vand.u32 $0xFFFFE000, v34  }
0x7f: {  	[tilespmem:$0xE90] =	vst v18;
	v25 =	vld [tilespmem:$0x4E0];
	v14 =	vor.u32 v14, v61;
	v61 =	vand.u32 $0xFFFFE000, v59;
	v17 =	vor.u32 v60, v58  }
0x80: {  	[tilespmem:$0xED0] =	vst v28;
	v28 =	vld [tilespmem:$0x510];
	v18 =	vor.u32 v54, v19;
	v20 =	vor.u32 v22, v56;
	v56 =	vshra.s32 v31, $0x2  }
0x81: {  	v60 =	vld [tilespmem:$0x4D0];
	v23 =	vor.u32 v23, v55;
	v16 =	vor.u32 v62, v61;
	v61 =	vshra.s32 v26, $0x2  }
0x82: {  	v54 =	vld [tilespmem:$0x4F0];
	v26 =	vand.u32 $0xFFFFE000, v56;
	v57 =	vshra.s32 v53, $0x2;
	v62 =	vand.u32 $0xFFFFE000, v61  }
0x83: {  	[tilespmem:$0xEC0] =	vst v21;
	v55 =	vld [tilespmem:$0x540];
	v59 =	vand.u32 $0x1FFF, v53;
	v58 =	vand.u32 $0xFFFFE000, v57;
	v21 =	vor.u32 v63, v62  }
0x84: {  	[tilespmem:$0xEA0] =	vst v27;
	v57 =	vand.u32 $0x1FFF, v31;
	v61 =	vshra.s32 v25, $0x2;
	v25 =	vand.u32 $0x1FFF, v25  }
0x85: {  	[tilespmem:$0xEE0] =	vst v37;
	v19 =	vor.u32 v59, v58;
	v22 =	vor.u32 v57, v26;
	v63 =	vand.u32 $0xFFFFE000, v61  }
0x86: {  	[tilespmem:$0xEF0] =	vst v24;
	v53 =	vld [tilespmem:$0x530];
	v57 =	vshra.s32 v28, $0x2;
	v28 =	vand.u32 $0x1FFF, v28;
	v59 =	vshra.s32 v60, $0x2  }
0x87: {  	[tilespmem:$0xF10] =	vst v38;
	v62 =	vld [tilespmem:$0x520];
	v60 =	vand.u32 $0x1FFF, v60;
	v37 =	vshra.s32 v54, $0x2;
	v27 =	vand.u32 $0x1FFF, v54  }
0x88: {  	[tilespmem:$0xF70] =	vst v46;
	v58 =	vld [tilespmem:$0x500];
	v26 =	vor.u32 v25, v63;
	v46 =	vshra.s32 v55, $0x2;
	v55 =	vand.u32 $0x1FFF, v55  }
0x89: {  	[tilespmem:$0xF60] =	vst v39;
	v39 =	vld [tilespmem:$0x580];
	v24 =	vand.u32 $0xFFFFE000, v59;
	v38 =	vand.u32 $0xFFFFE000, v37;
	v59 =	vand.u32 $0xFFFFE000, v57  }
0x8a: {  	[tilespmem:$0xF20] =	vst v29;
	v57 =	vld [tilespmem:$0x590];
	v24 =	vor.u32 v60, v24;
	v25 =	vor.u32 v27, v38;
	v29 =	vor.u32 v28, v59  }
0x8b: {  	[tilespmem:$0xF40] =	vst v43;
	v63 =	vshra.s32 v53, $0x2;
	v38 =	vld [tilespmem:$0x570];
	v43 =	vand.u32 $0x1FFF, v53;
	v53 =	vand.u32 $0xFFFFE000, v46  }
0x8c: {  	[tilespmem:$0xF00] =	vst v32;
	v60 =	vshra.s32 v62, $0x2;
	v61 =	vand.u32 $0x1FFF, v62;
	v62 =	vld [tilespmem:$0x560];
	v32 =	vor.u32 v55, v53  }
0x8d: {  	[tilespmem:$0xF50] =	vst v30;
	v55 =	vld [tilespmem:$0x5E0];
	v54 =	vshra.s32 v58, $0x2;
	v56 =	vand.u32 $0x1FFF, v58;
	v30 =	vand.u32 $0xFFFFE000, v60  }
0x8e: {  	[tilespmem:$0xF30] =	vst v35;
	v58 =	vld [tilespmem:$0x550];
	v27 =	vand.u32 $0xFFFFE000, v54;
	v28 =	vor.u32 v61, v30;
	v30 =	vand.u32 $0xFFFFE000, v63  }
0x8f: {  	[tilespmem:$0xF80] =	vst v33;
	v63 =	vshra.s32 v39, $0x2;
	v39 =	vand.u32 $0x1FFF, v39;
	v27 =	vor.u32 v56, v27  }
0x90: {  	[tilespmem:$0xFD0] =	vst v49;
	v30 =	vor.u32 v43, v30;
	v46 =	vand.u32 $0xFFFFE000, v63;
	v49 =	vshra.s32 v57, $0x2  }
0x91: {  	[tilespmem:$0xFB0] =	vst v36;
	v61 =	vld [tilespmem:$0x5B0];
	v53 =	vand.u32 $0x1FFF, v57;
	v60 =	vshra.s32 v38, $0x2;
	v36 =	vand.u32 $0xFFFFE000, v49  }
0x92: {  	[tilespmem:$0xFC0] =	vst v44;
	v59 =	vld [tilespmem:$0x5A0];
	v44 =	vand.u32 $0x1FFF, v38;
	v34 =	vand.u32 $0x1FFF, v62;
	v36 =	vor.u32 v53, v36  }
0x93: {  	[tilespmem:$0x1030] =	vst v52;
	v49 =	vshra.s32 v55, $0x2;
	v52 =	vand.u32 $0x1FFF, v55;
	v54 =	vshra.s32 v58, $0x2  }
0x94: {  	[tilespmem:$0xF90] =	vst v40;
	v63 =	vld [tilespmem:$0x610];
	v37 =	vand.u32 $0x1FFF, v58;
	v58 =	vshra.s32 v62, $0x2;
	v62 =	vand.u32 $0xFFFFE000, v60  }
0x95: {  	[tilespmem:$0x1000] =	vst v51;
	v60 =	vshra.s32 v48, $0x2;
	v51 =	vand.u32 $0xFFFFE000, v49;
	v49 =	vld [tilespmem:$0x660];
	v56 =	vand.u32 $0xFFFFE000, v54  }
0x96: {  	[tilespmem:$0xFF0] =	vst v47;
	v33 =	vand.u32 $0xFFFFE000, v58;
	v57 =	vshra.s32 v61, $0x2;
	v58 =	vand.u32 $0x1FFF, v61;
	v61 =	vld [tilespmem:$0x600]  }
0x97: {  	[tilespmem:$0x1070] =	vst v3;
	v35 =	vor.u32 v44, v62;
	v54 =	vshra.s32 v59, $0x2;
	v3 =	vor.u32 v52, v51;
	v52 =	vld [tilespmem:$0x670]  }
0x98: {  	[tilespmem:$0x1010] =	vst v42;
	v31 =	vor.u32 v37, v56;
	v33 =	vor.u32 v34, v33;
	v34 =	vor.u32 v39, v46;
	v39 =	vld [tilespmem:$0x5D0]  }
0x99: {  	[tilespmem:$0x1020] =	vst v50;
	v56 =	vand.u32 $0xFFFFE000, v54;
	v37 =	vand.u32 $0x1FFF, v59;
	v40 =	vand.u32 $0xFFFFE000, v57;
	v59 =	vld [tilespmem:$0x5F0]  }
0x9a: {  	[tilespmem:$0x1040] =	vst v45;
	v38 =	vor.u32 v37, v56;
	v37 =	vor.u32 v58, v40;
	v40 =	vand.u32 $0xFFFFE000, v60  }
0x9b: {  	[tilespmem:$0x1050] =	vst v0;
	v60 =	vshra.s32 v63, $0x2;
	v0 =	vor.u32 v41, v40;
	v45 =	vand.u32 $0x1FFF, v49  }
0x9c: {  	[tilespmem:$0x1060] =	vst v7;
	v58 =	vld [tilespmem:$0x640];
	v57 =	vshra.s32 v61, $0x2;
	v61 =	vand.u32 $0x1FFF, v61;
	v43 =	vshra.s32 v52, $0x2  }
0x9d: {  	[tilespmem:$0x1080] =	vst v1;
	v53 =	vld [tilespmem:$0x620];
	v47 =	vand.u32 $0x1FFF, v52;
	v62 =	vshra.s32 v39, $0x2;
	v50 =	vand.u32 $0x1FFF, v39  }
0x9e: {  	[tilespmem:$0x10A0] =	vst v2;
	v40 =	vld [tilespmem:$0x630];
	v54 =	vshra.s32 v59, $0x2;
	v56 =	vand.u32 $0x1FFF, v59;
	v59 =	vand.u32 $0xFFFFE000, v57  }
0x9f: {  	[tilespmem:$0x1090] =	vst v4;
	v39 =	vand.u32 $0xFFFFE000, v60;
	v46 =	vand.u32 $0xFFFFE000, v43;
	v48 =	vand.u32 $0xFFFFE000, v62  }
0xa0: {  	[tilespmem:$0x10B0] =	vst v8;
	v55 =	vand.u32 $0xFFFFE000, v54;
	v62 =	vand.u32 $0x1FFF, v63;
	v4 =	vor.u32 v61, v59  }
0xa1: {  	[tilespmem:$0x10C0] =	vst v10;
	v57 =	vld [tilespmem:$0x680];
	v54 =	vshra.s32 v58, $0x2;
	v61 =	vshra.s32 v49, $0x2;
	v7 =	vor.u32 v50, v48  }
0xa2: {  	[tilespmem:$0x10D0] =	vst v5;
	v63 =	vld [tilespmem:$0x650];
	v1 =	vor.u32 v56, v55;
	v2 =	vor.u32 v62, v39;
	v48 =	vshra.s32 v53, $0x2  }
0xa3: {  	[tilespmem:$0x10E0] =	vst v6;
	v59 =	vld [tilespmem:$0x690];
	v50 =	vand.u32 $0x1FFF, v53;
	v51 =	vshra.s32 v40, $0x2;
	v55 =	vand.u32 $0x1FFF, v40  }
0xa4: {  	[tilespmem:$0x10F0] =	vst v13;
	v10 =	vand.u32 $0xFFFFE000, v54;
	v56 =	vand.u32 $0x1FFF, v58;
	v8 =	vand.u32 $0xFFFFE000, v48  }
0xa5: {  	[tilespmem:$0x1110] =	vst v9;
	v62 =	vld [tilespmem:$0x6A0];
	v53 =	vand.u32 $0xFFFFE000, v51;
	v6 =	vor.u32 v56, v10;
	v5 =	vor.u32 v50, v8  }
0xa6: {  	[tilespmem:$0x1100] =	vst v11;
	v39 =	vld [tilespmem:$0x770];
	v8 =	vor.u32 v55, v53;
	v49 =	vshra.s32 v57, $0x2;
	v51 =	vand.u32 $0x1FFF, v57  }
0xa7: {  	[tilespmem:$0x1130] =	vst v12;
	v48 =	vld [tilespmem:$0x6B0];
	v58 =	vshra.s32 v63, $0x2;
	v60 =	vand.u32 $0x1FFF, v63;
	v63 =	vand.u32 $0xFFFFE000, v61  }
0xa8: {  	[tilespmem:$0x1140] =	vst v15;
	v50 =	vld [tilespmem:$0x6C0];
	v12 =	vand.u32 $0xFFFFE000, v49;
	v52 =	vshra.s32 v59, $0x2;
	v13 =	vand.u32 $0x1FFF, v59  }
0xa9: {  	[tilespmem:$0x1120] =	vst v14;
	v53 =	vld [tilespmem:$0x6D0];
	v10 =	vand.u32 $0xFFFFE000, v58;
	v11 =	vor.u32 v45, v63;
	v12 =	vor.u32 v51, v12  }
0xaa: {  	[tilespmem:$0x1150] =	vst v17;
	v54 =	vand.u32 $0xFFFFE000, v52;
	v55 =	vshra.s32 v62, $0x2;
	v56 =	vand.u32 $0x1FFF, v62  }
0xab: {  	[tilespmem:$0x1220] =	vst v28;
	v57 =	vld [tilespmem:$0x6E0];
	v28 =	vand.u32 $0x1FFF, v39;
	v9 =	vor.u32 v60, v10;
	v10 =	vor.u32 v47, v46  }
0xac: {  	[tilespmem:$0x1170] =	vst v18;
	v59 =	vld [tilespmem:$0x6F0];
	v15 =	vand.u32 $0xFFFFE000, v55;
	v14 =	vor.u32 v13, v54;
	v58 =	vshra.s32 v48, $0x2  }
0xad: {  	[tilespmem:$0x1180] =	vst v20;
	v49 =	vld [tilespmem:$0x720];
	v60 =	vand.u32 $0x1FFF, v48;
	v13 =	vor.u32 v56, v15;
	v15 =	vand.u32 $0xFFFFE000, v58  }
0xae: {  	[tilespmem:$0x11B0] =	vst v23;
	v61 =	vshra.s32 v50, $0x2;
	v43 =	vshra.s32 v53, $0x2;
	v44 =	vand.u32 $0x1FFF, v50  }
0xaf: {  	[tilespmem:$0x1160] =	vst v16;
	v62 =	vld [tilespmem:$0x700];
	v46 =	vand.u32 $0x1FFF, v53;
	v15 =	vor.u32 v60, v15;
	v63 =	vand.u32 $0xFFFFE000, v61  }
0xb0: {  	[tilespmem:$0x11A0] =	vst v21;
	v52 =	vld [tilespmem:$0x730];
	v45 =	vand.u32 $0xFFFFE000, v43;
	v48 =	vshra.s32 v57, $0x2;
	v50 =	vand.u32 $0x1FFF, v57  }
0xb1: {  	v42 =	vld [tilespmem:$0x780];
	[tilespmem:$0x1190] =	vst v19;
	v17 =	vor.u32 v44, v63;
	v16 =	vor.u32 v46, v45;
	v18 =	vand.u32 $0xFFFFE000, v48  }
0xb2: {  	[tilespmem:$0x11C0] =	vst v22;
	v47 =	vld [tilespmem:$0x710];
	v51 =	vshra.s32 v59, $0x2;
	v55 =	vand.u32 $0x1FFF, v59;
	v61 =	vshra.s32 v49, $0x2  }
0xb3: {  	[tilespmem:$0x11E0] =	vst v26;
	v23 =	vand.u32 $0x1FFF, v49;
	v49 =	vshra.s32 v39, $0x2;
	v18 =	vor.u32 v50, v18  }
0xb4: {  	[tilespmem:$0x11D0] =	vst v24;
	v57 =	vld [tilespmem:$0x740];
	v53 =	vand.u32 $0xFFFFE000, v51;
	v54 =	vshra.s32 v62, $0x2;
	v56 =	vand.u32 $0x1FFF, v62  }
0xb5: {  	[tilespmem:$0x1210] =	vst v29;
	v59 =	vld [tilespmem:$0x750];
	v63 =	vand.u32 $0xFFFFE000, v61;
	v29 =	vshra.s32 v52, $0x2;
	v22 =	vand.u32 $0x1FFF, v52  }
0xb6: {  	[tilespmem:$0x11F0] =	vst v25;
	v45 =	vld [tilespmem:$0x790];
	v51 =	vshra.s32 v42, $0x2;
	v21 =	vand.u32 $0xFFFFE000, v54;
	v20 =	vor.u32 v55, v53  }
0xb7: {  	[tilespmem:$0x1240] =	vst v32;
	v48 =	vld [tilespmem:$0x7A0];
	v58 =	vshra.s32 v47, $0x2;
	v60 =	vand.u32 $0x1FFF, v47;
	v26 =	vand.u32 $0xFFFFE000, v29  }
0xb8: {  	[tilespmem:$0x1200] =	vst v27;
	v39 =	vld [tilespmem:$0x800];
	v23 =	vor.u32 v23, v63;
	v53 =	vand.u32 $0xFFFFE000, v51;
	v29 =	vand.u32 $0x1FFF, v42  }
0xb9: {  	[tilespmem:$0x1230] =	vst v30;
	v62 =	vld [tilespmem:$0x760];
	v19 =	vor.u32 v56, v21;
	v21 =	vand.u32 $0xFFFFE000, v58;
	v22 =	vor.u32 v22, v26  }
0xba: {  	[tilespmem:$0x1290] =	vst v36;
	v50 =	vld [tilespmem:$0x7B0];
	v29 =	vor.u32 v29, v53;
	v21 =	vor.u32 v60, v21;
	v41 =	vshra.s32 v57, $0x2  }
0xbb: {  	[tilespmem:$0x1270] =	vst v35;
	v52 =	vld [tilespmem:$0x7C0];
	v43 =	vand.u32 $0x1FFF, v57;
	v24 =	vand.u32 $0xFFFFE000, v41;
	v44 =	vshra.s32 v59, $0x2  }
0xbc: {  	[tilespmem:$0x12E0] =	vst v3;
	v25 =	vand.u32 $0x1FFF, v59;
	v54 =	vshra.s32 v45, $0x2;
	v32 =	vand.u32 $0x1FFF, v45  }
0xbd: {  	[tilespmem:$0x1250] =	vst v31;
	v56 =	vshra.s32 v48, $0x2;
	v31 =	vand.u32 $0x1FFF, v48;
	v51 =	vshra.s32 v39, $0x2  }
0xbe: {  	[tilespmem:$0x1260] =	vst v33;
	v55 =	vld [tilespmem:$0x7D0];
	v24 =	vor.u32 v43, v24;
	v46 =	vand.u32 $0xFFFFE000, v44;
	v47 =	vshra.s32 v62, $0x2  }
0xbf: {  	[tilespmem:$0x1280] =	vst v34;
	v27 =	vand.u32 $0x1FFF, v62;
	v33 =	vand.u32 $0xFFFFE000, v54;
	v58 =	vand.u32 $0xFFFFE000, v56  }
0xc0: {  	[tilespmem:$0x12A0] =	vst v38;
	v59 =	vshra.s32 v50, $0x2;
	v62 =	vshra.s32 v52, $0x2;
	v63 =	vand.u32 $0x1FFF, v50  }
0xc1: {  	[tilespmem:$0x12B0] =	vst v37;
	v57 =	vld [tilespmem:$0x7E0];
	v38 =	vand.u32 $0x1FFF, v52;
	v53 =	vand.u32 $0xFFFFE000, v51;
	v54 =	vand.u32 $0x1FFF, v39  }
0xc2: {  	[tilespmem:$0x12C0] =	vst v0;
	v60 =	vld [tilespmem:$0x7F0];
	v30 =	vand.u32 $0xFFFFE000, v47;
	v26 =	vor.u32 v25, v46;
	v0 =	vor.u32 v31, v58  }
0xc3: {  	[tilespmem:$0x1300] =	vst v4;
	v41 =	vld [tilespmem:$0x810];
	v61 =	vand.u32 $0xFFFFE000, v59;
	v37 =	vand.u32 $0xFFFFE000, v62;
	v40 =	vshra.s32 v55, $0x2  }
0xc4: {  	[tilespmem:$0x1340] =	vst v6;
	v45 =	vld [tilespmem:$0x820];
	v43 =	vand.u32 $0x1FFF, v55;
	v6 =	vor.u32 v54, v53;
	v25 =	vor.u32 v27, v30  }
0xc5: {  	[tilespmem:$0x12F0] =	vst v1;
	v27 =	vand.u32 $0xFFFFE000, v49;
	v3 =	vor.u32 v63, v61;
	v1 =	vor.u32 v38, v37  }
0xc6: {  	[tilespmem:$0x12D0] =	vst v7;
	v50 =	vld [tilespmem:$0x830];
	v42 =	vand.u32 $0xFFFFE000, v40;
	v27 =	vor.u32 v28, v27;
	v28 =	vor.u32 v32, v33  }
0xc7: {  	[tilespmem:$0x1310] =	vst v2;
	v52 =	vld [tilespmem:$0x840];
	v44 =	vshra.s32 v57, $0x2;
	v2 =	vor.u32 v43, v42;
	v47 =	vshra.s32 v60, $0x2  }
0xc8: {  	[tilespmem:$0x1320] =	vst v5;
	v56 =	vld [tilespmem:$0x850];
	v48 =	vand.u32 $0x1FFF, v57;
	v49 =	vand.u32 $0x1FFF, v60;
	v46 =	vand.u32 $0xFFFFE000, v44  }
0xc9: {  	[tilespmem:$0x1330] =	vst v8;
	v7 =	vand.u32 $0xFFFFE000, v47;
	v55 =	vshra.s32 v41, $0x2;
	v58 =	vshra.s32 v45, $0x2  }
0xca: {  	[tilespmem:$0x1360] =	vst v11;
	v54 =	vld [tilespmem:$0x8D0];
	v59 =	vand.u32 $0x1FFF, v41;
	v60 =	vand.u32 $0x1FFF, v45;
	v5 =	vor.u32 v48, v46  }
0xcb: {  	[tilespmem:$0x1350] =	vst v9;
	v61 =	vld [tilespmem:$0x860];
	v4 =	vor.u32 v49, v7;
	v57 =	vand.u32 $0xFFFFE000, v55;
	v9 =	vand.u32 $0xFFFFE000, v58  }
0xcc: {  	[tilespmem:$0x1380] =	vst v12;
	v63 =	vld [tilespmem:$0x870];
	v62 =	vshra.s32 v50, $0x2;
	v36 =	vand.u32 $0x1FFF, v50;
	v37 =	vshra.s32 v52, $0x2  }
0xcd: {  	[tilespmem:$0x1370] =	vst v10;
	v38 =	vld [tilespmem:$0x880];
	v40 =	vshra.s32 v56, $0x2;
	v8 =	vand.u32 $0x1FFF, v52;
	v42 =	vand.u32 $0x1FFF, v56  }
0xce: {  	[tilespmem:$0x1390] =	vst v14;
	v7 =	vor.u32 v59, v57;
	v9 =	vor.u32 v60, v9;
	v10 =	vand.u32 $0xFFFFE000, v62  }
0xcf: {  	[tilespmem:$0x13A0] =	vst v13;
	v43 =	vld [tilespmem:$0x890];
	v39 =	vand.u32 $0xFFFFE000, v37;
	v41 =	vand.u32 $0xFFFFE000, v40;
	v32 =	vshra.s32 v54, $0x2  }
0xd0: {  	[tilespmem:$0x13C0] =	vst v17;
	v33 =	vld [tilespmem:$0x910];
	v17 =	vand.u32 $0x1FFF, v54;
	v10 =	vor.u32 v36, v10;
	v8 =	vor.u32 v8, v39  }
0xd1: {  	[tilespmem:$0x13B0] =	vst v15;
	v12 =	vor.u32 v42, v41;
	v44 =	vshra.s32 v61, $0x2;
	v46 =	vand.u32 $0x1FFF, v61  }
0xd2: {  	[tilespmem:$0x13D0] =	vst v16;
	v45 =	vld [tilespmem:$0x8A0];
	v47 =	vshra.s32 v63, $0x2;
	v50 =	vshra.s32 v38, $0x2;
	v11 =	vand.u32 $0x1FFF, v63  }
0xd3: {  	[tilespmem:$0x13E0] =	vst v18;
	v31 =	vld [tilespmem:$0x9B0];
	v51 =	vand.u32 $0x1FFF, v38;
	v34 =	vand.u32 $0xFFFFE000, v32;
	v13 =	vand.u32 $0xFFFFE000, v44  }
0xd4: {  	[tilespmem:$0x13F0] =	vst v20;
	v48 =	vld [tilespmem:$0x8B0];
	v49 =	vand.u32 $0xFFFFE000, v47;
	v16 =	vand.u32 $0xFFFFE000, v50;
	v53 =	vshra.s32 v43, $0x2  }
0xd5: {  	[tilespmem:$0x1420] =	vst v23;
	v52 =	vld [tilespmem:$0x8C0];
	v55 =	vand.u32 $0x1FFF, v43;
	v17 =	vor.u32 v17, v34;
	v43 =	vshra.s32 v33, $0x2  }
0xd6: {  	[tilespmem:$0x1440] =	vst v24;
	v57 =	vld [tilespmem:$0x8E0];
	v24 =	vand.u32 $0x1FFF, v33;
	v13 =	vor.u32 v46, v13;
	v11 =	vor.u32 v11, v49  }
0xd7: {  	[tilespmem:$0x1400] =	vst v19;
	v37 =	vld [tilespmem:$0x920];
	v15 =	vor.u32 v51, v16;
	v16 =	vand.u32 $0xFFFFE000, v53;
	v56 =	vshra.s32 v45, $0x2  }
0xd8: {  	[tilespmem:$0x1430] =	vst v22;
	v61 =	vld [tilespmem:$0x8F0];
	v14 =	vand.u32 $0x1FFF, v45;
	v45 =	vand.u32 $0xFFFFE000, v43;
	v43 =	vshra.s32 v31, $0x2  }
0xd9: {  	[tilespmem:$0x1480] =	vst v29;
	v63 =	vld [tilespmem:$0x900];
	v16 =	vor.u32 v55, v16;
	v58 =	vand.u32 $0xFFFFE000, v56;
	v59 =	vshra.s32 v48, $0x2  }
0xda: {  	[tilespmem:$0x1410] =	vst v21;
	v39 =	vld [tilespmem:$0x930];
	v60 =	vand.u32 $0x1FFF, v48;
	v62 =	vshra.s32 v52, $0x2;
	v18 =	vand.u32 $0x1FFF, v52  }
0xdb: {  	[tilespmem:$0x14B0] =	vst v3;
	v41 =	vld [tilespmem:$0x940];
	v3 =	vor.u32 v24, v45;
	v45 =	vand.u32 $0x1FFF, v31;
	v20 =	vand.u32 $0xFFFFE000, v59  }
0xdc: {  	[tilespmem:$0x1450] =	vst v26;
	v14 =	vor.u32 v14, v58;
	v35 =	vshra.s32 v57, $0x2;
	v36 =	vand.u32 $0x1FFF, v57  }
0xdd: {  	[tilespmem:$0x14A0] =	vst v0;
	v47 =	vshra.s32 v37, $0x2;
	v50 =	vand.u32 $0x1FFF, v37;
	v19 =	vor.u32 v60, v20  }
0xde: {  	[tilespmem:$0x1500] =	vst v6;
	v20 =	vand.u32 $0xFFFFE000, v62;
	v22 =	vand.u32 $0xFFFFE000, v35;
	v38 =	vshra.s32 v61, $0x2  }
0xdf: {  	[tilespmem:$0x1460] =	vst v25;
	v33 =	vld [tilespmem:$0x9C0];
	v23 =	vand.u32 $0x1FFF, v61;
	v40 =	vshra.s32 v63, $0x2;
	v44 =	vand.u32 $0x1FFF, v63  }
0xe0: {  	[tilespmem:$0x14C0] =	vst v1;
	v46 =	vld [tilespmem:$0x950];
	v49 =	vand.u32 $0xFFFFE000, v47;
	v51 =	vshra.s32 v39, $0x2;
	v54 =	vshra.s32 v41, $0x2  }
0xe1: {  	[tilespmem:$0x1470] =	vst v27;
	v48 =	vld [tilespmem:$0x960];
	v55 =	vand.u32 $0x1FFF, v39;
	v56 =	vand.u32 $0x1FFF, v41;
	v18 =	vor.u32 v18, v20  }
0xe2: {  	[tilespmem:$0x1490] =	vst v28;
	v52 =	vld [tilespmem:$0x970];
	v20 =	vor.u32 v36, v22;
	v22 =	vand.u32 $0xFFFFE000, v38;
	v42 =	vand.u32 $0xFFFFE000, v40  }
0xe3: {  	[tilespmem:$0x14D0] =	vst v2;
	v1 =	vor.u32 v50, v49;
	v53 =	vand.u32 $0xFFFFE000, v51;
	v21 =	vand.u32 $0xFFFFE000, v54  }
0xe4: {  	[tilespmem:$0x1530] =	vst v10;
	v57 =	vld [tilespmem:$0x980];
	v10 =	vand.u32 $0x1FFF, v33;
	v22 =	vor.u32 v23, v22;
	v0 =	vor.u32 v44, v42  }
0xe5: {  	[tilespmem:$0x14F0] =	vst v4;
	v59 =	vld [tilespmem:$0x990];
	v2 =	vor.u32 v55, v53;
	v4 =	vor.u32 v56, v21;
	v58 =	vshra.s32 v46, $0x2  }
0xe6: {  	[tilespmem:$0x14E0] =	vst v5;
	v37 =	vld [tilespmem:$0x9D0];
	v60 =	vand.u32 $0x1FFF, v46;
	v46 =	vshra.s32 v33, $0x2;
	v5 =	vand.u32 $0xFFFFE000, v58  }
0xe7: {  	[tilespmem:$0x1510] =	vst v7;
	v61 =	vshra.s32 v48, $0x2;
	v28 =	vshra.s32 v52, $0x2;
	v29 =	vand.u32 $0x1FFF, v48  }
0xe8: {  	[tilespmem:$0x1520] =	vst v9;
	v62 =	vld [tilespmem:$0x9A0];
	v30 =	vand.u32 $0x1FFF, v52;
	v48 =	vand.u32 $0xFFFFE000, v46;
	v5 =	vor.u32 v60, v5  }
0xe9: {  	[tilespmem:$0x1540] =	vst v8;
	v47 =	vld [tilespmem:$0xA00];
	v63 =	vand.u32 $0xFFFFE000, v61;
	v7 =	vand.u32 $0xFFFFE000, v28;
	v32 =	vshra.s32 v57, $0x2  }
0xea: {  	[tilespmem:$0x1550] =	vst v12;
	v35 =	vand.u32 $0x1FFF, v57;
	v36 =	vshra.s32 v59, $0x2;
	v40 =	vand.u32 $0x1FFF, v59  }
0xeb: {  	[tilespmem:$0x15D0] =	vst v17;
	v54 =	vld [tilespmem:$0xA20];
	v49 =	vshra.s32 v37, $0x2;
	v51 =	vand.u32 $0x1FFF, v37;
	v10 =	vor.u32 v10, v48  }
0xec: {  	v27 =	vld [tilespmem:$0xA60];
	[tilespmem:$0x1560] =	vst v13;
	v6 =	vor.u32 v29, v63;
	v7 =	vor.u32 v30, v7;
	v34 =	vand.u32 $0xFFFFE000, v32  }
0xed: {  	[tilespmem:$0x1570] =	vst v11;
	v42 =	vld [tilespmem:$0x9E0];
	v38 =	vand.u32 $0xFFFFE000, v36;
	v39 =	vshra.s32 v62, $0x2;
	v41 =	vand.u32 $0x1FFF, v62  }
0xee: {  	[tilespmem:$0x1580] =	vst v15;
	v44 =	vld [tilespmem:$0x9F0];
	v50 =	vand.u32 $0xFFFFE000, v49;
	v59 =	vshra.s32 v47, $0x2;
	v60 =	vand.u32 $0x1FFF, v47  }
0xef: {  	[tilespmem:$0x15A0] =	vst v14;
	v8 =	vor.u32 v35, v34;
	v12 =	vand.u32 $0xFFFFE000, v39;
	v9 =	vor.u32 v40, v38  }
0xf0: {  	[tilespmem:$0x15C0] =	vst v18;
	v33 =	vld [tilespmem:$0xA70];
	v14 =	vor.u32 v51, v50;
	v18 =	vand.u32 $0xFFFFE000, v59;
	v26 =	vshra.s32 v54, $0x2  }
0xf1: {  	[tilespmem:$0x1590] =	vst v16;
	v52 =	vld [tilespmem:$0xA10];
	v30 =	vand.u32 $0x1FFF, v54;
	v40 =	vshra.s32 v27, $0x2;
	v11 =	vor.u32 v41, v12  }
0xf2: {  	[tilespmem:$0x1610] =	vst v3;
	v12 =	vand.u32 $0xFFFFE000, v43;
	v53 =	vshra.s32 v42, $0x2;
	v55 =	vand.u32 $0x1FFF, v42  }
0xf3: {  	[tilespmem:$0x15B0] =	vst v19;
	v56 =	vshra.s32 v44, $0x2;
	v13 =	vand.u32 $0x1FFF, v44;
	v17 =	vor.u32 v60, v18  }
0xf4: {  	v57 =	vld [tilespmem:$0xA30];
	[tilespmem:$0x1650] =	vst v5;
	v28 =	vand.u32 $0xFFFFE000, v26;
	v5 =	vand.u32 $0xFFFFE000, v40;
	v42 =	vand.u32 $0x1FFF, v27  }
0xf5: {  	[tilespmem:$0x15E0] =	vst v20;
	v61 =	vld [tilespmem:$0xA40];
	v44 =	vshra.s32 v33, $0x2;
	v46 =	vand.u32 $0x1FFF, v33;
	v12 =	vor.u32 v45, v12  }
0xf6: {  	[tilespmem:$0x1620] =	vst v1;
	v48 =	vld [tilespmem:$0xAC0];
	v15 =	vand.u32 $0xFFFFE000, v53;
	v58 =	vand.u32 $0xFFFFE000, v56;
	v62 =	vshra.s32 v52, $0x2  }
0xf7: {  	[tilespmem:$0x15F0] =	vst v22;
	v63 =	vld [tilespmem:$0xA50];
	v25 =	vand.u32 $0x1FFF, v52;
	v1 =	vor.u32 v30, v28;
	v5 =	vor.u32 v42, v5  }
0xf8: {  	[tilespmem:$0x1660] =	vst v6;
	v6 =	vand.u32 $0xFFFFE000, v44;
	v15 =	vor.u32 v55, v15;
	v13 =	vor.u32 v13, v58  }
0xf9: {  	[tilespmem:$0x1600] =	vst v0;
	v35 =	vld [tilespmem:$0xA80];
	v24 =	vand.u32 $0xFFFFE000, v62;
	v29 =	vshra.s32 v57, $0x2;
	v32 =	vand.u32 $0x1FFF, v57  }
0xfa: {  	[tilespmem:$0x1630] =	vst v2;
	v38 =	vld [tilespmem:$0xA90];
	v34 =	vshra.s32 v61, $0x2;
	v36 =	vand.u32 $0x1FFF, v61;
	v6 =	vor.u32 v46, v6  }
0xfb: {  	[tilespmem:$0x1640] =	vst v4;
	v59 =	vld [tilespmem:$0xAF0];
	v61 =	vshra.s32 v48, $0x2;
	v62 =	vand.u32 $0x1FFF, v48;
	v0 =	vor.u32 v25, v24  }
0xfc: {  	v23 =	vld [tilespmem:$0xB10];
	[tilespmem:$0x16C0] =	vst v10;
	v31 =	vand.u32 $0xFFFFE000, v29;
	v3 =	vand.u32 $0xFFFFE000, v34;
	v37 =	vshra.s32 v63, $0x2  }
0xfd: {  	v43 =	vld [tilespmem:$0xAA0];
	[tilespmem:$0x16D0] =	vst v14;
	v41 =	vand.u32 $0x1FFF, v63;
	v14 =	vand.u32 $0xFFFFE000, v61;
	v2 =	vor.u32 v32, v31  }
0xfe: {  	[tilespmem:$0x1670] =	vst v7;
	v26 =	vld [tilespmem:$0xB20];
	v3 =	vor.u32 v36, v3;
	v39 =	vand.u32 $0xFFFFE000, v37;
	v47 =	vshra.s32 v35, $0x2  }
0xff: {  	[tilespmem:$0x1680] =	vst v8;
	v33 =	vld [tilespmem:$0xB30];
	v50 =	vshra.s32 v38, $0x2;
	v51 =	vand.u32 $0x1FFF, v35;
	v52 =	vand.u32 $0x1FFF, v38  }
0x100: {  	[tilespmem:$0x1690] =	vst v9;
	v45 =	vld [tilespmem:$0xAB0];
	v21 =	vor.u32 v62, v14;
	v29 =	vshra.s32 v59, $0x2;
	v32 =	vand.u32 $0x1FFF, v59  }
0x101: {  	[tilespmem:$0x16A0] =	vst v11;
	v53 =	vld [tilespmem:$0xAD0];
	v4 =	vor.u32 v41, v39;
	v49 =	vand.u32 $0xFFFFE000, v47;
	v9 =	vand.u32 $0xFFFFE000, v50  }
0x102: {  	[tilespmem:$0x1700] =	vst v17;
	v54 =	vshra.s32 v43, $0x2;
	v57 =	vand.u32 $0x1FFF, v43;
	v31 =	vand.u32 $0xFFFFE000, v29  }
0x103: {  	v40 =	vld [tilespmem:$0xB50];
	[tilespmem:$0x16B0] =	vst v12;
	v39 =	vshra.s32 v23, $0x2;
	v42 =	vshra.s32 v26, $0x2;
	v43 =	vand.u32 $0x1FFF, v23  }
0x104: {  	[tilespmem:$0x1720] =	vst v1;
	v44 =	vand.u32 $0x1FFF, v26;
	v47 =	vshra.s32 v33, $0x2;
	v8 =	vor.u32 v51, v49  }
0x105: {  	v55 =	vld [tilespmem:$0xAE0];
	[tilespmem:$0x1760] =	vst v5;
	v9 =	vor.u32 v52, v9;
	v56 =	vand.u32 $0xFFFFE000, v54;
	v58 =	vshra.s32 v45, $0x2  }
0x106: {  	[tilespmem:$0x16E0] =	vst v15;
	v7 =	vand.u32 $0x1FFF, v45;
	v22 =	vshra.s32 v53, $0x2;
	v24 =	vand.u32 $0x1FFF, v53  }
0x107: {  	v48 =	vld [tilespmem:$0xB70];
	[tilespmem:$0x16F0] =	vst v13;
	v34 =	vor.u32 v32, v31;
	v41 =	vand.u32 $0xFFFFE000, v39;
	v12 =	vand.u32 $0xFFFFE000, v42  }
0x108: {  	[tilespmem:$0x1770] =	vst v6;
	v6 =	vand.u32 $0xFFFFE000, v47;
	v49 =	vand.u32 $0x1FFF, v33;
	v53 =	vshra.s32 v40, $0x2  }
0x109: {  	v63 =	vld [tilespmem:$0xB00];
	[tilespmem:$0x1710] =	vst v0;
	v10 =	vor.u32 v57, v56;
	v60 =	vand.u32 $0xFFFFE000, v58;
	v13 =	vand.u32 $0xFFFFE000, v22  }
0x10a: {  	[tilespmem:$0x1750] =	vst v4;
	v25 =	vshra.s32 v55, $0x2;
	v30 =	vand.u32 $0x1FFF, v55;
	v4 =	vor.u32 v43, v41  }
0x10b: {  	v36 =	vld [tilespmem:$0xB40];
	v46 =	vor.u32 v44, v12;
	[tilespmem:$0x1790] =	vst v9;
	v6 =	vor.u32 v49, v6;
	v9 =	vand.u32 $0xFFFFE000, v53  }
0x10c: {  	[tilespmem:$0x17C0] =	vst v21;
	v23 =	vld [tilespmem:$0xBC0];
	v55 =	vand.u32 $0x1FFF, v40;
	v62 =	vshra.s32 v48, $0x2;
	v21 =	vand.u32 $0x1FFF, v48  }
0x10d: {  	[tilespmem:$0x1730] =	vst v2;
	v26 =	vld [tilespmem:$0xBD0];
	v7 =	vor.u32 v7, v60;
	v27 =	vor.u32 v24, v13;
	v28 =	vand.u32 $0xFFFFE000, v25  }
0x10e: {  	[tilespmem:$0x1740] =	vst v3;
	v45 =	vld [tilespmem:$0xB60];
	v35 =	vshra.s32 v63, $0x2;
	v38 =	vand.u32 $0x1FFF, v63;
	v58 =	vor.u32 v55, v9  }
0x10f: {  	v51 =	vld [tilespmem:$0xB80];
	[tilespmem:$0x1780] =	vst v8;
	v19 =	vand.u32 $0xFFFFE000, v62;
	v1 =	vor.u32 v30, v28;
	v37 =	vand.u32 $0xFFFFE000, v35  }
0x110: {  	v56 =	vld [tilespmem:$0xB90];
	[tilespmem:$0x17F0] =	vst v34;
	v50 =	vshra.s32 v36, $0x2;
	v54 =	vand.u32 $0x1FFF, v36;
	v3 =	vor.u32 v38, v37  }
0x111: {  	v41 =	vld [tilespmem:$0xC10];
	v52 =	vand.u32 $0xFFFFE000, v50;
	[tilespmem:$0x17E0] =	vst v1;
	v1 =	vor.u32 v21, v19;
	v37 =	vshra.s32 v23, $0x2  }
0x112: {  	v49 =	vld [tilespmem:$0xC30];
	[tilespmem:$0x17A0] =	vst v10;
	v39 =	vand.u32 $0x1FFF, v23;
	v40 =	vshra.s32 v26, $0x2;
	v44 =	vand.u32 $0x1FFF, v26  }
0x113: {  	v53 =	vld [tilespmem:$0xC40];
	[tilespmem:$0x1810] =	vst v4;
	v57 =	vor.u32 v54, v52;
	v59 =	vshra.s32 v45, $0x2;
	v61 =	vand.u32 $0x1FFF, v45  }
0x114: {  	v60 =	vld [tilespmem:$0xBA0];
	[tilespmem:$0x1830] =	vst v6;
	v20 =	vshra.s32 v51, $0x2;
	v22 =	vand.u32 $0x1FFF, v51;
	v6 =	vand.u32 $0xFFFFE000, v37  }
0x115: {  	v63 =	vld [tilespmem:$0xBB0];
	[tilespmem:$0x1820] =	vst v46;
	v42 =	vand.u32 $0xFFFFE000, v40;
	v9 =	vand.u32 $0xFFFFE000, v59;
	v11 =	vand.u32 $0xFFFFE000, v20  }
0x116: {  	v46 =	vld [tilespmem:$0xC20];
	[tilespmem:$0x17B0] =	vst v7;
	v25 =	vshra.s32 v56, $0x2;
	v28 =	vand.u32 $0x1FFF, v56;
	v6 =	vor.u32 v39, v6  }
0x117: {  	[tilespmem:$0x1840] =	vst v57;
	v0 =	vor.u32 v44, v42;
	v55 =	vshra.s32 v41, $0x2;
	v57 =	vand.u32 $0x1FFF, v41  }
0x118: {  	[tilespmem:$0x17D0] =	vst v27;
	v30 =	vld [tilespmem:$0xBE0];
	v16 =	vshra.s32 v53, $0x2;
	v17 =	vand.u32 $0x1FFF, v49;
	v18 =	vor.u32 v61, v9  }
0x119: {  	v35 =	vld [tilespmem:$0xBF0];
	[tilespmem:$0x1850] =	vst v58;
	v24 =	vor.u32 v22, v11;
	v27 =	vand.u32 $0xFFFFE000, v25;
	v29 =	vshra.s32 v60, $0x2  }
0x11a: {  	[tilespmem:$0x1800] =	vst v3;
	v32 =	vshra.s32 v63, $0x2;
	v33 =	vand.u32 $0x1FFF, v60;
	v34 =	vand.u32 $0x1FFF, v63  }
0x11b: {  	v58 =	vld [tilespmem:$0xC50];
	[tilespmem:$0x1870] =	vst v1;
	v7 =	vand.u32 $0xFFFFE000, v55;
	v60 =	vshra.s32 v46, $0x2;
	v62 =	vand.u32 $0x1FFF, v46  }
0x11c: {  	v13 =	vld [tilespmem:$0xC70];
	[tilespmem:$0x18C0] =	vst v6;
	v63 =	vshra.s32 v49, $0x2;
	v6 =	vand.u32 $0xFFFFE000, v16;
	v3 =	vor.u32 v28, v27  }
0x11d: {  	[tilespmem:$0x18D0] =	vst v0;
	v31 =	vand.u32 $0xFFFFE000, v29;
	v9 =	vand.u32 $0xFFFFE000, v32;
	v43 =	vshra.s32 v30, $0x2  }
0x11e: {  	v38 =	vld [tilespmem:$0xC00];
	[tilespmem:$0x1860] =	vst v18;
	v45 =	vand.u32 $0x1FFF, v30;
	v48 =	vshra.s32 v35, $0x2;
	v51 =	vand.u32 $0x1FFF, v35  }
0x11f: {  	v19 =	vld [tilespmem:$0xC80];
	[tilespmem:$0x1880] =	vst v24;
	v59 =	vor.u32 v57, v7;
	v5 =	vand.u32 $0xFFFFE000, v60;
	v15 =	vand.u32 $0xFFFFE000, v63  }
0x120: {  	v26 =	vld [tilespmem:$0xCA0];
	v18 =	vand.u32 $0x1FFF, v53;
	v21 =	vshra.s32 v58, $0x2;
	v24 =	vand.u32 $0x1FFF, v58;
	[tilespmem:$0x1890] =	vst v3  }
0x121: {  	v28 =	vshra.s32 v13, $0x2;
	v30 =	vand.u32 $0x1FFF, v13;
	v4 =	vor.u32 v33, v31;
	[tilespmem:$0x1910] =	vst v59  }
0x122: {  	v36 =	vor.u32 v34, v9;
	v8 =	vand.u32 $0xFFFFE000, v43;
	v50 =	vand.u32 $0xFFFFE000, v48;
	[tilespmem:$0x18A0] =	vst v4  }
0x123: {  	v52 =	vshra.s32 v38, $0x2;
	v56 =	vand.u32 $0x1FFF, v38;
	v14 =	vor.u32 v62, v5;
	[tilespmem:$0x18B0] =	vst v36  }
0x124: {  	v61 =	vld [tilespmem:$0xC60];
	v1 =	vor.u32 v17, v15;
	v20 =	vor.u32 v18, v6;
	v23 =	vand.u32 $0xFFFFE000, v21;
	[tilespmem:$0x1920] =	vst v14  }
0x125: {  	v22 =	vld [tilespmem:$0xC90];
	v5 =	vand.u32 $0xFFFFE000, v28;
	v33 =	vshra.s32 v19, $0x2;
	v40 =	vshra.s32 v26, $0x2;
	[tilespmem:$0x1930] =	vst v1  }
0x126: {  	v46 =	vld [tilespmem:$0xCF0];
	v42 =	vand.u32 $0x1FFF, v26;
	v47 =	vor.u32 v45, v8;
	v2 =	vor.u32 v51, v50;
	[tilespmem:$0x1940] =	vst v20  }
0x127: {  	v31 =	vld [tilespmem:$0xCB0];
	v54 =	vand.u32 $0xFFFFE000, v52;
	v32 =	vor.u32 v30, v5;
	v35 =	vand.u32 $0xFFFFE000, v33;
	[tilespmem:$0x18E0] =	vst v47  }
0x128: {  	v34 =	vld [tilespmem:$0xCC0];
	v36 =	vand.u32 $0x1FFF, v19;
	v4 =	vand.u32 $0xFFFFE000, v40;
	v3 =	vor.u32 v56, v54;
	[tilespmem:$0x18F0] =	vst v2  }
0x129: {  	v38 =	vld [tilespmem:$0xCD0];
	v2 =	vor.u32 v36, v35;
	[tilespmem:$0x1970] =	vst v32;
	v44 =	vor.u32 v42, v4;
	v25 =	vshra.s32 v61, $0x2  }
0x12a: {  	[tilespmem:$0x1900] =	vst v3;
	v3 =	vor.u32 v24, v23;
	v29 =	vand.u32 $0x1FFF, v61;
	v37 =	vshra.s32 v22, $0x2  }
0x12b: {  	v41 =	vand.u32 $0x1FFF, v22;
	[tilespmem:$0x1980] =	vst v2;
	v60 =	vshra.s32 v46, $0x2;
	v62 =	vand.u32 $0x1FFF, v46  }
0x12c: {  	v43 =	vld [tilespmem:$0xCE0];
	[tilespmem:$0x19A0] =	vst v44;
	v27 =	vand.u32 $0xFFFFE000, v25;
	v39 =	vand.u32 $0xFFFFE000, v37;
	v61 =	vand.u32 $0xFFFFE000, v60  }
0x12d: {  	[tilespmem:$0x1950] =	vst v3;
	v0 =	vor.u32 v29, v27;
	v45 =	vshra.s32 v31, $0x2;
	v48 =	vand.u32 $0x1FFF, v31  }
0x12e: {  	v49 =	vshra.s32 v34, $0x2;
	v52 =	vshra.s32 v38, $0x2;
	v63 =	vor.u32 v62, v61;
	[tilespmem:$0x1960] =	vst v0  }
0x12f: {  	v53 =	vand.u32 $0x1FFF, v34;
	v0 =	vor.u32 v41, v39;
	v47 =	vand.u32 $0xFFFFE000, v45;
	[tilespmem:$0x19F0] =	vst v63  }
0x130: {  	v54 =	vand.u32 $0x1FFF, v38;
	v51 =	vand.u32 $0xFFFFE000, v49;
	[tilespmem:$0x1990] =	vst v0;
	v50 =	vor.u32 v48, v47  }
0x131: {  	v57 =	vshra.s32 v43, $0x2;
	v3 =	vand.u32 $0xFFFFE000, v52;
	v55 =	vor.u32 v53, v51;
	[tilespmem:$0x19B0] =	vst v50  }
0x132: {  	v59 =	vand.u32 $0x1FFF, v43;
	v58 =	vand.u32 $0xFFFFE000, v57;
	v56 =	vor.u32 v54, v3;
	[tilespmem:$0x19C0] =	vst v55  }
0x133: {  	s15 =	simm.s32 $0x4000;
	v0 =	vor.u32 v59, v58;
	[tilespmem:$0x19D0] =	vst v56  }
0x134: {  	s17 =	sand.u32 $0x4000, s15;
	[tilespmem:$0x19E0] =	vst v0  }
0x135: {  	[tilespmem:s11], [sflag:$0x1] =	stream.indirect.gather [hbm4b:s3+s9], $0x80, s10, s9, $0xb8;
	[tilespmem:$0x9A00] =	vst v63  }
0x136: {  	s16 =	simm.s32 $0xD80;
	s17 =	sor.u32 $0x1A00, s17  }
0x137: {  	[tilespmem:s17], [sflag:$0x1] =	stream.indirect.gather [hbm4b:s3+s9], $0x80, s16, s9, $0xb8;
	[tilespmem:$0x9A00] =	vst v63  }
0x138: {  	_ =	swait.ge [sflag:s12], $0x4000  }
0x139: {  	s31 =	sand.u32 $0x4000, s2;
	[sflag:s12] =	ssyncset.done $0x0  }
0x13a: {  	s18 =	sor.u32 $0x1A00, s31;
	s17 =	smov.u32 s7;
	[sflag:s12] =	ssyncadd.s32 $0xFFFFC000  }
.LBB2_2:
0x13b: {  	[hbm4b:s17+s2] =	stream.linear.scatter [tilespmem:s18], [sflag:$0x2], $0x4000, $0x38;
	[tilespmem:$0x9A00] =	vst v63  }
0x13c: {  	s18 =	smov.u32 s15  }
0x13d: {  	p0 =	sne.s32 s15, $0x60000;
	s15 =	sadd.s32 $0x4000, s15;
	_ =	swait.ge [sflag:s8], $0x4000  }
0x13e: {  	s16 =	sadd.s32 $0x80, s16;
	s19 =	sand.u32 $0x4000, s15;
	[sflag:s8] =	ssyncset.done $0x0  }
.Ltmp0:
0x13f: {  	s19 =	sor.u32 $0x1A00, s19;
	[sflag:s8] =	ssyncadd.s32 $0xFFFFC000;
	(pc) =	sbr.rel @p0 .LBB2_2-.Ltmp0, $4  }
0x140: {  	[tilespmem:s19], [sflag:$0x1] =	stream.indirect.gather [hbm4b:s3+s9], $0x80, s16, s9, $0xb8;
	[tilespmem:$0x9A00] =	vst v63  }
0x141: {  	_ =	swait.ge [sflag:s12], $0x4000  }
0x142: {  	s18 =	sand.u32 $0x4000, s18;
	[sflag:s12] =	ssyncset.done $0x0  }
0x143: {  	s17 =	sadd.s32 $0x800, s17;
	s18 =	sor.u32 $0x1A00, s18;
	[sflag:s12] =	ssyncadd.s32 $0xFFFFC000  }
0x144: {  	[hbm4b:s17+s2] =	stream.linear.scatter [tilespmem:s18], [sflag:$0x2], $0x4000, $0x38;
	[tilespmem:$0x9A00] =	vst v63  }
0x145: {  	_ =	swait.ge [sflag:s8], $0x4000  }
0x146: {  	[sflag:s8] =	ssyncset.done $0x0  }
0x147: {  	[sflag:s8] =	ssyncadd.s32 $0xFFFFC000  }
0x148: {  	s14 =	sadd.s32 $0x1, s14;
	_ =	swait.ge [sflag:s12], $0x4000  }
0x149: {  	p0 =	sne.s32 s14, s5;
	[sflag:s12] =	ssyncset.done $0x0  }
.Ltmp1:
0x14a: {  	[sflag:s12] =	ssyncadd.s32 $0xFFFFC000;
	(pc) =	sbr.rel @p0 .LBB2_1-.Ltmp1, $4  }
0x14b: {  	[hbm4b:s6+s2] =	stream.linear.scatter [tilespmem:s13], [sflag:$0x2], $0x4000, $0x38;
	[tilespmem:$0x9A00] =	vst v63  }
0x14c: {  	_ =	swait.ge [sflag:s8], $0x4000  }
0x14d: {  	[sflag:s8] =	ssyncset.done $0x0  }
0x14e: {  	[sflag:s8] =	ssyncadd.s32 $0xFFFFC000  }
0x14f: {  	_ =	sfence.sel $0x180000  }
0x150: {  	[bflag:$0x0] =	sbarrier.arrive $0xFFFF  }
0x151: {  	p0 =	sne.s32 s0, $0x0;
	_ =	strace $0x90000047  }
0x152: {  	s0 =	sadd.s32 @!p0 $0x100000, s1;
	[bflag:$0x2] =	sbarrier.arrive $0xFFFF  }
0x153: {  	[sflag:s0] =	ssyncadd.tile.s32 @!p0 $0x1;
	_ =	shalt  }
.Lfunc_end2:
_tile_overlayer_lowered:
.L_overlay_start_2:
0x154: {  	(tag) =	ssettag $0x2  }
0x155: {  	s0 =	rddreg [dreg:$0x0];
	s2 =	stileid.u32  }
0x156: {  	s1 =	rddreg [dreg:$0x1];
	p0 =	sne.s32 s2, $0x0  }
0x157: {  	s3 =	rddreg [dreg:$0x2];
	[bflag:$0x3] =	sbarrier.arrive $0xFFFF;
	s2 =	simm.s32 @!p0 $0x1C02  }
0x158: {  	[timem:s3], [sflag:s2] =	dma.local @!p0 [hbm:s0], s1  }
0x159: {  	s0 =	simm.s32 @!p0 $0x2  }
0x15a: {  	_ =	swait.ge @!p0 [sflag:s0], s1  }
0x15b: {  	s1 =	ssub.s32 @!p0 $0x0, s1;
	[sflag:s0] =	ssyncset.done @!p0 $0x0  }
0x15c: {  	[sflag:s0] =	ssyncadd.s32 @!p0 s1  }
0x15d: {  	[bflag:$0x3] =	sbarrier.arrive $0xFFFF  }
0x15e: {  	_ =	shalt  }

</sc_bundles>
